<compile_context>
chip_gen: v7x
topology: tpu7x:2x2x1
jax: 0.10.2.dev20260603
libtpu: 0.0.44.dev20260713+nightly
codegen_flags: <defaults>
</compile_context>

<pallas_src>
import functools

import jax
import jax.numpy as jnp
from jax import lax
from jax.experimental import pallas as pl
from jax.experimental.pallas import tpu as pltpu
from jax.experimental.pallas import tpu_sc as plsc

_N = 10000
_E = 320000
_IN = 128
_HID = 64
_OUT = 128
_G = 64
_W = 128

_NC = 2
_NS = 16
_NW = _NC * _NS
_C = 128
_K = 80
_EPAD = _NW * _K * _C
_NPAD = 10112
_RPT = _NPAD // _NS

_mesh = plsc.VectorSubcoreMesh(core_axis_name="c", subcore_axis_name="s")



@functools.partial(
    pl.kernel,
    out_type=jax.ShapeDtypeStruct((_NC, _NPAD), jnp.float32),
    mesh=_mesh,
    scratch_types=[
        pltpu.VMEM((_K, _C), jnp.int32),
        pltpu.VMEM((_C,), jnp.float32),
        pltpu.SemaphoreType.DMA,
        pltpu.VMEM_SHARED((_NPAD,), jnp.float32),
    ],
)
def _sc_degree(dstb, zeros, ones_hbm, out, didx, ones_v, ssem, acc):
    c = lax.axis_index("c")
    s = lax.axis_index("s")
    w = c * _NS + s
    r0 = s * 640

    @pl.when(s < 15)
    def _():
        pltpu.sync_copy(zeros.at[pl.ds(r0, 640)], acc.at[pl.ds(r0, 640)])

    @pl.when(s == 15)
    def _():
        pltpu.sync_copy(zeros.at[pl.ds(9600, 512)], acc.at[pl.ds(9600, 512)])

    pltpu.sync_copy(dstb.at[w], didx)
    pltpu.sync_copy(ones_hbm, ones_v)
    plsc.subcore_barrier()

    def group(gi, carry):
        base = gi * 8
        descs = [
            pltpu.async_copy(ones_v, acc.at[didx.at[base + j]], ssem, add=True)
            for j in range(8)
        ]
        for d in descs:
            d.wait()
        return carry

    lax.fori_loop(0, _K // 8, group, 0)
    plsc.subcore_barrier()

    @pl.when(s < 15)
    def _():
        pltpu.sync_copy(acc.at[pl.ds(r0, 640)], out.at[c, pl.ds(r0, 640)])

    @pl.when(s == 15)
    def _():
        pltpu.sync_copy(acc.at[pl.ds(9600, 512)], out.at[c, pl.ds(9600, 512)])


@functools.partial(
    pl.kernel,
    out_type=jax.ShapeDtypeStruct((_NC, _NPAD, _W), jnp.float32),
    mesh=_mesh,
    scratch_types=[
        pltpu.VMEM((_K, _C), jnp.int32),
        pltpu.VMEM((2, _C), jnp.int32),
        pltpu.VMEM((2, _C, _W), jnp.float32),
        pltpu.SemaphoreType.DMA,
        pltpu.SemaphoreType.DMA,
        pltpu.SemaphoreType.DMA,
        pltpu.SemaphoreType.DMA,
        pltpu.SemaphoreType.DMA,
        pltpu.SemaphoreType.DMA,
        pltpu.VMEM_SHARED((_NPAD, _W), jnp.float32),
    ],
)
def _sc_aggregate(hs, srcb, dstb, zeros, out, sidx, didx, rows, gsem0, gsem1,
                  ssem0, ssem1, isem0, isem1, acc):
    c = lax.axis_index("c")
    s = lax.axis_index("s")
    w = c * _NS + s
    r0 = s * _RPT

    hsrc = hs
    pltpu.sync_copy(srcb.at[w], sidx)
    pltpu.sync_copy(zeros.at[pl.ds(r0, _RPT)], acc.at[pl.ds(r0, _RPT)])
    plsc.subcore_barrier()

    def g_start(k, buf, gsem, isem):
        pltpu.async_copy(dstb.at[w, k], didx.at[buf], isem)
        pltpu.async_copy(hsrc.at[sidx.at[k]], rows.at[buf], gsem)

    def g_wait(buf, gsem, isem):
        pltpu.make_async_copy(hsrc.at[sidx.at[0]], rows.at[buf], gsem).wait()
        pltpu.make_async_copy(dstb.at[w, 0], didx.at[buf], isem).wait()

    def s_start(buf, ssem):
        pltpu.async_copy(rows.at[buf], acc.at[didx.at[buf]], ssem, add=True)

    def s_wait(buf, ssem):
        pltpu.make_async_copy(rows.at[buf], acc.at[didx.at[buf]], ssem).wait()

    g_start(0, 0, gsem0, isem0)

    def step(i, carry):
        k0 = 2 * i
        pl.when(i >= 1)(lambda: s_wait(1, ssem1))
        g_start(k0 + 1, 1, gsem1, isem1)
        g_wait(0, gsem0, isem0)
        s_start(0, ssem0)

        @pl.when(i + 1 < _K // 2)
        def _():
            s_wait(0, ssem0)
            g_start(k0 + 2, 0, gsem0, isem0)

        g_wait(1, gsem1, isem1)
        s_start(1, ssem1)
        return carry

    lax.fori_loop(0, _K // 2, step, 0)
    s_wait(0, ssem0)
    s_wait(1, ssem1)
    plsc.subcore_barrier()
    pltpu.sync_copy(acc.at[pl.ds(r0, _RPT)], out.at[c, pl.ds(r0, _RPT)])



def _write_hs(hs_ref, v):
    hs_ref[0:_N, 0:_HID] = v
    hs_ref[0:_N, _HID:_W] = jnp.zeros((_N, _W - _HID), jnp.float32)
    hs_ref[_N:_NPAD, :] = jnp.zeros((_NPAD - _N, _W), jnp.float32)


def _tc_prep_body(x_ref, w_ref, dp_ref, hs_ref, dis_ref):
    deg = dp_ref[0, : _N, 0:1] + dp_ref[1, : _N, 0:1] + 1.0
    dis = lax.rsqrt(deg)
    h = jnp.dot(x_ref[...], w_ref[...], preferred_element_type=jnp.float32)
    _write_hs(hs_ref, h * dis)
    dis_ref[...] = dis


def _tc_mid_body(p_ref, hs_ref, dis_ref, b_ref, w_ref, o_ref):
    dis = dis_ref[...]
    agg = (p_ref[0, : _N, 0:_HID] + p_ref[1, : _N, 0:_HID]
           + hs_ref[0:_N, 0:_HID]) * dis
    a = jnp.maximum(agg + b_ref[...], 0.0)
    _write_hs(o_ref, jnp.dot(a, w_ref[...],
                             preferred_element_type=jnp.float32) * dis)


def _tc_final_body(p_ref, hs_ref, dis_ref, b_ref, bt_ref, wl_ref, bl_ref, o_ref):
    dis = dis_ref[...]
    agg = (p_ref[0, : _N, 0:_HID] + p_ref[1, : _N, 0:_HID]
           + hs_ref[0:_N, 0:_HID]) * dis
    a = jnp.maximum(agg + b_ref[...], 0.0)
    gids = lax.broadcasted_iota(jnp.int32, (_G, _N), 0)
    oh = (bt_ref[...] == gids).astype(jnp.float32)
    sums = jnp.dot(oh, a, preferred_element_type=jnp.float32)
    cnt = jnp.sum(oh, axis=1, keepdims=True)
    pooled = sums / jnp.maximum(cnt, 1.0)
    o_ref[...] = (
        jnp.dot(pooled, wl_ref[...], preferred_element_type=jnp.float32)
        + bl_ref[...]
    )


_tc_prep = pl.pallas_call(
    _tc_prep_body,
    out_shape=(
        jax.ShapeDtypeStruct((_NPAD, _W), jnp.float32),
        jax.ShapeDtypeStruct((_N, 1), jnp.float32),
    ),
)

_tc_mid = pl.pallas_call(
    _tc_mid_body,
    out_shape=jax.ShapeDtypeStruct((_NPAD, _W), jnp.float32),
)

_tc_final = pl.pallas_call(
    _tc_final_body,
    out_shape=jax.ShapeDtypeStruct((_G, _OUT), jnp.float32),
)



def kernel(x, edge_index, batch, W1, b1, W2, b2, W3, b3, W4, b4, Wl, bl):
    src = edge_index[0]
    dst = edge_index[1]
    npad = _EPAD - _E
    ar = jnp.arange(npad, dtype=jnp.int32)
    srcb = jnp.concatenate([src, ar % 128]).reshape(_NW, _K, _C)
    dstb = jnp.concatenate([dst, _N + (ar % (_NPAD - _N))]).reshape(_NW, _K, _C)

    zeros = jnp.zeros((_NPAD, _W), jnp.float32)
    zeros1 = jnp.zeros((_NPAD,), jnp.float32)
    ones1 = jnp.ones((_C,), jnp.float32)

    dp = _sc_degree(dstb, zeros1, ones1)
    hs, dis = _tc_prep(x, W1, dp.reshape(_NC, _NPAD, 1))

    for b_prev, W_next in ((b1, W2), (b2, W3), (b3, W4)):
        p = _sc_aggregate(hs, srcb, dstb, zeros)
        hs = _tc_mid(p, hs, dis, b_prev.reshape(1, _HID), W_next)

    p = _sc_aggregate(hs, srcb, dstb, zeros)
    return _tc_final(
        p, hs, dis, b4.reshape(1, _HID), batch.reshape(1, _N), Wl,
        bl.reshape(1, _OUT),
    )

# --- scband reference (transcript-rebuilt; emitter-appended) ---
"""Pipeline reference for scband-gcnv2-18786186952918 (READ-ONLY COPY).

The authoritative reference and input builder live on the scoring server;
editing this copy changes nothing except your own understanding.
"""

import jax, jax.numpy as jnp
import numpy as np

N = 10000
E = 320000
IN_CH = 128
HID = 64
OUT_CH = 128
NUM_GRAPHS = 64


def gcn_conv(x, edge_index, W, b):
    n = x.shape[0]
    loop = jnp.arange(n, dtype=edge_index.dtype)
    src = jnp.concatenate([edge_index[0], loop])
    dst = jnp.concatenate([edge_index[1], loop])
    h = x @ W
    deg = jnp.zeros((n,), x.dtype).at[dst].add(1.0)
    dis = jnp.where(deg > 0, deg ** -0.5, 0.0)
    norm = dis[src] * dis[dst]
    msg = h[src] * norm[:, None]
    out = jnp.zeros((n, h.shape[1]), x.dtype).at[dst].add(msg)
    return out + b


def setup_inputs(seed: int = 0) -> dict:
    key = jax.random.key(seed)
    ks = jax.random.split(key, 16)
    x = jax.random.normal(ks[0], (N, IN_CH), dtype=jnp.float32)
    edge_index = jax.random.randint(ks[1], (2, E), 0, N, dtype=jnp.int32)
    batch = jnp.sort(jax.random.randint(ks[2], (N,), 0, NUM_GRAPHS, dtype=jnp.int32))
    s_in = 1.0 / np.sqrt(IN_CH)
    s_h = 1.0 / np.sqrt(HID)
    W1 = jax.random.normal(ks[3], (IN_CH, HID), jnp.float32) * s_in
    b1 = jnp.zeros((HID,), jnp.float32)
    W2 = jax.random.normal(ks[4], (HID, HID), jnp.float32) * s_h
    b2 = jnp.zeros((HID,), jnp.float32)
    W3 = jax.random.normal(ks[5], (HID, HID), jnp.float32) * s_h
    b3 = jnp.zeros((HID,), jnp.float32)
    W4 = jax.random.normal(ks[6], (HID, HID), jnp.float32) * s_h
    b4 = jnp.zeros((HID,), jnp.float32)
    Wl = jax.random.normal(ks[7], (HID, OUT_CH), jnp.float32) * s_h
    bl = jnp.zeros((OUT_CH,), jnp.float32)
    return {"x": x, "edge_index": edge_index, "batch": batch,
            "W1": W1, "b1": b1, "W2": W2, "b2": b2,
            "W3": W3, "b3": b3, "W4": W4, "b4": b4,
            "Wl": Wl, "bl": bl}


def reference(x, edge_index, batch, W1, b1, W2, b2, W3, b3, W4, b4, Wl, bl):
    h = jax.nn.relu(gcn_conv(x, edge_index, W1, b1))
    h = jax.nn.relu(gcn_conv(h, edge_index, W2, b2))
    h = jax.nn.relu(gcn_conv(h, edge_index, W3, b3))
    h = jax.nn.relu(gcn_conv(h, edge_index, W4, b4))
    sums = jax.ops.segment_sum(h, batch, num_segments=NUM_GRAPHS)
    cnt = jax.ops.segment_sum(jnp.ones((h.shape[0], 1), h.dtype), batch, num_segments=NUM_GRAPHS)
    pooled = sums / jnp.maximum(cnt, 1.0)
    return pooled @ Wl + bl

if __name__ == "__main__":
    import jax
    _d = setup_inputs()
    print(jax.jit(kernel)(*tuple(_d.values())))

</pallas_src>

<mosaic_0001>
#map = affine_map<(d0, d1) -> (0, 0, 0)>
#map1 = affine_map<(d0, d1) -> (0)>
#map2 = affine_map<(d0, d1) -> (0, 0)>
module attributes {stable_mosaic.version = 14 : i64} {
  func.func @_sc_degree(%arg0: i32, %arg1: i32, %arg2: memref<32x80x128xi32, #tpu.memory_space<hbm>>, %arg3: memref<10112xf32, #tpu.memory_space<hbm>>, %arg4: memref<128xf32, #tpu.memory_space<hbm>>, %arg5: memref<2x10112xf32, #tpu.memory_space<hbm>>, %arg6: memref<80x128xi32, #tpu.memory_space<vmem>>, %arg7: memref<128xf32, #tpu.memory_space<vmem>>, %arg8: memref<!tpu.dma_semaphore, #tpu.memory_space<semaphore_mem>>, %arg9: memref<10112xf32, #tpu.memory_space<vmem_shared>>) attributes {dimension_semantics = [#tpu.dimension_semantics<core_parallel>, #tpu.dimension_semantics<subcore_parallel>], iteration_bounds = array<i64: 2, 16>, scalar_prefetch = 0 : i64, scratch_operands = 4 : i64, tpu.core_type = #tpu.core_type<sc_vector_subcore>, window_params = [{transform_indices = #map}, {transform_indices = #map1}, {transform_indices = #map1}, {transform_indices = #map2}]} {
    %mul3A = arith.constant 16 : i32
    %mul3A_0 = arith.muli %arg0, %mul3A : i32
    %add3A = arith.addi %mul3A_0, %arg1 : i32
    %mul3A_1 = arith.constant 640 : i32
    %mul3A_2 = arith.muli %arg1, %mul3A_1 : i32
    %lt3A = arith.constant 15 : i32
    %lt3A_3 = arith.cmpi slt, %arg1, %lt3A : i32
    %convert_element_type3A = arith.extui %lt3A_3 : i1 to i32
    %cond3A = arith.constant 0 : i32
    %cond3A_4 = arith.cmpi ne, %convert_element_type3A, %cond3A : i32
    scf.if %cond3A_4 {
      "tpu.region"() ({
        %run_scoped3A = tpu.sem_alloc : memref<!tpu.dma_semaphore, #tpu.memory_space<semaphore_mem>>
        %dma_start3A = tpu.memref_slice %arg9[%mul3A_2] : memref<10112xf32, #tpu.memory_space<vmem_shared>> -> memref<640xf32, #tpu.memory_space<vmem_shared>>
        %dma_start3A_25 = tpu.memref_slice %arg3[%mul3A_2] : memref<10112xf32, #tpu.memory_space<hbm>> -> memref<640xf32, #tpu.memory_space<hbm>>
        tpu.enqueue_dma source(%dma_start3A_25 : memref<640xf32, #tpu.memory_space<hbm>>) target(%dma_start3A : memref<640xf32, #tpu.memory_space<vmem_shared>>) target_semaphore(%run_scoped3A : memref<!tpu.dma_semaphore, #tpu.memory_space<semaphore_mem>>)
        %dma_wait3A = tpu.memref_slice %arg9[%mul3A_2] : memref<10112xf32, #tpu.memory_space<vmem_shared>> -> memref<640xf32, #tpu.memory_space<vmem_shared>>
        %dma_wait3A_26 = tpu.memref_slice %arg3[%mul3A_2] : memref<10112xf32, #tpu.memory_space<hbm>> -> memref<640xf32, #tpu.memory_space<hbm>>
        tpu.wait_dma2 semaphore(%run_scoped3A : memref<!tpu.dma_semaphore, #tpu.memory_space<semaphore_mem>>) src(%dma_wait3A_26 : memref<640xf32, #tpu.memory_space<hbm>>) dst(%dma_wait3A : memref<640xf32, #tpu.memory_space<vmem_shared>>)
        tpu.yield
      }) : () -> ()
    } else {
    }
    %eq3A = arith.constant 15 : i32
    %eq3A_5 = arith.cmpi eq, %arg1, %eq3A : i32
    %convert_element_type3A_6 = arith.extui %eq3A_5 : i1 to i32
    %cond3A_7 = arith.constant 0 : i32
    %cond3A_8 = arith.cmpi ne, %convert_element_type3A_6, %cond3A_7 : i32
    scf.if %cond3A_8 {
      "tpu.region"() ({
        %run_scoped3A = tpu.sem_alloc : memref<!tpu.dma_semaphore, #tpu.memory_space<semaphore_mem>>
        %dma_start3A = arith.constant 9600 : i32
        %dma_start3A_25 = tpu.memref_slice %arg9[%dma_start3A] : memref<10112xf32, #tpu.memory_space<vmem_shared>> -> memref<512xf32, #tpu.memory_space<vmem_shared>>
        %dma_start3A_26 = arith.constant 9600 : i32
        %dma_start3A_27 = tpu.memref_slice %arg3[%dma_start3A_26] : memref<10112xf32, #tpu.memory_space<hbm>> -> memref<512xf32, #tpu.memory_space<hbm>>
        tpu.enqueue_dma source(%dma_start3A_27 : memref<512xf32, #tpu.memory_space<hbm>>) target(%dma_start3A_25 : memref<512xf32, #tpu.memory_space<vmem_shared>>) target_semaphore(%run_scoped3A : memref<!tpu.dma_semaphore, #tpu.memory_space<semaphore_mem>>)
        %dma_wait3A = arith.constant 9600 : i32
        %dma_wait3A_28 = tpu.memref_slice %arg9[%dma_wait3A] : memref<10112xf32, #tpu.memory_space<vmem_shared>> -> memref<512xf32, #tpu.memory_space<vmem_shared>>
        %dma_wait3A_29 = arith.constant 9600 : i32
        %dma_wait3A_30 = tpu.memref_slice %arg3[%dma_wait3A_29] : memref<10112xf32, #tpu.memory_space<hbm>> -> memref<512xf32, #tpu.memory_space<hbm>>
        tpu.wait_dma2 semaphore(%run_scoped3A : memref<!tpu.dma_semaphore, #tpu.memory_space<semaphore_mem>>) src(%dma_wait3A_30 : memref<512xf32, #tpu.memory_space<hbm>>) dst(%dma_wait3A_28 : memref<512xf32, #tpu.memory_space<vmem_shared>>)
        tpu.yield
      }) : () -> ()
    } else {
    }
    "tpu.region"() ({
      %run_scoped3A = tpu.sem_alloc : memref<!tpu.dma_semaphore, #tpu.memory_space<semaphore_mem>>
      %dma_start3A = arith.constant 0 : i32
      %dma_start3A_25 = arith.constant 0 : i32
      %dma_start3A_26 = tpu.memref_slice %arg2[%add3A, %dma_start3A, %dma_start3A_25] : memref<32x80x128xi32, #tpu.memory_space<hbm>> -> memref<1x80x128xi32, #tpu.memory_space<hbm>>
      %dma_start3A_27 = tpu.memref_squeeze %dma_start3A_26 : memref<1x80x128xi32, #tpu.memory_space<hbm>> -> memref<80x128xi32, #tpu.memory_space<hbm>>
      %dma_start3A_28 = arith.constant 0 : i32
      %dma_start3A_29 = arith.constant 0 : i32
      %dma_start3A_30 = tpu.memref_slice %arg2[%add3A, %dma_start3A_28, %dma_start3A_29] : memref<32x80x128xi32, #tpu.memory_space<hbm>> -> memref<1x80x128xi32, #tpu.memory_space<hbm>>
      %dma_start3A_31 = tpu.memref_squeeze %dma_start3A_30 : memref<1x80x128xi32, #tpu.memory_space<hbm>> -> memref<80x128xi32, #tpu.memory_space<hbm>>
      tpu.enqueue_dma source(%dma_start3A_31 : memref<80x128xi32, #tpu.memory_space<hbm>>) target(%arg6 : memref<80x128xi32, #tpu.memory_space<vmem>>) target_semaphore(%run_scoped3A : memref<!tpu.dma_semaphore, #tpu.memory_space<semaphore_mem>>)
      %dma_wait3A = arith.constant 0 : i32
      %dma_wait3A_32 = arith.constant 0 : i32
      %dma_wait3A_33 = tpu.memref_slice %arg2[%add3A, %dma_wait3A, %dma_wait3A_32] : memref<32x80x128xi32, #tpu.memory_space<hbm>> -> memref<1x80x128xi32, #tpu.memory_space<hbm>>
      %dma_wait3A_34 = tpu.memref_squeeze %dma_wait3A_33 : memref<1x80x128xi32, #tpu.memory_space<hbm>> -> memref<80x128xi32, #tpu.memory_space<hbm>>
      %dma_wait3A_35 = arith.constant 0 : i32
      %dma_wait3A_36 = arith.constant 0 : i32
      %dma_wait3A_37 = tpu.memref_slice %arg2[%add3A, %dma_wait3A_35, %dma_wait3A_36] : memref<32x80x128xi32, #tpu.memory_space<hbm>> -> memref<1x80x128xi32, #tpu.memory_space<hbm>>
      %dma_wait3A_38 = tpu.memref_squeeze %dma_wait3A_37 : memref<1x80x128xi32, #tpu.memory_space<hbm>> -> memref<80x128xi32, #tpu.memory_space<hbm>>
      tpu.wait_dma2 semaphore(%run_scoped3A : memref<!tpu.dma_semaphore, #tpu.memory_space<semaphore_mem>>) src(%dma_wait3A_38 : memref<80x128xi32, #tpu.memory_space<hbm>>) dst(%arg6 : memref<80x128xi32, #tpu.memory_space<vmem>>)
      tpu.yield
    }) : () -> ()
    "tpu.region"() ({
      %run_scoped3A = tpu.sem_alloc : memref<!tpu.dma_semaphore, #tpu.memory_space<semaphore_mem>>
      tpu.enqueue_dma source(%arg4 : memref<128xf32, #tpu.memory_space<hbm>>) target(%arg7 : memref<128xf32, #tpu.memory_space<vmem>>) target_semaphore(%run_scoped3A : memref<!tpu.dma_semaphore, #tpu.memory_space<semaphore_mem>>)
      tpu.wait_dma2 semaphore(%run_scoped3A : memref<!tpu.dma_semaphore, #tpu.memory_space<semaphore_mem>>) src(%arg4 : memref<128xf32, #tpu.memory_space<hbm>>) dst(%arg7 : memref<128xf32, #tpu.memory_space<vmem>>)
      tpu.yield
    }) : () -> ()
    %barrier3A = arith.constant 0 : index
    tpu.barrier barrier_id(%barrier3A)
    %scan3A = arith.constant 0 : i32
    %scan3A_9 = arith.constant 0 : i32
    %scan3A_10 = arith.constant 10 : i32
    %scan3A_11 = arith.addi %scan3A_9, %scan3A_10 : i32
    %scan3A_12 = arith.constant 1 : i32
    scf.for %scan3A_25 = %scan3A_9 to %scan3A_11 step %scan3A_12  : i32 {
      %mul3A_26 = arith.constant 8 : i32
      %mul3A_27 = arith.muli %scan3A_25, %mul3A_26 : i32
      %add3A_28 = arith.constant 0 : i32
      %add3A_29 = arith.addi %mul3A_27, %add3A_28 : i32
      %dma_start3A = arith.constant 0 : i32
      %dma_start3A_30 = tpu.memref_slice %arg6[%add3A_29, %dma_start3A] : memref<80x128xi32, #tpu.memory_space<vmem>> -> memref<1x128xi32, #tpu.memory_space<vmem>>
      %dma_start3A_31 = tpu.memref_squeeze %dma_start3A_30 : memref<1x128xi32, #tpu.memory_space<vmem>> -> memref<128xi32, #tpu.memory_space<vmem>>
      %dma_start3A_32 = arith.constant 0 : i32
      %dma_start3A_33 = tpu.memref_slice %arg9[%dma_start3A_32] : memref<10112xf32, #tpu.memory_space<vmem_shared>> -> memref<10112xf32, #tpu.memory_space<vmem_shared>>
      tpu.enqueue_indirect_dma source(%arg7 : memref<128xf32, #tpu.memory_space<vmem>>) target(%dma_start3A_33 : memref<10112xf32, #tpu.memory_space<vmem_shared>>) offsets(%dma_start3A_31 : memref<128xi32, #tpu.memory_space<vmem>>) semaphore(%arg8 : memref<!tpu.dma_semaphore, #tpu.memory_space<semaphore_mem>>) {add = true}
      %add3A_34 = arith.constant 1 : i32
      %add3A_35 = arith.addi %mul3A_27, %add3A_34 : i32
      %dma_start3A_36 = arith.constant 0 : i32
      %dma_start3A_37 = tpu.memref_slice %arg6[%add3A_35, %dma_start3A_36] : memref<80x128xi32, #tpu.memory_space<vmem>> -> memref<1x128xi32, #tpu.memory_space<vmem>>
      %dma_start3A_38 = tpu.memref_squeeze %dma_start3A_37 : memref<1x128xi32, #tpu.memory_space<vmem>> -> memref<128xi32, #tpu.memory_space<vmem>>
      %dma_start3A_39 = arith.constant 0 : i32
      %dma_start3A_40 = tpu.memref_slice %arg9[%dma_start3A_39] : memref<10112xf32, #tpu.memory_space<vmem_shared>> -> memref<10112xf32, #tpu.memory_space<vmem_shared>>
      tpu.enqueue_indirect_dma source(%arg7 : memref<128xf32, #tpu.memory_space<vmem>>) target(%dma_start3A_40 : memref<10112xf32, #tpu.memory_space<vmem_shared>>) offsets(%dma_start3A_38 : memref<128xi32, #tpu.memory_space<vmem>>) semaphore(%arg8 : memref<!tpu.dma_semaphore, #tpu.memory_space<semaphore_mem>>) {add = true}
      %add3A_41 = arith.constant 2 : i32
      %add3A_42 = arith.addi %mul3A_27, %add3A_41 : i32
      %dma_start3A_43 = arith.constant 0 : i32
      %dma_start3A_44 = tpu.memref_slice %arg6[%add3A_42, %dma_start3A_43] : memref<80x128xi32, #tpu.memory_space<vmem>> -> memref<1x128xi32, #tpu.memory_space<vmem>>
      %dma_start3A_45 = tpu.memref_squeeze %dma_start3A_44 : memref<1x128xi32, #tpu.memory_space<vmem>> -> memref<128xi32, #tpu.memory_space<vmem>>
      %dma_start3A_46 = arith.constant 0 : i32
      %dma_start3A_47 = tpu.memref_slice %arg9[%dma_start3A_46] : memref<10112xf32, #tpu.memory_space<vmem_shared>> -> memref<10112xf32, #tpu.memory_space<vmem_shared>>
      tpu.enqueue_indirect_dma source(%arg7 : memref<128xf32, #tpu.memory_space<vmem>>) target(%dma_start3A_47 : memref<10112xf32, #tpu.memory_space<vmem_shared>>) offsets(%dma_start3A_45 : memref<128xi32, #tpu.memory_space<vmem>>) semaphore(%arg8 : memref<!tpu.dma_semaphore, #tpu.memory_space<semaphore_mem>>) {add = true}
      %add3A_48 = arith.constant 3 : i32
      %add3A_49 = arith.addi %mul3A_27, %add3A_48 : i32
      %dma_start3A_50 = arith.constant 0 : i32
      %dma_start3A_51 = tpu.memref_slice %arg6[%add3A_49, %dma_start3A_50] : memref<80x128xi32, #tpu.memory_space<vmem>> -> memref<1x128xi32, #tpu.memory_space<vmem>>
      %dma_start3A_52 = tpu.memref_squeeze %dma_start3A_51 : memref<1x128xi32, #tpu.memory_space<vmem>> -> memref<128xi32, #tpu.memory_space<vmem>>
      %dma_start3A_53 = arith.constant 0 : i32
      %dma_start3A_54 = tpu.memref_slice %arg9[%dma_start3A_53] : memref<10112xf32, #tpu.memory_space<vmem_shared>> -> memref<10112xf32, #tpu.memory_space<vmem_shared>>
      tpu.enqueue_indirect_dma source(%arg7 : memref<128xf32, #tpu.memory_space<vmem>>) target(%dma_start3A_54 : memref<10112xf32, #tpu.memory_space<vmem_shared>>) offsets(%dma_start3A_52 : memref<128xi32, #tpu.memory_space<vmem>>) semaphore(%arg8 : memref<!tpu.dma_semaphore, #tpu.memory_space<semaphore_mem>>) {add = true}
      %add3A_55 = arith.constant 4 : i32
      %add3A_56 = arith.addi %mul3A_27, %add3A_55 : i32
      %dma_start3A_57 = arith.constant 0 : i32
      %dma_start3A_58 = tpu.memref_slice %arg6[%add3A_56, %dma_start3A_57] : memref<80x128xi32, #tpu.memory_space<vmem>> -> memref<1x128xi32, #tpu.memory_space<vmem>>
      %dma_start3A_59 = tpu.memref_squeeze %dma_start3A_58 : memref<1x128xi32, #tpu.memory_space<vmem>> -> memref<128xi32, #tpu.memory_space<vmem>>
      %dma_start3A_60 = arith.constant 0 : i32
      %dma_start3A_61 = tpu.memref_slice %arg9[%dma_start3A_60] : memref<10112xf32, #tpu.memory_space<vmem_shared>> -> memref<10112xf32, #tpu.memory_space<vmem_shared>>
      tpu.enqueue_indirect_dma source(%arg7 : memref<128xf32, #tpu.memory_space<vmem>>) target(%dma_start3A_61 : memref<10112xf32, #tpu.memory_space<vmem_shared>>) offsets(%dma_start3A_59 : memref<128xi32, #tpu.memory_space<vmem>>) semaphore(%arg8 : memref<!tpu.dma_semaphore, #tpu.memory_space<semaphore_mem>>) {add = true}
      %add3A_62 = arith.constant 5 : i32
      %add3A_63 = arith.addi %mul3A_27, %add3A_62 : i32
      %dma_start3A_64 = arith.constant 0 : i32
      %dma_start3A_65 = tpu.memref_slice %arg6[%add3A_63, %dma_start3A_64] : memref<80x128xi32, #tpu.memory_space<vmem>> -> memref<1x128xi32, #tpu.memory_space<vmem>>
      %dma_start3A_66 = tpu.memref_squeeze %dma_start3A_65 : memref<1x128xi32, #tpu.memory_space<vmem>> -> memref<128xi32, #tpu.memory_space<vmem>>
      %dma_start3A_67 = arith.constant 0 : i32
      %dma_start3A_68 = tpu.memref_slice %arg9[%dma_start3A_67] : memref<10112xf32, #tpu.memory_space<vmem_shared>> -> memref<10112xf32, #tpu.memory_space<vmem_shared>>
      tpu.enqueue_indirect_dma source(%arg7 : memref<128xf32, #tpu.memory_space<vmem>>) target(%dma_start3A_68 : memref<10112xf32, #tpu.memory_space<vmem_shared>>) offsets(%dma_start3A_66 : memref<128xi32, #tpu.memory_space<vmem>>) semaphore(%arg8 : memref<!tpu.dma_semaphore, #tpu.memory_space<semaphore_mem>>) {add = true}
      %add3A_69 = arith.constant 6 : i32
      %add3A_70 = arith.addi %mul3A_27, %add3A_69 : i32
      %dma_start3A_71 = arith.constant 0 : i32
      %dma_start3A_72 = tpu.memref_slice %arg6[%add3A_70, %dma_start3A_71] : memref<80x128xi32, #tpu.memory_space<vmem>> -> memref<1x128xi32, #tpu.memory_space<vmem>>
      %dma_start3A_73 = tpu.memref_squeeze %dma_start3A_72 : memref<1x128xi32, #tpu.memory_space<vmem>> -> memref<128xi32, #tpu.memory_space<vmem>>
      %dma_start3A_74 = arith.constant 0 : i32
      %dma_start3A_75 = tpu.memref_slice %arg9[%dma_start3A_74] : memref<10112xf32, #tpu.memory_space<vmem_shared>> -> memref<10112xf32, #tpu.memory_space<vmem_shared>>
      tpu.enqueue_indirect_dma source(%arg7 : memref<128xf32, #tpu.memory_space<vmem>>) target(%dma_start3A_75 : memref<10112xf32, #tpu.memory_space<vmem_shared>>) offsets(%dma_start3A_73 : memref<128xi32, #tpu.memory_space<vmem>>) semaphore(%arg8 : memref<!tpu.dma_semaphore, #tpu.memory_space<semaphore_mem>>) {add = true}
      %add3A_76 = arith.constant 7 : i32
      %add3A_77 = arith.addi %mul3A_27, %add3A_76 : i32
      %dma_start3A_78 = arith.constant 0 : i32
      %dma_start3A_79 = tpu.memref_slice %arg6[%add3A_77, %dma_start3A_78] : memref<80x128xi32, #tpu.memory_space<vmem>> -> memref<1x128xi32, #tpu.memory_space<vmem>>
      %dma_start3A_80 = tpu.memref_squeeze %dma_start3A_79 : memref<1x128xi32, #tpu.memory_space<vmem>> -> memref<128xi32, #tpu.memory_space<vmem>>
      %dma_start3A_81 = arith.constant 0 : i32
      %dma_start3A_82 = tpu.memref_slice %arg9[%dma_start3A_81] : memref<10112xf32, #tpu.memory_space<vmem_shared>> -> memref<10112xf32, #tpu.memory_space<vmem_shared>>
      tpu.enqueue_indirect_dma source(%arg7 : memref<128xf32, #tpu.memory_space<vmem>>) target(%dma_start3A_82 : memref<10112xf32, #tpu.memory_space<vmem_shared>>) offsets(%dma_start3A_80 : memref<128xi32, #tpu.memory_space<vmem>>) semaphore(%arg8 : memref<!tpu.dma_semaphore, #tpu.memory_space<semaphore_mem>>) {add = true}
      %dma_wait3A = arith.constant 0 : i32
      %dma_wait3A_83 = tpu.memref_slice %arg6[%add3A_29, %dma_wait3A] : memref<80x128xi32, #tpu.memory_space<vmem>> -> memref<1x128xi32, #tpu.memory_space<vmem>>
      %dma_wait3A_84 = tpu.memref_squeeze %dma_wait3A_83 : memref<1x128xi32, #tpu.memory_space<vmem>> -> memref<128xi32, #tpu.memory_space<vmem>>
      %dma_wait3A_85 = arith.constant 0 : i32
      %dma_wait3A_86 = tpu.memref_slice %arg9[%dma_wait3A_85] : memref<10112xf32, #tpu.memory_space<vmem_shared>> -> memref<10112xf32, #tpu.memory_space<vmem_shared>>
      tpu.wait_indirect_dma semaphore(%arg8 : memref<!tpu.dma_semaphore, #tpu.memory_space<semaphore_mem>>) src(%arg7 : memref<128xf32, #tpu.memory_space<vmem>>) dst(%dma_wait3A_86 : memref<10112xf32, #tpu.memory_space<vmem_shared>>)
      %dma_wait3A_87 = arith.constant 0 : i32
      %dma_wait3A_88 = tpu.memref_slice %arg6[%add3A_35, %dma_wait3A_87] : memref<80x128xi32, #tpu.memory_space<vmem>> -> memref<1x128xi32, #tpu.memory_space<vmem>>
      %dma_wait3A_89 = tpu.memref_squeeze %dma_wait3A_88 : memref<1x128xi32, #tpu.memory_space<vmem>> -> memref<128xi32, #tpu.memory_space<vmem>>
      %dma_wait3A_90 = arith.constant 0 : i32
      %dma_wait3A_91 = tpu.memref_slice %arg9[%dma_wait3A_90] : memref<10112xf32, #tpu.memory_space<vmem_shared>> -> memref<10112xf32, #tpu.memory_space<vmem_shared>>
      tpu.wait_indirect_dma semaphore(%arg8 : memref<!tpu.dma_semaphore, #tpu.memory_space<semaphore_mem>>) src(%arg7 : memref<128xf32, #tpu.memory_space<vmem>>) dst(%dma_wait3A_91 : memref<10112xf32, #tpu.memory_space<vmem_shared>>)
      %dma_wait3A_92 = arith.constant 0 : i32
      %dma_wait3A_93 = tpu.memref_slice %arg6[%add3A_42, %dma_wait3A_92] : memref<80x128xi32, #tpu.memory_space<vmem>> -> memref<1x128xi32, #tpu.memory_space<vmem>>
      %dma_wait3A_94 = tpu.memref_squeeze %dma_wait3A_93 : memref<1x128xi32, #tpu.memory_space<vmem>> -> memref<128xi32, #tpu.memory_space<vmem>>
      %dma_wait3A_95 = arith.constant 0 : i32
      %dma_wait3A_96 = tpu.memref_slice %arg9[%dma_wait3A_95] : memref<10112xf32, #tpu.memory_space<vmem_shared>> -> memref<10112xf32, #tpu.memory_space<vmem_shared>>
      tpu.wait_indirect_dma semaphore(%arg8 : memref<!tpu.dma_semaphore, #tpu.memory_space<semaphore_mem>>) src(%arg7 : memref<128xf32, #tpu.memory_space<vmem>>) dst(%dma_wait3A_96 : memref<10112xf32, #tpu.memory_space<vmem_shared>>)
      %dma_wait3A_97 = arith.constant 0 : i32
      %dma_wait3A_98 = tpu.memref_slice %arg6[%add3A_49, %dma_wait3A_97] : memref<80x128xi32, #tpu.memory_space<vmem>> -> memref<1x128xi32, #tpu.memory_space<vmem>>
      %dma_wait3A_99 = tpu.memref_squeeze %dma_wait3A_98 : memref<1x128xi32, #tpu.memory_space<vmem>> -> memref<128xi32, #tpu.memory_space<vmem>>
      %dma_wait3A_100 = arith.constant 0 : i32
      %dma_wait3A_101 = tpu.memref_slice %arg9[%dma_wait3A_100] : memref<10112xf32, #tpu.memory_space<vmem_shared>> -> memref<10112xf32, #tpu.memory_space<vmem_shared>>
      tpu.wait_indirect_dma semaphore(%arg8 : memref<!tpu.dma_semaphore, #tpu.memory_space<semaphore_mem>>) src(%arg7 : memref<128xf32, #tpu.memory_space<vmem>>) dst(%dma_wait3A_101 : memref<10112xf32, #tpu.memory_space<vmem_shared>>)
      %dma_wait3A_102 = arith.constant 0 : i32
      %dma_wait3A_103 = tpu.memref_slice %arg6[%add3A_56, %dma_wait3A_102] : memref<80x128xi32, #tpu.memory_space<vmem>> -> memref<1x128xi32, #tpu.memory_space<vmem>>
      %dma_wait3A_104 = tpu.memref_squeeze %dma_wait3A_103 : memref<1x128xi32, #tpu.memory_space<vmem>> -> memref<128xi32, #tpu.memory_space<vmem>>
      %dma_wait3A_105 = arith.constant 0 : i32
      %dma_wait3A_106 = tpu.memref_slice %arg9[%dma_wait3A_105] : memref<10112xf32, #tpu.memory_space<vmem_shared>> -> memref<10112xf32, #tpu.memory_space<vmem_shared>>
      tpu.wait_indirect_dma semaphore(%arg8 : memref<!tpu.dma_semaphore, #tpu.memory_space<semaphore_mem>>) src(%arg7 : memref<128xf32, #tpu.memory_space<vmem>>) dst(%dma_wait3A_106 : memref<10112xf32, #tpu.memory_space<vmem_shared>>)
      %dma_wait3A_107 = arith.constant 0 : i32
      %dma_wait3A_108 = tpu.memref_slice %arg6[%add3A_63, %dma_wait3A_107] : memref<80x128xi32, #tpu.memory_space<vmem>> -> memref<1x128xi32, #tpu.memory_space<vmem>>
      %dma_wait3A_109 = tpu.memref_squeeze %dma_wait3A_108 : memref<1x128xi32, #tpu.memory_space<vmem>> -> memref<128xi32, #tpu.memory_space<vmem>>
      %dma_wait3A_110 = arith.constant 0 : i32
      %dma_wait3A_111 = tpu.memref_slice %arg9[%dma_wait3A_110] : memref<10112xf32, #tpu.memory_space<vmem_shared>> -> memref<10112xf32, #tpu.memory_space<vmem_shared>>
      tpu.wait_indirect_dma semaphore(%arg8 : memref<!tpu.dma_semaphore, #tpu.memory_space<semaphore_mem>>) src(%arg7 : memref<128xf32, #tpu.memory_space<vmem>>) dst(%dma_wait3A_111 : memref<10112xf32, #tpu.memory_space<vmem_shared>>)
      %dma_wait3A_112 = arith.constant 0 : i32
      %dma_wait3A_113 = tpu.memref_slice %arg6[%add3A_70, %dma_wait3A_112] : memref<80x128xi32, #tpu.memory_space<vmem>> -> memref<1x128xi32, #tpu.memory_space<vmem>>
      %dma_wait3A_114 = tpu.memref_squeeze %dma_wait3A_113 : memref<1x128xi32, #tpu.memory_space<vmem>> -> memref<128xi32, #tpu.memory_space<vmem>>
      %dma_wait3A_115 = arith.constant 0 : i32
      %dma_wait3A_116 = tpu.memref_slice %arg9[%dma_wait3A_115] : memref<10112xf32, #tpu.memory_space<vmem_shared>> -> memref<10112xf32, #tpu.memory_space<vmem_shared>>
      tpu.wait_indirect_dma semaphore(%arg8 : memref<!tpu.dma_semaphore, #tpu.memory_space<semaphore_mem>>) src(%arg7 : memref<128xf32, #tpu.memory_space<vmem>>) dst(%dma_wait3A_116 : memref<10112xf32, #tpu.memory_space<vmem_shared>>)
      %dma_wait3A_117 = arith.constant 0 : i32
      %dma_wait3A_118 = tpu.memref_slice %arg6[%add3A_77, %dma_wait3A_117] : memref<80x128xi32, #tpu.memory_space<vmem>> -> memref<1x128xi32, #tpu.memory_space<vmem>>
      %dma_wait3A_119 = tpu.memref_squeeze %dma_wait3A_118 : memref<1x128xi32, #tpu.memory_space<vmem>> -> memref<128xi32, #tpu.memory_space<vmem>>
      %dma_wait3A_120 = arith.constant 0 : i32
      %dma_wait3A_121 = tpu.memref_slice %arg9[%dma_wait3A_120] : memref<10112xf32, #tpu.memory_space<vmem_shared>> -> memref<10112xf32, #tpu.memory_space<vmem_shared>>
      tpu.wait_indirect_dma semaphore(%arg8 : memref<!tpu.dma_semaphore, #tpu.memory_space<semaphore_mem>>) src(%arg7 : memref<128xf32, #tpu.memory_space<vmem>>) dst(%dma_wait3A_121 : memref<10112xf32, #tpu.memory_space<vmem_shared>>)
    }
    %scan3A_13 = arith.constant 10 : i32
    %barrier3A_14 = arith.constant 0 : index
    tpu.barrier barrier_id(%barrier3A_14)
    %lt3A_15 = arith.constant 15 : i32
    %lt3A_16 = arith.cmpi slt, %arg1, %lt3A_15 : i32
    %convert_element_type3A_17 = arith.extui %lt3A_16 : i1 to i32
    %cond3A_18 = arith.constant 0 : i32
    %cond3A_19 = arith.cmpi ne, %convert_element_type3A_17, %cond3A_18 : i32
    scf.if %cond3A_19 {
      "tpu.region"() ({
        %run_scoped3A = tpu.sem_alloc : memref<!tpu.dma_semaphore, #tpu.memory_space<semaphore_mem>>
        %dma_start3A = tpu.memref_slice %arg5[%arg0, %mul3A_2] : memref<2x10112xf32, #tpu.memory_space<hbm>> -> memref<1x640xf32, #tpu.memory_space<hbm>>
        %dma_start3A_25 = tpu.memref_squeeze %dma_start3A : memref<1x640xf32, #tpu.memory_space<hbm>> -> memref<640xf32, #tpu.memory_space<hbm>>
        %dma_start3A_26 = tpu.memref_slice %arg9[%mul3A_2] : memref<10112xf32, #tpu.memory_space<vmem_shared>> -> memref<640xf32, #tpu.memory_space<vmem_shared>>
        tpu.enqueue_dma source(%dma_start3A_26 : memref<640xf32, #tpu.memory_space<vmem_shared>>) target(%dma_start3A_25 : memref<640xf32, #tpu.memory_space<hbm>>) target_semaphore(%run_scoped3A : memref<!tpu.dma_semaphore, #tpu.memory_space<semaphore_mem>>)
        %dma_wait3A = tpu.memref_slice %arg5[%arg0, %mul3A_2] : memref<2x10112xf32, #tpu.memory_space<hbm>> -> memref<1x640xf32, #tpu.memory_space<hbm>>
        %dma_wait3A_27 = tpu.memref_squeeze %dma_wait3A : memref<1x640xf32, #tpu.memory_space<hbm>> -> memref<640xf32, #tpu.memory_space<hbm>>
        %dma_wait3A_28 = tpu.memref_slice %arg9[%mul3A_2] : memref<10112xf32, #tpu.memory_space<vmem_shared>> -> memref<640xf32, #tpu.memory_space<vmem_shared>>
        tpu.wait_dma2 semaphore(%run_scoped3A : memref<!tpu.dma_semaphore, #tpu.memory_space<semaphore_mem>>) src(%dma_wait3A_28 : memref<640xf32, #tpu.memory_space<vmem_shared>>) dst(%dma_wait3A_27 : memref<640xf32, #tpu.memory_space<hbm>>)
        tpu.yield
      }) : () -> ()
    } else {
    }
    %eq3A_20 = arith.constant 15 : i32
    %eq3A_21 = arith.cmpi eq, %arg1, %eq3A_20 : i32
    %convert_element_type3A_22 = arith.extui %eq3A_21 : i1 to i32
    %cond3A_23 = arith.constant 0 : i32
    %cond3A_24 = arith.cmpi ne, %convert_element_type3A_22, %cond3A_23 : i32
    scf.if %cond3A_24 {
      "tpu.region"() ({
        %run_scoped3A = tpu.sem_alloc : memref<!tpu.dma_semaphore, #tpu.memory_space<semaphore_mem>>
        %dma_start3A = arith.constant 9600 : i32
        %dma_start3A_25 = tpu.memref_slice %arg5[%arg0, %dma_start3A] : memref<2x10112xf32, #tpu.memory_space<hbm>> -> memref<1x512xf32, #tpu.memory_space<hbm>>
        %dma_start3A_26 = tpu.memref_squeeze %dma_start3A_25 : memref<1x512xf32, #tpu.memory_space<hbm>> -> memref<512xf32, #tpu.memory_space<hbm>>
        %dma_start3A_27 = arith.constant 9600 : i32
        %dma_start3A_28 = tpu.memref_slice %arg9[%dma_start3A_27] : memref<10112xf32, #tpu.memory_space<vmem_shared>> -> memref<512xf32, #tpu.memory_space<vmem_shared>>
        tpu.enqueue_dma source(%dma_start3A_28 : memref<512xf32, #tpu.memory_space<vmem_shared>>) target(%dma_start3A_26 : memref<512xf32, #tpu.memory_space<hbm>>) target_semaphore(%run_scoped3A : memref<!tpu.dma_semaphore, #tpu.memory_space<semaphore_mem>>)
        %dma_wait3A = arith.constant 9600 : i32
        %dma_wait3A_29 = tpu.memref_slice %arg5[%arg0, %dma_wait3A] : memref<2x10112xf32, #tpu.memory_space<hbm>> -> memref<1x512xf32, #tpu.memory_space<hbm>>
        %dma_wait3A_30 = tpu.memref_squeeze %dma_wait3A_29 : memref<1x512xf32, #tpu.memory_space<hbm>> -> memref<512xf32, #tpu.memory_space<hbm>>
        %dma_wait3A_31 = arith.constant 9600 : i32
        %dma_wait3A_32 = tpu.memref_slice %arg9[%dma_wait3A_31] : memref<10112xf32, #tpu.memory_space<vmem_shared>> -> memref<512xf32, #tpu.memory_space<vmem_shared>>
        tpu.wait_dma2 semaphore(%run_scoped3A : memref<!tpu.dma_semaphore, #tpu.memory_space<semaphore_mem>>) src(%dma_wait3A_32 : memref<512xf32, #tpu.memory_space<vmem_shared>>) dst(%dma_wait3A_30 : memref<512xf32, #tpu.memory_space<hbm>>)
        tpu.yield
      }) : () -> ()
    } else {
    }
    return
  }
}

#map = affine_map<(d0, d1) -> (0, 0)>
#map1 = affine_map<(d0, d1) -> (0, 0, 0)>
module attributes {stable_mosaic.version = 14 : i64} {
  func.func @_sc_aggregate(%arg0: i32, %arg1: i32, %arg2: memref<10112x128xf32, #tpu.memory_space<hbm>>, %arg3: memref<32x80x128xi32, #tpu.memory_space<hbm>>, %arg4: memref<32x80x128xi32, #tpu.memory_space<hbm>>, %arg5: memref<10112x128xf32, #tpu.memory_space<hbm>>, %arg6: memref<2x10112x128xf32, #tpu.memory_space<hbm>>, %arg7: memref<80x128xi32, #tpu.memory_space<vmem>>, %arg8: memref<2x128xi32, #tpu.memory_space<vmem>>, %arg9: memref<2x128x128xf32, #tpu.memory_space<vmem>>, %arg10: memref<!tpu.dma_semaphore, #tpu.memory_space<semaphore_mem>>, %arg11: memref<!tpu.dma_semaphore, #tpu.memory_space<semaphore_mem>>, %arg12: memref<!tpu.dma_semaphore, #tpu.memory_space<semaphore_mem>>, %arg13: memref<!tpu.dma_semaphore, #tpu.memory_space<semaphore_mem>>, %arg14: memref<!tpu.dma_semaphore, #tpu.memory_space<semaphore_mem>>, %arg15: memref<!tpu.dma_semaphore, #tpu.memory_space<semaphore_mem>>, %arg16: memref<10112x128xf32, #tpu.memory_space<vmem_shared>>) attributes {dimension_semantics = [#tpu.dimension_semantics<core_parallel>, #tpu.dimension_semantics<subcore_parallel>], iteration_bounds = array<i64: 2, 16>, scalar_prefetch = 0 : i64, scratch_operands = 10 : i64, tpu.core_type = #tpu.core_type<sc_vector_subcore>, window_params = [{transform_indices = #map}, {transform_indices = #map1}, {transform_indices = #map1}, {transform_indices = #map}, {transform_indices = #map1}]} {
    %mul3A = arith.constant 16 : i32
    %mul3A_0 = arith.muli %arg0, %mul3A : i32
    %add3A = arith.addi %mul3A_0, %arg1 : i32
    %mul3A_1 = arith.constant 632 : i32
    %mul3A_2 = arith.muli %arg1, %mul3A_1 : i32
    "tpu.region"() ({
      %run_scoped3A = tpu.sem_alloc : memref<!tpu.dma_semaphore, #tpu.memory_space<semaphore_mem>>
      %dma_start3A_57 = arith.constant 0 : i32
      %dma_start3A_58 = arith.constant 0 : i32
      %dma_start3A_59 = tpu.memref_slice %arg3[%add3A, %dma_start3A_57, %dma_start3A_58] : memref<32x80x128xi32, #tpu.memory_space<hbm>> -> memref<1x80x128xi32, #tpu.memory_space<hbm>>
      %dma_start3A_60 = tpu.memref_squeeze %dma_start3A_59 : memref<1x80x128xi32, #tpu.memory_space<hbm>> -> memref<80x128xi32, #tpu.memory_space<hbm>>
      %dma_start3A_61 = arith.constant 0 : i32
      %dma_start3A_62 = arith.constant 0 : i32
      %dma_start3A_63 = tpu.memref_slice %arg3[%add3A, %dma_start3A_61, %dma_start3A_62] : memref<32x80x128xi32, #tpu.memory_space<hbm>> -> memref<1x80x128xi32, #tpu.memory_space<hbm>>
      %dma_start3A_64 = tpu.memref_squeeze %dma_start3A_63 : memref<1x80x128xi32, #tpu.memory_space<hbm>> -> memref<80x128xi32, #tpu.memory_space<hbm>>
      tpu.enqueue_dma source(%dma_start3A_64 : memref<80x128xi32, #tpu.memory_space<hbm>>) target(%arg7 : memref<80x128xi32, #tpu.memory_space<vmem>>) target_semaphore(%run_scoped3A : memref<!tpu.dma_semaphore, #tpu.memory_space<semaphore_mem>>)
      %dma_wait3A_65 = arith.constant 0 : i32
      %dma_wait3A_66 = arith.constant 0 : i32
      %dma_wait3A_67 = tpu.memref_slice %arg3[%add3A, %dma_wait3A_65, %dma_wait3A_66] : memref<32x80x128xi32, #tpu.memory_space<hbm>> -> memref<1x80x128xi32, #tpu.memory_space<hbm>>
      %dma_wait3A_68 = tpu.memref_squeeze %dma_wait3A_67 : memref<1x80x128xi32, #tpu.memory_space<hbm>> -> memref<80x128xi32, #tpu.memory_space<hbm>>
      %dma_wait3A_69 = arith.constant 0 : i32
      %dma_wait3A_70 = arith.constant 0 : i32
      %dma_wait3A_71 = tpu.memref_slice %arg3[%add3A, %dma_wait3A_69, %dma_wait3A_70] : memref<32x80x128xi32, #tpu.memory_space<hbm>> -> memref<1x80x128xi32, #tpu.memory_space<hbm>>
      %dma_wait3A_72 = tpu.memref_squeeze %dma_wait3A_71 : memref<1x80x128xi32, #tpu.memory_space<hbm>> -> memref<80x128xi32, #tpu.memory_space<hbm>>
      tpu.wait_dma2 semaphore(%run_scoped3A : memref<!tpu.dma_semaphore, #tpu.memory_space<semaphore_mem>>) src(%dma_wait3A_72 : memref<80x128xi32, #tpu.memory_space<hbm>>) dst(%arg7 : memref<80x128xi32, #tpu.memory_space<vmem>>)
      tpu.yield
    }) : () -> ()
    "tpu.region"() ({
      %run_scoped3A = tpu.sem_alloc : memref<!tpu.dma_semaphore, #tpu.memory_space<semaphore_mem>>
      %dma_start3A_57 = arith.constant 0 : i32
      %dma_start3A_58 = tpu.memref_slice %arg16[%mul3A_2, %dma_start3A_57] : memref<10112x128xf32, #tpu.memory_space<vmem_shared>> -> memref<632x128xf32, #tpu.memory_space<vmem_shared>>
      %dma_start3A_59 = arith.constant 0 : i32
      %dma_start3A_60 = tpu.memref_slice %arg5[%mul3A_2, %dma_start3A_59] : memref<10112x128xf32, #tpu.memory_space<hbm>> -> memref<632x128xf32, #tpu.memory_space<hbm>>
      tpu.enqueue_dma source(%dma_start3A_60 : memref<632x128xf32, #tpu.memory_space<hbm>>) target(%dma_start3A_58 : memref<632x128xf32, #tpu.memory_space<vmem_shared>>) target_semaphore(%run_scoped3A : memref<!tpu.dma_semaphore, #tpu.memory_space<semaphore_mem>>)
      %dma_wait3A_61 = arith.constant 0 : i32
      %dma_wait3A_62 = tpu.memref_slice %arg16[%mul3A_2, %dma_wait3A_61] : memref<10112x128xf32, #tpu.memory_space<vmem_shared>> -> memref<632x128xf32, #tpu.memory_space<vmem_shared>>
      %dma_wait3A_63 = arith.constant 0 : i32
      %dma_wait3A_64 = tpu.memref_slice %arg5[%mul3A_2, %dma_wait3A_63] : memref<10112x128xf32, #tpu.memory_space<hbm>> -> memref<632x128xf32, #tpu.memory_space<hbm>>
      tpu.wait_dma2 semaphore(%run_scoped3A : memref<!tpu.dma_semaphore, #tpu.memory_space<semaphore_mem>>) src(%dma_wait3A_64 : memref<632x128xf32, #tpu.memory_space<hbm>>) dst(%dma_wait3A_62 : memref<632x128xf32, #tpu.memory_space<vmem_shared>>)
      tpu.yield
    }) : () -> ()
    %barrier3A = arith.constant 0 : index
    tpu.barrier barrier_id(%barrier3A)
    %dma_start3A = arith.constant 0 : i32
    %dma_start3A_3 = arith.constant 0 : i32
    %dma_start3A_4 = arith.constant 0 : i32
    %dma_start3A_5 = tpu.memref_slice %arg8[%dma_start3A_3, %dma_start3A_4] : memref<2x128xi32, #tpu.memory_space<vmem>> -> memref<1x128xi32, #tpu.memory_space<vmem>>
    %dma_start3A_6 = tpu.memref_squeeze %dma_start3A_5 : memref<1x128xi32, #tpu.memory_space<vmem>> -> memref<128xi32, #tpu.memory_space<vmem>>
    %dma_start3A_7 = arith.constant 0 : i32
    %dma_start3A_8 = tpu.memref_slice %arg4[%add3A, %dma_start3A, %dma_start3A_7] : memref<32x80x128xi32, #tpu.memory_space<hbm>> -> memref<1x1x128xi32, #tpu.memory_space<hbm>>
    %dma_start3A_9 = tpu.memref_squeeze %dma_start3A_8 : memref<1x1x128xi32, #tpu.memory_space<hbm>> -> memref<128xi32, #tpu.memory_space<hbm>>
    %dma_start3A_10 = arith.constant 0 : i32
    %dma_start3A_11 = tpu.memref_slice %arg8[%dma_start3A_3, %dma_start3A_10] : memref<2x128xi32, #tpu.memory_space<vmem>> -> memref<1x128xi32, #tpu.memory_space<vmem>>
    %dma_start3A_12 = tpu.memref_squeeze %dma_start3A_11 : memref<1x128xi32, #tpu.memory_space<vmem>> -> memref<128xi32, #tpu.memory_space<vmem>>
    %dma_start3A_13 = arith.constant 0 : i32
    %dma_start3A_14 = tpu.memref_slice %arg4[%add3A, %dma_start3A, %dma_start3A_13] : memref<32x80x128xi32, #tpu.memory_space<hbm>> -> memref<1x1x128xi32, #tpu.memory_space<hbm>>
    %dma_start3A_15 = tpu.memref_squeeze %dma_start3A_14 : memref<1x1x128xi32, #tpu.memory_space<hbm>> -> memref<128xi32, #tpu.memory_space<hbm>>
    tpu.enqueue_dma source(%dma_start3A_15 : memref<128xi32, #tpu.memory_space<hbm>>) target(%dma_start3A_12 : memref<128xi32, #tpu.memory_space<vmem>>) target_semaphore(%arg14 : memref<!tpu.dma_semaphore, #tpu.memory_space<semaphore_mem>>)
    %dma_start3A_16 = arith.constant 0 : i32
    %dma_start3A_17 = arith.constant 0 : i32
    %dma_start3A_18 = arith.constant 0 : i32
    %dma_start3A_19 = arith.constant 0 : i32
    %dma_start3A_20 = tpu.memref_slice %arg9[%dma_start3A_17, %dma_start3A_18, %dma_start3A_19] : memref<2x128x128xf32, #tpu.memory_space<vmem>> -> memref<1x128x128xf32, #tpu.memory_space<vmem>>
    %dma_start3A_21 = tpu.memref_squeeze %dma_start3A_20 : memref<1x128x128xf32, #tpu.memory_space<vmem>> -> memref<128x128xf32, #tpu.memory_space<vmem>>
    %dma_start3A_22 = arith.constant 0 : i32
    %dma_start3A_23 = tpu.memref_slice %arg7[%dma_start3A_16, %dma_start3A_22] : memref<80x128xi32, #tpu.memory_space<vmem>> -> memref<1x128xi32, #tpu.memory_space<vmem>>
    %dma_start3A_24 = tpu.memref_squeeze %dma_start3A_23 : memref<1x128xi32, #tpu.memory_space<vmem>> -> memref<128xi32, #tpu.memory_space<vmem>>
    %dma_start3A_25 = arith.constant 0 : i32
    %dma_start3A_26 = arith.constant 0 : i32
    %dma_start3A_27 = tpu.memref_slice %arg2[%dma_start3A_25, %dma_start3A_26] : memref<10112x128xf32, #tpu.memory_space<hbm>> -> memref<10112x128xf32, #tpu.memory_space<hbm>>
    tpu.enqueue_indirect_dma source(%dma_start3A_27 : memref<10112x128xf32, #tpu.memory_space<hbm>>) target(%dma_start3A_21 : memref<128x128xf32, #tpu.memory_space<vmem>>) offsets(%dma_start3A_24 : memref<128xi32, #tpu.memory_space<vmem>>) semaphore(%arg10 : memref<!tpu.dma_semaphore, #tpu.memory_space<semaphore_mem>>)
    %scan3A = arith.constant 0 : i32
    %scan3A_28 = arith.constant 0 : i32
    %scan3A_29 = arith.constant 40 : i32
    %scan3A_30 = arith.addi %scan3A_28, %scan3A_29 : i32
    %scan3A_31 = arith.constant 1 : i32
    scf.for %scan3A_57 = %scan3A_28 to %scan3A_30 step %scan3A_31  : i32 {
      %mul3A_58 = arith.constant 2 : i32
      %mul3A_59 = arith.muli %mul3A_58, %scan3A_57 : i32
      %ge3A = arith.constant 1 : i32
      %ge3A_60 = arith.cmpi sge, %scan3A_57, %ge3A : i32
      %convert_element_type3A = arith.extui %ge3A_60 : i1 to i32
      %cond3A = arith.constant 0 : i32
      %cond3A_61 = arith.cmpi ne, %convert_element_type3A, %cond3A : i32
      scf.if %cond3A_61 {
        %dma_wait3A_170 = arith.constant 1 : i32
        %dma_wait3A_171 = arith.constant 1 : i32
        %dma_wait3A_172 = arith.constant 0 : i32
        %dma_wait3A_173 = arith.constant 0 : i32
        %dma_wait3A_174 = tpu.memref_slice %arg9[%dma_wait3A_170, %dma_wait3A_172, %dma_wait3A_173] : memref<2x128x128xf32, #tpu.memory_space<vmem>> -> memref<1x128x128xf32, #tpu.memory_space<vmem>>
        %dma_wait3A_175 = tpu.memref_squeeze %dma_wait3A_174 : memref<1x128x128xf32, #tpu.memory_space<vmem>> -> memref<128x128xf32, #tpu.memory_space<vmem>>
        %dma_wait3A_176 = arith.constant 0 : i32
        %dma_wait3A_177 = tpu.memref_slice %arg8[%dma_wait3A_171, %dma_wait3A_176] : memref<2x128xi32, #tpu.memory_space<vmem>> -> memref<1x128xi32, #tpu.memory_space<vmem>>
        %dma_wait3A_178 = tpu.memref_squeeze %dma_wait3A_177 : memref<1x128xi32, #tpu.memory_space<vmem>> -> memref<128xi32, #tpu.memory_space<vmem>>
        %dma_wait3A_179 = arith.constant 0 : i32
        %dma_wait3A_180 = arith.constant 0 : i32
        %dma_wait3A_181 = tpu.memref_slice %arg16[%dma_wait3A_179, %dma_wait3A_180] : memref<10112x128xf32, #tpu.memory_space<vmem_shared>> -> memref<10112x128xf32, #tpu.memory_space<vmem_shared>>
        tpu.wait_indirect_dma semaphore(%arg13 : memref<!tpu.dma_semaphore, #tpu.memory_space<semaphore_mem>>) src(%dma_wait3A_175 : memref<128x128xf32, #tpu.memory_space<vmem>>) dst(%dma_wait3A_181 : memref<10112x128xf32, #tpu.memory_space<vmem_shared>>)
      } else {
      }
      %add3A_62 = arith.constant 1 : i32
      %add3A_63 = arith.addi %mul3A_59, %add3A_62 : i32
      %dma_start3A_64 = arith.constant 1 : i32
      %dma_start3A_65 = arith.constant 0 : i32
      %dma_start3A_66 = tpu.memref_slice %arg8[%dma_start3A_64, %dma_start3A_65] : memref<2x128xi32, #tpu.memory_space<vmem>> -> memref<1x128xi32, #tpu.memory_space<vmem>>
      %dma_start3A_67 = tpu.memref_squeeze %dma_start3A_66 : memref<1x128xi32, #tpu.memory_space<vmem>> -> memref<128xi32, #tpu.memory_space<vmem>>
      %dma_start3A_68 = arith.constant 0 : i32
      %dma_start3A_69 = tpu.memref_slice %arg4[%add3A, %add3A_63, %dma_start3A_68] : memref<32x80x128xi32, #tpu.memory_space<hbm>> -> memref<1x1x128xi32, #tpu.memory_space<hbm>>
      %dma_start3A_70 = tpu.memref_squeeze %dma_start3A_69 : memref<1x1x128xi32, #tpu.memory_space<hbm>> -> memref<128xi32, #tpu.memory_space<hbm>>
      %dma_start3A_71 = arith.constant 0 : i32
      %dma_start3A_72 = tpu.memref_slice %arg8[%dma_start3A_64, %dma_start3A_71] : memref<2x128xi32, #tpu.memory_space<vmem>> -> memref<1x128xi32, #tpu.memory_space<vmem>>
      %dma_start3A_73 = tpu.memref_squeeze %dma_start3A_72 : memref<1x128xi32, #tpu.memory_space<vmem>> -> memref<128xi32, #tpu.memory_space<vmem>>
      %dma_start3A_74 = arith.constant 0 : i32
      %dma_start3A_75 = tpu.memref_slice %arg4[%add3A, %add3A_63, %dma_start3A_74] : memref<32x80x128xi32, #tpu.memory_space<hbm>> -> memref<1x1x128xi32, #tpu.memory_space<hbm>>
      %dma_start3A_76 = tpu.memref_squeeze %dma_start3A_75 : memref<1x1x128xi32, #tpu.memory_space<hbm>> -> memref<128xi32, #tpu.memory_space<hbm>>
      tpu.enqueue_dma source(%dma_start3A_76 : memref<128xi32, #tpu.memory_space<hbm>>) target(%dma_start3A_73 : memref<128xi32, #tpu.memory_space<vmem>>) target_semaphore(%arg15 : memref<!tpu.dma_semaphore, #tpu.memory_space<semaphore_mem>>)
      %dma_start3A_77 = arith.constant 1 : i32
      %dma_start3A_78 = arith.constant 0 : i32
      %dma_start3A_79 = arith.constant 0 : i32
      %dma_start3A_80 = tpu.memref_slice %arg9[%dma_start3A_77, %dma_start3A_78, %dma_start3A_79] : memref<2x128x128xf32, #tpu.memory_space<vmem>> -> memref<1x128x128xf32, #tpu.memory_space<vmem>>
      %dma_start3A_81 = tpu.memref_squeeze %dma_start3A_80 : memref<1x128x128xf32, #tpu.memory_space<vmem>> -> memref<128x128xf32, #tpu.memory_space<vmem>>
      %dma_start3A_82 = arith.constant 0 : i32
      %dma_start3A_83 = tpu.memref_slice %arg7[%add3A_63, %dma_start3A_82] : memref<80x128xi32, #tpu.memory_space<vmem>> -> memref<1x128xi32, #tpu.memory_space<vmem>>
      %dma_start3A_84 = tpu.memref_squeeze %dma_start3A_83 : memref<1x128xi32, #tpu.memory_space<vmem>> -> memref<128xi32, #tpu.memory_space<vmem>>
      %dma_start3A_85 = arith.constant 0 : i32
      %dma_start3A_86 = arith.constant 0 : i32
      %dma_start3A_87 = tpu.memref_slice %arg2[%dma_start3A_85, %dma_start3A_86] : memref<10112x128xf32, #tpu.memory_space<hbm>> -> memref<10112x128xf32, #tpu.memory_space<hbm>>
      tpu.enqueue_indirect_dma source(%dma_start3A_87 : memref<10112x128xf32, #tpu.memory_space<hbm>>) target(%dma_start3A_81 : memref<128x128xf32, #tpu.memory_space<vmem>>) offsets(%dma_start3A_84 : memref<128xi32, #tpu.memory_space<vmem>>) semaphore(%arg11 : memref<!tpu.dma_semaphore, #tpu.memory_space<semaphore_mem>>)
      %dma_wait3A_88 = arith.constant 0 : i32
      %dma_wait3A_89 = arith.constant 0 : i32
      %dma_wait3A_90 = arith.constant 0 : i32
      %dma_wait3A_91 = arith.constant 0 : i32
      %dma_wait3A_92 = tpu.memref_slice %arg9[%dma_wait3A_89, %dma_wait3A_90, %dma_wait3A_91] : memref<2x128x128xf32, #tpu.memory_space<vmem>> -> memref<1x128x128xf32, #tpu.memory_space<vmem>>
      %dma_wait3A_93 = tpu.memref_squeeze %dma_wait3A_92 : memref<1x128x128xf32, #tpu.memory_space<vmem>> -> memref<128x128xf32, #tpu.memory_space<vmem>>
      %dma_wait3A_94 = arith.constant 0 : i32
      %dma_wait3A_95 = tpu.memref_slice %arg7[%dma_wait3A_88, %dma_wait3A_94] : memref<80x128xi32, #tpu.memory_space<vmem>> -> memref<1x128xi32, #tpu.memory_space<vmem>>
      %dma_wait3A_96 = tpu.memref_squeeze %dma_wait3A_95 : memref<1x128xi32, #tpu.memory_space<vmem>> -> memref<128xi32, #tpu.memory_space<vmem>>
      %dma_wait3A_97 = arith.constant 0 : i32
      %dma_wait3A_98 = arith.constant 0 : i32
      %dma_wait3A_99 = tpu.memref_slice %arg2[%dma_wait3A_97, %dma_wait3A_98] : memref<10112x128xf32, #tpu.memory_space<hbm>> -> memref<10112x128xf32, #tpu.memory_space<hbm>>
      tpu.wait_indirect_dma semaphore(%arg10 : memref<!tpu.dma_semaphore, #tpu.memory_space<semaphore_mem>>) src(%dma_wait3A_99 : memref<10112x128xf32, #tpu.memory_space<hbm>>) dst(%dma_wait3A_93 : memref<128x128xf32, #tpu.memory_space<vmem>>)
      %dma_wait3A_100 = arith.constant 0 : i32
      %dma_wait3A_101 = arith.constant 0 : i32
      %dma_wait3A_102 = arith.constant 0 : i32
      %dma_wait3A_103 = tpu.memref_slice %arg8[%dma_wait3A_101, %dma_wait3A_102] : memref<2x128xi32, #tpu.memory_space<vmem>> -> memref<1x128xi32, #tpu.memory_space<vmem>>
      %dma_wait3A_104 = tpu.memref_squeeze %dma_wait3A_103 : memref<1x128xi32, #tpu.memory_space<vmem>> -> memref<128xi32, #tpu.memory_space<vmem>>
      %dma_wait3A_105 = arith.constant 0 : i32
      %dma_wait3A_106 = tpu.memref_slice %arg4[%add3A, %dma_wait3A_100, %dma_wait3A_105] : memref<32x80x128xi32, #tpu.memory_space<hbm>> -> memref<1x1x128xi32, #tpu.memory_space<hbm>>
      %dma_wait3A_107 = tpu.memref_squeeze %dma_wait3A_106 : memref<1x1x128xi32, #tpu.memory_space<hbm>> -> memref<128xi32, #tpu.memory_space<hbm>>
      %dma_wait3A_108 = arith.constant 0 : i32
      %dma_wait3A_109 = tpu.memref_slice %arg8[%dma_wait3A_101, %dma_wait3A_108] : memref<2x128xi32, #tpu.memory_space<vmem>> -> memref<1x128xi32, #tpu.memory_space<vmem>>
      %dma_wait3A_110 = tpu.memref_squeeze %dma_wait3A_109 : memref<1x128xi32, #tpu.memory_space<vmem>> -> memref<128xi32, #tpu.memory_space<vmem>>
      %dma_wait3A_111 = arith.constant 0 : i32
      %dma_wait3A_112 = tpu.memref_slice %arg4[%add3A, %dma_wait3A_100, %dma_wait3A_111] : memref<32x80x128xi32, #tpu.memory_space<hbm>> -> memref<1x1x128xi32, #tpu.memory_space<hbm>>
      %dma_wait3A_113 = tpu.memref_squeeze %dma_wait3A_112 : memref<1x1x128xi32, #tpu.memory_space<hbm>> -> memref<128xi32, #tpu.memory_space<hbm>>
      tpu.wait_dma2 semaphore(%arg14 : memref<!tpu.dma_semaphore, #tpu.memory_space<semaphore_mem>>) src(%dma_wait3A_113 : memref<128xi32, #tpu.memory_space<hbm>>) dst(%dma_wait3A_110 : memref<128xi32, #tpu.memory_space<vmem>>)
      %dma_start3A_114 = arith.constant 0 : i32
      %dma_start3A_115 = arith.constant 0 : i32
      %dma_start3A_116 = arith.constant 0 : i32
      %dma_start3A_117 = arith.constant 0 : i32
      %dma_start3A_118 = tpu.memref_slice %arg9[%dma_start3A_114, %dma_start3A_116, %dma_start3A_117] : memref<2x128x128xf32, #tpu.memory_space<vmem>> -> memref<1x128x128xf32, #tpu.memory_space<vmem>>
      %dma_start3A_119 = tpu.memref_squeeze %dma_start3A_118 : memref<1x128x128xf32, #tpu.memory_space<vmem>> -> memref<128x128xf32, #tpu.memory_space<vmem>>
      %dma_start3A_120 = arith.constant 0 : i32
      %dma_start3A_121 = tpu.memref_slice %arg8[%dma_start3A_115, %dma_start3A_120] : memref<2x128xi32, #tpu.memory_space<vmem>> -> memref<1x128xi32, #tpu.memory_space<vmem>>
      %dma_start3A_122 = tpu.memref_squeeze %dma_start3A_121 : memref<1x128xi32, #tpu.memory_space<vmem>> -> memref<128xi32, #tpu.memory_space<vmem>>
      %dma_start3A_123 = arith.constant 0 : i32
      %dma_start3A_124 = arith.constant 0 : i32
      %dma_start3A_125 = tpu.memref_slice %arg16[%dma_start3A_123, %dma_start3A_124] : memref<10112x128xf32, #tpu.memory_space<vmem_shared>> -> memref<10112x128xf32, #tpu.memory_space<vmem_shared>>
      tpu.enqueue_indirect_dma source(%dma_start3A_119 : memref<128x128xf32, #tpu.memory_space<vmem>>) target(%dma_start3A_125 : memref<10112x128xf32, #tpu.memory_space<vmem_shared>>) offsets(%dma_start3A_122 : memref<128xi32, #tpu.memory_space<vmem>>) semaphore(%arg12 : memref<!tpu.dma_semaphore, #tpu.memory_space<semaphore_mem>>) {add = true}
      %add3A_126 = arith.constant 1 : i32
      %add3A_127 = arith.addi %scan3A_57, %add3A_126 : i32
      %lt3A = arith.constant 40 : i32
      %lt3A_128 = arith.cmpi slt, %add3A_127, %lt3A : i32
      %convert_element_type3A_129 = arith.extui %lt3A_128 : i1 to i32
      %cond3A_130 = arith.constant 0 : i32
      %cond3A_131 = arith.cmpi ne, %convert_element_type3A_129, %cond3A_130 : i32
      scf.if %cond3A_131 {
        %dma_wait3A_170 = arith.constant 0 : i32
        %dma_wait3A_171 = arith.constant 0 : i32
        %dma_wait3A_172 = arith.constant 0 : i32
        %dma_wait3A_173 = arith.constant 0 : i32
        %dma_wait3A_174 = tpu.memref_slice %arg9[%dma_wait3A_170, %dma_wait3A_172, %dma_wait3A_173] : memref<2x128x128xf32, #tpu.memory_space<vmem>> -> memref<1x128x128xf32, #tpu.memory_space<vmem>>
        %dma_wait3A_175 = tpu.memref_squeeze %dma_wait3A_174 : memref<1x128x128xf32, #tpu.memory_space<vmem>> -> memref<128x128xf32, #tpu.memory_space<vmem>>
        %dma_wait3A_176 = arith.constant 0 : i32
        %dma_wait3A_177 = tpu.memref_slice %arg8[%dma_wait3A_171, %dma_wait3A_176] : memref<2x128xi32, #tpu.memory_space<vmem>> -> memref<1x128xi32, #tpu.memory_space<vmem>>
        %dma_wait3A_178 = tpu.memref_squeeze %dma_wait3A_177 : memref<1x128xi32, #tpu.memory_space<vmem>> -> memref<128xi32, #tpu.memory_space<vmem>>
        %dma_wait3A_179 = arith.constant 0 : i32
        %dma_wait3A_180 = arith.constant 0 : i32
        %dma_wait3A_181 = tpu.memref_slice %arg16[%dma_wait3A_179, %dma_wait3A_180] : memref<10112x128xf32, #tpu.memory_space<vmem_shared>> -> memref<10112x128xf32, #tpu.memory_space<vmem_shared>>
        tpu.wait_indirect_dma semaphore(%arg12 : memref<!tpu.dma_semaphore, #tpu.memory_space<semaphore_mem>>) src(%dma_wait3A_175 : memref<128x128xf32, #tpu.memory_space<vmem>>) dst(%dma_wait3A_181 : memref<10112x128xf32, #tpu.memory_space<vmem_shared>>)
        %add3A_182 = arith.constant 2 : i32
        %add3A_183 = arith.addi %mul3A_59, %add3A_182 : i32
        %dma_start3A_184 = arith.constant 0 : i32
        %dma_start3A_185 = arith.constant 0 : i32
        %dma_start3A_186 = tpu.memref_slice %arg8[%dma_start3A_184, %dma_start3A_185] : memref<2x128xi32, #tpu.memory_space<vmem>> -> memref<1x128xi32, #tpu.memory_space<vmem>>
        %dma_start3A_187 = tpu.memref_squeeze %dma_start3A_186 : memref<1x128xi32, #tpu.memory_space<vmem>> -> memref<128xi32, #tpu.memory_space<vmem>>
        %dma_start3A_188 = arith.constant 0 : i32
        %dma_start3A_189 = tpu.memref_slice %arg4[%add3A, %add3A_183, %dma_start3A_188] : memref<32x80x128xi32, #tpu.memory_space<hbm>> -> memref<1x1x128xi32, #tpu.memory_space<hbm>>
        %dma_start3A_190 = tpu.memref_squeeze %dma_start3A_189 : memref<1x1x128xi32, #tpu.memory_space<hbm>> -> memref<128xi32, #tpu.memory_space<hbm>>
        %dma_start3A_191 = arith.constant 0 : i32
        %dma_start3A_192 = tpu.memref_slice %arg8[%dma_start3A_184, %dma_start3A_191] : memref<2x128xi32, #tpu.memory_space<vmem>> -> memref<1x128xi32, #tpu.memory_space<vmem>>
        %dma_start3A_193 = tpu.memref_squeeze %dma_start3A_192 : memref<1x128xi32, #tpu.memory_space<vmem>> -> memref<128xi32, #tpu.memory_space<vmem>>
        %dma_start3A_194 = arith.constant 0 : i32
        %dma_start3A_195 = tpu.memref_slice %arg4[%add3A, %add3A_183, %dma_start3A_194] : memref<32x80x128xi32, #tpu.memory_space<hbm>> -> memref<1x1x128xi32, #tpu.memory_space<hbm>>
        %dma_start3A_196 = tpu.memref_squeeze %dma_start3A_195 : memref<1x1x128xi32, #tpu.memory_space<hbm>> -> memref<128xi32, #tpu.memory_space<hbm>>
        tpu.enqueue_dma source(%dma_start3A_196 : memref<128xi32, #tpu.memory_space<hbm>>) target(%dma_start3A_193 : memref<128xi32, #tpu.memory_space<vmem>>) target_semaphore(%arg14 : memref<!tpu.dma_semaphore, #tpu.memory_space<semaphore_mem>>)
        %dma_start3A_197 = arith.constant 0 : i32
        %dma_start3A_198 = arith.constant 0 : i32
        %dma_start3A_199 = arith.constant 0 : i32
        %dma_start3A_200 = tpu.memref_slice %arg9[%dma_start3A_197, %dma_start3A_198, %dma_start3A_199] : memref<2x128x128xf32, #tpu.memory_space<vmem>> -> memref<1x128x128xf32, #tpu.memory_space<vmem>>
        %dma_start3A_201 = tpu.memref_squeeze %dma_start3A_200 : memref<1x128x128xf32, #tpu.memory_space<vmem>> -> memref<128x128xf32, #tpu.memory_space<vmem>>
        %dma_start3A_202 = arith.constant 0 : i32
        %dma_start3A_203 = tpu.memref_slice %arg7[%add3A_183, %dma_start3A_202] : memref<80x128xi32, #tpu.memory_space<vmem>> -> memref<1x128xi32, #tpu.memory_space<vmem>>
        %dma_start3A_204 = tpu.memref_squeeze %dma_start3A_203 : memref<1x128xi32, #tpu.memory_space<vmem>> -> memref<128xi32, #tpu.memory_space<vmem>>
        %dma_start3A_205 = arith.constant 0 : i32
        %dma_start3A_206 = arith.constant 0 : i32
        %dma_start3A_207 = tpu.memref_slice %arg2[%dma_start3A_205, %dma_start3A_206] : memref<10112x128xf32, #tpu.memory_space<hbm>> -> memref<10112x128xf32, #tpu.memory_space<hbm>>
        tpu.enqueue_indirect_dma source(%dma_start3A_207 : memref<10112x128xf32, #tpu.memory_space<hbm>>) target(%dma_start3A_201 : memref<128x128xf32, #tpu.memory_space<vmem>>) offsets(%dma_start3A_204 : memref<128xi32, #tpu.memory_space<vmem>>) semaphore(%arg10 : memref<!tpu.dma_semaphore, #tpu.memory_space<semaphore_mem>>)
      } else {
      }
      %dma_wait3A_132 = arith.constant 0 : i32
      %dma_wait3A_133 = arith.constant 1 : i32
      %dma_wait3A_134 = arith.constant 0 : i32
      %dma_wait3A_135 = arith.constant 0 : i32
      %dma_wait3A_136 = tpu.memref_slice %arg9[%dma_wait3A_133, %dma_wait3A_134, %dma_wait3A_135] : memref<2x128x128xf32, #tpu.memory_space<vmem>> -> memref<1x128x128xf32, #tpu.memory_space<vmem>>
      %dma_wait3A_137 = tpu.memref_squeeze %dma_wait3A_136 : memref<1x128x128xf32, #tpu.memory_space<vmem>> -> memref<128x128xf32, #tpu.memory_space<vmem>>
      %dma_wait3A_138 = arith.constant 0 : i32
      %dma_wait3A_139 = tpu.memref_slice %arg7[%dma_wait3A_132, %dma_wait3A_138] : memref<80x128xi32, #tpu.memory_space<vmem>> -> memref<1x128xi32, #tpu.memory_space<vmem>>
      %dma_wait3A_140 = tpu.memref_squeeze %dma_wait3A_139 : memref<1x128xi32, #tpu.memory_space<vmem>> -> memref<128xi32, #tpu.memory_space<vmem>>
      %dma_wait3A_141 = arith.constant 0 : i32
      %dma_wait3A_142 = arith.constant 0 : i32
      %dma_wait3A_143 = tpu.memref_slice %arg2[%dma_wait3A_141, %dma_wait3A_142] : memref<10112x128xf32, #tpu.memory_space<hbm>> -> memref<10112x128xf32, #tpu.memory_space<hbm>>
      tpu.wait_indirect_dma semaphore(%arg11 : memref<!tpu.dma_semaphore, #tpu.memory_space<semaphore_mem>>) src(%dma_wait3A_143 : memref<10112x128xf32, #tpu.memory_space<hbm>>) dst(%dma_wait3A_137 : memref<128x128xf32, #tpu.memory_space<vmem>>)
      %dma_wait3A_144 = arith.constant 0 : i32
      %dma_wait3A_145 = arith.constant 1 : i32
      %dma_wait3A_146 = arith.constant 0 : i32
      %dma_wait3A_147 = tpu.memref_slice %arg8[%dma_wait3A_145, %dma_wait3A_146] : memref<2x128xi32, #tpu.memory_space<vmem>> -> memref<1x128xi32, #tpu.memory_space<vmem>>
      %dma_wait3A_148 = tpu.memref_squeeze %dma_wait3A_147 : memref<1x128xi32, #tpu.memory_space<vmem>> -> memref<128xi32, #tpu.memory_space<vmem>>
      %dma_wait3A_149 = arith.constant 0 : i32
      %dma_wait3A_150 = tpu.memref_slice %arg4[%add3A, %dma_wait3A_144, %dma_wait3A_149] : memref<32x80x128xi32, #tpu.memory_space<hbm>> -> memref<1x1x128xi32, #tpu.memory_space<hbm>>
      %dma_wait3A_151 = tpu.memref_squeeze %dma_wait3A_150 : memref<1x1x128xi32, #tpu.memory_space<hbm>> -> memref<128xi32, #tpu.memory_space<hbm>>
      %dma_wait3A_152 = arith.constant 0 : i32
      %dma_wait3A_153 = tpu.memref_slice %arg8[%dma_wait3A_145, %dma_wait3A_152] : memref<2x128xi32, #tpu.memory_space<vmem>> -> memref<1x128xi32, #tpu.memory_space<vmem>>
      %dma_wait3A_154 = tpu.memref_squeeze %dma_wait3A_153 : memref<1x128xi32, #tpu.memory_space<vmem>> -> memref<128xi32, #tpu.memory_space<vmem>>
      %dma_wait3A_155 = arith.constant 0 : i32
      %dma_wait3A_156 = tpu.memref_slice %arg4[%add3A, %dma_wait3A_144, %dma_wait3A_155] : memref<32x80x128xi32, #tpu.memory_space<hbm>> -> memref<1x1x128xi32, #tpu.memory_space<hbm>>
      %dma_wait3A_157 = tpu.memref_squeeze %dma_wait3A_156 : memref<1x1x128xi32, #tpu.memory_space<hbm>> -> memref<128xi32, #tpu.memory_space<hbm>>
      tpu.wait_dma2 semaphore(%arg15 : memref<!tpu.dma_semaphore, #tpu.memory_space<semaphore_mem>>) src(%dma_wait3A_157 : memref<128xi32, #tpu.memory_space<hbm>>) dst(%dma_wait3A_154 : memref<128xi32, #tpu.memory_space<vmem>>)
      %dma_start3A_158 = arith.constant 1 : i32
      %dma_start3A_159 = arith.constant 1 : i32
      %dma_start3A_160 = arith.constant 0 : i32
      %dma_start3A_161 = arith.constant 0 : i32
      %dma_start3A_162 = tpu.memref_slice %arg9[%dma_start3A_158, %dma_start3A_160, %dma_start3A_161] : memref<2x128x128xf32, #tpu.memory_space<vmem>> -> memref<1x128x128xf32, #tpu.memory_space<vmem>>
      %dma_start3A_163 = tpu.memref_squeeze %dma_start3A_162 : memref<1x128x128xf32, #tpu.memory_space<vmem>> -> memref<128x128xf32, #tpu.memory_space<vmem>>
      %dma_start3A_164 = arith.constant 0 : i32
      %dma_start3A_165 = tpu.memref_slice %arg8[%dma_start3A_159, %dma_start3A_164] : memref<2x128xi32, #tpu.memory_space<vmem>> -> memref<1x128xi32, #tpu.memory_space<vmem>>
      %dma_start3A_166 = tpu.memref_squeeze %dma_start3A_165 : memref<1x128xi32, #tpu.memory_space<vmem>> -> memref<128xi32, #tpu.memory_space<vmem>>
      %dma_start3A_167 = arith.constant 0 : i32
      %dma_start3A_168 = arith.constant 0 : i32
      %dma_start3A_169 = tpu.memref_slice %arg16[%dma_start3A_167, %dma_start3A_168] : memref<10112x128xf32, #tpu.memory_space<vmem_shared>> -> memref<10112x128xf32, #tpu.memory_space<vmem_shared>>
      tpu.enqueue_indirect_dma source(%dma_start3A_163 : memref<128x128xf32, #tpu.memory_space<vmem>>) target(%dma_start3A_169 : memref<10112x128xf32, #tpu.memory_space<vmem_shared>>) offsets(%dma_start3A_166 : memref<128xi32, #tpu.memory_space<vmem>>) semaphore(%arg13 : memref<!tpu.dma_semaphore, #tpu.memory_space<semaphore_mem>>) {add = true}
    }
    %scan3A_32 = arith.constant 40 : i32
    %dma_wait3A = arith.constant 0 : i32
    %dma_wait3A_33 = arith.constant 0 : i32
    %dma_wait3A_34 = arith.constant 0 : i32
    %dma_wait3A_35 = arith.constant 0 : i32
    %dma_wait3A_36 = tpu.memref_slice %arg9[%dma_wait3A, %dma_wait3A_34, %dma_wait3A_35] : memref<2x128x128xf32, #tpu.memory_space<vmem>> -> memref<1x128x128xf32, #tpu.memory_space<vmem>>
    %dma_wait3A_37 = tpu.memref_squeeze %dma_wait3A_36 : memref<1x128x128xf32, #tpu.memory_space<vmem>> -> memref<128x128xf32, #tpu.memory_space<vmem>>
    %dma_wait3A_38 = arith.constant 0 : i32
    %dma_wait3A_39 = tpu.memref_slice %arg8[%dma_wait3A_33, %dma_wait3A_38] : memref<2x128xi32, #tpu.memory_space<vmem>> -> memref<1x128xi32, #tpu.memory_space<vmem>>
    %dma_wait3A_40 = tpu.memref_squeeze %dma_wait3A_39 : memref<1x128xi32, #tpu.memory_space<vmem>> -> memref<128xi32, #tpu.memory_space<vmem>>
    %dma_wait3A_41 = arith.constant 0 : i32
    %dma_wait3A_42 = arith.constant 0 : i32
    %dma_wait3A_43 = tpu.memref_slice %arg16[%dma_wait3A_41, %dma_wait3A_42] : memref<10112x128xf32, #tpu.memory_space<vmem_shared>> -> memref<10112x128xf32, #tpu.memory_space<vmem_shared>>
    tpu.wait_indirect_dma semaphore(%arg12 : memref<!tpu.dma_semaphore, #tpu.memory_space<semaphore_mem>>) src(%dma_wait3A_37 : memref<128x128xf32, #tpu.memory_space<vmem>>) dst(%dma_wait3A_43 : memref<10112x128xf32, #tpu.memory_space<vmem_shared>>)
    %dma_wait3A_44 = arith.constant 1 : i32
    %dma_wait3A_45 = arith.constant 1 : i32
    %dma_wait3A_46 = arith.constant 0 : i32
    %dma_wait3A_47 = arith.constant 0 : i32
    %dma_wait3A_48 = tpu.memref_slice %arg9[%dma_wait3A_44, %dma_wait3A_46, %dma_wait3A_47] : memref<2x128x128xf32, #tpu.memory_space<vmem>> -> memref<1x128x128xf32, #tpu.memory_space<vmem>>
    %dma_wait3A_49 = tpu.memref_squeeze %dma_wait3A_48 : memref<1x128x128xf32, #tpu.memory_space<vmem>> -> memref<128x128xf32, #tpu.memory_space<vmem>>
    %dma_wait3A_50 = arith.constant 0 : i32
    %dma_wait3A_51 = tpu.memref_slice %arg8[%dma_wait3A_45, %dma_wait3A_50] : memref<2x128xi32, #tpu.memory_space<vmem>> -> memref<1x128xi32, #tpu.memory_space<vmem>>
    %dma_wait3A_52 = tpu.memref_squeeze %dma_wait3A_51 : memref<1x128xi32, #tpu.memory_space<vmem>> -> memref<128xi32, #tpu.memory_space<vmem>>
    %dma_wait3A_53 = arith.constant 0 : i32
    %dma_wait3A_54 = arith.constant 0 : i32
    %dma_wait3A_55 = tpu.memref_slice %arg16[%dma_wait3A_53, %dma_wait3A_54] : memref<10112x128xf32, #tpu.memory_space<vmem_shared>> -> memref<10112x128xf32, #tpu.memory_space<vmem_shared>>
    tpu.wait_indirect_dma semaphore(%arg13 : memref<!tpu.dma_semaphore, #tpu.memory_space<semaphore_mem>>) src(%dma_wait3A_49 : memref<128x128xf32, #tpu.memory_space<vmem>>) dst(%dma_wait3A_55 : memref<10112x128xf32, #tpu.memory_space<vmem_shared>>)
    %barrier3A_56 = arith.constant 0 : index
    tpu.barrier barrier_id(%barrier3A_56)
    "tpu.region"() ({
      %run_scoped3A = tpu.sem_alloc : memref<!tpu.dma_semaphore, #tpu.memory_space<semaphore_mem>>
      %dma_start3A_57 = arith.constant 0 : i32
      %dma_start3A_58 = tpu.memref_slice %arg6[%arg0, %mul3A_2, %dma_start3A_57] : memref<2x10112x128xf32, #tpu.memory_space<hbm>> -> memref<1x632x128xf32, #tpu.memory_space<hbm>>
      %dma_start3A_59 = tpu.memref_squeeze %dma_start3A_58 : memref<1x632x128xf32, #tpu.memory_space<hbm>> -> memref<632x128xf32, #tpu.memory_space<hbm>>
      %dma_start3A_60 = arith.constant 0 : i32
      %dma_start3A_61 = tpu.memref_slice %arg16[%mul3A_2, %dma_start3A_60] : memref<10112x128xf32, #tpu.memory_space<vmem_shared>> -> memref<632x128xf32, #tpu.memory_space<vmem_shared>>
      tpu.enqueue_dma source(%dma_start3A_61 : memref<632x128xf32, #tpu.memory_space<vmem_shared>>) target(%dma_start3A_59 : memref<632x128xf32, #tpu.memory_space<hbm>>) target_semaphore(%run_scoped3A : memref<!tpu.dma_semaphore, #tpu.memory_space<semaphore_mem>>)
      %dma_wait3A_62 = arith.constant 0 : i32
      %dma_wait3A_63 = tpu.memref_slice %arg6[%arg0, %mul3A_2, %dma_wait3A_62] : memref<2x10112x128xf32, #tpu.memory_space<hbm>> -> memref<1x632x128xf32, #tpu.memory_space<hbm>>
      %dma_wait3A_64 = tpu.memref_squeeze %dma_wait3A_63 : memref<1x632x128xf32, #tpu.memory_space<hbm>> -> memref<632x128xf32, #tpu.memory_space<hbm>>
      %dma_wait3A_65 = arith.constant 0 : i32
      %dma_wait3A_66 = tpu.memref_slice %arg16[%mul3A_2, %dma_wait3A_65] : memref<10112x128xf32, #tpu.memory_space<vmem_shared>> -> memref<632x128xf32, #tpu.memory_space<vmem_shared>>
      tpu.wait_dma2 semaphore(%run_scoped3A : memref<!tpu.dma_semaphore, #tpu.memory_space<semaphore_mem>>) src(%dma_wait3A_66 : memref<632x128xf32, #tpu.memory_space<vmem_shared>>) dst(%dma_wait3A_64 : memref<632x128xf32, #tpu.memory_space<hbm>>)
      tpu.yield
    }) : () -> ()
    return
  }
}

#map = affine_map<(d0, d1) -> (0, 0)>
#map1 = affine_map<(d0, d1) -> (0, 0, 0)>
module attributes {stable_mosaic.version = 14 : i64} {
  func.func @_sc_aggregate(%arg0: i32, %arg1: i32, %arg2: memref<10112x128xf32, #tpu.memory_space<hbm>>, %arg3: memref<32x80x128xi32, #tpu.memory_space<hbm>>, %arg4: memref<32x80x128xi32, #tpu.memory_space<hbm>>, %arg5: memref<10112x128xf32, #tpu.memory_space<hbm>>, %arg6: memref<2x10112x128xf32, #tpu.memory_space<hbm>>, %arg7: memref<80x128xi32, #tpu.memory_space<vmem>>, %arg8: memref<2x128xi32, #tpu.memory_space<vmem>>, %arg9: memref<2x128x128xf32, #tpu.memory_space<vmem>>, %arg10: memref<!tpu.dma_semaphore, #tpu.memory_space<semaphore_mem>>, %arg11: memref<!tpu.dma_semaphore, #tpu.memory_space<semaphore_mem>>, %arg12: memref<!tpu.dma_semaphore, #tpu.memory_space<semaphore_mem>>, %arg13: memref<!tpu.dma_semaphore, #tpu.memory_space<semaphore_mem>>, %arg14: memref<!tpu.dma_semaphore, #tpu.memory_space<semaphore_mem>>, %arg15: memref<!tpu.dma_semaphore, #tpu.memory_space<semaphore_mem>>, %arg16: memref<10112x128xf32, #tpu.memory_space<vmem_shared>>) attributes {dimension_semantics = [#tpu.dimension_semantics<core_parallel>, #tpu.dimension_semantics<subcore_parallel>], iteration_bounds = array<i64: 2, 16>, scalar_prefetch = 0 : i64, scratch_operands = 10 : i64, tpu.core_type = #tpu.core_type<sc_vector_subcore>, window_params = [{transform_indices = #map}, {transform_indices = #map1}, {transform_indices = #map1}, {transform_indices = #map}, {transform_indices = #map1}]} {
    %mul3A = arith.constant 16 : i32
    %mul3A_0 = arith.muli %arg0, %mul3A : i32
    %add3A = arith.addi %mul3A_0, %arg1 : i32
    %mul3A_1 = arith.constant 632 : i32
    %mul3A_2 = arith.muli %arg1, %mul3A_1 : i32
    "tpu.region"() ({
      %run_scoped3A = tpu.sem_alloc : memref<!tpu.dma_semaphore, #tpu.memory_space<semaphore_mem>>
      %dma_start3A_57 = arith.constant 0 : i32
      %dma_start3A_58 = arith.constant 0 : i32
      %dma_start3A_59 = tpu.memref_slice %arg3[%add3A, %dma_start3A_57, %dma_start3A_58] : memref<32x80x128xi32, #tpu.memory_space<hbm>> -> memref<1x80x128xi32, #tpu.memory_space<hbm>>
      %dma_start3A_60 = tpu.memref_squeeze %dma_start3A_59 : memref<1x80x128xi32, #tpu.memory_space<hbm>> -> memref<80x128xi32, #tpu.memory_space<hbm>>
      %dma_start3A_61 = arith.constant 0 : i32
      %dma_start3A_62 = arith.constant 0 : i32
      %dma_start3A_63 = tpu.memref_slice %arg3[%add3A, %dma_start3A_61, %dma_start3A_62] : memref<32x80x128xi32, #tpu.memory_space<hbm>> -> memref<1x80x128xi32, #tpu.memory_space<hbm>>
      %dma_start3A_64 = tpu.memref_squeeze %dma_start3A_63 : memref<1x80x128xi32, #tpu.memory_space<hbm>> -> memref<80x128xi32, #tpu.memory_space<hbm>>
      tpu.enqueue_dma source(%dma_start3A_64 : memref<80x128xi32, #tpu.memory_space<hbm>>) target(%arg7 : memref<80x128xi32, #tpu.memory_space<vmem>>) target_semaphore(%run_scoped3A : memref<!tpu.dma_semaphore, #tpu.memory_space<semaphore_mem>>)
      %dma_wait3A_65 = arith.constant 0 : i32
      %dma_wait3A_66 = arith.constant 0 : i32
      %dma_wait3A_67 = tpu.memref_slice %arg3[%add3A, %dma_wait3A_65, %dma_wait3A_66] : memref<32x80x128xi32, #tpu.memory_space<hbm>> -> memref<1x80x128xi32, #tpu.memory_space<hbm>>
      %dma_wait3A_68 = tpu.memref_squeeze %dma_wait3A_67 : memref<1x80x128xi32, #tpu.memory_space<hbm>> -> memref<80x128xi32, #tpu.memory_space<hbm>>
      %dma_wait3A_69 = arith.constant 0 : i32
      %dma_wait3A_70 = arith.constant 0 : i32
      %dma_wait3A_71 = tpu.memref_slice %arg3[%add3A, %dma_wait3A_69, %dma_wait3A_70] : memref<32x80x128xi32, #tpu.memory_space<hbm>> -> memref<1x80x128xi32, #tpu.memory_space<hbm>>
      %dma_wait3A_72 = tpu.memref_squeeze %dma_wait3A_71 : memref<1x80x128xi32, #tpu.memory_space<hbm>> -> memref<80x128xi32, #tpu.memory_space<hbm>>
      tpu.wait_dma2 semaphore(%run_scoped3A : memref<!tpu.dma_semaphore, #tpu.memory_space<semaphore_mem>>) src(%dma_wait3A_72 : memref<80x128xi32, #tpu.memory_space<hbm>>) dst(%arg7 : memref<80x128xi32, #tpu.memory_space<vmem>>)
      tpu.yield
    }) : () -> ()
    "tpu.region"() ({
      %run_scoped3A = tpu.sem_alloc : memref<!tpu.dma_semaphore, #tpu.memory_space<semaphore_mem>>
      %dma_start3A_57 = arith.constant 0 : i32
      %dma_start3A_58 = tpu.memref_slice %arg16[%mul3A_2, %dma_start3A_57] : memref<10112x128xf32, #tpu.memory_space<vmem_shared>> -> memref<632x128xf32, #tpu.memory_space<vmem_shared>>
      %dma_start3A_59 = arith.constant 0 : i32
      %dma_start3A_60 = tpu.memref_slice %arg5[%mul3A_2, %dma_start3A_59] : memref<10112x128xf32, #tpu.memory_space<hbm>> -> memref<632x128xf32, #tpu.memory_space<hbm>>
      tpu.enqueue_dma source(%dma_start3A_60 : memref<632x128xf32, #tpu.memory_space<hbm>>) target(%dma_start3A_58 : memref<632x128xf32, #tpu.memory_space<vmem_shared>>) target_semaphore(%run_scoped3A : memref<!tpu.dma_semaphore, #tpu.memory_space<semaphore_mem>>)
      %dma_wait3A_61 = arith.constant 0 : i32
      %dma_wait3A_62 = tpu.memref_slice %arg16[%mul3A_2, %dma_wait3A_61] : memref<10112x128xf32, #tpu.memory_space<vmem_shared>> -> memref<632x128xf32, #tpu.memory_space<vmem_shared>>
      %dma_wait3A_63 = arith.constant 0 : i32
      %dma_wait3A_64 = tpu.memref_slice %arg5[%mul3A_2, %dma_wait3A_63] : memref<10112x128xf32, #tpu.memory_space<hbm>> -> memref<632x128xf32, #tpu.memory_space<hbm>>
      tpu.wait_dma2 semaphore(%run_scoped3A : memref<!tpu.dma_semaphore, #tpu.memory_space<semaphore_mem>>) src(%dma_wait3A_64 : memref<632x128xf32, #tpu.memory_space<hbm>>) dst(%dma_wait3A_62 : memref<632x128xf32, #tpu.memory_space<vmem_shared>>)
      tpu.yield
    }) : () -> ()
    %barrier3A = arith.constant 0 : index
    tpu.barrier barrier_id(%barrier3A)
    %dma_start3A = arith.constant 0 : i32
    %dma_start3A_3 = arith.constant 0 : i32
    %dma_start3A_4 = arith.constant 0 : i32
    %dma_start3A_5 = tpu.memref_slice %arg8[%dma_start3A_3, %dma_start3A_4] : memref<2x128xi32, #tpu.memory_space<vmem>> -> memref<1x128xi32, #tpu.memory_space<vmem>>
    %dma_start3A_6 = tpu.memref_squeeze %dma_start3A_5 : memref<1x128xi32, #tpu.memory_space<vmem>> -> memref<128xi32, #tpu.memory_space<vmem>>
    %dma_start3A_7 = arith.constant 0 : i32
    %dma_start3A_8 = tpu.memref_slice %arg4[%add3A, %dma_start3A, %dma_start3A_7] : memref<32x80x128xi32, #tpu.memory_space<hbm>> -> memref<1x1x128xi32, #tpu.memory_space<hbm>>
    %dma_start3A_9 = tpu.memref_squeeze %dma_start3A_8 : memref<1x1x128xi32, #tpu.memory_space<hbm>> -> memref<128xi32, #tpu.memory_space<hbm>>
    %dma_start3A_10 = arith.constant 0 : i32
    %dma_start3A_11 = tpu.memref_slice %arg8[%dma_start3A_3, %dma_start3A_10] : memref<2x128xi32, #tpu.memory_space<vmem>> -> memref<1x128xi32, #tpu.memory_space<vmem>>
    %dma_start3A_12 = tpu.memref_squeeze %dma_start3A_11 : memref<1x128xi32, #tpu.memory_space<vmem>> -> memref<128xi32, #tpu.memory_space<vmem>>
    %dma_start3A_13 = arith.constant 0 : i32
    %dma_start3A_14 = tpu.memref_slice %arg4[%add3A, %dma_start3A, %dma_start3A_13] : memref<32x80x128xi32, #tpu.memory_space<hbm>> -> memref<1x1x128xi32, #tpu.memory_space<hbm>>
    %dma_start3A_15 = tpu.memref_squeeze %dma_start3A_14 : memref<1x1x128xi32, #tpu.memory_space<hbm>> -> memref<128xi32, #tpu.memory_space<hbm>>
    tpu.enqueue_dma source(%dma_start3A_15 : memref<128xi32, #tpu.memory_space<hbm>>) target(%dma_start3A_12 : memref<128xi32, #tpu.memory_space<vmem>>) target_semaphore(%arg14 : memref<!tpu.dma_semaphore, #tpu.memory_space<semaphore_mem>>)
    %dma_start3A_16 = arith.constant 0 : i32
    %dma_start3A_17 = arith.constant 0 : i32
    %dma_start3A_18 = arith.constant 0 : i32
    %dma_start3A_19 = arith.constant 0 : i32
    %dma_start3A_20 = tpu.memref_slice %arg9[%dma_start3A_17, %dma_start3A_18, %dma_start3A_19] : memref<2x128x128xf32, #tpu.memory_space<vmem>> -> memref<1x128x128xf32, #tpu.memory_space<vmem>>
    %dma_start3A_21 = tpu.memref_squeeze %dma_start3A_20 : memref<1x128x128xf32, #tpu.memory_space<vmem>> -> memref<128x128xf32, #tpu.memory_space<vmem>>
    %dma_start3A_22 = arith.constant 0 : i32
    %dma_start3A_23 = tpu.memref_slice %arg7[%dma_start3A_16, %dma_start3A_22] : memref<80x128xi32, #tpu.memory_space<vmem>> -> memref<1x128xi32, #tpu.memory_space<vmem>>
    %dma_start3A_24 = tpu.memref_squeeze %dma_start3A_23 : memref<1x128xi32, #tpu.memory_space<vmem>> -> memref<128xi32, #tpu.memory_space<vmem>>
    %dma_start3A_25 = arith.constant 0 : i32
    %dma_start3A_26 = arith.constant 0 : i32
    %dma_start3A_27 = tpu.memref_slice %arg2[%dma_start3A_25, %dma_start3A_26] : memref<10112x128xf32, #tpu.memory_space<hbm>> -> memref<10112x128xf32, #tpu.memory_space<hbm>>
    tpu.enqueue_indirect_dma source(%dma_start3A_27 : memref<10112x128xf32, #tpu.memory_space<hbm>>) target(%dma_start3A_21 : memref<128x128xf32, #tpu.memory_space<vmem>>) offsets(%dma_start3A_24 : memref<128xi32, #tpu.memory_space<vmem>>) semaphore(%arg10 : memref<!tpu.dma_semaphore, #tpu.memory_space<semaphore_mem>>)
    %scan3A = arith.constant 0 : i32
    %scan3A_28 = arith.constant 0 : i32
    %scan3A_29 = arith.constant 40 : i32
    %scan3A_30 = arith.addi %scan3A_28, %scan3A_29 : i32
    %scan3A_31 = arith.constant 1 : i32
    scf.for %scan3A_57 = %scan3A_28 to %scan3A_30 step %scan3A_31  : i32 {
      %mul3A_58 = arith.constant 2 : i32
      %mul3A_59 = arith.muli %mul3A_58, %scan3A_57 : i32
      %ge3A = arith.constant 1 : i32
      %ge3A_60 = arith.cmpi sge, %scan3A_57, %ge3A : i32
      %convert_element_type3A = arith.extui %ge3A_60 : i1 to i32
      %cond3A = arith.constant 0 : i32
      %cond3A_61 = arith.cmpi ne, %convert_element_type3A, %cond3A : i32
      scf.if %cond3A_61 {
        %dma_wait3A_170 = arith.constant 1 : i32
        %dma_wait3A_171 = arith.constant 1 : i32
        %dma_wait3A_172 = arith.constant 0 : i32
        %dma_wait3A_173 = arith.constant 0 : i32
        %dma_wait3A_174 = tpu.memref_slice %arg9[%dma_wait3A_170, %dma_wait3A_172, %dma_wait3A_173] : memref<2x128x128xf32, #tpu.memory_space<vmem>> -> memref<1x128x128xf32, #tpu.memory_space<vmem>>
        %dma_wait3A_175 = tpu.memref_squeeze %dma_wait3A_174 : memref<1x128x128xf32, #tpu.memory_space<vmem>> -> memref<128x128xf32, #tpu.memory_space<vmem>>
        %dma_wait3A_176 = arith.constant 0 : i32
        %dma_wait3A_177 = tpu.memref_slice %arg8[%dma_wait3A_171, %dma_wait3A_176] : memref<2x128xi32, #tpu.memory_space<vmem>> -> memref<1x128xi32, #tpu.memory_space<vmem>>
        %dma_wait3A_178 = tpu.memref_squeeze %dma_wait3A_177 : memref<1x128xi32, #tpu.memory_space<vmem>> -> memref<128xi32, #tpu.memory_space<vmem>>
        %dma_wait3A_179 = arith.constant 0 : i32
        %dma_wait3A_180 = arith.constant 0 : i32
        %dma_wait3A_181 = tpu.memref_slice %arg16[%dma_wait3A_179, %dma_wait3A_180] : memref<10112x128xf32, #tpu.memory_space<vmem_shared>> -> memref<10112x128xf32, #tpu.memory_space<vmem_shared>>
        tpu.wait_indirect_dma semaphore(%arg13 : memref<!tpu.dma_semaphore, #tpu.memory_space<semaphore_mem>>) src(%dma_wait3A_175 : memref<128x128xf32, #tpu.memory_space<vmem>>) dst(%dma_wait3A_181 : memref<10112x128xf32, #tpu.memory_space<vmem_shared>>)
      } else {
      }
      %add3A_62 = arith.constant 1 : i32
      %add3A_63 = arith.addi %mul3A_59, %add3A_62 : i32
      %dma_start3A_64 = arith.constant 1 : i32
      %dma_start3A_65 = arith.constant 0 : i32
      %dma_start3A_66 = tpu.memref_slice %arg8[%dma_start3A_64, %dma_start3A_65] : memref<2x128xi32, #tpu.memory_space<vmem>> -> memref<1x128xi32, #tpu.memory_space<vmem>>
      %dma_start3A_67 = tpu.memref_squeeze %dma_start3A_66 : memref<1x128xi32, #tpu.memory_space<vmem>> -> memref<128xi32, #tpu.memory_space<vmem>>
      %dma_start3A_68 = arith.constant 0 : i32
      %dma_start3A_69 = tpu.memref_slice %arg4[%add3A, %add3A_63, %dma_start3A_68] : memref<32x80x128xi32, #tpu.memory_space<hbm>> -> memref<1x1x128xi32, #tpu.memory_space<hbm>>
      %dma_start3A_70 = tpu.memref_squeeze %dma_start3A_69 : memref<1x1x128xi32, #tpu.memory_space<hbm>> -> memref<128xi32, #tpu.memory_space<hbm>>
      %dma_start3A_71 = arith.constant 0 : i32
      %dma_start3A_72 = tpu.memref_slice %arg8[%dma_start3A_64, %dma_start3A_71] : memref<2x128xi32, #tpu.memory_space<vmem>> -> memref<1x128xi32, #tpu.memory_space<vmem>>
      %dma_start3A_73 = tpu.memref_squeeze %dma_start3A_72 : memref<1x128xi32, #tpu.memory_space<vmem>> -> memref<128xi32, #tpu.memory_space<vmem>>
      %dma_start3A_74 = arith.constant 0 : i32
      %dma_start3A_75 = tpu.memref_slice %arg4[%add3A, %add3A_63, %dma_start3A_74] : memref<32x80x128xi32, #tpu.memory_space<hbm>> -> memref<1x1x128xi32, #tpu.memory_space<hbm>>
      %dma_start3A_76 = tpu.memref_squeeze %dma_start3A_75 : memref<1x1x128xi32, #tpu.memory_space<hbm>> -> memref<128xi32, #tpu.memory_space<hbm>>
      tpu.enqueue_dma source(%dma_start3A_76 : memref<128xi32, #tpu.memory_space<hbm>>) target(%dma_start3A_73 : memref<128xi32, #tpu.memory_space<vmem>>) target_semaphore(%arg15 : memref<!tpu.dma_semaphore, #tpu.memory_space<semaphore_mem>>)
      %dma_start3A_77 = arith.constant 1 : i32
      %dma_start3A_78 = arith.constant 0 : i32
      %dma_start3A_79 = arith.constant 0 : i32
      %dma_start3A_80 = tpu.memref_slice %arg9[%dma_start3A_77, %dma_start3A_78, %dma_start3A_79] : memref<2x128x128xf32, #tpu.memory_space<vmem>> -> memref<1x128x128xf32, #tpu.memory_space<vmem>>
      %dma_start3A_81 = tpu.memref_squeeze %dma_start3A_80 : memref<1x128x128xf32, #tpu.memory_space<vmem>> -> memref<128x128xf32, #tpu.memory_space<vmem>>
      %dma_start3A_82 = arith.constant 0 : i32
      %dma_start3A_83 = tpu.memref_slice %arg7[%add3A_63, %dma_start3A_82] : memref<80x128xi32, #tpu.memory_space<vmem>> -> memref<1x128xi32, #tpu.memory_space<vmem>>
      %dma_start3A_84 = tpu.memref_squeeze %dma_start3A_83 : memref<1x128xi32, #tpu.memory_space<vmem>> -> memref<128xi32, #tpu.memory_space<vmem>>
      %dma_start3A_85 = arith.constant 0 : i32
      %dma_start3A_86 = arith.constant 0 : i32
      %dma_start3A_87 = tpu.memref_slice %arg2[%dma_start3A_85, %dma_start3A_86] : memref<10112x128xf32, #tpu.memory_space<hbm>> -> memref<10112x128xf32, #tpu.memory_space<hbm>>
      tpu.enqueue_indirect_dma source(%dma_start3A_87 : memref<10112x128xf32, #tpu.memory_space<hbm>>) target(%dma_start3A_81 : memref<128x128xf32, #tpu.memory_space<vmem>>) offsets(%dma_start3A_84 : memref<128xi32, #tpu.memory_space<vmem>>) semaphore(%arg11 : memref<!tpu.dma_semaphore, #tpu.memory_space<semaphore_mem>>)
      %dma_wait3A_88 = arith.constant 0 : i32
      %dma_wait3A_89 = arith.constant 0 : i32
      %dma_wait3A_90 = arith.constant 0 : i32
      %dma_wait3A_91 = arith.constant 0 : i32
      %dma_wait3A_92 = tpu.memref_slice %arg9[%dma_wait3A_89, %dma_wait3A_90, %dma_wait3A_91] : memref<2x128x128xf32, #tpu.memory_space<vmem>> -> memref<1x128x128xf32, #tpu.memory_space<vmem>>
      %dma_wait3A_93 = tpu.memref_squeeze %dma_wait3A_92 : memref<1x128x128xf32, #tpu.memory_space<vmem>> -> memref<128x128xf32, #tpu.memory_space<vmem>>
      %dma_wait3A_94 = arith.constant 0 : i32
      %dma_wait3A_95 = tpu.memref_slice %arg7[%dma_wait3A_88, %dma_wait3A_94] : memref<80x128xi32, #tpu.memory_space<vmem>> -> memref<1x128xi32, #tpu.memory_space<vmem>>
      %dma_wait3A_96 = tpu.memref_squeeze %dma_wait3A_95 : memref<1x128xi32, #tpu.memory_space<vmem>> -> memref<128xi32, #tpu.memory_space<vmem>>
      %dma_wait3A_97 = arith.constant 0 : i32
      %dma_wait3A_98 = arith.constant 0 : i32
      %dma_wait3A_99 = tpu.memref_slice %arg2[%dma_wait3A_97, %dma_wait3A_98] : memref<10112x128xf32, #tpu.memory_space<hbm>> -> memref<10112x128xf32, #tpu.memory_space<hbm>>
      tpu.wait_indirect_dma semaphore(%arg10 : memref<!tpu.dma_semaphore, #tpu.memory_space<semaphore_mem>>) src(%dma_wait3A_99 : memref<10112x128xf32, #tpu.memory_space<hbm>>) dst(%dma_wait3A_93 : memref<128x128xf32, #tpu.memory_space<vmem>>)
      %dma_wait3A_100 = arith.constant 0 : i32
      %dma_wait3A_101 = arith.constant 0 : i32
      %dma_wait3A_102 = arith.constant 0 : i32
      %dma_wait3A_103 = tpu.memref_slice %arg8[%dma_wait3A_101, %dma_wait3A_102] : memref<2x128xi32, #tpu.memory_space<vmem>> -> memref<1x128xi32, #tpu.memory_space<vmem>>
      %dma_wait3A_104 = tpu.memref_squeeze %dma_wait3A_103 : memref<1x128xi32, #tpu.memory_space<vmem>> -> memref<128xi32, #tpu.memory_space<vmem>>
      %dma_wait3A_105 = arith.constant 0 : i32
      %dma_wait3A_106 = tpu.memref_slice %arg4[%add3A, %dma_wait3A_100, %dma_wait3A_105] : memref<32x80x128xi32, #tpu.memory_space<hbm>> -> memref<1x1x128xi32, #tpu.memory_space<hbm>>
      %dma_wait3A_107 = tpu.memref_squeeze %dma_wait3A_106 : memref<1x1x128xi32, #tpu.memory_space<hbm>> -> memref<128xi32, #tpu.memory_space<hbm>>
      %dma_wait3A_108 = arith.constant 0 : i32
      %dma_wait3A_109 = tpu.memref_slice %arg8[%dma_wait3A_101, %dma_wait3A_108] : memref<2x128xi32, #tpu.memory_space<vmem>> -> memref<1x128xi32, #tpu.memory_space<vmem>>
      %dma_wait3A_110 = tpu.memref_squeeze %dma_wait3A_109 : memref<1x128xi32, #tpu.memory_space<vmem>> -> memref<128xi32, #tpu.memory_space<vmem>>
      %dma_wait3A_111 = arith.constant 0 : i32
      %dma_wait3A_112 = tpu.memref_slice %arg4[%add3A, %dma_wait3A_100, %dma_wait3A_111] : memref<32x80x128xi32, #tpu.memory_space<hbm>> -> memref<1x1x128xi32, #tpu.memory_space<hbm>>
      %dma_wait3A_113 = tpu.memref_squeeze %dma_wait3A_112 : memref<1x1x128xi32, #tpu.memory_space<hbm>> -> memref<128xi32, #tpu.memory_space<hbm>>
      tpu.wait_dma2 semaphore(%arg14 : memref<!tpu.dma_semaphore, #tpu.memory_space<semaphore_mem>>) src(%dma_wait3A_113 : memref<128xi32, #tpu.memory_space<hbm>>) dst(%dma_wait3A_110 : memref<128xi32, #tpu.memory_space<vmem>>)
      %dma_start3A_114 = arith.constant 0 : i32
      %dma_start3A_115 = arith.constant 0 : i32
      %dma_start3A_116 = arith.constant 0 : i32
      %dma_start3A_117 = arith.constant 0 : i32
      %dma_start3A_118 = tpu.memref_slice %arg9[%dma_start3A_114, %dma_start3A_116, %dma_start3A_117] : memref<2x128x128xf32, #tpu.memory_space<vmem>> -> memref<1x128x128xf32, #tpu.memory_space<vmem>>
      %dma_start3A_119 = tpu.memref_squeeze %dma_start3A_118 : memref<1x128x128xf32, #tpu.memory_space<vmem>> -> memref<128x128xf32, #tpu.memory_space<vmem>>
      %dma_start3A_120 = arith.constant 0 : i32
      %dma_start3A_121 = tpu.memref_slice %arg8[%dma_start3A_115, %dma_start3A_120] : memref<2x128xi32, #tpu.memory_space<vmem>> -> memref<1x128xi32, #tpu.memory_space<vmem>>
      %dma_start3A_122 = tpu.memref_squeeze %dma_start3A_121 : memref<1x128xi32, #tpu.memory_space<vmem>> -> memref<128xi32, #tpu.memory_space<vmem>>
      %dma_start3A_123 = arith.constant 0 : i32
      %dma_start3A_124 = arith.constant 0 : i32
      %dma_start3A_125 = tpu.memref_slice %arg16[%dma_start3A_123, %dma_start3A_124] : memref<10112x128xf32, #tpu.memory_space<vmem_shared>> -> memref<10112x128xf32, #tpu.memory_space<vmem_shared>>
      tpu.enqueue_indirect_dma source(%dma_start3A_119 : memref<128x128xf32, #tpu.memory_space<vmem>>) target(%dma_start3A_125 : memref<10112x128xf32, #tpu.memory_space<vmem_shared>>) offsets(%dma_start3A_122 : memref<128xi32, #tpu.memory_space<vmem>>) semaphore(%arg12 : memref<!tpu.dma_semaphore, #tpu.memory_space<semaphore_mem>>) {add = true}
      %add3A_126 = arith.constant 1 : i32
      %add3A_127 = arith.addi %scan3A_57, %add3A_126 : i32
      %lt3A = arith.constant 40 : i32
      %lt3A_128 = arith.cmpi slt, %add3A_127, %lt3A : i32
      %convert_element_type3A_129 = arith.extui %lt3A_128 : i1 to i32
      %cond3A_130 = arith.constant 0 : i32
      %cond3A_131 = arith.cmpi ne, %convert_element_type3A_129, %cond3A_130 : i32
      scf.if %cond3A_131 {
        %dma_wait3A_170 = arith.constant 0 : i32
        %dma_wait3A_171 = arith.constant 0 : i32
        %dma_wait3A_172 = arith.constant 0 : i32
        %dma_wait3A_173 = arith.constant 0 : i32
        %dma_wait3A_174 = tpu.memref_slice %arg9[%dma_wait3A_170, %dma_wait3A_172, %dma_wait3A_173] : memref<2x128x128xf32, #tpu.memory_space<vmem>> -> memref<1x128x128xf32, #tpu.memory_space<vmem>>
        %dma_wait3A_175 = tpu.memref_squeeze %dma_wait3A_174 : memref<1x128x128xf32, #tpu.memory_space<vmem>> -> memref<128x128xf32, #tpu.memory_space<vmem>>
        %dma_wait3A_176 = arith.constant 0 : i32
        %dma_wait3A_177 = tpu.memref_slice %arg8[%dma_wait3A_171, %dma_wait3A_176] : memref<2x128xi32, #tpu.memory_space<vmem>> -> memref<1x128xi32, #tpu.memory_space<vmem>>
        %dma_wait3A_178 = tpu.memref_squeeze %dma_wait3A_177 : memref<1x128xi32, #tpu.memory_space<vmem>> -> memref<128xi32, #tpu.memory_space<vmem>>
        %dma_wait3A_179 = arith.constant 0 : i32
        %dma_wait3A_180 = arith.constant 0 : i32
        %dma_wait3A_181 = tpu.memref_slice %arg16[%dma_wait3A_179, %dma_wait3A_180] : memref<10112x128xf32, #tpu.memory_space<vmem_shared>> -> memref<10112x128xf32, #tpu.memory_space<vmem_shared>>
        tpu.wait_indirect_dma semaphore(%arg12 : memref<!tpu.dma_semaphore, #tpu.memory_space<semaphore_mem>>) src(%dma_wait3A_175 : memref<128x128xf32, #tpu.memory_space<vmem>>) dst(%dma_wait3A_181 : memref<10112x128xf32, #tpu.memory_space<vmem_shared>>)
        %add3A_182 = arith.constant 2 : i32
        %add3A_183 = arith.addi %mul3A_59, %add3A_182 : i32
        %dma_start3A_184 = arith.constant 0 : i32
        %dma_start3A_185 = arith.constant 0 : i32
        %dma_start3A_186 = tpu.memref_slice %arg8[%dma_start3A_184, %dma_start3A_185] : memref<2x128xi32, #tpu.memory_space<vmem>> -> memref<1x128xi32, #tpu.memory_space<vmem>>
        %dma_start3A_187 = tpu.memref_squeeze %dma_start3A_186 : memref<1x128xi32, #tpu.memory_space<vmem>> -> memref<128xi32, #tpu.memory_space<vmem>>
        %dma_start3A_188 = arith.constant 0 : i32
        %dma_start3A_189 = tpu.memref_slice %arg4[%add3A, %add3A_183, %dma_start3A_188] : memref<32x80x128xi32, #tpu.memory_space<hbm>> -> memref<1x1x128xi32, #tpu.memory_space<hbm>>
        %dma_start3A_190 = tpu.memref_squeeze %dma_start3A_189 : memref<1x1x128xi32, #tpu.memory_space<hbm>> -> memref<128xi32, #tpu.memory_space<hbm>>
        %dma_start3A_191 = arith.constant 0 : i32
        %dma_start3A_192 = tpu.memref_slice %arg8[%dma_start3A_184, %dma_start3A_191] : memref<2x128xi32, #tpu.memory_space<vmem>> -> memref<1x128xi32, #tpu.memory_space<vmem>>
        %dma_start3A_193 = tpu.memref_squeeze %dma_start3A_192 : memref<1x128xi32, #tpu.memory_space<vmem>> -> memref<128xi32, #tpu.memory_space<vmem>>
        %dma_start3A_194 = arith.constant 0 : i32
        %dma_start3A_195 = tpu.memref_slice %arg4[%add3A, %add3A_183, %dma_start3A_194] : memref<32x80x128xi32, #tpu.memory_space<hbm>> -> memref<1x1x128xi32, #tpu.memory_space<hbm>>
        %dma_start3A_196 = tpu.memref_squeeze %dma_start3A_195 : memref<1x1x128xi32, #tpu.memory_space<hbm>> -> memref<128xi32, #tpu.memory_space<hbm>>
        tpu.enqueue_dma source(%dma_start3A_196 : memref<128xi32, #tpu.memory_space<hbm>>) target(%dma_start3A_193 : memref<128xi32, #tpu.memory_space<vmem>>) target_semaphore(%arg14 : memref<!tpu.dma_semaphore, #tpu.memory_space<semaphore_mem>>)
        %dma_start3A_197 = arith.constant 0 : i32
        %dma_start3A_198 = arith.constant 0 : i32
        %dma_start3A_199 = arith.constant 0 : i32
        %dma_start3A_200 = tpu.memref_slice %arg9[%dma_start3A_197, %dma_start3A_198, %dma_start3A_199] : memref<2x128x128xf32, #tpu.memory_space<vmem>> -> memref<1x128x128xf32, #tpu.memory_space<vmem>>
        %dma_start3A_201 = tpu.memref_squeeze %dma_start3A_200 : memref<1x128x128xf32, #tpu.memory_space<vmem>> -> memref<128x128xf32, #tpu.memory_space<vmem>>
        %dma_start3A_202 = arith.constant 0 : i32
        %dma_start3A_203 = tpu.memref_slice %arg7[%add3A_183, %dma_start3A_202] : memref<80x128xi32, #tpu.memory_space<vmem>> -> memref<1x128xi32, #tpu.memory_space<vmem>>
        %dma_start3A_204 = tpu.memref_squeeze %dma_start3A_203 : memref<1x128xi32, #tpu.memory_space<vmem>> -> memref<128xi32, #tpu.memory_space<vmem>>
        %dma_start3A_205 = arith.constant 0 : i32
        %dma_start3A_206 = arith.constant 0 : i32
        %dma_start3A_207 = tpu.memref_slice %arg2[%dma_start3A_205, %dma_start3A_206] : memref<10112x128xf32, #tpu.memory_space<hbm>> -> memref<10112x128xf32, #tpu.memory_space<hbm>>
        tpu.enqueue_indirect_dma source(%dma_start3A_207 : memref<10112x128xf32, #tpu.memory_space<hbm>>) target(%dma_start3A_201 : memref<128x128xf32, #tpu.memory_space<vmem>>) offsets(%dma_start3A_204 : memref<128xi32, #tpu.memory_space<vmem>>) semaphore(%arg10 : memref<!tpu.dma_semaphore, #tpu.memory_space<semaphore_mem>>)
      } else {
      }
      %dma_wait3A_132 = arith.constant 0 : i32
      %dma_wait3A_133 = arith.constant 1 : i32
      %dma_wait3A_134 = arith.constant 0 : i32
      %dma_wait3A_135 = arith.constant 0 : i32
      %dma_wait3A_136 = tpu.memref_slice %arg9[%dma_wait3A_133, %dma_wait3A_134, %dma_wait3A_135] : memref<2x128x128xf32, #tpu.memory_space<vmem>> -> memref<1x128x128xf32, #tpu.memory_space<vmem>>
      %dma_wait3A_137 = tpu.memref_squeeze %dma_wait3A_136 : memref<1x128x128xf32, #tpu.memory_space<vmem>> -> memref<128x128xf32, #tpu.memory_space<vmem>>
      %dma_wait3A_138 = arith.constant 0 : i32
      %dma_wait3A_139 = tpu.memref_slice %arg7[%dma_wait3A_132, %dma_wait3A_138] : memref<80x128xi32, #tpu.memory_space<vmem>> -> memref<1x128xi32, #tpu.memory_space<vmem>>
      %dma_wait3A_140 = tpu.memref_squeeze %dma_wait3A_139 : memref<1x128xi32, #tpu.memory_space<vmem>> -> memref<128xi32, #tpu.memory_space<vmem>>
      %dma_wait3A_141 = arith.constant 0 : i32
      %dma_wait3A_142 = arith.constant 0 : i32
      %dma_wait3A_143 = tpu.memref_slice %arg2[%dma_wait3A_141, %dma_wait3A_142] : memref<10112x128xf32, #tpu.memory_space<hbm>> -> memref<10112x128xf32, #tpu.memory_space<hbm>>
      tpu.wait_indirect_dma semaphore(%arg11 : memref<!tpu.dma_semaphore, #tpu.memory_space<semaphore_mem>>) src(%dma_wait3A_143 : memref<10112x128xf32, #tpu.memory_space<hbm>>) dst(%dma_wait3A_137 : memref<128x128xf32, #tpu.memory_space<vmem>>)
      %dma_wait3A_144 = arith.constant 0 : i32
      %dma_wait3A_145 = arith.constant 1 : i32
      %dma_wait3A_146 = arith.constant 0 : i32
      %dma_wait3A_147 = tpu.memref_slice %arg8[%dma_wait3A_145, %dma_wait3A_146] : memref<2x128xi32, #tpu.memory_space<vmem>> -> memref<1x128xi32, #tpu.memory_space<vmem>>
      %dma_wait3A_148 = tpu.memref_squeeze %dma_wait3A_147 : memref<1x128xi32, #tpu.memory_space<vmem>> -> memref<128xi32, #tpu.memory_space<vmem>>
      %dma_wait3A_149 = arith.constant 0 : i32
      %dma_wait3A_150 = tpu.memref_slice %arg4[%add3A, %dma_wait3A_144, %dma_wait3A_149] : memref<32x80x128xi32, #tpu.memory_space<hbm>> -> memref<1x1x128xi32, #tpu.memory_space<hbm>>
      %dma_wait3A_151 = tpu.memref_squeeze %dma_wait3A_150 : memref<1x1x128xi32, #tpu.memory_space<hbm>> -> memref<128xi32, #tpu.memory_space<hbm>>
      %dma_wait3A_152 = arith.constant 0 : i32
      %dma_wait3A_153 = tpu.memref_slice %arg8[%dma_wait3A_145, %dma_wait3A_152] : memref<2x128xi32, #tpu.memory_space<vmem>> -> memref<1x128xi32, #tpu.memory_space<vmem>>
      %dma_wait3A_154 = tpu.memref_squeeze %dma_wait3A_153 : memref<1x128xi32, #tpu.memory_space<vmem>> -> memref<128xi32, #tpu.memory_space<vmem>>
      %dma_wait3A_155 = arith.constant 0 : i32
      %dma_wait3A_156 = tpu.memref_slice %arg4[%add3A, %dma_wait3A_144, %dma_wait3A_155] : memref<32x80x128xi32, #tpu.memory_space<hbm>> -> memref<1x1x128xi32, #tpu.memory_space<hbm>>
      %dma_wait3A_157 = tpu.memref_squeeze %dma_wait3A_156 : memref<1x1x128xi32, #tpu.memory_space<hbm>> -> memref<128xi32, #tpu.memory_space<hbm>>
      tpu.wait_dma2 semaphore(%arg15 : memref<!tpu.dma_semaphore, #tpu.memory_space<semaphore_mem>>) src(%dma_wait3A_157 : memref<128xi32, #tpu.memory_space<hbm>>) dst(%dma_wait3A_154 : memref<128xi32, #tpu.memory_space<vmem>>)
      %dma_start3A_158 = arith.constant 1 : i32
      %dma_start3A_159 = arith.constant 1 : i32
      %dma_start3A_160 = arith.constant 0 : i32
      %dma_start3A_161 = arith.constant 0 : i32
      %dma_start3A_162 = tpu.memref_slice %arg9[%dma_start3A_158, %dma_start3A_160, %dma_start3A_161] : memref<2x128x128xf32, #tpu.memory_space<vmem>> -> memref<1x128x128xf32, #tpu.memory_space<vmem>>
      %dma_start3A_163 = tpu.memref_squeeze %dma_start3A_162 : memref<1x128x128xf32, #tpu.memory_space<vmem>> -> memref<128x128xf32, #tpu.memory_space<vmem>>
      %dma_start3A_164 = arith.constant 0 : i32
      %dma_start3A_165 = tpu.memref_slice %arg8[%dma_start3A_159, %dma_start3A_164] : memref<2x128xi32, #tpu.memory_space<vmem>> -> memref<1x128xi32, #tpu.memory_space<vmem>>
      %dma_start3A_166 = tpu.memref_squeeze %dma_start3A_165 : memref<1x128xi32, #tpu.memory_space<vmem>> -> memref<128xi32, #tpu.memory_space<vmem>>
      %dma_start3A_167 = arith.constant 0 : i32
      %dma_start3A_168 = arith.constant 0 : i32
      %dma_start3A_169 = tpu.memref_slice %arg16[%dma_start3A_167, %dma_start3A_168] : memref<10112x128xf32, #tpu.memory_space<vmem_shared>> -> memref<10112x128xf32, #tpu.memory_space<vmem_shared>>
      tpu.enqueue_indirect_dma source(%dma_start3A_163 : memref<128x128xf32, #tpu.memory_space<vmem>>) target(%dma_start3A_169 : memref<10112x128xf32, #tpu.memory_space<vmem_shared>>) offsets(%dma_start3A_166 : memref<128xi32, #tpu.memory_space<vmem>>) semaphore(%arg13 : memref<!tpu.dma_semaphore, #tpu.memory_space<semaphore_mem>>) {add = true}
    }
    %scan3A_32 = arith.constant 40 : i32
    %dma_wait3A = arith.constant 0 : i32
    %dma_wait3A_33 = arith.constant 0 : i32
    %dma_wait3A_34 = arith.constant 0 : i32
    %dma_wait3A_35 = arith.constant 0 : i32
    %dma_wait3A_36 = tpu.memref_slice %arg9[%dma_wait3A, %dma_wait3A_34, %dma_wait3A_35] : memref<2x128x128xf32, #tpu.memory_space<vmem>> -> memref<1x128x128xf32, #tpu.memory_space<vmem>>
    %dma_wait3A_37 = tpu.memref_squeeze %dma_wait3A_36 : memref<1x128x128xf32, #tpu.memory_space<vmem>> -> memref<128x128xf32, #tpu.memory_space<vmem>>
    %dma_wait3A_38 = arith.constant 0 : i32
    %dma_wait3A_39 = tpu.memref_slice %arg8[%dma_wait3A_33, %dma_wait3A_38] : memref<2x128xi32, #tpu.memory_space<vmem>> -> memref<1x128xi32, #tpu.memory_space<vmem>>
    %dma_wait3A_40 = tpu.memref_squeeze %dma_wait3A_39 : memref<1x128xi32, #tpu.memory_space<vmem>> -> memref<128xi32, #tpu.memory_space<vmem>>
    %dma_wait3A_41 = arith.constant 0 : i32
    %dma_wait3A_42 = arith.constant 0 : i32
    %dma_wait3A_43 = tpu.memref_slice %arg16[%dma_wait3A_41, %dma_wait3A_42] : memref<10112x128xf32, #tpu.memory_space<vmem_shared>> -> memref<10112x128xf32, #tpu.memory_space<vmem_shared>>
    tpu.wait_indirect_dma semaphore(%arg12 : memref<!tpu.dma_semaphore, #tpu.memory_space<semaphore_mem>>) src(%dma_wait3A_37 : memref<128x128xf32, #tpu.memory_space<vmem>>) dst(%dma_wait3A_43 : memref<10112x128xf32, #tpu.memory_space<vmem_shared>>)
    %dma_wait3A_44 = arith.constant 1 : i32
    %dma_wait3A_45 = arith.constant 1 : i32
    %dma_wait3A_46 = arith.constant 0 : i32
    %dma_wait3A_47 = arith.constant 0 : i32
    %dma_wait3A_48 = tpu.memref_slice %arg9[%dma_wait3A_44, %dma_wait3A_46, %dma_wait3A_47] : memref<2x128x128xf32, #tpu.memory_space<vmem>> -> memref<1x128x128xf32, #tpu.memory_space<vmem>>
    %dma_wait3A_49 = tpu.memref_squeeze %dma_wait3A_48 : memref<1x128x128xf32, #tpu.memory_space<vmem>> -> memref<128x128xf32, #tpu.memory_space<vmem>>
    %dma_wait3A_50 = arith.constant 0 : i32
    %dma_wait3A_51 = tpu.memref_slice %arg8[%dma_wait3A_45, %dma_wait3A_50] : memref<2x128xi32, #tpu.memory_space<vmem>> -> memref<1x128xi32, #tpu.memory_space<vmem>>
    %dma_wait3A_52 = tpu.memref_squeeze %dma_wait3A_51 : memref<1x128xi32, #tpu.memory_space<vmem>> -> memref<128xi32, #tpu.memory_space<vmem>>
    %dma_wait3A_53 = arith.constant 0 : i32
    %dma_wait3A_54 = arith.constant 0 : i32
    %dma_wait3A_55 = tpu.memref_slice %arg16[%dma_wait3A_53, %dma_wait3A_54] : memref<10112x128xf32, #tpu.memory_space<vmem_shared>> -> memref<10112x128xf32, #tpu.memory_space<vmem_shared>>
    tpu.wait_indirect_dma semaphore(%arg13 : memref<!tpu.dma_semaphore, #tpu.memory_space<semaphore_mem>>) src(%dma_wait3A_49 : memref<128x128xf32, #tpu.memory_space<vmem>>) dst(%dma_wait3A_55 : memref<10112x128xf32, #tpu.memory_space<vmem_shared>>)
    %barrier3A_56 = arith.constant 0 : index
    tpu.barrier barrier_id(%barrier3A_56)
    "tpu.region"() ({
      %run_scoped3A = tpu.sem_alloc : memref<!tpu.dma_semaphore, #tpu.memory_space<semaphore_mem>>
      %dma_start3A_57 = arith.constant 0 : i32
      %dma_start3A_58 = tpu.memref_slice %arg6[%arg0, %mul3A_2, %dma_start3A_57] : memref<2x10112x128xf32, #tpu.memory_space<hbm>> -> memref<1x632x128xf32, #tpu.memory_space<hbm>>
      %dma_start3A_59 = tpu.memref_squeeze %dma_start3A_58 : memref<1x632x128xf32, #tpu.memory_space<hbm>> -> memref<632x128xf32, #tpu.memory_space<hbm>>
      %dma_start3A_60 = arith.constant 0 : i32
      %dma_start3A_61 = tpu.memref_slice %arg16[%mul3A_2, %dma_start3A_60] : memref<10112x128xf32, #tpu.memory_space<vmem_shared>> -> memref<632x128xf32, #tpu.memory_space<vmem_shared>>
      tpu.enqueue_dma source(%dma_start3A_61 : memref<632x128xf32, #tpu.memory_space<vmem_shared>>) target(%dma_start3A_59 : memref<632x128xf32, #tpu.memory_space<hbm>>) target_semaphore(%run_scoped3A : memref<!tpu.dma_semaphore, #tpu.memory_space<semaphore_mem>>)
      %dma_wait3A_62 = arith.constant 0 : i32
      %dma_wait3A_63 = tpu.memref_slice %arg6[%arg0, %mul3A_2, %dma_wait3A_62] : memref<2x10112x128xf32, #tpu.memory_space<hbm>> -> memref<1x632x128xf32, #tpu.memory_space<hbm>>
      %dma_wait3A_64 = tpu.memref_squeeze %dma_wait3A_63 : memref<1x632x128xf32, #tpu.memory_space<hbm>> -> memref<632x128xf32, #tpu.memory_space<hbm>>
      %dma_wait3A_65 = arith.constant 0 : i32
      %dma_wait3A_66 = tpu.memref_slice %arg16[%mul3A_2, %dma_wait3A_65] : memref<10112x128xf32, #tpu.memory_space<vmem_shared>> -> memref<632x128xf32, #tpu.memory_space<vmem_shared>>
      tpu.wait_dma2 semaphore(%run_scoped3A : memref<!tpu.dma_semaphore, #tpu.memory_space<semaphore_mem>>) src(%dma_wait3A_66 : memref<632x128xf32, #tpu.memory_space<vmem_shared>>) dst(%dma_wait3A_64 : memref<632x128xf32, #tpu.memory_space<hbm>>)
      tpu.yield
    }) : () -> ()
    return
  }
}

#map = affine_map<(d0, d1) -> (0, 0)>
#map1 = affine_map<(d0, d1) -> (0, 0, 0)>
module attributes {stable_mosaic.version = 14 : i64} {
  func.func @_sc_aggregate(%arg0: i32, %arg1: i32, %arg2: memref<10112x128xf32, #tpu.memory_space<hbm>>, %arg3: memref<32x80x128xi32, #tpu.memory_space<hbm>>, %arg4: memref<32x80x128xi32, #tpu.memory_space<hbm>>, %arg5: memref<10112x128xf32, #tpu.memory_space<hbm>>, %arg6: memref<2x10112x128xf32, #tpu.memory_space<hbm>>, %arg7: memref<80x128xi32, #tpu.memory_space<vmem>>, %arg8: memref<2x128xi32, #tpu.memory_space<vmem>>, %arg9: memref<2x128x128xf32, #tpu.memory_space<vmem>>, %arg10: memref<!tpu.dma_semaphore, #tpu.memory_space<semaphore_mem>>, %arg11: memref<!tpu.dma_semaphore, #tpu.memory_space<semaphore_mem>>, %arg12: memref<!tpu.dma_semaphore, #tpu.memory_space<semaphore_mem>>, %arg13: memref<!tpu.dma_semaphore, #tpu.memory_space<semaphore_mem>>, %arg14: memref<!tpu.dma_semaphore, #tpu.memory_space<semaphore_mem>>, %arg15: memref<!tpu.dma_semaphore, #tpu.memory_space<semaphore_mem>>, %arg16: memref<10112x128xf32, #tpu.memory_space<vmem_shared>>) attributes {dimension_semantics = [#tpu.dimension_semantics<core_parallel>, #tpu.dimension_semantics<subcore_parallel>], iteration_bounds = array<i64: 2, 16>, scalar_prefetch = 0 : i64, scratch_operands = 10 : i64, tpu.core_type = #tpu.core_type<sc_vector_subcore>, window_params = [{transform_indices = #map}, {transform_indices = #map1}, {transform_indices = #map1}, {transform_indices = #map}, {transform_indices = #map1}]} {
    %mul3A = arith.constant 16 : i32
    %mul3A_0 = arith.muli %arg0, %mul3A : i32
    %add3A = arith.addi %mul3A_0, %arg1 : i32
    %mul3A_1 = arith.constant 632 : i32
    %mul3A_2 = arith.muli %arg1, %mul3A_1 : i32
    "tpu.region"() ({
      %run_scoped3A = tpu.sem_alloc : memref<!tpu.dma_semaphore, #tpu.memory_space<semaphore_mem>>
      %dma_start3A_57 = arith.constant 0 : i32
      %dma_start3A_58 = arith.constant 0 : i32
      %dma_start3A_59 = tpu.memref_slice %arg3[%add3A, %dma_start3A_57, %dma_start3A_58] : memref<32x80x128xi32, #tpu.memory_space<hbm>> -> memref<1x80x128xi32, #tpu.memory_space<hbm>>
      %dma_start3A_60 = tpu.memref_squeeze %dma_start3A_59 : memref<1x80x128xi32, #tpu.memory_space<hbm>> -> memref<80x128xi32, #tpu.memory_space<hbm>>
      %dma_start3A_61 = arith.constant 0 : i32
      %dma_start3A_62 = arith.constant 0 : i32
      %dma_start3A_63 = tpu.memref_slice %arg3[%add3A, %dma_start3A_61, %dma_start3A_62] : memref<32x80x128xi32, #tpu.memory_space<hbm>> -> memref<1x80x128xi32, #tpu.memory_space<hbm>>
      %dma_start3A_64 = tpu.memref_squeeze %dma_start3A_63 : memref<1x80x128xi32, #tpu.memory_space<hbm>> -> memref<80x128xi32, #tpu.memory_space<hbm>>
      tpu.enqueue_dma source(%dma_start3A_64 : memref<80x128xi32, #tpu.memory_space<hbm>>) target(%arg7 : memref<80x128xi32, #tpu.memory_space<vmem>>) target_semaphore(%run_scoped3A : memref<!tpu.dma_semaphore, #tpu.memory_space<semaphore_mem>>)
      %dma_wait3A_65 = arith.constant 0 : i32
      %dma_wait3A_66 = arith.constant 0 : i32
      %dma_wait3A_67 = tpu.memref_slice %arg3[%add3A, %dma_wait3A_65, %dma_wait3A_66] : memref<32x80x128xi32, #tpu.memory_space<hbm>> -> memref<1x80x128xi32, #tpu.memory_space<hbm>>
      %dma_wait3A_68 = tpu.memref_squeeze %dma_wait3A_67 : memref<1x80x128xi32, #tpu.memory_space<hbm>> -> memref<80x128xi32, #tpu.memory_space<hbm>>
      %dma_wait3A_69 = arith.constant 0 : i32
      %dma_wait3A_70 = arith.constant 0 : i32
      %dma_wait3A_71 = tpu.memref_slice %arg3[%add3A, %dma_wait3A_69, %dma_wait3A_70] : memref<32x80x128xi32, #tpu.memory_space<hbm>> -> memref<1x80x128xi32, #tpu.memory_space<hbm>>
      %dma_wait3A_72 = tpu.memref_squeeze %dma_wait3A_71 : memref<1x80x128xi32, #tpu.memory_space<hbm>> -> memref<80x128xi32, #tpu.memory_space<hbm>>
      tpu.wait_dma2 semaphore(%run_scoped3A : memref<!tpu.dma_semaphore, #tpu.memory_space<semaphore_mem>>) src(%dma_wait3A_72 : memref<80x128xi32, #tpu.memory_space<hbm>>) dst(%arg7 : memref<80x128xi32, #tpu.memory_space<vmem>>)
      tpu.yield
    }) : () -> ()
    "tpu.region"() ({
      %run_scoped3A = tpu.sem_alloc : memref<!tpu.dma_semaphore, #tpu.memory_space<semaphore_mem>>
      %dma_start3A_57 = arith.constant 0 : i32
      %dma_start3A_58 = tpu.memref_slice %arg16[%mul3A_2, %dma_start3A_57] : memref<10112x128xf32, #tpu.memory_space<vmem_shared>> -> memref<632x128xf32, #tpu.memory_space<vmem_shared>>
      %dma_start3A_59 = arith.constant 0 : i32
      %dma_start3A_60 = tpu.memref_slice %arg5[%mul3A_2, %dma_start3A_59] : memref<10112x128xf32, #tpu.memory_space<hbm>> -> memref<632x128xf32, #tpu.memory_space<hbm>>
      tpu.enqueue_dma source(%dma_start3A_60 : memref<632x128xf32, #tpu.memory_space<hbm>>) target(%dma_start3A_58 : memref<632x128xf32, #tpu.memory_space<vmem_shared>>) target_semaphore(%run_scoped3A : memref<!tpu.dma_semaphore, #tpu.memory_space<semaphore_mem>>)
      %dma_wait3A_61 = arith.constant 0 : i32
      %dma_wait3A_62 = tpu.memref_slice %arg16[%mul3A_2, %dma_wait3A_61] : memref<10112x128xf32, #tpu.memory_space<vmem_shared>> -> memref<632x128xf32, #tpu.memory_space<vmem_shared>>
      %dma_wait3A_63 = arith.constant 0 : i32
      %dma_wait3A_64 = tpu.memref_slice %arg5[%mul3A_2, %dma_wait3A_63] : memref<10112x128xf32, #tpu.memory_space<hbm>> -> memref<632x128xf32, #tpu.memory_space<hbm>>
      tpu.wait_dma2 semaphore(%run_scoped3A : memref<!tpu.dma_semaphore, #tpu.memory_space<semaphore_mem>>) src(%dma_wait3A_64 : memref<632x128xf32, #tpu.memory_space<hbm>>) dst(%dma_wait3A_62 : memref<632x128xf32, #tpu.memory_space<vmem_shared>>)
      tpu.yield
    }) : () -> ()
    %barrier3A = arith.constant 0 : index
    tpu.barrier barrier_id(%barrier3A)
    %dma_start3A = arith.constant 0 : i32
    %dma_start3A_3 = arith.constant 0 : i32
    %dma_start3A_4 = arith.constant 0 : i32
    %dma_start3A_5 = tpu.memref_slice %arg8[%dma_start3A_3, %dma_start3A_4] : memref<2x128xi32, #tpu.memory_space<vmem>> -> memref<1x128xi32, #tpu.memory_space<vmem>>
    %dma_start3A_6 = tpu.memref_squeeze %dma_start3A_5 : memref<1x128xi32, #tpu.memory_space<vmem>> -> memref<128xi32, #tpu.memory_space<vmem>>
    %dma_start3A_7 = arith.constant 0 : i32
    %dma_start3A_8 = tpu.memref_slice %arg4[%add3A, %dma_start3A, %dma_start3A_7] : memref<32x80x128xi32, #tpu.memory_space<hbm>> -> memref<1x1x128xi32, #tpu.memory_space<hbm>>
    %dma_start3A_9 = tpu.memref_squeeze %dma_start3A_8 : memref<1x1x128xi32, #tpu.memory_space<hbm>> -> memref<128xi32, #tpu.memory_space<hbm>>
    %dma_start3A_10 = arith.constant 0 : i32
    %dma_start3A_11 = tpu.memref_slice %arg8[%dma_start3A_3, %dma_start3A_10] : memref<2x128xi32, #tpu.memory_space<vmem>> -> memref<1x128xi32, #tpu.memory_space<vmem>>
    %dma_start3A_12 = tpu.memref_squeeze %dma_start3A_11 : memref<1x128xi32, #tpu.memory_space<vmem>> -> memref<128xi32, #tpu.memory_space<vmem>>
    %dma_start3A_13 = arith.constant 0 : i32
    %dma_start3A_14 = tpu.memref_slice %arg4[%add3A, %dma_start3A, %dma_start3A_13] : memref<32x80x128xi32, #tpu.memory_space<hbm>> -> memref<1x1x128xi32, #tpu.memory_space<hbm>>
    %dma_start3A_15 = tpu.memref_squeeze %dma_start3A_14 : memref<1x1x128xi32, #tpu.memory_space<hbm>> -> memref<128xi32, #tpu.memory_space<hbm>>
    tpu.enqueue_dma source(%dma_start3A_15 : memref<128xi32, #tpu.memory_space<hbm>>) target(%dma_start3A_12 : memref<128xi32, #tpu.memory_space<vmem>>) target_semaphore(%arg14 : memref<!tpu.dma_semaphore, #tpu.memory_space<semaphore_mem>>)
    %dma_start3A_16 = arith.constant 0 : i32
    %dma_start3A_17 = arith.constant 0 : i32
    %dma_start3A_18 = arith.constant 0 : i32
    %dma_start3A_19 = arith.constant 0 : i32
    %dma_start3A_20 = tpu.memref_slice %arg9[%dma_start3A_17, %dma_start3A_18, %dma_start3A_19] : memref<2x128x128xf32, #tpu.memory_space<vmem>> -> memref<1x128x128xf32, #tpu.memory_space<vmem>>
    %dma_start3A_21 = tpu.memref_squeeze %dma_start3A_20 : memref<1x128x128xf32, #tpu.memory_space<vmem>> -> memref<128x128xf32, #tpu.memory_space<vmem>>
    %dma_start3A_22 = arith.constant 0 : i32
    %dma_start3A_23 = tpu.memref_slice %arg7[%dma_start3A_16, %dma_start3A_22] : memref<80x128xi32, #tpu.memory_space<vmem>> -> memref<1x128xi32, #tpu.memory_space<vmem>>
    %dma_start3A_24 = tpu.memref_squeeze %dma_start3A_23 : memref<1x128xi32, #tpu.memory_space<vmem>> -> memref<128xi32, #tpu.memory_space<vmem>>
    %dma_start3A_25 = arith.constant 0 : i32
    %dma_start3A_26 = arith.constant 0 : i32
    %dma_start3A_27 = tpu.memref_slice %arg2[%dma_start3A_25, %dma_start3A_26] : memref<10112x128xf32, #tpu.memory_space<hbm>> -> memref<10112x128xf32, #tpu.memory_space<hbm>>
    tpu.enqueue_indirect_dma source(%dma_start3A_27 : memref<10112x128xf32, #tpu.memory_space<hbm>>) target(%dma_start3A_21 : memref<128x128xf32, #tpu.memory_space<vmem>>) offsets(%dma_start3A_24 : memref<128xi32, #tpu.memory_space<vmem>>) semaphore(%arg10 : memref<!tpu.dma_semaphore, #tpu.memory_space<semaphore_mem>>)
    %scan3A = arith.constant 0 : i32
    %scan3A_28 = arith.constant 0 : i32
    %scan3A_29 = arith.constant 40 : i32
    %scan3A_30 = arith.addi %scan3A_28, %scan3A_29 : i32
    %scan3A_31 = arith.constant 1 : i32
    scf.for %scan3A_57 = %scan3A_28 to %scan3A_30 step %scan3A_31  : i32 {
      %mul3A_58 = arith.constant 2 : i32
      %mul3A_59 = arith.muli %mul3A_58, %scan3A_57 : i32
      %ge3A = arith.constant 1 : i32
      %ge3A_60 = arith.cmpi sge, %scan3A_57, %ge3A : i32
      %convert_element_type3A = arith.extui %ge3A_60 : i1 to i32
      %cond3A = arith.constant 0 : i32
      %cond3A_61 = arith.cmpi ne, %convert_element_type3A, %cond3A : i32
      scf.if %cond3A_61 {
        %dma_wait3A_170 = arith.constant 1 : i32
        %dma_wait3A_171 = arith.constant 1 : i32
        %dma_wait3A_172 = arith.constant 0 : i32
        %dma_wait3A_173 = arith.constant 0 : i32
        %dma_wait3A_174 = tpu.memref_slice %arg9[%dma_wait3A_170, %dma_wait3A_172, %dma_wait3A_173] : memref<2x128x128xf32, #tpu.memory_space<vmem>> -> memref<1x128x128xf32, #tpu.memory_space<vmem>>
        %dma_wait3A_175 = tpu.memref_squeeze %dma_wait3A_174 : memref<1x128x128xf32, #tpu.memory_space<vmem>> -> memref<128x128xf32, #tpu.memory_space<vmem>>
        %dma_wait3A_176 = arith.constant 0 : i32
        %dma_wait3A_177 = tpu.memref_slice %arg8[%dma_wait3A_171, %dma_wait3A_176] : memref<2x128xi32, #tpu.memory_space<vmem>> -> memref<1x128xi32, #tpu.memory_space<vmem>>
        %dma_wait3A_178 = tpu.memref_squeeze %dma_wait3A_177 : memref<1x128xi32, #tpu.memory_space<vmem>> -> memref<128xi32, #tpu.memory_space<vmem>>
        %dma_wait3A_179 = arith.constant 0 : i32
        %dma_wait3A_180 = arith.constant 0 : i32
        %dma_wait3A_181 = tpu.memref_slice %arg16[%dma_wait3A_179, %dma_wait3A_180] : memref<10112x128xf32, #tpu.memory_space<vmem_shared>> -> memref<10112x128xf32, #tpu.memory_space<vmem_shared>>
        tpu.wait_indirect_dma semaphore(%arg13 : memref<!tpu.dma_semaphore, #tpu.memory_space<semaphore_mem>>) src(%dma_wait3A_175 : memref<128x128xf32, #tpu.memory_space<vmem>>) dst(%dma_wait3A_181 : memref<10112x128xf32, #tpu.memory_space<vmem_shared>>)
      } else {
      }
      %add3A_62 = arith.constant 1 : i32
      %add3A_63 = arith.addi %mul3A_59, %add3A_62 : i32
      %dma_start3A_64 = arith.constant 1 : i32
      %dma_start3A_65 = arith.constant 0 : i32
      %dma_start3A_66 = tpu.memref_slice %arg8[%dma_start3A_64, %dma_start3A_65] : memref<2x128xi32, #tpu.memory_space<vmem>> -> memref<1x128xi32, #tpu.memory_space<vmem>>
      %dma_start3A_67 = tpu.memref_squeeze %dma_start3A_66 : memref<1x128xi32, #tpu.memory_space<vmem>> -> memref<128xi32, #tpu.memory_space<vmem>>
      %dma_start3A_68 = arith.constant 0 : i32
      %dma_start3A_69 = tpu.memref_slice %arg4[%add3A, %add3A_63, %dma_start3A_68] : memref<32x80x128xi32, #tpu.memory_space<hbm>> -> memref<1x1x128xi32, #tpu.memory_space<hbm>>
      %dma_start3A_70 = tpu.memref_squeeze %dma_start3A_69 : memref<1x1x128xi32, #tpu.memory_space<hbm>> -> memref<128xi32, #tpu.memory_space<hbm>>
      %dma_start3A_71 = arith.constant 0 : i32
      %dma_start3A_72 = tpu.memref_slice %arg8[%dma_start3A_64, %dma_start3A_71] : memref<2x128xi32, #tpu.memory_space<vmem>> -> memref<1x128xi32, #tpu.memory_space<vmem>>
      %dma_start3A_73 = tpu.memref_squeeze %dma_start3A_72 : memref<1x128xi32, #tpu.memory_space<vmem>> -> memref<128xi32, #tpu.memory_space<vmem>>
      %dma_start3A_74 = arith.constant 0 : i32
      %dma_start3A_75 = tpu.memref_slice %arg4[%add3A, %add3A_63, %dma_start3A_74] : memref<32x80x128xi32, #tpu.memory_space<hbm>> -> memref<1x1x128xi32, #tpu.memory_space<hbm>>
      %dma_start3A_76 = tpu.memref_squeeze %dma_start3A_75 : memref<1x1x128xi32, #tpu.memory_space<hbm>> -> memref<128xi32, #tpu.memory_space<hbm>>
      tpu.enqueue_dma source(%dma_start3A_76 : memref<128xi32, #tpu.memory_space<hbm>>) target(%dma_start3A_73 : memref<128xi32, #tpu.memory_space<vmem>>) target_semaphore(%arg15 : memref<!tpu.dma_semaphore, #tpu.memory_space<semaphore_mem>>)
      %dma_start3A_77 = arith.constant 1 : i32
      %dma_start3A_78 = arith.constant 0 : i32
      %dma_start3A_79 = arith.constant 0 : i32
      %dma_start3A_80 = tpu.memref_slice %arg9[%dma_start3A_77, %dma_start3A_78, %dma_start3A_79] : memref<2x128x128xf32, #tpu.memory_space<vmem>> -> memref<1x128x128xf32, #tpu.memory_space<vmem>>
      %dma_start3A_81 = tpu.memref_squeeze %dma_start3A_80 : memref<1x128x128xf32, #tpu.memory_space<vmem>> -> memref<128x128xf32, #tpu.memory_space<vmem>>
      %dma_start3A_82 = arith.constant 0 : i32
      %dma_start3A_83 = tpu.memref_slice %arg7[%add3A_63, %dma_start3A_82] : memref<80x128xi32, #tpu.memory_space<vmem>> -> memref<1x128xi32, #tpu.memory_space<vmem>>
      %dma_start3A_84 = tpu.memref_squeeze %dma_start3A_83 : memref<1x128xi32, #tpu.memory_space<vmem>> -> memref<128xi32, #tpu.memory_space<vmem>>
      %dma_start3A_85 = arith.constant 0 : i32
      %dma_start3A_86 = arith.constant 0 : i32
      %dma_start3A_87 = tpu.memref_slice %arg2[%dma_start3A_85, %dma_start3A_86] : memref<10112x128xf32, #tpu.memory_space<hbm>> -> memref<10112x128xf32, #tpu.memory_space<hbm>>
      tpu.enqueue_indirect_dma source(%dma_start3A_87 : memref<10112x128xf32, #tpu.memory_space<hbm>>) target(%dma_start3A_81 : memref<128x128xf32, #tpu.memory_space<vmem>>) offsets(%dma_start3A_84 : memref<128xi32, #tpu.memory_space<vmem>>) semaphore(%arg11 : memref<!tpu.dma_semaphore, #tpu.memory_space<semaphore_mem>>)
      %dma_wait3A_88 = arith.constant 0 : i32
      %dma_wait3A_89 = arith.constant 0 : i32
      %dma_wait3A_90 = arith.constant 0 : i32
      %dma_wait3A_91 = arith.constant 0 : i32
      %dma_wait3A_92 = tpu.memref_slice %arg9[%dma_wait3A_89, %dma_wait3A_90, %dma_wait3A_91] : memref<2x128x128xf32, #tpu.memory_space<vmem>> -> memref<1x128x128xf32, #tpu.memory_space<vmem>>
      %dma_wait3A_93 = tpu.memref_squeeze %dma_wait3A_92 : memref<1x128x128xf32, #tpu.memory_space<vmem>> -> memref<128x128xf32, #tpu.memory_space<vmem>>
      %dma_wait3A_94 = arith.constant 0 : i32
      %dma_wait3A_95 = tpu.memref_slice %arg7[%dma_wait3A_88, %dma_wait3A_94] : memref<80x128xi32, #tpu.memory_space<vmem>> -> memref<1x128xi32, #tpu.memory_space<vmem>>
      %dma_wait3A_96 = tpu.memref_squeeze %dma_wait3A_95 : memref<1x128xi32, #tpu.memory_space<vmem>> -> memref<128xi32, #tpu.memory_space<vmem>>
      %dma_wait3A_97 = arith.constant 0 : i32
      %dma_wait3A_98 = arith.constant 0 : i32
      %dma_wait3A_99 = tpu.memref_slice %arg2[%dma_wait3A_97, %dma_wait3A_98] : memref<10112x128xf32, #tpu.memory_space<hbm>> -> memref<10112x128xf32, #tpu.memory_space<hbm>>
      tpu.wait_indirect_dma semaphore(%arg10 : memref<!tpu.dma_semaphore, #tpu.memory_space<semaphore_mem>>) src(%dma_wait3A_99 : memref<10112x128xf32, #tpu.memory_space<hbm>>) dst(%dma_wait3A_93 : memref<128x128xf32, #tpu.memory_space<vmem>>)
      %dma_wait3A_100 = arith.constant 0 : i32
      %dma_wait3A_101 = arith.constant 0 : i32
      %dma_wait3A_102 = arith.constant 0 : i32
      %dma_wait3A_103 = tpu.memref_slice %arg8[%dma_wait3A_101, %dma_wait3A_102] : memref<2x128xi32, #tpu.memory_space<vmem>> -> memref<1x128xi32, #tpu.memory_space<vmem>>
      %dma_wait3A_104 = tpu.memref_squeeze %dma_wait3A_103 : memref<1x128xi32, #tpu.memory_space<vmem>> -> memref<128xi32, #tpu.memory_space<vmem>>
      %dma_wait3A_105 = arith.constant 0 : i32
      %dma_wait3A_106 = tpu.memref_slice %arg4[%add3A, %dma_wait3A_100, %dma_wait3A_105] : memref<32x80x128xi32, #tpu.memory_space<hbm>> -> memref<1x1x128xi32, #tpu.memory_space<hbm>>
      %dma_wait3A_107 = tpu.memref_squeeze %dma_wait3A_106 : memref<1x1x128xi32, #tpu.memory_space<hbm>> -> memref<128xi32, #tpu.memory_space<hbm>>
      %dma_wait3A_108 = arith.constant 0 : i32
      %dma_wait3A_109 = tpu.memref_slice %arg8[%dma_wait3A_101, %dma_wait3A_108] : memref<2x128xi32, #tpu.memory_space<vmem>> -> memref<1x128xi32, #tpu.memory_space<vmem>>
      %dma_wait3A_110 = tpu.memref_squeeze %dma_wait3A_109 : memref<1x128xi32, #tpu.memory_space<vmem>> -> memref<128xi32, #tpu.memory_space<vmem>>
      %dma_wait3A_111 = arith.constant 0 : i32
      %dma_wait3A_112 = tpu.memref_slice %arg4[%add3A, %dma_wait3A_100, %dma_wait3A_111] : memref<32x80x128xi32, #tpu.memory_space<hbm>> -> memref<1x1x128xi32, #tpu.memory_space<hbm>>
      %dma_wait3A_113 = tpu.memref_squeeze %dma_wait3A_112 : memref<1x1x128xi32, #tpu.memory_space<hbm>> -> memref<128xi32, #tpu.memory_space<hbm>>
      tpu.wait_dma2 semaphore(%arg14 : memref<!tpu.dma_semaphore, #tpu.memory_space<semaphore_mem>>) src(%dma_wait3A_113 : memref<128xi32, #tpu.memory_space<hbm>>) dst(%dma_wait3A_110 : memref<128xi32, #tpu.memory_space<vmem>>)
      %dma_start3A_114 = arith.constant 0 : i32
      %dma_start3A_115 = arith.constant 0 : i32
      %dma_start3A_116 = arith.constant 0 : i32
      %dma_start3A_117 = arith.constant 0 : i32
      %dma_start3A_118 = tpu.memref_slice %arg9[%dma_start3A_114, %dma_start3A_116, %dma_start3A_117] : memref<2x128x128xf32, #tpu.memory_space<vmem>> -> memref<1x128x128xf32, #tpu.memory_space<vmem>>
      %dma_start3A_119 = tpu.memref_squeeze %dma_start3A_118 : memref<1x128x128xf32, #tpu.memory_space<vmem>> -> memref<128x128xf32, #tpu.memory_space<vmem>>
      %dma_start3A_120 = arith.constant 0 : i32
      %dma_start3A_121 = tpu.memref_slice %arg8[%dma_start3A_115, %dma_start3A_120] : memref<2x128xi32, #tpu.memory_space<vmem>> -> memref<1x128xi32, #tpu.memory_space<vmem>>
      %dma_start3A_122 = tpu.memref_squeeze %dma_start3A_121 : memref<1x128xi32, #tpu.memory_space<vmem>> -> memref<128xi32, #tpu.memory_space<vmem>>
      %dma_start3A_123 = arith.constant 0 : i32
      %dma_start3A_124 = arith.constant 0 : i32
      %dma_start3A_125 = tpu.memref_slice %arg16[%dma_start3A_123, %dma_start3A_124] : memref<10112x128xf32, #tpu.memory_space<vmem_shared>> -> memref<10112x128xf32, #tpu.memory_space<vmem_shared>>
      tpu.enqueue_indirect_dma source(%dma_start3A_119 : memref<128x128xf32, #tpu.memory_space<vmem>>) target(%dma_start3A_125 : memref<10112x128xf32, #tpu.memory_space<vmem_shared>>) offsets(%dma_start3A_122 : memref<128xi32, #tpu.memory_space<vmem>>) semaphore(%arg12 : memref<!tpu.dma_semaphore, #tpu.memory_space<semaphore_mem>>) {add = true}
      %add3A_126 = arith.constant 1 : i32
      %add3A_127 = arith.addi %scan3A_57, %add3A_126 : i32
      %lt3A = arith.constant 40 : i32
      %lt3A_128 = arith.cmpi slt, %add3A_127, %lt3A : i32
      %convert_element_type3A_129 = arith.extui %lt3A_128 : i1 to i32
      %cond3A_130 = arith.constant 0 : i32
      %cond3A_131 = arith.cmpi ne, %convert_element_type3A_129, %cond3A_130 : i32
      scf.if %cond3A_131 {
        %dma_wait3A_170 = arith.constant 0 : i32
        %dma_wait3A_171 = arith.constant 0 : i32
        %dma_wait3A_172 = arith.constant 0 : i32
        %dma_wait3A_173 = arith.constant 0 : i32
        %dma_wait3A_174 = tpu.memref_slice %arg9[%dma_wait3A_170, %dma_wait3A_172, %dma_wait3A_173] : memref<2x128x128xf32, #tpu.memory_space<vmem>> -> memref<1x128x128xf32, #tpu.memory_space<vmem>>
        %dma_wait3A_175 = tpu.memref_squeeze %dma_wait3A_174 : memref<1x128x128xf32, #tpu.memory_space<vmem>> -> memref<128x128xf32, #tpu.memory_space<vmem>>
        %dma_wait3A_176 = arith.constant 0 : i32
        %dma_wait3A_177 = tpu.memref_slice %arg8[%dma_wait3A_171, %dma_wait3A_176] : memref<2x128xi32, #tpu.memory_space<vmem>> -> memref<1x128xi32, #tpu.memory_space<vmem>>
        %dma_wait3A_178 = tpu.memref_squeeze %dma_wait3A_177 : memref<1x128xi32, #tpu.memory_space<vmem>> -> memref<128xi32, #tpu.memory_space<vmem>>
        %dma_wait3A_179 = arith.constant 0 : i32
        %dma_wait3A_180 = arith.constant 0 : i32
        %dma_wait3A_181 = tpu.memref_slice %arg16[%dma_wait3A_179, %dma_wait3A_180] : memref<10112x128xf32, #tpu.memory_space<vmem_shared>> -> memref<10112x128xf32, #tpu.memory_space<vmem_shared>>
        tpu.wait_indirect_dma semaphore(%arg12 : memref<!tpu.dma_semaphore, #tpu.memory_space<semaphore_mem>>) src(%dma_wait3A_175 : memref<128x128xf32, #tpu.memory_space<vmem>>) dst(%dma_wait3A_181 : memref<10112x128xf32, #tpu.memory_space<vmem_shared>>)
        %add3A_182 = arith.constant 2 : i32
        %add3A_183 = arith.addi %mul3A_59, %add3A_182 : i32
        %dma_start3A_184 = arith.constant 0 : i32
        %dma_start3A_185 = arith.constant 0 : i32
        %dma_start3A_186 = tpu.memref_slice %arg8[%dma_start3A_184, %dma_start3A_185] : memref<2x128xi32, #tpu.memory_space<vmem>> -> memref<1x128xi32, #tpu.memory_space<vmem>>
        %dma_start3A_187 = tpu.memref_squeeze %dma_start3A_186 : memref<1x128xi32, #tpu.memory_space<vmem>> -> memref<128xi32, #tpu.memory_space<vmem>>
        %dma_start3A_188 = arith.constant 0 : i32
        %dma_start3A_189 = tpu.memref_slice %arg4[%add3A, %add3A_183, %dma_start3A_188] : memref<32x80x128xi32, #tpu.memory_space<hbm>> -> memref<1x1x128xi32, #tpu.memory_space<hbm>>
        %dma_start3A_190 = tpu.memref_squeeze %dma_start3A_189 : memref<1x1x128xi32, #tpu.memory_space<hbm>> -> memref<128xi32, #tpu.memory_space<hbm>>
        %dma_start3A_191 = arith.constant 0 : i32
        %dma_start3A_192 = tpu.memref_slice %arg8[%dma_start3A_184, %dma_start3A_191] : memref<2x128xi32, #tpu.memory_space<vmem>> -> memref<1x128xi32, #tpu.memory_space<vmem>>
        %dma_start3A_193 = tpu.memref_squeeze %dma_start3A_192 : memref<1x128xi32, #tpu.memory_space<vmem>> -> memref<128xi32, #tpu.memory_space<vmem>>
        %dma_start3A_194 = arith.constant 0 : i32
        %dma_start3A_195 = tpu.memref_slice %arg4[%add3A, %add3A_183, %dma_start3A_194] : memref<32x80x128xi32, #tpu.memory_space<hbm>> -> memref<1x1x128xi32, #tpu.memory_space<hbm>>
        %dma_start3A_196 = tpu.memref_squeeze %dma_start3A_195 : memref<1x1x128xi32, #tpu.memory_space<hbm>> -> memref<128xi32, #tpu.memory_space<hbm>>
        tpu.enqueue_dma source(%dma_start3A_196 : memref<128xi32, #tpu.memory_space<hbm>>) target(%dma_start3A_193 : memref<128xi32, #tpu.memory_space<vmem>>) target_semaphore(%arg14 : memref<!tpu.dma_semaphore, #tpu.memory_space<semaphore_mem>>)
        %dma_start3A_197 = arith.constant 0 : i32
        %dma_start3A_198 = arith.constant 0 : i32
        %dma_start3A_199 = arith.constant 0 : i32
        %dma_start3A_200 = tpu.memref_slice %arg9[%dma_start3A_197, %dma_start3A_198, %dma_start3A_199] : memref<2x128x128xf32, #tpu.memory_space<vmem>> -> memref<1x128x128xf32, #tpu.memory_space<vmem>>
        %dma_start3A_201 = tpu.memref_squeeze %dma_start3A_200 : memref<1x128x128xf32, #tpu.memory_space<vmem>> -> memref<128x128xf32, #tpu.memory_space<vmem>>
        %dma_start3A_202 = arith.constant 0 : i32
        %dma_start3A_203 = tpu.memref_slice %arg7[%add3A_183, %dma_start3A_202] : memref<80x128xi32, #tpu.memory_space<vmem>> -> memref<1x128xi32, #tpu.memory_space<vmem>>
        %dma_start3A_204 = tpu.memref_squeeze %dma_start3A_203 : memref<1x128xi32, #tpu.memory_space<vmem>> -> memref<128xi32, #tpu.memory_space<vmem>>
        %dma_start3A_205 = arith.constant 0 : i32
        %dma_start3A_206 = arith.constant 0 : i32
        %dma_start3A_207 = tpu.memref_slice %arg2[%dma_start3A_205, %dma_start3A_206] : memref<10112x128xf32, #tpu.memory_space<hbm>> -> memref<10112x128xf32, #tpu.memory_space<hbm>>
        tpu.enqueue_indirect_dma source(%dma_start3A_207 : memref<10112x128xf32, #tpu.memory_space<hbm>>) target(%dma_start3A_201 : memref<128x128xf32, #tpu.memory_space<vmem>>) offsets(%dma_start3A_204 : memref<128xi32, #tpu.memory_space<vmem>>) semaphore(%arg10 : memref<!tpu.dma_semaphore, #tpu.memory_space<semaphore_mem>>)
      } else {
      }
      %dma_wait3A_132 = arith.constant 0 : i32
      %dma_wait3A_133 = arith.constant 1 : i32
      %dma_wait3A_134 = arith.constant 0 : i32
      %dma_wait3A_135 = arith.constant 0 : i32
      %dma_wait3A_136 = tpu.memref_slice %arg9[%dma_wait3A_133, %dma_wait3A_134, %dma_wait3A_135] : memref<2x128x128xf32, #tpu.memory_space<vmem>> -> memref<1x128x128xf32, #tpu.memory_space<vmem>>
      %dma_wait3A_137 = tpu.memref_squeeze %dma_wait3A_136 : memref<1x128x128xf32, #tpu.memory_space<vmem>> -> memref<128x128xf32, #tpu.memory_space<vmem>>
      %dma_wait3A_138 = arith.constant 0 : i32
      %dma_wait3A_139 = tpu.memref_slice %arg7[%dma_wait3A_132, %dma_wait3A_138] : memref<80x128xi32, #tpu.memory_space<vmem>> -> memref<1x128xi32, #tpu.memory_space<vmem>>
      %dma_wait3A_140 = tpu.memref_squeeze %dma_wait3A_139 : memref<1x128xi32, #tpu.memory_space<vmem>> -> memref<128xi32, #tpu.memory_space<vmem>>
      %dma_wait3A_141 = arith.constant 0 : i32
      %dma_wait3A_142 = arith.constant 0 : i32
      %dma_wait3A_143 = tpu.memref_slice %arg2[%dma_wait3A_141, %dma_wait3A_142] : memref<10112x128xf32, #tpu.memory_space<hbm>> -> memref<10112x128xf32, #tpu.memory_space<hbm>>
      tpu.wait_indirect_dma semaphore(%arg11 : memref<!tpu.dma_semaphore, #tpu.memory_space<semaphore_mem>>) src(%dma_wait3A_143 : memref<10112x128xf32, #tpu.memory_space<hbm>>) dst(%dma_wait3A_137 : memref<128x128xf32, #tpu.memory_space<vmem>>)
      %dma_wait3A_144 = arith.constant 0 : i32
      %dma_wait3A_145 = arith.constant 1 : i32
      %dma_wait3A_146 = arith.constant 0 : i32
      %dma_wait3A_147 = tpu.memref_slice %arg8[%dma_wait3A_145, %dma_wait3A_146] : memref<2x128xi32, #tpu.memory_space<vmem>> -> memref<1x128xi32, #tpu.memory_space<vmem>>
      %dma_wait3A_148 = tpu.memref_squeeze %dma_wait3A_147 : memref<1x128xi32, #tpu.memory_space<vmem>> -> memref<128xi32, #tpu.memory_space<vmem>>
      %dma_wait3A_149 = arith.constant 0 : i32
      %dma_wait3A_150 = tpu.memref_slice %arg4[%add3A, %dma_wait3A_144, %dma_wait3A_149] : memref<32x80x128xi32, #tpu.memory_space<hbm>> -> memref<1x1x128xi32, #tpu.memory_space<hbm>>
      %dma_wait3A_151 = tpu.memref_squeeze %dma_wait3A_150 : memref<1x1x128xi32, #tpu.memory_space<hbm>> -> memref<128xi32, #tpu.memory_space<hbm>>
      %dma_wait3A_152 = arith.constant 0 : i32
      %dma_wait3A_153 = tpu.memref_slice %arg8[%dma_wait3A_145, %dma_wait3A_152] : memref<2x128xi32, #tpu.memory_space<vmem>> -> memref<1x128xi32, #tpu.memory_space<vmem>>
      %dma_wait3A_154 = tpu.memref_squeeze %dma_wait3A_153 : memref<1x128xi32, #tpu.memory_space<vmem>> -> memref<128xi32, #tpu.memory_space<vmem>>
      %dma_wait3A_155 = arith.constant 0 : i32
      %dma_wait3A_156 = tpu.memref_slice %arg4[%add3A, %dma_wait3A_144, %dma_wait3A_155] : memref<32x80x128xi32, #tpu.memory_space<hbm>> -> memref<1x1x128xi32, #tpu.memory_space<hbm>>
      %dma_wait3A_157 = tpu.memref_squeeze %dma_wait3A_156 : memref<1x1x128xi32, #tpu.memory_space<hbm>> -> memref<128xi32, #tpu.memory_space<hbm>>
      tpu.wait_dma2 semaphore(%arg15 : memref<!tpu.dma_semaphore, #tpu.memory_space<semaphore_mem>>) src(%dma_wait3A_157 : memref<128xi32, #tpu.memory_space<hbm>>) dst(%dma_wait3A_154 : memref<128xi32, #tpu.memory_space<vmem>>)
      %dma_start3A_158 = arith.constant 1 : i32
      %dma_start3A_159 = arith.constant 1 : i32
      %dma_start3A_160 = arith.constant 0 : i32
      %dma_start3A_161 = arith.constant 0 : i32
      %dma_start3A_162 = tpu.memref_slice %arg9[%dma_start3A_158, %dma_start3A_160, %dma_start3A_161] : memref<2x128x128xf32, #tpu.memory_space<vmem>> -> memref<1x128x128xf32, #tpu.memory_space<vmem>>
      %dma_start3A_163 = tpu.memref_squeeze %dma_start3A_162 : memref<1x128x128xf32, #tpu.memory_space<vmem>> -> memref<128x128xf32, #tpu.memory_space<vmem>>
      %dma_start3A_164 = arith.constant 0 : i32
      %dma_start3A_165 = tpu.memref_slice %arg8[%dma_start3A_159, %dma_start3A_164] : memref<2x128xi32, #tpu.memory_space<vmem>> -> memref<1x128xi32, #tpu.memory_space<vmem>>
      %dma_start3A_166 = tpu.memref_squeeze %dma_start3A_165 : memref<1x128xi32, #tpu.memory_space<vmem>> -> memref<128xi32, #tpu.memory_space<vmem>>
      %dma_start3A_167 = arith.constant 0 : i32
      %dma_start3A_168 = arith.constant 0 : i32
      %dma_start3A_169 = tpu.memref_slice %arg16[%dma_start3A_167, %dma_start3A_168] : memref<10112x128xf32, #tpu.memory_space<vmem_shared>> -> memref<10112x128xf32, #tpu.memory_space<vmem_shared>>
      tpu.enqueue_indirect_dma source(%dma_start3A_163 : memref<128x128xf32, #tpu.memory_space<vmem>>) target(%dma_start3A_169 : memref<10112x128xf32, #tpu.memory_space<vmem_shared>>) offsets(%dma_start3A_166 : memref<128xi32, #tpu.memory_space<vmem>>) semaphore(%arg13 : memref<!tpu.dma_semaphore, #tpu.memory_space<semaphore_mem>>) {add = true}
    }
    %scan3A_32 = arith.constant 40 : i32
    %dma_wait3A = arith.constant 0 : i32
    %dma_wait3A_33 = arith.constant 0 : i32
    %dma_wait3A_34 = arith.constant 0 : i32
    %dma_wait3A_35 = arith.constant 0 : i32
    %dma_wait3A_36 = tpu.memref_slice %arg9[%dma_wait3A, %dma_wait3A_34, %dma_wait3A_35] : memref<2x128x128xf32, #tpu.memory_space<vmem>> -> memref<1x128x128xf32, #tpu.memory_space<vmem>>
    %dma_wait3A_37 = tpu.memref_squeeze %dma_wait3A_36 : memref<1x128x128xf32, #tpu.memory_space<vmem>> -> memref<128x128xf32, #tpu.memory_space<vmem>>
    %dma_wait3A_38 = arith.constant 0 : i32
    %dma_wait3A_39 = tpu.memref_slice %arg8[%dma_wait3A_33, %dma_wait3A_38] : memref<2x128xi32, #tpu.memory_space<vmem>> -> memref<1x128xi32, #tpu.memory_space<vmem>>
    %dma_wait3A_40 = tpu.memref_squeeze %dma_wait3A_39 : memref<1x128xi32, #tpu.memory_space<vmem>> -> memref<128xi32, #tpu.memory_space<vmem>>
    %dma_wait3A_41 = arith.constant 0 : i32
    %dma_wait3A_42 = arith.constant 0 : i32
    %dma_wait3A_43 = tpu.memref_slice %arg16[%dma_wait3A_41, %dma_wait3A_42] : memref<10112x128xf32, #tpu.memory_space<vmem_shared>> -> memref<10112x128xf32, #tpu.memory_space<vmem_shared>>
    tpu.wait_indirect_dma semaphore(%arg12 : memref<!tpu.dma_semaphore, #tpu.memory_space<semaphore_mem>>) src(%dma_wait3A_37 : memref<128x128xf32, #tpu.memory_space<vmem>>) dst(%dma_wait3A_43 : memref<10112x128xf32, #tpu.memory_space<vmem_shared>>)
    %dma_wait3A_44 = arith.constant 1 : i32
    %dma_wait3A_45 = arith.constant 1 : i32
    %dma_wait3A_46 = arith.constant 0 : i32
    %dma_wait3A_47 = arith.constant 0 : i32
    %dma_wait3A_48 = tpu.memref_slice %arg9[%dma_wait3A_44, %dma_wait3A_46, %dma_wait3A_47] : memref<2x128x128xf32, #tpu.memory_space<vmem>> -> memref<1x128x128xf32, #tpu.memory_space<vmem>>
    %dma_wait3A_49 = tpu.memref_squeeze %dma_wait3A_48 : memref<1x128x128xf32, #tpu.memory_space<vmem>> -> memref<128x128xf32, #tpu.memory_space<vmem>>
    %dma_wait3A_50 = arith.constant 0 : i32
    %dma_wait3A_51 = tpu.memref_slice %arg8[%dma_wait3A_45, %dma_wait3A_50] : memref<2x128xi32, #tpu.memory_space<vmem>> -> memref<1x128xi32, #tpu.memory_space<vmem>>
    %dma_wait3A_52 = tpu.memref_squeeze %dma_wait3A_51 : memref<1x128xi32, #tpu.memory_space<vmem>> -> memref<128xi32, #tpu.memory_space<vmem>>
    %dma_wait3A_53 = arith.constant 0 : i32
    %dma_wait3A_54 = arith.constant 0 : i32
    %dma_wait3A_55 = tpu.memref_slice %arg16[%dma_wait3A_53, %dma_wait3A_54] : memref<10112x128xf32, #tpu.memory_space<vmem_shared>> -> memref<10112x128xf32, #tpu.memory_space<vmem_shared>>
    tpu.wait_indirect_dma semaphore(%arg13 : memref<!tpu.dma_semaphore, #tpu.memory_space<semaphore_mem>>) src(%dma_wait3A_49 : memref<128x128xf32, #tpu.memory_space<vmem>>) dst(%dma_wait3A_55 : memref<10112x128xf32, #tpu.memory_space<vmem_shared>>)
    %barrier3A_56 = arith.constant 0 : index
    tpu.barrier barrier_id(%barrier3A_56)
    "tpu.region"() ({
      %run_scoped3A = tpu.sem_alloc : memref<!tpu.dma_semaphore, #tpu.memory_space<semaphore_mem>>
      %dma_start3A_57 = arith.constant 0 : i32
      %dma_start3A_58 = tpu.memref_slice %arg6[%arg0, %mul3A_2, %dma_start3A_57] : memref<2x10112x128xf32, #tpu.memory_space<hbm>> -> memref<1x632x128xf32, #tpu.memory_space<hbm>>
      %dma_start3A_59 = tpu.memref_squeeze %dma_start3A_58 : memref<1x632x128xf32, #tpu.memory_space<hbm>> -> memref<632x128xf32, #tpu.memory_space<hbm>>
      %dma_start3A_60 = arith.constant 0 : i32
      %dma_start3A_61 = tpu.memref_slice %arg16[%mul3A_2, %dma_start3A_60] : memref<10112x128xf32, #tpu.memory_space<vmem_shared>> -> memref<632x128xf32, #tpu.memory_space<vmem_shared>>
      tpu.enqueue_dma source(%dma_start3A_61 : memref<632x128xf32, #tpu.memory_space<vmem_shared>>) target(%dma_start3A_59 : memref<632x128xf32, #tpu.memory_space<hbm>>) target_semaphore(%run_scoped3A : memref<!tpu.dma_semaphore, #tpu.memory_space<semaphore_mem>>)
      %dma_wait3A_62 = arith.constant 0 : i32
      %dma_wait3A_63 = tpu.memref_slice %arg6[%arg0, %mul3A_2, %dma_wait3A_62] : memref<2x10112x128xf32, #tpu.memory_space<hbm>> -> memref<1x632x128xf32, #tpu.memory_space<hbm>>
      %dma_wait3A_64 = tpu.memref_squeeze %dma_wait3A_63 : memref<1x632x128xf32, #tpu.memory_space<hbm>> -> memref<632x128xf32, #tpu.memory_space<hbm>>
      %dma_wait3A_65 = arith.constant 0 : i32
      %dma_wait3A_66 = tpu.memref_slice %arg16[%mul3A_2, %dma_wait3A_65] : memref<10112x128xf32, #tpu.memory_space<vmem_shared>> -> memref<632x128xf32, #tpu.memory_space<vmem_shared>>
      tpu.wait_dma2 semaphore(%run_scoped3A : memref<!tpu.dma_semaphore, #tpu.memory_space<semaphore_mem>>) src(%dma_wait3A_66 : memref<632x128xf32, #tpu.memory_space<vmem_shared>>) dst(%dma_wait3A_64 : memref<632x128xf32, #tpu.memory_space<hbm>>)
      tpu.yield
    }) : () -> ()
    return
  }
}

#map = affine_map<(d0, d1) -> (0, 0)>
#map1 = affine_map<(d0, d1) -> (0, 0, 0)>
module attributes {stable_mosaic.version = 14 : i64} {
  func.func @_sc_aggregate(%arg0: i32, %arg1: i32, %arg2: memref<10112x128xf32, #tpu.memory_space<hbm>>, %arg3: memref<32x80x128xi32, #tpu.memory_space<hbm>>, %arg4: memref<32x80x128xi32, #tpu.memory_space<hbm>>, %arg5: memref<10112x128xf32, #tpu.memory_space<hbm>>, %arg6: memref<2x10112x128xf32, #tpu.memory_space<hbm>>, %arg7: memref<80x128xi32, #tpu.memory_space<vmem>>, %arg8: memref<2x128xi32, #tpu.memory_space<vmem>>, %arg9: memref<2x128x128xf32, #tpu.memory_space<vmem>>, %arg10: memref<!tpu.dma_semaphore, #tpu.memory_space<semaphore_mem>>, %arg11: memref<!tpu.dma_semaphore, #tpu.memory_space<semaphore_mem>>, %arg12: memref<!tpu.dma_semaphore, #tpu.memory_space<semaphore_mem>>, %arg13: memref<!tpu.dma_semaphore, #tpu.memory_space<semaphore_mem>>, %arg14: memref<!tpu.dma_semaphore, #tpu.memory_space<semaphore_mem>>, %arg15: memref<!tpu.dma_semaphore, #tpu.memory_space<semaphore_mem>>, %arg16: memref<10112x128xf32, #tpu.memory_space<vmem_shared>>) attributes {dimension_semantics = [#tpu.dimension_semantics<core_parallel>, #tpu.dimension_semantics<subcore_parallel>], iteration_bounds = array<i64: 2, 16>, scalar_prefetch = 0 : i64, scratch_operands = 10 : i64, tpu.core_type = #tpu.core_type<sc_vector_subcore>, window_params = [{transform_indices = #map}, {transform_indices = #map1}, {transform_indices = #map1}, {transform_indices = #map}, {transform_indices = #map1}]} {
    %mul3A = arith.constant 16 : i32
    %mul3A_0 = arith.muli %arg0, %mul3A : i32
    %add3A = arith.addi %mul3A_0, %arg1 : i32
    %mul3A_1 = arith.constant 632 : i32
    %mul3A_2 = arith.muli %arg1, %mul3A_1 : i32
    "tpu.region"() ({
      %run_scoped3A = tpu.sem_alloc : memref<!tpu.dma_semaphore, #tpu.memory_space<semaphore_mem>>
      %dma_start3A_57 = arith.constant 0 : i32
      %dma_start3A_58 = arith.constant 0 : i32
      %dma_start3A_59 = tpu.memref_slice %arg3[%add3A, %dma_start3A_57, %dma_start3A_58] : memref<32x80x128xi32, #tpu.memory_space<hbm>> -> memref<1x80x128xi32, #tpu.memory_space<hbm>>
      %dma_start3A_60 = tpu.memref_squeeze %dma_start3A_59 : memref<1x80x128xi32, #tpu.memory_space<hbm>> -> memref<80x128xi32, #tpu.memory_space<hbm>>
      %dma_start3A_61 = arith.constant 0 : i32
      %dma_start3A_62 = arith.constant 0 : i32
      %dma_start3A_63 = tpu.memref_slice %arg3[%add3A, %dma_start3A_61, %dma_start3A_62] : memref<32x80x128xi32, #tpu.memory_space<hbm>> -> memref<1x80x128xi32, #tpu.memory_space<hbm>>
      %dma_start3A_64 = tpu.memref_squeeze %dma_start3A_63 : memref<1x80x128xi32, #tpu.memory_space<hbm>> -> memref<80x128xi32, #tpu.memory_space<hbm>>
      tpu.enqueue_dma source(%dma_start3A_64 : memref<80x128xi32, #tpu.memory_space<hbm>>) target(%arg7 : memref<80x128xi32, #tpu.memory_space<vmem>>) target_semaphore(%run_scoped3A : memref<!tpu.dma_semaphore, #tpu.memory_space<semaphore_mem>>)
      %dma_wait3A_65 = arith.constant 0 : i32
      %dma_wait3A_66 = arith.constant 0 : i32
      %dma_wait3A_67 = tpu.memref_slice %arg3[%add3A, %dma_wait3A_65, %dma_wait3A_66] : memref<32x80x128xi32, #tpu.memory_space<hbm>> -> memref<1x80x128xi32, #tpu.memory_space<hbm>>
      %dma_wait3A_68 = tpu.memref_squeeze %dma_wait3A_67 : memref<1x80x128xi32, #tpu.memory_space<hbm>> -> memref<80x128xi32, #tpu.memory_space<hbm>>
      %dma_wait3A_69 = arith.constant 0 : i32
      %dma_wait3A_70 = arith.constant 0 : i32
      %dma_wait3A_71 = tpu.memref_slice %arg3[%add3A, %dma_wait3A_69, %dma_wait3A_70] : memref<32x80x128xi32, #tpu.memory_space<hbm>> -> memref<1x80x128xi32, #tpu.memory_space<hbm>>
      %dma_wait3A_72 = tpu.memref_squeeze %dma_wait3A_71 : memref<1x80x128xi32, #tpu.memory_space<hbm>> -> memref<80x128xi32, #tpu.memory_space<hbm>>
      tpu.wait_dma2 semaphore(%run_scoped3A : memref<!tpu.dma_semaphore, #tpu.memory_space<semaphore_mem>>) src(%dma_wait3A_72 : memref<80x128xi32, #tpu.memory_space<hbm>>) dst(%arg7 : memref<80x128xi32, #tpu.memory_space<vmem>>)
      tpu.yield
    }) : () -> ()
    "tpu.region"() ({
      %run_scoped3A = tpu.sem_alloc : memref<!tpu.dma_semaphore, #tpu.memory_space<semaphore_mem>>
      %dma_start3A_57 = arith.constant 0 : i32
      %dma_start3A_58 = tpu.memref_slice %arg16[%mul3A_2, %dma_start3A_57] : memref<10112x128xf32, #tpu.memory_space<vmem_shared>> -> memref<632x128xf32, #tpu.memory_space<vmem_shared>>
      %dma_start3A_59 = arith.constant 0 : i32
      %dma_start3A_60 = tpu.memref_slice %arg5[%mul3A_2, %dma_start3A_59] : memref<10112x128xf32, #tpu.memory_space<hbm>> -> memref<632x128xf32, #tpu.memory_space<hbm>>
      tpu.enqueue_dma source(%dma_start3A_60 : memref<632x128xf32, #tpu.memory_space<hbm>>) target(%dma_start3A_58 : memref<632x128xf32, #tpu.memory_space<vmem_shared>>) target_semaphore(%run_scoped3A : memref<!tpu.dma_semaphore, #tpu.memory_space<semaphore_mem>>)
      %dma_wait3A_61 = arith.constant 0 : i32
      %dma_wait3A_62 = tpu.memref_slice %arg16[%mul3A_2, %dma_wait3A_61] : memref<10112x128xf32, #tpu.memory_space<vmem_shared>> -> memref<632x128xf32, #tpu.memory_space<vmem_shared>>
      %dma_wait3A_63 = arith.constant 0 : i32
      %dma_wait3A_64 = tpu.memref_slice %arg5[%mul3A_2, %dma_wait3A_63] : memref<10112x128xf32, #tpu.memory_space<hbm>> -> memref<632x128xf32, #tpu.memory_space<hbm>>
      tpu.wait_dma2 semaphore(%run_scoped3A : memref<!tpu.dma_semaphore, #tpu.memory_space<semaphore_mem>>) src(%dma_wait3A_64 : memref<632x128xf32, #tpu.memory_space<hbm>>) dst(%dma_wait3A_62 : memref<632x128xf32, #tpu.memory_space<vmem_shared>>)
      tpu.yield
    }) : () -> ()
    %barrier3A = arith.constant 0 : index
    tpu.barrier barrier_id(%barrier3A)
    %dma_start3A = arith.constant 0 : i32
    %dma_start3A_3 = arith.constant 0 : i32
    %dma_start3A_4 = arith.constant 0 : i32
    %dma_start3A_5 = tpu.memref_slice %arg8[%dma_start3A_3, %dma_start3A_4] : memref<2x128xi32, #tpu.memory_space<vmem>> -> memref<1x128xi32, #tpu.memory_space<vmem>>
    %dma_start3A_6 = tpu.memref_squeeze %dma_start3A_5 : memref<1x128xi32, #tpu.memory_space<vmem>> -> memref<128xi32, #tpu.memory_space<vmem>>
    %dma_start3A_7 = arith.constant 0 : i32
    %dma_start3A_8 = tpu.memref_slice %arg4[%add3A, %dma_start3A, %dma_start3A_7] : memref<32x80x128xi32, #tpu.memory_space<hbm>> -> memref<1x1x128xi32, #tpu.memory_space<hbm>>
    %dma_start3A_9 = tpu.memref_squeeze %dma_start3A_8 : memref<1x1x128xi32, #tpu.memory_space<hbm>> -> memref<128xi32, #tpu.memory_space<hbm>>
    %dma_start3A_10 = arith.constant 0 : i32
    %dma_start3A_11 = tpu.memref_slice %arg8[%dma_start3A_3, %dma_start3A_10] : memref<2x128xi32, #tpu.memory_space<vmem>> -> memref<1x128xi32, #tpu.memory_space<vmem>>
    %dma_start3A_12 = tpu.memref_squeeze %dma_start3A_11 : memref<1x128xi32, #tpu.memory_space<vmem>> -> memref<128xi32, #tpu.memory_space<vmem>>
    %dma_start3A_13 = arith.constant 0 : i32
    %dma_start3A_14 = tpu.memref_slice %arg4[%add3A, %dma_start3A, %dma_start3A_13] : memref<32x80x128xi32, #tpu.memory_space<hbm>> -> memref<1x1x128xi32, #tpu.memory_space<hbm>>
    %dma_start3A_15 = tpu.memref_squeeze %dma_start3A_14 : memref<1x1x128xi32, #tpu.memory_space<hbm>> -> memref<128xi32, #tpu.memory_space<hbm>>
    tpu.enqueue_dma source(%dma_start3A_15 : memref<128xi32, #tpu.memory_space<hbm>>) target(%dma_start3A_12 : memref<128xi32, #tpu.memory_space<vmem>>) target_semaphore(%arg14 : memref<!tpu.dma_semaphore, #tpu.memory_space<semaphore_mem>>)
    %dma_start3A_16 = arith.constant 0 : i32
    %dma_start3A_17 = arith.constant 0 : i32
    %dma_start3A_18 = arith.constant 0 : i32
    %dma_start3A_19 = arith.constant 0 : i32
    %dma_start3A_20 = tpu.memref_slice %arg9[%dma_start3A_17, %dma_start3A_18, %dma_start3A_19] : memref<2x128x128xf32, #tpu.memory_space<vmem>> -> memref<1x128x128xf32, #tpu.memory_space<vmem>>
    %dma_start3A_21 = tpu.memref_squeeze %dma_start3A_20 : memref<1x128x128xf32, #tpu.memory_space<vmem>> -> memref<128x128xf32, #tpu.memory_space<vmem>>
    %dma_start3A_22 = arith.constant 0 : i32
    %dma_start3A_23 = tpu.memref_slice %arg7[%dma_start3A_16, %dma_start3A_22] : memref<80x128xi32, #tpu.memory_space<vmem>> -> memref<1x128xi32, #tpu.memory_space<vmem>>
    %dma_start3A_24 = tpu.memref_squeeze %dma_start3A_23 : memref<1x128xi32, #tpu.memory_space<vmem>> -> memref<128xi32, #tpu.memory_space<vmem>>
    %dma_start3A_25 = arith.constant 0 : i32
    %dma_start3A_26 = arith.constant 0 : i32
    %dma_start3A_27 = tpu.memref_slice %arg2[%dma_start3A_25, %dma_start3A_26] : memref<10112x128xf32, #tpu.memory_space<hbm>> -> memref<10112x128xf32, #tpu.memory_space<hbm>>
    tpu.enqueue_indirect_dma source(%dma_start3A_27 : memref<10112x128xf32, #tpu.memory_space<hbm>>) target(%dma_start3A_21 : memref<128x128xf32, #tpu.memory_space<vmem>>) offsets(%dma_start3A_24 : memref<128xi32, #tpu.memory_space<vmem>>) semaphore(%arg10 : memref<!tpu.dma_semaphore, #tpu.memory_space<semaphore_mem>>)
    %scan3A = arith.constant 0 : i32
    %scan3A_28 = arith.constant 0 : i32
    %scan3A_29 = arith.constant 40 : i32
    %scan3A_30 = arith.addi %scan3A_28, %scan3A_29 : i32
    %scan3A_31 = arith.constant 1 : i32
    scf.for %scan3A_57 = %scan3A_28 to %scan3A_30 step %scan3A_31  : i32 {
      %mul3A_58 = arith.constant 2 : i32
      %mul3A_59 = arith.muli %mul3A_58, %scan3A_57 : i32
      %ge3A = arith.constant 1 : i32
      %ge3A_60 = arith.cmpi sge, %scan3A_57, %ge3A : i32
      %convert_element_type3A = arith.extui %ge3A_60 : i1 to i32
      %cond3A = arith.constant 0 : i32
      %cond3A_61 = arith.cmpi ne, %convert_element_type3A, %cond3A : i32
      scf.if %cond3A_61 {
        %dma_wait3A_170 = arith.constant 1 : i32
        %dma_wait3A_171 = arith.constant 1 : i32
        %dma_wait3A_172 = arith.constant 0 : i32
        %dma_wait3A_173 = arith.constant 0 : i32
        %dma_wait3A_174 = tpu.memref_slice %arg9[%dma_wait3A_170, %dma_wait3A_172, %dma_wait3A_173] : memref<2x128x128xf32, #tpu.memory_space<vmem>> -> memref<1x128x128xf32, #tpu.memory_space<vmem>>
        %dma_wait3A_175 = tpu.memref_squeeze %dma_wait3A_174 : memref<1x128x128xf32, #tpu.memory_space<vmem>> -> memref<128x128xf32, #tpu.memory_space<vmem>>
        %dma_wait3A_176 = arith.constant 0 : i32
        %dma_wait3A_177 = tpu.memref_slice %arg8[%dma_wait3A_171, %dma_wait3A_176] : memref<2x128xi32, #tpu.memory_space<vmem>> -> memref<1x128xi32, #tpu.memory_space<vmem>>
        %dma_wait3A_178 = tpu.memref_squeeze %dma_wait3A_177 : memref<1x128xi32, #tpu.memory_space<vmem>> -> memref<128xi32, #tpu.memory_space<vmem>>
        %dma_wait3A_179 = arith.constant 0 : i32
        %dma_wait3A_180 = arith.constant 0 : i32
        %dma_wait3A_181 = tpu.memref_slice %arg16[%dma_wait3A_179, %dma_wait3A_180] : memref<10112x128xf32, #tpu.memory_space<vmem_shared>> -> memref<10112x128xf32, #tpu.memory_space<vmem_shared>>
        tpu.wait_indirect_dma semaphore(%arg13 : memref<!tpu.dma_semaphore, #tpu.memory_space<semaphore_mem>>) src(%dma_wait3A_175 : memref<128x128xf32, #tpu.memory_space<vmem>>) dst(%dma_wait3A_181 : memref<10112x128xf32, #tpu.memory_space<vmem_shared>>)
      } else {
      }
      %add3A_62 = arith.constant 1 : i32
      %add3A_63 = arith.addi %mul3A_59, %add3A_62 : i32
      %dma_start3A_64 = arith.constant 1 : i32
      %dma_start3A_65 = arith.constant 0 : i32
      %dma_start3A_66 = tpu.memref_slice %arg8[%dma_start3A_64, %dma_start3A_65] : memref<2x128xi32, #tpu.memory_space<vmem>> -> memref<1x128xi32, #tpu.memory_space<vmem>>
      %dma_start3A_67 = tpu.memref_squeeze %dma_start3A_66 : memref<1x128xi32, #tpu.memory_space<vmem>> -> memref<128xi32, #tpu.memory_space<vmem>>
      %dma_start3A_68 = arith.constant 0 : i32
      %dma_start3A_69 = tpu.memref_slice %arg4[%add3A, %add3A_63, %dma_start3A_68] : memref<32x80x128xi32, #tpu.memory_space<hbm>> -> memref<1x1x128xi32, #tpu.memory_space<hbm>>
      %dma_start3A_70 = tpu.memref_squeeze %dma_start3A_69 : memref<1x1x128xi32, #tpu.memory_space<hbm>> -> memref<128xi32, #tpu.memory_space<hbm>>
      %dma_start3A_71 = arith.constant 0 : i32
      %dma_start3A_72 = tpu.memref_slice %arg8[%dma_start3A_64, %dma_start3A_71] : memref<2x128xi32, #tpu.memory_space<vmem>> -> memref<1x128xi32, #tpu.memory_space<vmem>>
      %dma_start3A_73 = tpu.memref_squeeze %dma_start3A_72 : memref<1x128xi32, #tpu.memory_space<vmem>> -> memref<128xi32, #tpu.memory_space<vmem>>
      %dma_start3A_74 = arith.constant 0 : i32
      %dma_start3A_75 = tpu.memref_slice %arg4[%add3A, %add3A_63, %dma_start3A_74] : memref<32x80x128xi32, #tpu.memory_space<hbm>> -> memref<1x1x128xi32, #tpu.memory_space<hbm>>
      %dma_start3A_76 = tpu.memref_squeeze %dma_start3A_75 : memref<1x1x128xi32, #tpu.memory_space<hbm>> -> memref<128xi32, #tpu.memory_space<hbm>>
      tpu.enqueue_dma source(%dma_start3A_76 : memref<128xi32, #tpu.memory_space<hbm>>) target(%dma_start3A_73 : memref<128xi32, #tpu.memory_space<vmem>>) target_semaphore(%arg15 : memref<!tpu.dma_semaphore, #tpu.memory_space<semaphore_mem>>)
      %dma_start3A_77 = arith.constant 1 : i32
      %dma_start3A_78 = arith.constant 0 : i32
      %dma_start3A_79 = arith.constant 0 : i32
      %dma_start3A_80 = tpu.memref_slice %arg9[%dma_start3A_77, %dma_start3A_78, %dma_start3A_79] : memref<2x128x128xf32, #tpu.memory_space<vmem>> -> memref<1x128x128xf32, #tpu.memory_space<vmem>>
      %dma_start3A_81 = tpu.memref_squeeze %dma_start3A_80 : memref<1x128x128xf32, #tpu.memory_space<vmem>> -> memref<128x128xf32, #tpu.memory_space<vmem>>
      %dma_start3A_82 = arith.constant 0 : i32
      %dma_start3A_83 = tpu.memref_slice %arg7[%add3A_63, %dma_start3A_82] : memref<80x128xi32, #tpu.memory_space<vmem>> -> memref<1x128xi32, #tpu.memory_space<vmem>>
      %dma_start3A_84 = tpu.memref_squeeze %dma_start3A_83 : memref<1x128xi32, #tpu.memory_space<vmem>> -> memref<128xi32, #tpu.memory_space<vmem>>
      %dma_start3A_85 = arith.constant 0 : i32
      %dma_start3A_86 = arith.constant 0 : i32
      %dma_start3A_87 = tpu.memref_slice %arg2[%dma_start3A_85, %dma_start3A_86] : memref<10112x128xf32, #tpu.memory_space<hbm>> -> memref<10112x128xf32, #tpu.memory_space<hbm>>
      tpu.enqueue_indirect_dma source(%dma_start3A_87 : memref<10112x128xf32, #tpu.memory_space<hbm>>) target(%dma_start3A_81 : memref<128x128xf32, #tpu.memory_space<vmem>>) offsets(%dma_start3A_84 : memref<128xi32, #tpu.memory_space<vmem>>) semaphore(%arg11 : memref<!tpu.dma_semaphore, #tpu.memory_space<semaphore_mem>>)
      %dma_wait3A_88 = arith.constant 0 : i32
      %dma_wait3A_89 = arith.constant 0 : i32
      %dma_wait3A_90 = arith.constant 0 : i32
      %dma_wait3A_91 = arith.constant 0 : i32
      %dma_wait3A_92 = tpu.memref_slice %arg9[%dma_wait3A_89, %dma_wait3A_90, %dma_wait3A_91] : memref<2x128x128xf32, #tpu.memory_space<vmem>> -> memref<1x128x128xf32, #tpu.memory_space<vmem>>
      %dma_wait3A_93 = tpu.memref_squeeze %dma_wait3A_92 : memref<1x128x128xf32, #tpu.memory_space<vmem>> -> memref<128x128xf32, #tpu.memory_space<vmem>>
      %dma_wait3A_94 = arith.constant 0 : i32
      %dma_wait3A_95 = tpu.memref_slice %arg7[%dma_wait3A_88, %dma_wait3A_94] : memref<80x128xi32, #tpu.memory_space<vmem>> -> memref<1x128xi32, #tpu.memory_space<vmem>>
      %dma_wait3A_96 = tpu.memref_squeeze %dma_wait3A_95 : memref<1x128xi32, #tpu.memory_space<vmem>> -> memref<128xi32, #tpu.memory_space<vmem>>
      %dma_wait3A_97 = arith.constant 0 : i32
      %dma_wait3A_98 = arith.constant 0 : i32
      %dma_wait3A_99 = tpu.memref_slice %arg2[%dma_wait3A_97, %dma_wait3A_98] : memref<10112x128xf32, #tpu.memory_space<hbm>> -> memref<10112x128xf32, #tpu.memory_space<hbm>>
      tpu.wait_indirect_dma semaphore(%arg10 : memref<!tpu.dma_semaphore, #tpu.memory_space<semaphore_mem>>) src(%dma_wait3A_99 : memref<10112x128xf32, #tpu.memory_space<hbm>>) dst(%dma_wait3A_93 : memref<128x128xf32, #tpu.memory_space<vmem>>)
      %dma_wait3A_100 = arith.constant 0 : i32
      %dma_wait3A_101 = arith.constant 0 : i32
      %dma_wait3A_102 = arith.constant 0 : i32
      %dma_wait3A_103 = tpu.memref_slice %arg8[%dma_wait3A_101, %dma_wait3A_102] : memref<2x128xi32, #tpu.memory_space<vmem>> -> memref<1x128xi32, #tpu.memory_space<vmem>>
      %dma_wait3A_104 = tpu.memref_squeeze %dma_wait3A_103 : memref<1x128xi32, #tpu.memory_space<vmem>> -> memref<128xi32, #tpu.memory_space<vmem>>
      %dma_wait3A_105 = arith.constant 0 : i32
      %dma_wait3A_106 = tpu.memref_slice %arg4[%add3A, %dma_wait3A_100, %dma_wait3A_105] : memref<32x80x128xi32, #tpu.memory_space<hbm>> -> memref<1x1x128xi32, #tpu.memory_space<hbm>>
      %dma_wait3A_107 = tpu.memref_squeeze %dma_wait3A_106 : memref<1x1x128xi32, #tpu.memory_space<hbm>> -> memref<128xi32, #tpu.memory_space<hbm>>
      %dma_wait3A_108 = arith.constant 0 : i32
      %dma_wait3A_109 = tpu.memref_slice %arg8[%dma_wait3A_101, %dma_wait3A_108] : memref<2x128xi32, #tpu.memory_space<vmem>> -> memref<1x128xi32, #tpu.memory_space<vmem>>
      %dma_wait3A_110 = tpu.memref_squeeze %dma_wait3A_109 : memref<1x128xi32, #tpu.memory_space<vmem>> -> memref<128xi32, #tpu.memory_space<vmem>>
      %dma_wait3A_111 = arith.constant 0 : i32
      %dma_wait3A_112 = tpu.memref_slice %arg4[%add3A, %dma_wait3A_100, %dma_wait3A_111] : memref<32x80x128xi32, #tpu.memory_space<hbm>> -> memref<1x1x128xi32, #tpu.memory_space<hbm>>
      %dma_wait3A_113 = tpu.memref_squeeze %dma_wait3A_112 : memref<1x1x128xi32, #tpu.memory_space<hbm>> -> memref<128xi32, #tpu.memory_space<hbm>>
      tpu.wait_dma2 semaphore(%arg14 : memref<!tpu.dma_semaphore, #tpu.memory_space<semaphore_mem>>) src(%dma_wait3A_113 : memref<128xi32, #tpu.memory_space<hbm>>) dst(%dma_wait3A_110 : memref<128xi32, #tpu.memory_space<vmem>>)
      %dma_start3A_114 = arith.constant 0 : i32
      %dma_start3A_115 = arith.constant 0 : i32
      %dma_start3A_116 = arith.constant 0 : i32
      %dma_start3A_117 = arith.constant 0 : i32
      %dma_start3A_118 = tpu.memref_slice %arg9[%dma_start3A_114, %dma_start3A_116, %dma_start3A_117] : memref<2x128x128xf32, #tpu.memory_space<vmem>> -> memref<1x128x128xf32, #tpu.memory_space<vmem>>
      %dma_start3A_119 = tpu.memref_squeeze %dma_start3A_118 : memref<1x128x128xf32, #tpu.memory_space<vmem>> -> memref<128x128xf32, #tpu.memory_space<vmem>>
      %dma_start3A_120 = arith.constant 0 : i32
      %dma_start3A_121 = tpu.memref_slice %arg8[%dma_start3A_115, %dma_start3A_120] : memref<2x128xi32, #tpu.memory_space<vmem>> -> memref<1x128xi32, #tpu.memory_space<vmem>>
      %dma_start3A_122 = tpu.memref_squeeze %dma_start3A_121 : memref<1x128xi32, #tpu.memory_space<vmem>> -> memref<128xi32, #tpu.memory_space<vmem>>
      %dma_start3A_123 = arith.constant 0 : i32
      %dma_start3A_124 = arith.constant 0 : i32
      %dma_start3A_125 = tpu.memref_slice %arg16[%dma_start3A_123, %dma_start3A_124] : memref<10112x128xf32, #tpu.memory_space<vmem_shared>> -> memref<10112x128xf32, #tpu.memory_space<vmem_shared>>
      tpu.enqueue_indirect_dma source(%dma_start3A_119 : memref<128x128xf32, #tpu.memory_space<vmem>>) target(%dma_start3A_125 : memref<10112x128xf32, #tpu.memory_space<vmem_shared>>) offsets(%dma_start3A_122 : memref<128xi32, #tpu.memory_space<vmem>>) semaphore(%arg12 : memref<!tpu.dma_semaphore, #tpu.memory_space<semaphore_mem>>) {add = true}
      %add3A_126 = arith.constant 1 : i32
      %add3A_127 = arith.addi %scan3A_57, %add3A_126 : i32
      %lt3A = arith.constant 40 : i32
      %lt3A_128 = arith.cmpi slt, %add3A_127, %lt3A : i32
      %convert_element_type3A_129 = arith.extui %lt3A_128 : i1 to i32
      %cond3A_130 = arith.constant 0 : i32
      %cond3A_131 = arith.cmpi ne, %convert_element_type3A_129, %cond3A_130 : i32
      scf.if %cond3A_131 {
        %dma_wait3A_170 = arith.constant 0 : i32
        %dma_wait3A_171 = arith.constant 0 : i32
        %dma_wait3A_172 = arith.constant 0 : i32
        %dma_wait3A_173 = arith.constant 0 : i32
        %dma_wait3A_174 = tpu.memref_slice %arg9[%dma_wait3A_170, %dma_wait3A_172, %dma_wait3A_173] : memref<2x128x128xf32, #tpu.memory_space<vmem>> -> memref<1x128x128xf32, #tpu.memory_space<vmem>>
        %dma_wait3A_175 = tpu.memref_squeeze %dma_wait3A_174 : memref<1x128x128xf32, #tpu.memory_space<vmem>> -> memref<128x128xf32, #tpu.memory_space<vmem>>
        %dma_wait3A_176 = arith.constant 0 : i32
        %dma_wait3A_177 = tpu.memref_slice %arg8[%dma_wait3A_171, %dma_wait3A_176] : memref<2x128xi32, #tpu.memory_space<vmem>> -> memref<1x128xi32, #tpu.memory_space<vmem>>
        %dma_wait3A_178 = tpu.memref_squeeze %dma_wait3A_177 : memref<1x128xi32, #tpu.memory_space<vmem>> -> memref<128xi32, #tpu.memory_space<vmem>>
        %dma_wait3A_179 = arith.constant 0 : i32
        %dma_wait3A_180 = arith.constant 0 : i32
        %dma_wait3A_181 = tpu.memref_slice %arg16[%dma_wait3A_179, %dma_wait3A_180] : memref<10112x128xf32, #tpu.memory_space<vmem_shared>> -> memref<10112x128xf32, #tpu.memory_space<vmem_shared>>
        tpu.wait_indirect_dma semaphore(%arg12 : memref<!tpu.dma_semaphore, #tpu.memory_space<semaphore_mem>>) src(%dma_wait3A_175 : memref<128x128xf32, #tpu.memory_space<vmem>>) dst(%dma_wait3A_181 : memref<10112x128xf32, #tpu.memory_space<vmem_shared>>)
        %add3A_182 = arith.constant 2 : i32
        %add3A_183 = arith.addi %mul3A_59, %add3A_182 : i32
        %dma_start3A_184 = arith.constant 0 : i32
        %dma_start3A_185 = arith.constant 0 : i32
        %dma_start3A_186 = tpu.memref_slice %arg8[%dma_start3A_184, %dma_start3A_185] : memref<2x128xi32, #tpu.memory_space<vmem>> -> memref<1x128xi32, #tpu.memory_space<vmem>>
        %dma_start3A_187 = tpu.memref_squeeze %dma_start3A_186 : memref<1x128xi32, #tpu.memory_space<vmem>> -> memref<128xi32, #tpu.memory_space<vmem>>
        %dma_start3A_188 = arith.constant 0 : i32
        %dma_start3A_189 = tpu.memref_slice %arg4[%add3A, %add3A_183, %dma_start3A_188] : memref<32x80x128xi32, #tpu.memory_space<hbm>> -> memref<1x1x128xi32, #tpu.memory_space<hbm>>
        %dma_start3A_190 = tpu.memref_squeeze %dma_start3A_189 : memref<1x1x128xi32, #tpu.memory_space<hbm>> -> memref<128xi32, #tpu.memory_space<hbm>>
        %dma_start3A_191 = arith.constant 0 : i32
        %dma_start3A_192 = tpu.memref_slice %arg8[%dma_start3A_184, %dma_start3A_191] : memref<2x128xi32, #tpu.memory_space<vmem>> -> memref<1x128xi32, #tpu.memory_space<vmem>>
        %dma_start3A_193 = tpu.memref_squeeze %dma_start3A_192 : memref<1x128xi32, #tpu.memory_space<vmem>> -> memref<128xi32, #tpu.memory_space<vmem>>
        %dma_start3A_194 = arith.constant 0 : i32
        %dma_start3A_195 = tpu.memref_slice %arg4[%add3A, %add3A_183, %dma_start3A_194] : memref<32x80x128xi32, #tpu.memory_space<hbm>> -> memref<1x1x128xi32, #tpu.memory_space<hbm>>
        %dma_start3A_196 = tpu.memref_squeeze %dma_start3A_195 : memref<1x1x128xi32, #tpu.memory_space<hbm>> -> memref<128xi32, #tpu.memory_space<hbm>>
        tpu.enqueue_dma source(%dma_start3A_196 : memref<128xi32, #tpu.memory_space<hbm>>) target(%dma_start3A_193 : memref<128xi32, #tpu.memory_space<vmem>>) target_semaphore(%arg14 : memref<!tpu.dma_semaphore, #tpu.memory_space<semaphore_mem>>)
        %dma_start3A_197 = arith.constant 0 : i32
        %dma_start3A_198 = arith.constant 0 : i32
        %dma_start3A_199 = arith.constant 0 : i32
        %dma_start3A_200 = tpu.memref_slice %arg9[%dma_start3A_197, %dma_start3A_198, %dma_start3A_199] : memref<2x128x128xf32, #tpu.memory_space<vmem>> -> memref<1x128x128xf32, #tpu.memory_space<vmem>>
        %dma_start3A_201 = tpu.memref_squeeze %dma_start3A_200 : memref<1x128x128xf32, #tpu.memory_space<vmem>> -> memref<128x128xf32, #tpu.memory_space<vmem>>
        %dma_start3A_202 = arith.constant 0 : i32
        %dma_start3A_203 = tpu.memref_slice %arg7[%add3A_183, %dma_start3A_202] : memref<80x128xi32, #tpu.memory_space<vmem>> -> memref<1x128xi32, #tpu.memory_space<vmem>>
        %dma_start3A_204 = tpu.memref_squeeze %dma_start3A_203 : memref<1x128xi32, #tpu.memory_space<vmem>> -> memref<128xi32, #tpu.memory_space<vmem>>
        %dma_start3A_205 = arith.constant 0 : i32
        %dma_start3A_206 = arith.constant 0 : i32
        %dma_start3A_207 = tpu.memref_slice %arg2[%dma_start3A_205, %dma_start3A_206] : memref<10112x128xf32, #tpu.memory_space<hbm>> -> memref<10112x128xf32, #tpu.memory_space<hbm>>
        tpu.enqueue_indirect_dma source(%dma_start3A_207 : memref<10112x128xf32, #tpu.memory_space<hbm>>) target(%dma_start3A_201 : memref<128x128xf32, #tpu.memory_space<vmem>>) offsets(%dma_start3A_204 : memref<128xi32, #tpu.memory_space<vmem>>) semaphore(%arg10 : memref<!tpu.dma_semaphore, #tpu.memory_space<semaphore_mem>>)
      } else {
      }
      %dma_wait3A_132 = arith.constant 0 : i32
      %dma_wait3A_133 = arith.constant 1 : i32
      %dma_wait3A_134 = arith.constant 0 : i32
      %dma_wait3A_135 = arith.constant 0 : i32
      %dma_wait3A_136 = tpu.memref_slice %arg9[%dma_wait3A_133, %dma_wait3A_134, %dma_wait3A_135] : memref<2x128x128xf32, #tpu.memory_space<vmem>> -> memref<1x128x128xf32, #tpu.memory_space<vmem>>
      %dma_wait3A_137 = tpu.memref_squeeze %dma_wait3A_136 : memref<1x128x128xf32, #tpu.memory_space<vmem>> -> memref<128x128xf32, #tpu.memory_space<vmem>>
      %dma_wait3A_138 = arith.constant 0 : i32
      %dma_wait3A_139 = tpu.memref_slice %arg7[%dma_wait3A_132, %dma_wait3A_138] : memref<80x128xi32, #tpu.memory_space<vmem>> -> memref<1x128xi32, #tpu.memory_space<vmem>>
      %dma_wait3A_140 = tpu.memref_squeeze %dma_wait3A_139 : memref<1x128xi32, #tpu.memory_space<vmem>> -> memref<128xi32, #tpu.memory_space<vmem>>
      %dma_wait3A_141 = arith.constant 0 : i32
      %dma_wait3A_142 = arith.constant 0 : i32
      %dma_wait3A_143 = tpu.memref_slice %arg2[%dma_wait3A_141, %dma_wait3A_142] : memref<10112x128xf32, #tpu.memory_space<hbm>> -> memref<10112x128xf32, #tpu.memory_space<hbm>>
      tpu.wait_indirect_dma semaphore(%arg11 : memref<!tpu.dma_semaphore, #tpu.memory_space<semaphore_mem>>) src(%dma_wait3A_143 : memref<10112x128xf32, #tpu.memory_space<hbm>>) dst(%dma_wait3A_137 : memref<128x128xf32, #tpu.memory_space<vmem>>)
      %dma_wait3A_144 = arith.constant 0 : i32
      %dma_wait3A_145 = arith.constant 1 : i32
      %dma_wait3A_146 = arith.constant 0 : i32
      %dma_wait3A_147 = tpu.memref_slice %arg8[%dma_wait3A_145, %dma_wait3A_146] : memref<2x128xi32, #tpu.memory_space<vmem>> -> memref<1x128xi32, #tpu.memory_space<vmem>>
      %dma_wait3A_148 = tpu.memref_squeeze %dma_wait3A_147 : memref<1x128xi32, #tpu.memory_space<vmem>> -> memref<128xi32, #tpu.memory_space<vmem>>
      %dma_wait3A_149 = arith.constant 0 : i32
      %dma_wait3A_150 = tpu.memref_slice %arg4[%add3A, %dma_wait3A_144, %dma_wait3A_149] : memref<32x80x128xi32, #tpu.memory_space<hbm>> -> memref<1x1x128xi32, #tpu.memory_space<hbm>>
      %dma_wait3A_151 = tpu.memref_squeeze %dma_wait3A_150 : memref<1x1x128xi32, #tpu.memory_space<hbm>> -> memref<128xi32, #tpu.memory_space<hbm>>
      %dma_wait3A_152 = arith.constant 0 : i32
      %dma_wait3A_153 = tpu.memref_slice %arg8[%dma_wait3A_145, %dma_wait3A_152] : memref<2x128xi32, #tpu.memory_space<vmem>> -> memref<1x128xi32, #tpu.memory_space<vmem>>
      %dma_wait3A_154 = tpu.memref_squeeze %dma_wait3A_153 : memref<1x128xi32, #tpu.memory_space<vmem>> -> memref<128xi32, #tpu.memory_space<vmem>>
      %dma_wait3A_155 = arith.constant 0 : i32
      %dma_wait3A_156 = tpu.memref_slice %arg4[%add3A, %dma_wait3A_144, %dma_wait3A_155] : memref<32x80x128xi32, #tpu.memory_space<hbm>> -> memref<1x1x128xi32, #tpu.memory_space<hbm>>
      %dma_wait3A_157 = tpu.memref_squeeze %dma_wait3A_156 : memref<1x1x128xi32, #tpu.memory_space<hbm>> -> memref<128xi32, #tpu.memory_space<hbm>>
      tpu.wait_dma2 semaphore(%arg15 : memref<!tpu.dma_semaphore, #tpu.memory_space<semaphore_mem>>) src(%dma_wait3A_157 : memref<128xi32, #tpu.memory_space<hbm>>) dst(%dma_wait3A_154 : memref<128xi32, #tpu.memory_space<vmem>>)
      %dma_start3A_158 = arith.constant 1 : i32
      %dma_start3A_159 = arith.constant 1 : i32
      %dma_start3A_160 = arith.constant 0 : i32
      %dma_start3A_161 = arith.constant 0 : i32
      %dma_start3A_162 = tpu.memref_slice %arg9[%dma_start3A_158, %dma_start3A_160, %dma_start3A_161] : memref<2x128x128xf32, #tpu.memory_space<vmem>> -> memref<1x128x128xf32, #tpu.memory_space<vmem>>
      %dma_start3A_163 = tpu.memref_squeeze %dma_start3A_162 : memref<1x128x128xf32, #tpu.memory_space<vmem>> -> memref<128x128xf32, #tpu.memory_space<vmem>>
      %dma_start3A_164 = arith.constant 0 : i32
      %dma_start3A_165 = tpu.memref_slice %arg8[%dma_start3A_159, %dma_start3A_164] : memref<2x128xi32, #tpu.memory_space<vmem>> -> memref<1x128xi32, #tpu.memory_space<vmem>>
      %dma_start3A_166 = tpu.memref_squeeze %dma_start3A_165 : memref<1x128xi32, #tpu.memory_space<vmem>> -> memref<128xi32, #tpu.memory_space<vmem>>
      %dma_start3A_167 = arith.constant 0 : i32
      %dma_start3A_168 = arith.constant 0 : i32
      %dma_start3A_169 = tpu.memref_slice %arg16[%dma_start3A_167, %dma_start3A_168] : memref<10112x128xf32, #tpu.memory_space<vmem_shared>> -> memref<10112x128xf32, #tpu.memory_space<vmem_shared>>
      tpu.enqueue_indirect_dma source(%dma_start3A_163 : memref<128x128xf32, #tpu.memory_space<vmem>>) target(%dma_start3A_169 : memref<10112x128xf32, #tpu.memory_space<vmem_shared>>) offsets(%dma_start3A_166 : memref<128xi32, #tpu.memory_space<vmem>>) semaphore(%arg13 : memref<!tpu.dma_semaphore, #tpu.memory_space<semaphore_mem>>) {add = true}
    }
    %scan3A_32 = arith.constant 40 : i32
    %dma_wait3A = arith.constant 0 : i32
    %dma_wait3A_33 = arith.constant 0 : i32
    %dma_wait3A_34 = arith.constant 0 : i32
    %dma_wait3A_35 = arith.constant 0 : i32
    %dma_wait3A_36 = tpu.memref_slice %arg9[%dma_wait3A, %dma_wait3A_34, %dma_wait3A_35] : memref<2x128x128xf32, #tpu.memory_space<vmem>> -> memref<1x128x128xf32, #tpu.memory_space<vmem>>
    %dma_wait3A_37 = tpu.memref_squeeze %dma_wait3A_36 : memref<1x128x128xf32, #tpu.memory_space<vmem>> -> memref<128x128xf32, #tpu.memory_space<vmem>>
    %dma_wait3A_38 = arith.constant 0 : i32
    %dma_wait3A_39 = tpu.memref_slice %arg8[%dma_wait3A_33, %dma_wait3A_38] : memref<2x128xi32, #tpu.memory_space<vmem>> -> memref<1x128xi32, #tpu.memory_space<vmem>>
    %dma_wait3A_40 = tpu.memref_squeeze %dma_wait3A_39 : memref<1x128xi32, #tpu.memory_space<vmem>> -> memref<128xi32, #tpu.memory_space<vmem>>
    %dma_wait3A_41 = arith.constant 0 : i32
    %dma_wait3A_42 = arith.constant 0 : i32
    %dma_wait3A_43 = tpu.memref_slice %arg16[%dma_wait3A_41, %dma_wait3A_42] : memref<10112x128xf32, #tpu.memory_space<vmem_shared>> -> memref<10112x128xf32, #tpu.memory_space<vmem_shared>>
    tpu.wait_indirect_dma semaphore(%arg12 : memref<!tpu.dma_semaphore, #tpu.memory_space<semaphore_mem>>) src(%dma_wait3A_37 : memref<128x128xf32, #tpu.memory_space<vmem>>) dst(%dma_wait3A_43 : memref<10112x128xf32, #tpu.memory_space<vmem_shared>>)
    %dma_wait3A_44 = arith.constant 1 : i32
    %dma_wait3A_45 = arith.constant 1 : i32
    %dma_wait3A_46 = arith.constant 0 : i32
    %dma_wait3A_47 = arith.constant 0 : i32
    %dma_wait3A_48 = tpu.memref_slice %arg9[%dma_wait3A_44, %dma_wait3A_46, %dma_wait3A_47] : memref<2x128x128xf32, #tpu.memory_space<vmem>> -> memref<1x128x128xf32, #tpu.memory_space<vmem>>
    %dma_wait3A_49 = tpu.memref_squeeze %dma_wait3A_48 : memref<1x128x128xf32, #tpu.memory_space<vmem>> -> memref<128x128xf32, #tpu.memory_space<vmem>>
    %dma_wait3A_50 = arith.constant 0 : i32
    %dma_wait3A_51 = tpu.memref_slice %arg8[%dma_wait3A_45, %dma_wait3A_50] : memref<2x128xi32, #tpu.memory_space<vmem>> -> memref<1x128xi32, #tpu.memory_space<vmem>>
    %dma_wait3A_52 = tpu.memref_squeeze %dma_wait3A_51 : memref<1x128xi32, #tpu.memory_space<vmem>> -> memref<128xi32, #tpu.memory_space<vmem>>
    %dma_wait3A_53 = arith.constant 0 : i32
    %dma_wait3A_54 = arith.constant 0 : i32
    %dma_wait3A_55 = tpu.memref_slice %arg16[%dma_wait3A_53, %dma_wait3A_54] : memref<10112x128xf32, #tpu.memory_space<vmem_shared>> -> memref<10112x128xf32, #tpu.memory_space<vmem_shared>>
    tpu.wait_indirect_dma semaphore(%arg13 : memref<!tpu.dma_semaphore, #tpu.memory_space<semaphore_mem>>) src(%dma_wait3A_49 : memref<128x128xf32, #tpu.memory_space<vmem>>) dst(%dma_wait3A_55 : memref<10112x128xf32, #tpu.memory_space<vmem_shared>>)
    %barrier3A_56 = arith.constant 0 : index
    tpu.barrier barrier_id(%barrier3A_56)
    "tpu.region"() ({
      %run_scoped3A = tpu.sem_alloc : memref<!tpu.dma_semaphore, #tpu.memory_space<semaphore_mem>>
      %dma_start3A_57 = arith.constant 0 : i32
      %dma_start3A_58 = tpu.memref_slice %arg6[%arg0, %mul3A_2, %dma_start3A_57] : memref<2x10112x128xf32, #tpu.memory_space<hbm>> -> memref<1x632x128xf32, #tpu.memory_space<hbm>>
      %dma_start3A_59 = tpu.memref_squeeze %dma_start3A_58 : memref<1x632x128xf32, #tpu.memory_space<hbm>> -> memref<632x128xf32, #tpu.memory_space<hbm>>
      %dma_start3A_60 = arith.constant 0 : i32
      %dma_start3A_61 = tpu.memref_slice %arg16[%mul3A_2, %dma_start3A_60] : memref<10112x128xf32, #tpu.memory_space<vmem_shared>> -> memref<632x128xf32, #tpu.memory_space<vmem_shared>>
      tpu.enqueue_dma source(%dma_start3A_61 : memref<632x128xf32, #tpu.memory_space<vmem_shared>>) target(%dma_start3A_59 : memref<632x128xf32, #tpu.memory_space<hbm>>) target_semaphore(%run_scoped3A : memref<!tpu.dma_semaphore, #tpu.memory_space<semaphore_mem>>)
      %dma_wait3A_62 = arith.constant 0 : i32
      %dma_wait3A_63 = tpu.memref_slice %arg6[%arg0, %mul3A_2, %dma_wait3A_62] : memref<2x10112x128xf32, #tpu.memory_space<hbm>> -> memref<1x632x128xf32, #tpu.memory_space<hbm>>
      %dma_wait3A_64 = tpu.memref_squeeze %dma_wait3A_63 : memref<1x632x128xf32, #tpu.memory_space<hbm>> -> memref<632x128xf32, #tpu.memory_space<hbm>>
      %dma_wait3A_65 = arith.constant 0 : i32
      %dma_wait3A_66 = tpu.memref_slice %arg16[%mul3A_2, %dma_wait3A_65] : memref<10112x128xf32, #tpu.memory_space<vmem_shared>> -> memref<632x128xf32, #tpu.memory_space<vmem_shared>>
      tpu.wait_dma2 semaphore(%run_scoped3A : memref<!tpu.dma_semaphore, #tpu.memory_space<semaphore_mem>>) src(%dma_wait3A_66 : memref<632x128xf32, #tpu.memory_space<vmem_shared>>) dst(%dma_wait3A_64 : memref<632x128xf32, #tpu.memory_space<hbm>>)
      tpu.yield
    }) : () -> ()
    return
  }
}

module attributes {stable_mosaic.version = 14 : i64} {
  func.func @_tc_prep_body(%arg0: memref<10000x128xf32, #tpu.memory_space<vmem>>, %arg1: memref<128x64xf32, #tpu.memory_space<vmem>>, %arg2: memref<2x10112x1xf32, #tpu.memory_space<vmem>>, %arg3: memref<10112x128xf32, #tpu.memory_space<vmem>>, %arg4: memref<10000x1xf32, #tpu.memory_space<vmem>>) attributes {dimension_semantics = [], scalar_prefetch = 0 : i64, scratch_operands = 0 : i64, tpu.core_type = #tpu.core_type<tc>} {
    %get3A = arith.constant 0 : index
    %get3A_0 = arith.constant 0 : index
    %get3A_1 = arith.constant 0 : index
    %get3A_2 = vector.load %arg2[%get3A, %get3A_0, %get3A_1] : memref<2x10112x1xf32, #tpu.memory_space<vmem>>, vector<1x10000x1xf32>
    %get3A_3 = vector.shape_cast %get3A_2 : vector<1x10000x1xf32> to vector<10000x1xf32>
    %get3A_4 = arith.constant 1 : index
    %get3A_5 = arith.constant 0 : index
    %get3A_6 = arith.constant 0 : index
    %get3A_7 = vector.load %arg2[%get3A_4, %get3A_5, %get3A_6] : memref<2x10112x1xf32, #tpu.memory_space<vmem>>, vector<1x10000x1xf32>
    %get3A_8 = vector.shape_cast %get3A_7 : vector<1x10000x1xf32> to vector<10000x1xf32>
    %add3A = arith.addf %get3A_3, %get3A_8 : vector<10000x1xf32>
    %add3A_9 = arith.constant 1.000000e+00 : f32
    %add3A_10 = vector.broadcast %add3A_9 : f32 to vector<10000x1xf32>
    %add3A_11 = arith.addf %add3A, %add3A_10 : vector<10000x1xf32>
    %rsqrt3A = math.rsqrt %add3A_11 : vector<10000x1xf32>
    %get3A_12 = arith.constant 0 : index
    %get3A_13 = arith.constant 0 : index
    %get3A_14 = vector.load %arg0[%get3A_12, %get3A_13] : memref<10000x128xf32, #tpu.memory_space<vmem>>, vector<10000x128xf32>
    %get3A_15 = arith.constant 0 : index
    %get3A_16 = arith.constant 0 : index
    %get3A_17 = vector.load %arg1[%get3A_15, %get3A_16] : memref<128x64xf32, #tpu.memory_space<vmem>>, vector<128x64xf32>
    %dot_general3A = arith.constant dense<0.000000e+00> : vector<10000x64xf32>
    %dot_general3A_18 = tpu.matmul %get3A_14, %get3A_17, %dot_general3A {dimension_numbers = #tpu.dot_dimension_numbers<[1], [0], [0], [1], [0, 0, 1, 1], [], []>, transpose_lhs_hint = false} : vector<10000x128xf32>, vector<128x64xf32>, vector<10000x64xf32> -> vector<10000x64xf32>
    %mul3A = vector.broadcast %rsqrt3A : vector<10000x1xf32> to vector<10000x64xf32>
    %mul3A_19 = arith.mulf %dot_general3A_18, %mul3A : vector<10000x64xf32>
    %swap3A = arith.constant 0 : index
    %swap3A_20 = arith.constant 0 : index
    %swap3A_21 = vector.load %arg3[%swap3A, %swap3A_20] : memref<10112x128xf32, #tpu.memory_space<vmem>>, vector<10000x64xf32>
    tpu.vector_store %arg3[%swap3A, %swap3A_20], %mul3A_19 {strides = array<i32>} : memref<10112x128xf32, #tpu.memory_space<vmem>>, vector<10000x64xf32>,
    %broadcast_in_dim3A = arith.constant 0.000000e+00 : f32
    %broadcast_in_dim3A_22 = vector.broadcast %broadcast_in_dim3A : f32 to vector<10000x64xf32>
    %swap3A_23 = arith.constant 0 : index
    %swap3A_24 = arith.constant 64 : index
    %swap3A_25 = vector.load %arg3[%swap3A_23, %swap3A_24] : memref<10112x128xf32, #tpu.memory_space<vmem>>, vector<10000x64xf32>
    tpu.vector_store %arg3[%swap3A_23, %swap3A_24], %broadcast_in_dim3A_22 {strides = array<i32>} : memref<10112x128xf32, #tpu.memory_space<vmem>>, vector<10000x64xf32>,
    %broadcast_in_dim3A_26 = arith.constant 0.000000e+00 : f32
    %broadcast_in_dim3A_27 = vector.broadcast %broadcast_in_dim3A_26 : f32 to vector<112x128xf32>
    %swap3A_28 = arith.constant 10000 : index
    %swap3A_29 = arith.constant 0 : index
    %swap3A_30 = vector.load %arg3[%swap3A_28, %swap3A_29] : memref<10112x128xf32, #tpu.memory_space<vmem>>, vector<112x128xf32>
    tpu.vector_store %arg3[%swap3A_28, %swap3A_29], %broadcast_in_dim3A_27 {strides = array<i32>} : memref<10112x128xf32, #tpu.memory_space<vmem>>, vector<112x128xf32>,
    %swap3A_31 = arith.constant 0 : index
    %swap3A_32 = arith.constant 0 : index
    %swap3A_33 = vector.load %arg4[%swap3A_31, %swap3A_32] : memref<10000x1xf32, #tpu.memory_space<vmem>>, vector<10000x1xf32>
    tpu.vector_store %arg4[%swap3A_31, %swap3A_32], %rsqrt3A {strides = array<i32>} : memref<10000x1xf32, #tpu.memory_space<vmem>>, vector<10000x1xf32>,
    return
  }
}

module attributes {stable_mosaic.version = 14 : i64} {
  func.func @_tc_mid_body(%arg0: memref<2x10112x128xf32, #tpu.memory_space<vmem>>, %arg1: memref<10112x128xf32, #tpu.memory_space<vmem>>, %arg2: memref<10000x1xf32, #tpu.memory_space<vmem>>, %arg3: memref<1x64xf32, #tpu.memory_space<vmem>>, %arg4: memref<64x64xf32, #tpu.memory_space<vmem>>, %arg5: memref<10112x128xf32, #tpu.memory_space<vmem>>) attributes {dimension_semantics = [], scalar_prefetch = 0 : i64, scratch_operands = 0 : i64, tpu.core_type = #tpu.core_type<tc>} {
    %get3A = arith.constant 0 : index
    %get3A_0 = arith.constant 0 : index
    %get3A_1 = vector.load %arg2[%get3A, %get3A_0] : memref<10000x1xf32, #tpu.memory_space<vmem>>, vector<10000x1xf32>
    %get3A_2 = arith.constant 0 : index
    %get3A_3 = arith.constant 0 : index
    %get3A_4 = arith.constant 0 : index
    %get3A_5 = vector.load %arg0[%get3A_2, %get3A_3, %get3A_4] : memref<2x10112x128xf32, #tpu.memory_space<vmem>>, vector<1x10000x64xf32>
    %get3A_6 = vector.shape_cast %get3A_5 : vector<1x10000x64xf32> to vector<10000x64xf32>
    %get3A_7 = arith.constant 1 : index
    %get3A_8 = arith.constant 0 : index
    %get3A_9 = arith.constant 0 : index
    %get3A_10 = vector.load %arg0[%get3A_7, %get3A_8, %get3A_9] : memref<2x10112x128xf32, #tpu.memory_space<vmem>>, vector<1x10000x64xf32>
    %get3A_11 = vector.shape_cast %get3A_10 : vector<1x10000x64xf32> to vector<10000x64xf32>
    %add3A = arith.addf %get3A_6, %get3A_11 : vector<10000x64xf32>
    %get3A_12 = arith.constant 0 : index
    %get3A_13 = arith.constant 0 : index
    %get3A_14 = vector.load %arg1[%get3A_12, %get3A_13] : memref<10112x128xf32, #tpu.memory_space<vmem>>, vector<10000x64xf32>
    %add3A_15 = arith.addf %add3A, %get3A_14 : vector<10000x64xf32>
    %mul3A = vector.broadcast %get3A_1 : vector<10000x1xf32> to vector<10000x64xf32>
    %mul3A_16 = arith.mulf %add3A_15, %mul3A : vector<10000x64xf32>
    %get3A_17 = arith.constant 0 : index
    %get3A_18 = arith.constant 0 : index
    %get3A_19 = vector.load %arg3[%get3A_17, %get3A_18] : memref<1x64xf32, #tpu.memory_space<vmem>>, vector<1x64xf32>
    %add3A_20 = vector.broadcast %get3A_19 : vector<1x64xf32> to vector<10000x64xf32>
    %add3A_21 = arith.addf %mul3A_16, %add3A_20 : vector<10000x64xf32>
    %max3A = arith.constant 0.000000e+00 : f32
    %max3A_22 = vector.broadcast %max3A : f32 to vector<10000x64xf32>
    %max3A_23 = arith.maximumf %add3A_21, %max3A_22 : vector<10000x64xf32>
    %get3A_24 = arith.constant 0 : index
    %get3A_25 = arith.constant 0 : index
    %get3A_26 = vector.load %arg4[%get3A_24, %get3A_25] : memref<64x64xf32, #tpu.memory_space<vmem>>, vector<64x64xf32>
    %dot_general3A = arith.constant dense<0.000000e+00> : vector<10000x64xf32>
    %dot_general3A_27 = tpu.matmul %max3A_23, %get3A_26, %dot_general3A {dimension_numbers = #tpu.dot_dimension_numbers<[1], [0], [0], [1], [0, 0, 1, 1], [], []>, transpose_lhs_hint = false} : vector<10000x64xf32>, vector<64x64xf32>, vector<10000x64xf32> -> vector<10000x64xf32>
    %mul3A_28 = vector.broadcast %get3A_1 : vector<10000x1xf32> to vector<10000x64xf32>
    %mul3A_29 = arith.mulf %dot_general3A_27, %mul3A_28 : vector<10000x64xf32>
    %swap3A = arith.constant 0 : index
    %swap3A_30 = arith.constant 0 : index
    %swap3A_31 = vector.load %arg5[%swap3A, %swap3A_30] : memref<10112x128xf32, #tpu.memory_space<vmem>>, vector<10000x64xf32>
    tpu.vector_store %arg5[%swap3A, %swap3A_30], %mul3A_29 {strides = array<i32>} : memref<10112x128xf32, #tpu.memory_space<vmem>>, vector<10000x64xf32>,
    %broadcast_in_dim3A = arith.constant 0.000000e+00 : f32
    %broadcast_in_dim3A_32 = vector.broadcast %broadcast_in_dim3A : f32 to vector<10000x64xf32>
    %swap3A_33 = arith.constant 0 : index
    %swap3A_34 = arith.constant 64 : index
    %swap3A_35 = vector.load %arg5[%swap3A_33, %swap3A_34] : memref<10112x128xf32, #tpu.memory_space<vmem>>, vector<10000x64xf32>
    tpu.vector_store %arg5[%swap3A_33, %swap3A_34], %broadcast_in_dim3A_32 {strides = array<i32>} : memref<10112x128xf32, #tpu.memory_space<vmem>>, vector<10000x64xf32>,
    %broadcast_in_dim3A_36 = arith.constant 0.000000e+00 : f32
    %broadcast_in_dim3A_37 = vector.broadcast %broadcast_in_dim3A_36 : f32 to vector<112x128xf32>
    %swap3A_38 = arith.constant 10000 : index
    %swap3A_39 = arith.constant 0 : index
    %swap3A_40 = vector.load %arg5[%swap3A_38, %swap3A_39] : memref<10112x128xf32, #tpu.memory_space<vmem>>, vector<112x128xf32>
    tpu.vector_store %arg5[%swap3A_38, %swap3A_39], %broadcast_in_dim3A_37 {strides = array<i32>} : memref<10112x128xf32, #tpu.memory_space<vmem>>, vector<112x128xf32>,
    return
  }
}

module attributes {stable_mosaic.version = 14 : i64} {
  func.func @_tc_final_body(%arg0: memref<2x10112x128xf32, #tpu.memory_space<vmem>>, %arg1: memref<10112x128xf32, #tpu.memory_space<vmem>>, %arg2: memref<10000x1xf32, #tpu.memory_space<vmem>>, %arg3: memref<1x64xf32, #tpu.memory_space<vmem>>, %arg4: memref<1x10000xi32, #tpu.memory_space<vmem>>, %arg5: memref<64x128xf32, #tpu.memory_space<vmem>>, %arg6: memref<1x128xf32, #tpu.memory_space<vmem>>, %arg7: memref<64x128xf32, #tpu.memory_space<vmem>>) attributes {dimension_semantics = [], scalar_prefetch = 0 : i64, scratch_operands = 0 : i64, tpu.core_type = #tpu.core_type<tc>} {
    %get3A = arith.constant 0 : index
    %get3A_0 = arith.constant 0 : index
    %get3A_1 = vector.load %arg2[%get3A, %get3A_0] : memref<10000x1xf32, #tpu.memory_space<vmem>>, vector<10000x1xf32>
    %get3A_2 = arith.constant 0 : index
    %get3A_3 = arith.constant 0 : index
    %get3A_4 = arith.constant 0 : index
    %get3A_5 = vector.load %arg0[%get3A_2, %get3A_3, %get3A_4] : memref<2x10112x128xf32, #tpu.memory_space<vmem>>, vector<1x10000x64xf32>
    %get3A_6 = vector.shape_cast %get3A_5 : vector<1x10000x64xf32> to vector<10000x64xf32>
    %get3A_7 = arith.constant 1 : index
    %get3A_8 = arith.constant 0 : index
    %get3A_9 = arith.constant 0 : index
    %get3A_10 = vector.load %arg0[%get3A_7, %get3A_8, %get3A_9] : memref<2x10112x128xf32, #tpu.memory_space<vmem>>, vector<1x10000x64xf32>
    %get3A_11 = vector.shape_cast %get3A_10 : vector<1x10000x64xf32> to vector<10000x64xf32>
    %add3A = arith.addf %get3A_6, %get3A_11 : vector<10000x64xf32>
    %get3A_12 = arith.constant 0 : index
    %get3A_13 = arith.constant 0 : index
    %get3A_14 = vector.load %arg1[%get3A_12, %get3A_13] : memref<10112x128xf32, #tpu.memory_space<vmem>>, vector<10000x64xf32>
    %add3A_15 = arith.addf %add3A, %get3A_14 : vector<10000x64xf32>
    %mul3A = vector.broadcast %get3A_1 : vector<10000x1xf32> to vector<10000x64xf32>
    %mul3A_16 = arith.mulf %add3A_15, %mul3A : vector<10000x64xf32>
    %get3A_17 = arith.constant 0 : index
    %get3A_18 = arith.constant 0 : index
    %get3A_19 = vector.load %arg3[%get3A_17, %get3A_18] : memref<1x64xf32, #tpu.memory_space<vmem>>, vector<1x64xf32>
    %add3A_20 = vector.broadcast %get3A_19 : vector<1x64xf32> to vector<10000x64xf32>
    %add3A_21 = arith.addf %mul3A_16, %add3A_20 : vector<10000x64xf32>
    %max3A = arith.constant 0.000000e+00 : f32
    %max3A_22 = vector.broadcast %max3A : f32 to vector<10000x64xf32>
    %max3A_23 = arith.maximumf %add3A_21, %max3A_22 : vector<10000x64xf32>
    %iota3A = tpu.iota {dimensions = array<i32: 0>} : vector<64x10000xi32>
    %get3A_24 = arith.constant 0 : index
    %get3A_25 = arith.constant 0 : index
    %get3A_26 = vector.load %arg4[%get3A_24, %get3A_25] : memref<1x10000xi32, #tpu.memory_space<vmem>>, vector<1x10000xi32>
    %eq3A = vector.broadcast %get3A_26 : vector<1x10000xi32> to vector<64x10000xi32>
    %eq3A_27 = arith.cmpi eq, %eq3A, %iota3A : vector<64x10000xi32>
    %convert_element_type3A = arith.extui %eq3A_27 : vector<64x10000xi1> to vector<64x10000xi32>
    %convert_element_type3A_28 = arith.sitofp %convert_element_type3A : vector<64x10000xi32> to vector<64x10000xf32>
    %dot_general3A = arith.constant dense<0.000000e+00> : vector<64x64xf32>
    %dot_general3A_29 = tpu.matmul %convert_element_type3A_28, %max3A_23, %dot_general3A {dimension_numbers = #tpu.dot_dimension_numbers<[1], [0], [0], [1], [0, 0, 1, 1], [], []>, transpose_lhs_hint = false} : vector<64x10000xf32>, vector<10000x64xf32>, vector<64x64xf32> -> vector<64x64xf32>
    %reduce_sum3A = arith.constant dense<0.000000e+00> : vector<64xf32>
    %reduce_sum3A_30 = vector.multi_reduction <add>, %convert_element_type3A_28, %reduce_sum3A [1] : vector<64x10000xf32> to vector<64xf32>
    %broadcast_in_dim3A = vector.shape_cast %reduce_sum3A_30 : vector<64xf32> to vector<64x1xf32>
    %max3A_31 = arith.constant 1.000000e+00 : f32
    %max3A_32 = vector.broadcast %max3A_31 : f32 to vector<64x1xf32>
    %max3A_33 = arith.maximumf %broadcast_in_dim3A, %max3A_32 : vector<64x1xf32>
    %div3A = vector.broadcast %max3A_33 : vector<64x1xf32> to vector<64x64xf32>
    %div3A_34 = arith.divf %dot_general3A_29, %div3A : vector<64x64xf32>
    %get3A_35 = arith.constant 0 : index
    %get3A_36 = arith.constant 0 : index
    %get3A_37 = vector.load %arg5[%get3A_35, %get3A_36] : memref<64x128xf32, #tpu.memory_space<vmem>>, vector<64x128xf32>
    %dot_general3A_38 = arith.constant dense<0.000000e+00> : vector<64x128xf32>
    %dot_general3A_39 = tpu.matmul %div3A_34, %get3A_37, %dot_general3A_38 {dimension_numbers = #tpu.dot_dimension_numbers<[1], [0], [0], [1], [0, 0, 1, 1], [], []>, transpose_lhs_hint = false} : vector<64x64xf32>, vector<64x128xf32>, vector<64x128xf32> -> vector<64x128xf32>
    %get3A_40 = arith.constant 0 : index
    %get3A_41 = arith.constant 0 : index
    %get3A_42 = vector.load %arg6[%get3A_40, %get3A_41] : memref<1x128xf32, #tpu.memory_space<vmem>>, vector<1x128xf32>
    %add3A_43 = vector.broadcast %get3A_42 : vector<1x128xf32> to vector<64x128xf32>
    %add3A_44 = arith.addf %dot_general3A_39, %add3A_43 : vector<64x128xf32>
    %swap3A = arith.constant 0 : index
    %swap3A_45 = arith.constant 0 : index
    %swap3A_46 = vector.load %arg7[%swap3A, %swap3A_45] : memref<64x128xf32, #tpu.memory_space<vmem>>, vector<64x128xf32>
    tpu.vector_store %arg7[%swap3A, %swap3A_45], %add3A_44 {strides = array<i32>} : memref<64x128xf32, #tpu.memory_space<vmem>>, vector<64x128xf32>,
    return
  }
}

</mosaic_0001>

<sc_bundles>
// kernel: kernel.12.cloned.1.call-start
scs
__scs_entry_jumppad:
0x0: {  	(pc) =	sbr.rel $0x88, $3  }
0x1: {  	(tag) =	ssettag $0x0;
	lr =	simm.s32 $0x1  }
0x2: {  	[smem:$0x3F94] =	sst lr;
	_ =	strace $0xD0000000  }
0x3: {  	_ = 	snop  }
0x4: {  	_ = 	snop  }
0x5: {  	_ = 	snop  }
0x6: {  	_ = 	snop  }
0x7: {  	_ = 	snop  }
__scs_overlays_trampoline_lowered:
0x8: {  	[smem:$0x3FA3] =	sst s0  }
0x9: {  	[smem:$0x3FA4] =	sst s1  }
0xa: {  	[smem:$0x3FA5] =	sst s2  }
0xb: {  	[smem:$0x3FA6] =	sst s3  }
0xc: {  	[smem:$0x3FA7] =	sst s4  }
0xd: {  	[smem:$0x3FA8] =	sst s5  }
0xe: {  	[smem:$0x3FA9] =	sst s6  }
0xf: {  	[smem:$0x3FAA] =	sst s7  }
0x10: {  	[smem:$0x3FAB] =	sst s8  }
0x11: {  	[smem:$0x3FAC] =	sst s9;
	s0 =	simm.s32 @!p0 $0x0  }
0x12: {  	s1 =	sld [smem:$0x3F92];
	s0 =	simm.s32 @p0 $0x1  }
0x13: {  	[smem:$0x3FAD] =	sst s0;
	s0 =	simm.s32 @!p1 $0x0  }
0x14: {  	s2 =	sld [smem:$0x3F91];
	s0 =	simm.s32 @p1 $0x1  }
0x15: {  	[smem:$0x3FAE] =	sst s0;
	s0 =	simm.s32 @!p2 $0x0  }
0x16: {  	s3 =	sld [smem:$0x3FDB];
	s0 =	simm.s32 @p2 $0x1  }
0x17: {  	s4 =	simm.s32 $0x1BF5;
	[smem:$0x3FB0] =	sst s0  }
0x18: {  	s0 =	sld [smem:$0x3F93];
	_ =	swait.ge [sflag:s4], $0x0  }
0x19: {  	s7 =	sld [smem:$0x3F94]  }
0x1a: {  	s8 =	sadd.s32 $0xFFFFE003, lr  }
0x1b: {  	s9 =	sadd.s32 $0xFFFFFEF7, lr;
	s5 =	simm.s32 $0xFFFFFFFF;
	p2 =	slt.u32 s8, $0xFFFFF086  }
0x1c: {  	p1 =	slt.u32 s9, $0xF7A;
	s5 =	simm.s32 @!p2 $0x0  }
0x1d: {  	s5 =	simm.s32 @p1 $0x1;
	p0 =	seq.s32 s7, s2  }
0x1e: {  	s7 =	smul.u32 @!p0 $0xF7A, s2;
	p2 =	seq.s32 @!p0 s5, $0x0  }
0x1f: {  	s9 =	smul.u32 $0xF7A, s1;
	s8 =	simm.s32 @!p0 $0x1BF5;
	p2 =	por !p2, p0  }
0x20: {  	[sflag:s8] =	ssyncset.s32 @!p0 $0xFFFFF086;
	s6 =	sadd.s32 @!p0 s3, s7;
	s7 =	simm.s32 @!p0 $0x108  }
0x21: {  	s3 =	sadd.s32 s3, s9;
	s6 =	sadd.s32 @!p0 $0x88, s6;
	s7 =	simm.s32 @p2 $0x1082  }
0x22: {  	[simem:s7], [sflag:s8] =	dma.local @!p0 [hbm:s6], $0xF7A  }
0x23: {  	s9 =	sor.u32 $0xD0000000, s2;
	s6 =	simm.s32 $0x108;
	_ =	swait.ge @!p0 [sflag:s8], $0x0  }
0x24: {  	s3 =	sadd.s32 $0x88, s3;
	s6 =	simm.s32 @!p1 $0x1082;
	[sflag:s4] =	ssyncset.s32 $0xFFFFF086  }
0x25: {  	[simem:s6], [sflag:s4] =	dma.local [hbm:s3], $0xF7A  }
0x26: {  	[smem:$0x3F94] =	sst s1;
	(tag) =	ssettag s2;
	_ =	strace s9  }
0x27: {  	s1 =	sld [smem:$0x3FA4]  }
0x28: {  	s2 =	sld [smem:$0x3FA5]  }
0x29: {  	s4 =	sld [smem:$0x3FA7]  }
0x2a: {  	p0 =	seq.s32 s5, $0x0;
	s5 =	sld [smem:$0x3FA8]  }
0x2b: {  	s6 =	sld [smem:$0x3FA9]  }
0x2c: {  	s7 =	sld [smem:$0x3FAA]  }
0x2d: {  	s3 =	simm.s32 $0x108;
	s8 =	sld [smem:$0x3FAB]  }
0x2e: {  	s3 =	simm.s32 @!p0 $0x1082;
	s9 =	sld [smem:$0x3FAC]  }
0x2f: {  	lr =	sadd.s32 s0, s3;
	s0 =	sld [smem:$0x3FA3]  }
0x30: {  	s3 =	sld [smem:$0x3FA6]  }
0x31: {  	[smem:$0x3FAF] =	sst s10  }
0x32: {  	s10 =	sld [smem:$0x3FAD];
	_ =	sdelay $0x3  }
0x33: {  	p0 =	seq.s32 s10, $0x1;
	s10 =	sld [smem:$0x3FAF];
	_ =	sdelay $0x3  }
0x34: {  	[smem:$0x3FAF] =	sst s10  }
0x35: {  	s10 =	sld [smem:$0x3FAE];
	_ =	sdelay $0x3  }
0x36: {  	p1 =	seq.s32 s10, $0x1;
	s10 =	sld [smem:$0x3FAF];
	_ =	sdelay $0x3  }
0x37: {  	[smem:$0x3FAF] =	sst s10  }
0x38: {  	s10 =	sld [smem:$0x3FB0]  }
0x39: {  	_ = 	snop;
	(pc) =	sbr.ind lr, $3  }
0x3a: {  	_ = 	snop  }
0x3b: {  	_ = 	snop  }
0x3c: {  	p2 =	seq.s32 s10, $0x1;
	s10 =	sld [smem:$0x3FAF]  }
0x3d: {  	_ =	shalt  }
0x3e: {  	_ =	shalt  }
0x3f: {  	_ =	shalt  }
0x40: {  	_ =	shalt  }
0x41: {  	_ =	shalt  }
0x42: {  	_ =	shalt  }
0x43: {  	_ =	shalt  }
0x44: {  	_ =	shalt  }
0x45: {  	_ =	shalt  }
0x46: {  	_ =	shalt  }
0x47: {  	_ =	shalt  }
0x48: {  	_ =	shalt  }
0x49: {  	_ =	shalt  }
0x4a: {  	_ =	shalt  }
0x4b: {  	_ =	shalt  }
0x4c: {  	_ =	shalt  }
0x4d: {  	_ =	shalt  }
0x4e: {  	_ =	shalt  }
0x4f: {  	_ =	shalt  }
0x50: {  	_ =	shalt  }
0x51: {  	_ =	shalt  }
0x52: {  	_ =	shalt  }
0x53: {  	_ =	shalt  }
0x54: {  	_ =	shalt  }
0x55: {  	_ =	shalt  }
0x56: {  	_ =	shalt  }
0x57: {  	_ =	shalt  }
0x58: {  	_ =	shalt  }
0x59: {  	_ =	shalt  }
0x5a: {  	_ =	shalt  }
0x5b: {  	_ =	shalt  }
0x5c: {  	_ =	shalt  }
0x5d: {  	_ =	shalt  }
0x5e: {  	_ =	shalt  }
0x5f: {  	_ =	shalt  }
0x60: {  	_ =	shalt  }
0x61: {  	_ =	shalt  }
0x62: {  	_ =	shalt  }
0x63: {  	_ =	shalt  }
0x64: {  	_ =	shalt  }
0x65: {  	_ =	shalt  }
0x66: {  	_ =	shalt  }
0x67: {  	_ =	shalt  }
0x68: {  	_ =	shalt  }
0x69: {  	_ =	shalt  }
0x6a: {  	_ =	shalt  }
0x6b: {  	_ =	shalt  }
0x6c: {  	_ =	shalt  }
0x6d: {  	_ =	shalt  }
0x6e: {  	_ =	shalt  }
0x6f: {  	_ =	shalt  }
0x70: {  	_ =	shalt  }
0x71: {  	_ =	shalt  }
0x72: {  	_ =	shalt  }
0x73: {  	_ =	shalt  }
0x74: {  	_ =	shalt  }
0x75: {  	_ =	shalt  }
0x76: {  	_ =	shalt  }
0x77: {  	_ =	shalt  }
0x78: {  	_ =	shalt  }
0x79: {  	_ =	shalt  }
0x7a: {  	_ =	shalt  }
0x7b: {  	_ =	shalt  }
0x7c: {  	_ =	shalt  }
0x7d: {  	_ =	shalt  }
0x7e: {  	_ =	shalt  }
0x7f: {  	_ =	shalt  }
0x80: {  	_ =	shalt  }
0x81: {  	_ =	shalt  }
0x82: {  	_ =	shalt  }
0x83: {  	_ =	shalt  }
0x84: {  	_ =	shalt  }
0x85: {  	_ =	shalt  }
0x86: {  	_ =	shalt  }
0x87: {  	_ =	shalt  }
.Lfunc_end0:
.L_simem_size_0:
called_computation_lowered:
.L_overlay_start_0:
0x88: {  	s2 =	sld [smem:$0x3FD9]  }
0x89: {  	s3 =	sld [smem:$0x3FFE];
	_ =	sdelay $0x1  }
0x8a: {  	s1 =	srdreg.scid  }
0x8b: {  	s0 =	sand.u32 $0x1, s1  }
0x8c: {  	s17 =	sshll.u32 s0, $0xA;
	s2 =	sadd.s32 s3, s2  }
0x8d: {  	s2 =	sadd.s32 s2, s17  }
0x8e: {  	[smem:$0x3FBB] =	sst s2  }
0x8f: {  	_ = 	snop  }
0x90: {  	s2 =	sld [smem:$0x3FD0];
	(tm) =	ssettm $0x1  }
0x91: {  	s18 =	sld [smem:$0x3FFB];
	_ =	sdelay $0x3  }
0x92: {  	_ =	strace s18  }
0x93: {  	s3 =	sld [smem:$0x3FFC];
	_ =	sdelay $0x3  }
0x94: {  	_ =	strace s3  }
0x95: {  	s3 =	sld [smem:$0x3FFD];
	_ =	sdelay $0x3  }
0x96: {  	_ =	strace s3  }
0x97: {  	_ =	strace $0x8FFFFFFF  }
0x98: {  	s19 =	sld [smem:$0x3FDB];
	_ =	sdelay $0x1  }
0x99: {  	s4 =	simm.s32 $_scs_section_size  }
0x9a: {  	s5 =	simm.s32 $_size__tile_overlayer_lowered;
	s6 =	simm.s32 $_tile_overlayer_lowered  }
0x9b: {  	s22 =	simm.s32 $0x1BFF;
	s21 =	sshll.u32 s6, $0x1;
	s3 =	sadd.s32 s4, s19  }
0x9c: {  	s7 =	simm.s32 $0x0;
	s20 =	sshll.u32 s5, $0x1;
	s5 =	sadd.s32 s21, s3  }
0x9d: {  	[timem:s7], [sflag:s22] =	dma.local [hbm:s5], s20  }
0x9e: {  	_ =	swait.ge [sflag:s22], s20  }
0x9f: {  	s4 =	ssub.s32 $0x0, s20;
	[sflag:s22] =	ssyncset.done $0x0  }
0xa0: {  	[sflag:s22] =	ssyncadd.s32 s4;
	_ =	sdelay $0x1  }
0xa1: {  	s23 =	simm.s32 $0x1B8B  }
0xa2: {  	_ =	swait.ge [sflag:s23], $0x1  }
0xa3: {  	[sflag:s23] =	ssyncset.done $0x0  }
0xa4: {  	s25 =	simm.s32 $0x1B8E;
	s24 =	sld [smem:$0x3FFE];
	[sflag:s23] =	ssyncadd.s32 $0xFFFFFFFF  }
0xa5: {  	s26 =	simm.s32 $execute0_lowered;
	[smem:$0x3FD2] =	sst s25  }
0xa6: {  	s5 =	sshll.u32 s26, $0x1;
	_ =	strace $0x80000046;
	[dreg:$0x1] =	wrdreg $0xFFFFFFFF  }
0xa7: {  	s28 =	simm.s32 $_size_execute0_lowered;
	s3 =	sadd.s32 s3, s5;
	[dreg:$0x0] =	wrdreg $0x0  }
0xa8: {  	s5 =	sshll.u32 s28, $0x1;
	[dreg:$0x2] =	wrdreg s3  }
0xa9: {  	[dreg:$0x3] =	wrdreg s5  }
0xaa: {  	[dreg:$0x4] =	wrdreg $0xC0  }
0xab: {  	_ =	task [dreg:s7], $0x5FFFF  }
0xac: {  	[dreg:$0x1] =	wrdreg $0xFFFFFFFF  }
0xad: {  	[dreg:$0x0] =	wrdreg $0x60  }
0xae: {  	[dreg:$0x2] =	wrdreg s24  }
0xaf: {  	[dreg:$0x3] =	wrdreg s2  }
0xb0: {  	[dreg:$0x4] =	wrdreg $0x28800  }
0xb1: {  	[dreg:$0x5] =	wrdreg $0x9  }
0xb2: {  	_ =	task.clear_ibuf [dreg:s7], $0x6FFFF;
	_ =	strace $0x90000046  }
0xb3: {  	s29 =	simm.s32 $0x9;
	_ =	strace $0x80000048  }
0xb4: {  	_ =	swait.ge [sflag:s29], $0x1  }
0xb5: {  	[sflag:s29] =	ssyncadd.s32 $0xFFFFFFFF  }
0xb6: {  	_ =	strace $0x90000048  }
0xb7: {  	_ =	sfence  }
0xb8: {  	s30 =	sld [smem:$0x0];
	_ =	sdelay $0x2  }
0xb9: {  	s31 =	sshll.u32 s1, $0xD;
	s1 =	sshrl.u32 s1, $0x2  }
0xba: {  	s3 =	sand.u32 $0x4000, s31;
	s1 =	sadd.s32 s1, s30  }
0xbb: {  	s0 =	sor.u32 s3, s0;
	s1 =	sshll.u32 s1, $0x11  }
0xbc: {  	s0 =	sor.u32 s1, s0  }
0xbd: {  	s0 =	sadd.s32 $0x8F2B, s0  }
0xbe: {  	[sflag:s0] =	ssyncadd.remote.s32 $0x1  }
0xbf: {  	_ =	sfence.sel $0xFFFF  }
0xc0: {  	[dreg:$0x0] =	wrdreg $0xFFFFFFFF;
	(pc) =	sbr.abs _section_cstart, $3  }
0xc1: {  	[dreg:$0x1] =	wrdreg $0xFFFFFFFF  }
0xc2: {  	_ =	task.clear_ibuf [dreg:s7], $0x2FFFF;
	_ =	strace $0x9FFFFFFF  }
0xc3: {  	(tm) =	ssettm $0x7FFFFFFF  }
tec
execute0_lowered:
.L_overlay_start_1:
0x0: {  	(tag) =	ssettag $0x1  }
0x1: {  	s6 =	rddreg [dreg:$0x0]  }
0x2: {  	s2 =	rddreg [dreg:$0x1]  }
0x3: {  	s3 =	rddreg [dreg:$0x2]  }
0x4: {  	s0 =	srdreg.scid;
	s1 =	rddreg [dreg:$0x3]  }
0x5: {  	s4 =	simm.s32 $0x0;
	s16 =	simm.s32 $0x80;
	s17 =	simm.s32 $0x1  }
0x6: {  	s18 =	simm.s32 $0x0;
	s7 =	sand.u32 $0x1, s0;
	s0 =	stileid.u32  }
0x7: {  	[smem:$0x7FF] =	sst s4;
	s12 =	sadd.s32 $0x18600, s6;
	s14 =	sadd.s32 $0x2580, s3  }
0x8: {  	s8 =	sshll.u32 s7, $0x4;
	s9 =	smul.u32 $0x280, s0;
	_ =	strace $0x80000047  }
0x9: {  	s11 =	ssub.s32 $0x2, s7;
	s30 =	smul.u32 $0x500, s0;
	s15 =	sshll.u32 s7, $0x7  }
0xa: {  	p0 =	seq.s32 s0, $0xF;
	s5 =	sor.u32 s0, s8;
	s13 =	sshrl.u32 s11, $0x1  }
0xb: {  	s31 =	sadd.s32 s8, s12;
	s5 =	smul.u32 $0x500, s5;
	s29 =	sshrl.u32 s9, $0x3  }
0xc: {  	s11 =	ssub.s32 s11, s13;
	s13 =	sadd.s32 s9, s3;
	s9 =	sor.u32 s15, s30  }
0xd: {  	s15 =	simm.s32 $0x2800;
	s9 =	sshrl.u32 s9, $0x3;
	s13 =	sshrl.u32 @!p0 s13, $0x3  }
0xe: {  	s10 =	sadd.s32 s5, s6;
	s5 =	sadd.s32 s29, s6;
	s6 =	sadd.s32 $0x184B0, s6  }
0xf: {  	s8 =	sadd.s32 s12, s9;
	s9 =	sadd.s32 $0x960, s31;
	s12 =	sshll.u32 @!p0 s0, $0x6  }
0x10: {  	s5 =	sadd.s32 $0x18000, s5;
	s7 =	sadd.s32 $0x4000, s10;
	s10 =	smax.u32 s11, $0x1  }
0x11: {  	s11 =	sshrl.u32 @p0 s14, $0x3;
	s12 =	sor.u32 @!p0 $0x1C02, s12;
	s14 =	simm.s32 $0x2  }
.LBB2_1:
0x12: {  	s19 =	simm.s32 @p0 $0x1FC2  }
0x13: {  	[spmem:s11], [sflag:s19] =	dma.local @p0 [hbm:s6], $0x40  }
0x14: {  	s19 =	simm.s32 @p0 $0x2  }
0x15: {  	_ =	swait.ge @p0 [sflag:s19], $0x40  }
0x16: {  	[sflag:s19] =	ssyncset.done @p0 $0x0  }
0x17: {  	[sflag:s19] =	ssyncadd.s32 @p0 $0xFFFFFFC0;
	s19 =	simm.s32 @!p0 $0x2  }
0x18: {  	[spmem:s13], [sflag:s12] =	dma.local @!p0 [hbm:s5], $0x50  }
0x19: {  	_ =	swait.ge @!p0 [sflag:s19], $0x50  }
0x1a: {  	[sflag:s19] =	ssyncset.done @!p0 $0x0  }
0x1b: {  	[sflag:s19] =	ssyncadd.s32 @!p0 $0xFFFFFFB0  }
0x1c: {  	[tilespmem:s4], [sflag:$0x2] =	stream.linear.gather [hbm4b:s7+s4], $0x2800, $0x38;
	[tilespmem:$0x2AF8] =	vst v63  }
0x1d: {  	_ =	swait.ge [sflag:s14], $0x2800  }
0x1e: {  	[sflag:s14] =	ssyncset.done $0x0  }
0x1f: {  	[sflag:s14] =	ssyncadd.s32 $0xFFFFD800  }
0x20: {  	[tilespmem:s15], [sflag:$0x2] =	stream.linear.gather [hbm4b:s2+s4], $0x80, $0x38;
	[tilespmem:$0x2AF8] =	vst v63  }
0x21: {  	_ =	swait.ge [sflag:s14], $0x80  }
0x22: {  	[sflag:s14] =	ssyncset.done $0x0  }
0x23: {  	[sflag:s14] =	ssyncadd.s32 $0xFFFFFF80  }
0x24: {  	s23 =	simm.s32 $0x0;
	[bflag:$0x0] =	sbarrier.arrive $0xFFFF  }
0x25: {  	[spmem:s3] =	stream.indirect.scatter.add.f32 [tilespmem:s15], [sflag:$0x1], $0x1, s23, s16, $0xb8;
	[tilespmem:$0x2AF8] =	vst v63  }
0x26: {  	s24 =	simm.s32 $0x80  }
0x27: {  	[spmem:s3] =	stream.indirect.scatter.add.f32 [tilespmem:s15], [sflag:$0x1], $0x1, s24, s16, $0xb8;
	[tilespmem:$0x2AF8] =	vst v63  }
0x28: {  	s25 =	simm.s32 $0x100  }
0x29: {  	[spmem:s3] =	stream.indirect.scatter.add.f32 [tilespmem:s15], [sflag:$0x1], $0x1, s25, s16, $0xb8;
	[tilespmem:$0x2AF8] =	vst v63  }
0x2a: {  	s26 =	simm.s32 $0x180  }
0x2b: {  	[spmem:s3] =	stream.indirect.scatter.add.f32 [tilespmem:s15], [sflag:$0x1], $0x1, s26, s16, $0xb8;
	[tilespmem:$0x2AF8] =	vst v63  }
0x2c: {  	s28 =	simm.s32 $0x200  }
0x2d: {  	[spmem:s3] =	stream.indirect.scatter.add.f32 [tilespmem:s15], [sflag:$0x1], $0x1, s28, s16, $0xb8;
	[tilespmem:$0x2AF8] =	vst v63  }
0x2e: {  	s29 =	simm.s32 $0x280  }
0x2f: {  	[spmem:s3] =	stream.indirect.scatter.add.f32 [tilespmem:s15], [sflag:$0x1], $0x1, s29, s16, $0xb8;
	[tilespmem:$0x2AF8] =	vst v63  }
0x30: {  	s30 =	simm.s32 $0x300  }
0x31: {  	[spmem:s3] =	stream.indirect.scatter.add.f32 [tilespmem:s15], [sflag:$0x1], $0x1, s30, s16, $0xb8;
	[tilespmem:$0x2AF8] =	vst v63  }
0x32: {  	s31 =	simm.s32 $0x380  }
0x33: {  	[spmem:s3] =	stream.indirect.scatter.add.f32 [tilespmem:s15], [sflag:$0x1], $0x1, s31, s16, $0xb8;
	[tilespmem:$0x2AF8] =	vst v63  }
0x34: {  	_ =	swait.ge [sflag:s17], $0x80  }
0x35: {  	[sflag:s17] =	ssyncset.done $0x0  }
0x36: {  	[sflag:s17] =	ssyncadd.s32 $0xFFFFFF80  }
0x37: {  	_ =	swait.ge [sflag:s17], $0x80  }
0x38: {  	[sflag:s17] =	ssyncset.done $0x0  }
0x39: {  	[sflag:s17] =	ssyncadd.s32 $0xFFFFFF80  }
0x3a: {  	_ =	swait.ge [sflag:s17], $0x80  }
0x3b: {  	[sflag:s17] =	ssyncset.done $0x0  }
0x3c: {  	[sflag:s17] =	ssyncadd.s32 $0xFFFFFF80  }
0x3d: {  	_ =	swait.ge [sflag:s17], $0x80  }
0x3e: {  	[sflag:s17] =	ssyncset.done $0x0  }
0x3f: {  	[sflag:s17] =	ssyncadd.s32 $0xFFFFFF80  }
0x40: {  	_ =	swait.ge [sflag:s17], $0x80  }
0x41: {  	[sflag:s17] =	ssyncset.done $0x0  }
0x42: {  	[sflag:s17] =	ssyncadd.s32 $0xFFFFFF80  }
0x43: {  	_ =	swait.ge [sflag:s17], $0x80  }
0x44: {  	[sflag:s17] =	ssyncset.done $0x0  }
0x45: {  	[sflag:s17] =	ssyncadd.s32 $0xFFFFFF80  }
0x46: {  	_ =	swait.ge [sflag:s17], $0x80  }
0x47: {  	[sflag:s17] =	ssyncset.done $0x0  }
0x48: {  	[sflag:s17] =	ssyncadd.s32 $0xFFFFFF80  }
0x49: {  	_ =	swait.ge [sflag:s17], $0x80  }
0x4a: {  	s21 =	simm.s32 $0x2000;
	s19 =	simm.s32 $0x1000;
	[sflag:s17] =	ssyncset.done $0x0  }
.LBB2_2:
0x4b: {  	s22 =	sshra.s32 s19, $0x2  }
0x4c: {  	[sflag:s17] =	ssyncadd.s32 $0xFFFFFF80;
	s19 =	smov.u32 s21;
	s20 =	sadd.s32 $0x1000, s21  }
0x4d: {  	[spmem:s3] =	stream.indirect.scatter.add.f32 [tilespmem:s15], [sflag:$0x1], $0x1, s22, s16, $0xb8;
	[tilespmem:$0x2AF8] =	vst v63  }
0x4e: {  	p1 =	sne.s32 s21, $0x9000;
	s21 =	sadd.s32 $0x80, s22  }
0x4f: {  	[spmem:s3] =	stream.indirect.scatter.add.f32 [tilespmem:s15], [sflag:$0x1], $0x1, s21, s16, $0xb8;
	[tilespmem:$0x2AF8] =	vst v63  }
0x50: {  	s21 =	sadd.s32 $0x100, s22  }
0x51: {  	[spmem:s3] =	stream.indirect.scatter.add.f32 [tilespmem:s15], [sflag:$0x1], $0x1, s21, s16, $0xb8;
	[tilespmem:$0x2AF8] =	vst v63  }
0x52: {  	s21 =	sadd.s32 $0x180, s22  }
0x53: {  	[spmem:s3] =	stream.indirect.scatter.add.f32 [tilespmem:s15], [sflag:$0x1], $0x1, s21, s16, $0xb8;
	[tilespmem:$0x2AF8] =	vst v63  }
0x54: {  	s21 =	sadd.s32 $0x200, s22  }
0x55: {  	[spmem:s3] =	stream.indirect.scatter.add.f32 [tilespmem:s15], [sflag:$0x1], $0x1, s21, s16, $0xb8;
	[tilespmem:$0x2AF8] =	vst v63  }
0x56: {  	s21 =	sadd.s32 $0x280, s22  }
0x57: {  	[spmem:s3] =	stream.indirect.scatter.add.f32 [tilespmem:s15], [sflag:$0x1], $0x1, s21, s16, $0xb8;
	[tilespmem:$0x2AF8] =	vst v63  }
0x58: {  	s21 =	sadd.s32 $0x300, s22  }
0x59: {  	[spmem:s3] =	stream.indirect.scatter.add.f32 [tilespmem:s15], [sflag:$0x1], $0x1, s21, s16, $0xb8;
	[tilespmem:$0x2AF8] =	vst v63  }
0x5a: {  	s21 =	sadd.s32 $0x380, s22  }
0x5b: {  	[spmem:s3] =	stream.indirect.scatter.add.f32 [tilespmem:s15], [sflag:$0x1], $0x1, s21, s16, $0xb8;
	[tilespmem:$0x2AF8] =	vst v63  }
0x5c: {  	_ =	swait.ge [sflag:s17], $0x80  }
0x5d: {  	[sflag:s17] =	ssyncset.done $0x0  }
0x5e: {  	[sflag:s17] =	ssyncadd.s32 $0xFFFFFF80  }
0x5f: {  	_ =	swait.ge [sflag:s17], $0x80  }
0x60: {  	[sflag:s17] =	ssyncset.done $0x0  }
0x61: {  	[sflag:s17] =	ssyncadd.s32 $0xFFFFFF80  }
0x62: {  	_ =	swait.ge [sflag:s17], $0x80  }
0x63: {  	[sflag:s17] =	ssyncset.done $0x0  }
0x64: {  	[sflag:s17] =	ssyncadd.s32 $0xFFFFFF80  }
0x65: {  	_ =	swait.ge [sflag:s17], $0x80  }
0x66: {  	[sflag:s17] =	ssyncset.done $0x0  }
0x67: {  	[sflag:s17] =	ssyncadd.s32 $0xFFFFFF80  }
0x68: {  	_ =	swait.ge [sflag:s17], $0x80  }
0x69: {  	[sflag:s17] =	ssyncset.done $0x0  }
0x6a: {  	[sflag:s17] =	ssyncadd.s32 $0xFFFFFF80  }
0x6b: {  	_ =	swait.ge [sflag:s17], $0x80  }
0x6c: {  	[sflag:s17] =	ssyncset.done $0x0  }
0x6d: {  	[sflag:s17] =	ssyncadd.s32 $0xFFFFFF80  }
.Ltmp0:
0x6e: {  	_ =	swait.ge [sflag:s17], $0x80;
	(pc) =	sbr.rel @p1 .LBB2_2-.Ltmp0, $4  }
0x6f: {  	[sflag:s17] =	ssyncset.done $0x0  }
0x70: {  	[sflag:s17] =	ssyncadd.s32 $0xFFFFFF80  }
0x71: {  	_ =	swait.ge [sflag:s17], $0x80  }
0x72: {  	s21 =	smov.u32 s20;
	[sflag:s17] =	ssyncset.done $0x0  }
0x73: {  	s19 =	sshra.s32 s19, $0x2;
	[sflag:s17] =	ssyncadd.s32 $0xFFFFFF80  }
0x74: {  	[spmem:s3] =	stream.indirect.scatter.add.f32 [tilespmem:s15], [sflag:$0x1], $0x1, s19, s16, $0xb8;
	[tilespmem:$0x2AF8] =	vst v63  }
0x75: {  	s20 =	sadd.s32 $0x80, s19  }
0x76: {  	[spmem:s3] =	stream.indirect.scatter.add.f32 [tilespmem:s15], [sflag:$0x1], $0x1, s20, s16, $0xb8;
	[tilespmem:$0x2AF8] =	vst v63  }
0x77: {  	s26 =	sadd.s32 $0x100, s19  }
0x78: {  	[spmem:s3] =	stream.indirect.scatter.add.f32 [tilespmem:s15], [sflag:$0x1], $0x1, s26, s16, $0xb8;
	[tilespmem:$0x2AF8] =	vst v63  }
0x79: {  	s28 =	sadd.s32 $0x180, s19  }
0x7a: {  	[spmem:s3] =	stream.indirect.scatter.add.f32 [tilespmem:s15], [sflag:$0x1], $0x1, s28, s16, $0xb8;
	[tilespmem:$0x2AF8] =	vst v63  }
0x7b: {  	s29 =	sadd.s32 $0x200, s19  }
0x7c: {  	[spmem:s3] =	stream.indirect.scatter.add.f32 [tilespmem:s15], [sflag:$0x1], $0x1, s29, s16, $0xb8;
	[tilespmem:$0x2AF8] =	vst v63  }
0x7d: {  	s30 =	sadd.s32 $0x280, s19  }
0x7e: {  	[spmem:s3] =	stream.indirect.scatter.add.f32 [tilespmem:s15], [sflag:$0x1], $0x1, s30, s16, $0xb8;
	[tilespmem:$0x2AF8] =	vst v63  }
0x7f: {  	s31 =	sadd.s32 $0x300, s19  }
0x80: {  	[spmem:s3] =	stream.indirect.scatter.add.f32 [tilespmem:s15], [sflag:$0x1], $0x1, s31, s16, $0xb8;
	[tilespmem:$0x2AF8] =	vst v63  }
0x81: {  	s19 =	sadd.s32 $0x380, s19  }
0x82: {  	[spmem:s3] =	stream.indirect.scatter.add.f32 [tilespmem:s15], [sflag:$0x1], $0x1, s19, s16, $0xb8;
	[tilespmem:$0x2AF8] =	vst v63  }
0x83: {  	_ =	swait.ge [sflag:s17], $0x80  }
0x84: {  	[sflag:s17] =	ssyncset.done $0x0  }
0x85: {  	[sflag:s17] =	ssyncadd.s32 $0xFFFFFF80  }
0x86: {  	_ =	swait.ge [sflag:s17], $0x80  }
0x87: {  	[sflag:s17] =	ssyncset.done $0x0  }
0x88: {  	[sflag:s17] =	ssyncadd.s32 $0xFFFFFF80  }
0x89: {  	_ =	swait.ge [sflag:s17], $0x80  }
0x8a: {  	[sflag:s17] =	ssyncset.done $0x0  }
0x8b: {  	[sflag:s17] =	ssyncadd.s32 $0xFFFFFF80  }
0x8c: {  	_ =	swait.ge [sflag:s17], $0x80  }
0x8d: {  	[sflag:s17] =	ssyncset.done $0x0  }
0x8e: {  	[sflag:s17] =	ssyncadd.s32 $0xFFFFFF80  }
0x8f: {  	_ =	swait.ge [sflag:s17], $0x80  }
0x90: {  	[sflag:s17] =	ssyncset.done $0x0  }
0x91: {  	[sflag:s17] =	ssyncadd.s32 $0xFFFFFF80  }
0x92: {  	_ =	swait.ge [sflag:s17], $0x80  }
0x93: {  	[sflag:s17] =	ssyncset.done $0x0  }
0x94: {  	[sflag:s17] =	ssyncadd.s32 $0xFFFFFF80  }
0x95: {  	_ =	swait.ge [sflag:s17], $0x80  }
0x96: {  	[sflag:s17] =	ssyncset.done $0x0  }
0x97: {  	[sflag:s17] =	ssyncadd.s32 $0xFFFFFF80  }
0x98: {  	_ =	swait.ge [sflag:s17], $0x80  }
0x99: {  	[sflag:s17] =	ssyncset.done $0x0  }
0x9a: {  	s21 =	simm.s32 @p0 $0x10;
	s22 =	simm.s32 @p0 $0x1FC2;
	[sflag:s17] =	ssyncadd.s32 $0xFFFFFF80  }
0x9b: {  	s20 =	simm.s32 @p0 $0x20;
	s19 =	simm.s32 @p0 $0x1;
	[bflag:$0x0] =	sbarrier.arrive $0xFFFF  }
0x9c: {  	[hbm:s9@s20], [sflag:s22] =	dma.strided @p0 [spmem:s11@s21], $0x40, s19, $0x10   }
0x9d: {  	s19 =	simm.s32 @p0 $0x2  }
0x9e: {  	s18 =	sadd.s32 $0x1, s18;
	_ =	swait.ge @p0 [sflag:s19], $0x40  }
0x9f: {  	p1 =	sne.s32 s18, s10;
	s20 =	simm.s32 @!p0 $0x20;
	[sflag:s19] =	ssyncset.done @p0 $0x0  }
0xa0: {  	s21 =	simm.s32 @!p0 $0x10;
	[sflag:s19] =	ssyncadd.s32 @p0 $0xFFFFFFC0;
	s19 =	simm.s32 @!p0 $0x1  }
0xa1: {  	[hbm:s8@s20], [sflag:s12] =	dma.strided @!p0 [spmem:s13@s21], $0x50, s19, $0x10   }
.Ltmp1:
0xa2: {  	_ = 	snop;
	(pc) =	sbr.rel @p1 .LBB2_1-.Ltmp1, $4  }
0xa3: {  	s19 =	simm.s32 @!p0 $0x2  }
0xa4: {  	_ =	swait.ge @!p0 [sflag:s19], $0x50  }
0xa5: {  	[sflag:s19] =	ssyncset.done @!p0 $0x0  }
0xa6: {  	[sflag:s19] =	ssyncadd.s32 @!p0 $0xFFFFFFB0  }
0xa7: {  	_ =	sfence.sel $0x180000  }
0xa8: {  	[bflag:$0x0] =	sbarrier.arrive $0xFFFF  }
0xa9: {  	p0 =	sne.s32 s0, $0x0;
	_ =	strace $0x90000047  }
0xaa: {  	s0 =	sadd.s32 @!p0 $0x100000, s1;
	[bflag:$0x2] =	sbarrier.arrive $0xFFFF  }
0xab: {  	[sflag:s0] =	ssyncadd.tile.s32 @!p0 $0x1;
	_ =	shalt  }
.Lfunc_end2:
_tile_overlayer_lowered:
.L_overlay_start_2:
0xac: {  	(tag) =	ssettag $0x2  }
0xad: {  	s0 =	rddreg [dreg:$0x0];
	s2 =	stileid.u32  }
0xae: {  	s1 =	rddreg [dreg:$0x1];
	p0 =	sne.s32 s2, $0x0  }
0xaf: {  	s3 =	rddreg [dreg:$0x2];
	[bflag:$0x3] =	sbarrier.arrive $0xFFFF;
	s2 =	simm.s32 @!p0 $0x1C02  }
0xb0: {  	[timem:s3], [sflag:s2] =	dma.local @!p0 [hbm:s0], s1  }
0xb1: {  	s0 =	simm.s32 @!p0 $0x2  }
0xb2: {  	_ =	swait.ge @!p0 [sflag:s0], s1  }
0xb3: {  	s1 =	ssub.s32 @!p0 $0x0, s1;
	[sflag:s0] =	ssyncset.done @!p0 $0x0  }
0xb4: {  	[sflag:s0] =	ssyncadd.s32 @!p0 s1  }
0xb5: {  	[bflag:$0x3] =	sbarrier.arrive $0xFFFF  }
0xb6: {  	_ =	shalt  }

// kernel: kernel.15.cloned.1.call-start
scs
__scs_entry_jumppad:
0x0: {  	(pc) =	sbr.rel $0x88, $3  }
0x1: {  	(tag) =	ssettag $0x0;
	lr =	simm.s32 $0x1  }
0x2: {  	[smem:$0x3F94] =	sst lr;
	_ =	strace $0xD0000000  }
0x3: {  	_ = 	snop  }
0x4: {  	_ = 	snop  }
0x5: {  	_ = 	snop  }
0x6: {  	_ = 	snop  }
0x7: {  	_ = 	snop  }
__scs_overlays_trampoline_lowered:
0x8: {  	[smem:$0x3FA3] =	sst s0  }
0x9: {  	[smem:$0x3FA4] =	sst s1  }
0xa: {  	[smem:$0x3FA5] =	sst s2  }
0xb: {  	[smem:$0x3FA6] =	sst s3  }
0xc: {  	[smem:$0x3FA7] =	sst s4  }
0xd: {  	[smem:$0x3FA8] =	sst s5  }
0xe: {  	[smem:$0x3FA9] =	sst s6  }
0xf: {  	[smem:$0x3FAA] =	sst s7  }
0x10: {  	[smem:$0x3FAB] =	sst s8  }
0x11: {  	[smem:$0x3FAC] =	sst s9;
	s0 =	simm.s32 @!p0 $0x0  }
0x12: {  	s1 =	sld [smem:$0x3F92];
	s0 =	simm.s32 @p0 $0x1  }
0x13: {  	[smem:$0x3FAD] =	sst s0;
	s0 =	simm.s32 @!p1 $0x0  }
0x14: {  	s2 =	sld [smem:$0x3F91];
	s0 =	simm.s32 @p1 $0x1  }
0x15: {  	[smem:$0x3FAE] =	sst s0;
	s0 =	simm.s32 @!p2 $0x0  }
0x16: {  	s3 =	sld [smem:$0x3FDB];
	s0 =	simm.s32 @p2 $0x1  }
0x17: {  	s4 =	simm.s32 $0x1BF5;
	[smem:$0x3FB0] =	sst s0  }
0x18: {  	s0 =	sld [smem:$0x3F93];
	_ =	swait.ge [sflag:s4], $0x0  }
0x19: {  	s7 =	sld [smem:$0x3F94]  }
0x1a: {  	s8 =	sadd.s32 $0xFFFFE003, lr  }
0x1b: {  	s9 =	sadd.s32 $0xFFFFFEF7, lr;
	s5 =	simm.s32 $0xFFFFFFFF;
	p2 =	slt.u32 s8, $0xFFFFF086  }
0x1c: {  	p1 =	slt.u32 s9, $0xF7A;
	s5 =	simm.s32 @!p2 $0x0  }
0x1d: {  	s5 =	simm.s32 @p1 $0x1;
	p0 =	seq.s32 s7, s2  }
0x1e: {  	s7 =	smul.u32 @!p0 $0xF7A, s2;
	p2 =	seq.s32 @!p0 s5, $0x0  }
0x1f: {  	s9 =	smul.u32 $0xF7A, s1;
	s8 =	simm.s32 @!p0 $0x1BF5;
	p2 =	por !p2, p0  }
0x20: {  	[sflag:s8] =	ssyncset.s32 @!p0 $0xFFFFF086;
	s6 =	sadd.s32 @!p0 s3, s7;
	s7 =	simm.s32 @!p0 $0x108  }
0x21: {  	s3 =	sadd.s32 s3, s9;
	s6 =	sadd.s32 @!p0 $0x88, s6;
	s7 =	simm.s32 @p2 $0x1082  }
0x22: {  	[simem:s7], [sflag:s8] =	dma.local @!p0 [hbm:s6], $0xF7A  }
0x23: {  	s9 =	sor.u32 $0xD0000000, s2;
	s6 =	simm.s32 $0x108;
	_ =	swait.ge @!p0 [sflag:s8], $0x0  }
0x24: {  	s3 =	sadd.s32 $0x88, s3;
	s6 =	simm.s32 @!p1 $0x1082;
	[sflag:s4] =	ssyncset.s32 $0xFFFFF086  }
0x25: {  	[simem:s6], [sflag:s4] =	dma.local [hbm:s3], $0xF7A  }
0x26: {  	[smem:$0x3F94] =	sst s1;
	(tag) =	ssettag s2;
	_ =	strace s9  }
0x27: {  	s1 =	sld [smem:$0x3FA4]  }
0x28: {  	s2 =	sld [smem:$0x3FA5]  }
0x29: {  	s4 =	sld [smem:$0x3FA7]  }
0x2a: {  	p0 =	seq.s32 s5, $0x0;
	s5 =	sld [smem:$0x3FA8]  }
0x2b: {  	s6 =	sld [smem:$0x3FA9]  }
0x2c: {  	s7 =	sld [smem:$0x3FAA]  }
0x2d: {  	s3 =	simm.s32 $0x108;
	s8 =	sld [smem:$0x3FAB]  }
0x2e: {  	s3 =	simm.s32 @!p0 $0x1082;
	s9 =	sld [smem:$0x3FAC]  }
0x2f: {  	lr =	sadd.s32 s0, s3;
	s0 =	sld [smem:$0x3FA3]  }
0x30: {  	s3 =	sld [smem:$0x3FA6]  }
0x31: {  	[smem:$0x3FAF] =	sst s10  }
0x32: {  	s10 =	sld [smem:$0x3FAD];
	_ =	sdelay $0x3  }
0x33: {  	p0 =	seq.s32 s10, $0x1;
	s10 =	sld [smem:$0x3FAF];
	_ =	sdelay $0x3  }
0x34: {  	[smem:$0x3FAF] =	sst s10  }
0x35: {  	s10 =	sld [smem:$0x3FAE];
	_ =	sdelay $0x3  }
0x36: {  	p1 =	seq.s32 s10, $0x1;
	s10 =	sld [smem:$0x3FAF];
	_ =	sdelay $0x3  }
0x37: {  	[smem:$0x3FAF] =	sst s10  }
0x38: {  	s10 =	sld [smem:$0x3FB0]  }
0x39: {  	_ = 	snop;
	(pc) =	sbr.ind lr, $3  }
0x3a: {  	_ = 	snop  }
0x3b: {  	_ = 	snop  }
0x3c: {  	p2 =	seq.s32 s10, $0x1;
	s10 =	sld [smem:$0x3FAF]  }
0x3d: {  	_ =	shalt  }
0x3e: {  	_ =	shalt  }
0x3f: {  	_ =	shalt  }
0x40: {  	_ =	shalt  }
0x41: {  	_ =	shalt  }
0x42: {  	_ =	shalt  }
0x43: {  	_ =	shalt  }
0x44: {  	_ =	shalt  }
0x45: {  	_ =	shalt  }
0x46: {  	_ =	shalt  }
0x47: {  	_ =	shalt  }
0x48: {  	_ =	shalt  }
0x49: {  	_ =	shalt  }
0x4a: {  	_ =	shalt  }
0x4b: {  	_ =	shalt  }
0x4c: {  	_ =	shalt  }
0x4d: {  	_ =	shalt  }
0x4e: {  	_ =	shalt  }
0x4f: {  	_ =	shalt  }
0x50: {  	_ =	shalt  }
0x51: {  	_ =	shalt  }
0x52: {  	_ =	shalt  }
0x53: {  	_ =	shalt  }
0x54: {  	_ =	shalt  }
0x55: {  	_ =	shalt  }
0x56: {  	_ =	shalt  }
0x57: {  	_ =	shalt  }
0x58: {  	_ =	shalt  }
0x59: {  	_ =	shalt  }
0x5a: {  	_ =	shalt  }
0x5b: {  	_ =	shalt  }
0x5c: {  	_ =	shalt  }
0x5d: {  	_ =	shalt  }
0x5e: {  	_ =	shalt  }
0x5f: {  	_ =	shalt  }
0x60: {  	_ =	shalt  }
0x61: {  	_ =	shalt  }
0x62: {  	_ =	shalt  }
0x63: {  	_ =	shalt  }
0x64: {  	_ =	shalt  }
0x65: {  	_ =	shalt  }
0x66: {  	_ =	shalt  }
0x67: {  	_ =	shalt  }
0x68: {  	_ =	shalt  }
0x69: {  	_ =	shalt  }
0x6a: {  	_ =	shalt  }
0x6b: {  	_ =	shalt  }
0x6c: {  	_ =	shalt  }
0x6d: {  	_ =	shalt  }
0x6e: {  	_ =	shalt  }
0x6f: {  	_ =	shalt  }
0x70: {  	_ =	shalt  }
0x71: {  	_ =	shalt  }
0x72: {  	_ =	shalt  }
0x73: {  	_ =	shalt  }
0x74: {  	_ =	shalt  }
0x75: {  	_ =	shalt  }
0x76: {  	_ =	shalt  }
0x77: {  	_ =	shalt  }
0x78: {  	_ =	shalt  }
0x79: {  	_ =	shalt  }
0x7a: {  	_ =	shalt  }
0x7b: {  	_ =	shalt  }
0x7c: {  	_ =	shalt  }
0x7d: {  	_ =	shalt  }
0x7e: {  	_ =	shalt  }
0x7f: {  	_ =	shalt  }
0x80: {  	_ =	shalt  }
0x81: {  	_ =	shalt  }
0x82: {  	_ =	shalt  }
0x83: {  	_ =	shalt  }
0x84: {  	_ =	shalt  }
0x85: {  	_ =	shalt  }
0x86: {  	_ =	shalt  }
0x87: {  	_ =	shalt  }
.Lfunc_end0:
.L_simem_size_0:
called_computation.1_lowered:
.L_overlay_start_0:
0x88: {  	s2 =	sld [smem:$0x3FD9]  }
0x89: {  	s3 =	sld [smem:$0x3FFE];
	_ =	sdelay $0x1  }
0x8a: {  	s1 =	srdreg.scid  }
0x8b: {  	s0 =	sand.u32 $0x1, s1  }
0x8c: {  	s16 =	sshll.u32 s0, $0xA;
	s2 =	sadd.s32 s3, s2  }
0x8d: {  	s2 =	sadd.s32 s2, s16  }
0x8e: {  	[smem:$0x3FBB] =	sst s2  }
0x8f: {  	_ = 	snop  }
0x90: {  	(tm) =	ssettm $0x1  }
0x91: {  	s17 =	sld [smem:$0x3FFB];
	_ =	sdelay $0x3  }
0x92: {  	_ =	strace s17  }
0x93: {  	s2 =	sld [smem:$0x3FFC];
	_ =	sdelay $0x3  }
0x94: {  	_ =	strace s2  }
0x95: {  	s2 =	sld [smem:$0x3FFD];
	_ =	sdelay $0x3  }
0x96: {  	_ =	strace s2  }
0x97: {  	_ =	strace $0x8FFFFFFF  }
0x98: {  	s18 =	sld [smem:$0x3FDB];
	_ =	sdelay $0x1  }
0x99: {  	s19 =	simm.s32 $_scs_section_size  }
0x9a: {  	s4 =	simm.s32 $_size__tile_overlayer_lowered;
	s5 =	simm.s32 $_tile_overlayer_lowered  }
0x9b: {  	s22 =	simm.s32 $0x1BFF;
	s21 =	sshll.u32 s5, $0x1;
	s2 =	sadd.s32 s19, s18  }
0x9c: {  	s6 =	simm.s32 $0x0;
	s20 =	sshll.u32 s4, $0x1;
	s4 =	sadd.s32 s21, s2  }
0x9d: {  	[timem:s6], [sflag:s22] =	dma.local [hbm:s4], s20  }
0x9e: {  	_ =	swait.ge [sflag:s22], s20  }
0x9f: {  	s3 =	ssub.s32 $0x0, s20;
	[sflag:s22] =	ssyncset.done $0x0  }
0xa0: {  	[sflag:s22] =	ssyncadd.s32 s3;
	_ =	sdelay $0x1  }
0xa1: {  	s23 =	simm.s32 $0x1B8B  }
0xa2: {  	_ =	swait.ge [sflag:s23], $0x1  }
0xa3: {  	[sflag:s23] =	ssyncset.done $0x0  }
0xa4: {  	s25 =	simm.s32 $0x1B8E;
	s24 =	sld [smem:$0x3FFE];
	[sflag:s23] =	ssyncadd.s32 $0xFFFFFFFF  }
0xa5: {  	s26 =	simm.s32 $execute0_lowered;
	[smem:$0x3FD2] =	sst s25  }
0xa6: {  	s4 =	sshll.u32 s26, $0x1;
	_ =	strace $0x80000049;
	[dreg:$0x1] =	wrdreg $0xFFFFFFFF  }
0xa7: {  	s28 =	simm.s32 $_size_execute0_lowered;
	s2 =	sadd.s32 s2, s4;
	[dreg:$0x0] =	wrdreg $0x0  }
0xa8: {  	s4 =	sshll.u32 s28, $0x1;
	[dreg:$0x2] =	wrdreg s2  }
0xa9: {  	[dreg:$0x3] =	wrdreg s4  }
0xaa: {  	[dreg:$0x4] =	wrdreg $0xC0  }
0xab: {  	_ =	task [dreg:s6], $0x5FFFF  }
0xac: {  	[dreg:$0x1] =	wrdreg $0xFFFFFFFF  }
0xad: {  	[dreg:$0x0] =	wrdreg $0x60  }
0xae: {  	[dreg:$0x2] =	wrdreg s24  }
0xaf: {  	[dreg:$0x3] =	wrdreg $0xA9000  }
0xb0: {  	[dreg:$0x4] =	wrdreg $0x9  }
0xb1: {  	_ =	task.clear_ibuf [dreg:s6], $0x5FFFF;
	_ =	strace $0x90000049  }
0xb2: {  	s29 =	simm.s32 $0x9;
	_ =	strace $0x8000004B  }
0xb3: {  	_ =	swait.ge [sflag:s29], $0x1  }
0xb4: {  	[sflag:s29] =	ssyncadd.s32 $0xFFFFFFFF  }
0xb5: {  	_ =	strace $0x9000004B  }
0xb6: {  	_ =	sfence  }
0xb7: {  	s30 =	sld [smem:$0x0];
	_ =	sdelay $0x2  }
0xb8: {  	s31 =	sshll.u32 s1, $0xD;
	s1 =	sshrl.u32 s1, $0x2  }
0xb9: {  	s3 =	sand.u32 $0x4000, s31;
	s1 =	sadd.s32 s1, s30  }
0xba: {  	s0 =	sor.u32 s3, s0;
	s1 =	sshll.u32 s1, $0x11  }
0xbb: {  	s0 =	sor.u32 s1, s0  }
0xbc: {  	s0 =	sadd.s32 $0x8F2B, s0  }
0xbd: {  	[sflag:s0] =	ssyncadd.remote.s32 $0x1  }
0xbe: {  	_ =	sfence.sel $0xFFFF  }
0xbf: {  	[dreg:$0x0] =	wrdreg $0xFFFFFFFF;
	(pc) =	sbr.abs _section_cstart, $3  }
0xc0: {  	[dreg:$0x1] =	wrdreg $0xFFFFFFFF  }
0xc1: {  	_ =	task.clear_ibuf [dreg:s6], $0x2FFFF;
	_ =	strace $0x9FFFFFFF  }
0xc2: {  	(tm) =	ssettm $0x7FFFFFFF  }
0xc3: {  	_ =	shalt  }
tec
execute0_lowered:
.L_overlay_start_1:
0x0: {  	(tag) =	ssettag $0x1  }
0x1: {  	s0 =	srdreg.scid;
	s1 =	rddreg [dreg:$0x0]  }
0x2: {  	s2 =	rddreg [dreg:$0x1];
	s14 =	stileid.u32;
	s3 =	simm.s32 $0x0  }
0x3: {  	s15 =	simm.s32 $0x7;
	s18 =	simm.s32 $0x2800;
	s19 =	simm.s32 $0x80  }
0x4: {  	s20 =	simm.s32 $0x2900;
	s21 =	simm.s32 $0x2880;
	s22 =	simm.s32 $0x6900  }
0x5: {  	s28 =	simm.s32 $0x2;
	s29 =	simm.s32 $0x6;
	s30 =	simm.s32 $0x4  }
0x6: {  	s0 =	sand.u32 $0x1, s0;
	[smem:$0x7FF] =	sst s3;
	s7 =	smul.u32 $0x13C00, s14  }
0x7: {  	s5 =	sadd.s32 $0x18000, s1;
	s6 =	sadd.s32 $0x4000, s1;
	s23 =	smul.u32 $0x4F000, s14  }
0x8: {  	s31 =	sshll.u32 s14, $0x6;
	s4 =	sshll.u32 s0, $0x4;
	_ =	strace $0x8000004A  }
0x9: {  	s9 =	smul.u32 $0x13C000, s0;
	s0 =	ssub.s32 $0x2, s0;
	s16 =	sor.u32 $0x1C07, s31  }
0xa: {  	s4 =	sor.u32 s14, s4;
	s11 =	sshrl.u32 s7, $0x3;
	s12 =	sshrl.u32 s0, $0x1  }
0xb: {  	s24 =	sshrl.u32 s23, $0x2;
	s23 =	simm.s32 $0x1;
	s11 =	sadd.s32 s11, s1  }
0xc: {  	s4 =	smul.u32 $0x2800, s4;
	s0 =	ssub.s32 s0, s12;
	s26 =	sadd.s32 $0x3F800, s11  }
0xd: {  	s7 =	sadd.s32 s7, s9;
	s0 =	smax.u32 s0, $0x1;
	[dreg:$0x4] =	wrdreg s26  }
0xe: {  	s7 =	sshrl.u32 s7, $0x3;
	s8 =	sshrl.u32 s4, $0x3;
	[dreg:$0x6] =	wrdreg s0  }
0xf: {  	s0 =	simm.s32 $0x0;
	s10 =	sadd.s32 s8, s1;
	s1 =	sadd.s32 s7, s1  }
0x10: {  	s7 =	sadd.s32 s24, s2;
	s9 =	sadd.s32 s6, s8;
	s24 =	simm.s32 $0x5  }
0x11: {  	s25 =	sadd.s32 $0xE000, s10;
	s1 =	sadd.s32 $0x67000, s1;
	s12 =	sadd.s32 $0x10, s9  }
0x12: {  	s13 =	sadd.s32 $0x20, s9;
	s14 =	sadd.s32 $0x4F0, s9;
	[dreg:$0x3] =	wrdreg s25  }
0x13: {  	s17 =	sshrl.u32 s7, $0x3;
	[dreg:$0x5] =	wrdreg s1;
	s25 =	simm.s32 $0x3  }
.LBB2_1:
0x14: {  	s1 =	rddreg [dreg:$0x3]  }
0x15: {  	[tilespmem:s3], [sflag:$0x7] =	stream.linear.gather [hbm4b:s1+s3], $0x2800, $0x38;
	[tilespmem:$0x1E500] =	vst v63  }
0x16: {  	_ =	swait.ge [sflag:s15], $0x2800  }
0x17: {  	[sflag:s15] =	ssyncset.done $0x0  }
0x18: {  	s7 =	rddreg [dreg:$0x4];
	[sflag:s15] =	ssyncadd.s32 $0xFFFFD800  }
0x19: {  	[spmem:s17], [sflag:s16] =	dma.local [hbm:s7], $0x2780  }
0x1a: {  	_ =	swait.ge [sflag:s15], $0x2780  }
0x1b: {  	[sflag:s15] =	ssyncset.done $0x0  }
0x1c: {  	[sflag:s15] =	ssyncadd.s32 $0xFFFFD880  }
0x1d: {  	[bflag:$0x0] =	sbarrier.arrive $0xFFFF  }
0x1e: {  	[tilespmem:s18], [sflag:$0x5] =	stream.linear.gather [hbm4b:s9+s3], $0x80, $0x38;
	[tilespmem:$0x1E500] =	vst v63  }
0x1f: {  	_ = 	snop  }
0x20: {  	[tilespmem:s20], [sflag:$0x1] =	stream.indirect.gather [hbm4b:s5+s19], $0x80, s3, s19, $0xb8;
	[tilespmem:$0x1E500] =	vst v63  }
0x21: {  	_ = 	snop  }
0x22: {  	[tilespmem:s21], [sflag:$0x6] =	stream.linear.gather [hbm4b:s12+s3], $0x80, $0x38;
	[tilespmem:$0x1E500] =	vst v63  }
0x23: {  	_ = 	snop  }
0x24: {  	[tilespmem:s22], [sflag:$0x2] =	stream.indirect.gather [hbm4b:s5+s19], $0x80, s19, s19, $0xb8;
	[tilespmem:$0x1E500] =	vst v63  }
0x25: {  	_ =	swait.ge [sflag:s23], $0x4000  }
0x26: {  	[sflag:s23] =	ssyncset.done $0x0  }
0x27: {  	[sflag:s23] =	ssyncadd.s32 $0xFFFFC000  }
0x28: {  	_ =	swait.ge [sflag:s24], $0x80  }
0x29: {  	[sflag:s24] =	ssyncset.done $0x0  }
0x2a: {  	[sflag:s24] =	ssyncadd.s32 $0xFFFFFF80  }
0x2b: {  	[spmem:s2] =	stream.indirect.scatter.add.f32 [tilespmem:s20], [sflag:$0x3], $0x80, s18, s19, $0xb8;
	[tilespmem:$0x1E500] =	vst v63  }
0x2c: {  	_ =	swait.ge [sflag:s25], $0x4000  }
0x2d: {  	[sflag:s25] =	ssyncset.done $0x0  }
0x2e: {  	[sflag:s25] =	ssyncadd.s32 $0xFFFFC000  }
0x2f: {  	[tilespmem:s18], [sflag:$0x5] =	stream.linear.gather [hbm4b:s13+s3], $0x80, $0x38;
	[tilespmem:$0x1E500] =	vst v63  }
0x30: {  	s8 =	simm.s32 $0x100  }
0x31: {  	[tilespmem:s20], [sflag:$0x1] =	stream.indirect.gather [hbm4b:s5+s19], $0x80, s8, s19, $0xb8;
	[tilespmem:$0x1E500] =	vst v63  }
0x32: {  	_ =	swait.ge [sflag:s28], $0x4000  }
0x33: {  	[sflag:s28] =	ssyncset.done $0x0  }
0x34: {  	[sflag:s28] =	ssyncadd.s32 $0xFFFFC000  }
0x35: {  	s10 =	simm.s32 $0x100;
	_ =	swait.ge [sflag:s29], $0x80  }
0x36: {  	s1 =	sand.u32 $0x3C00, s10;
	s7 =	simm.s32 $0x180;
	[sflag:s29] =	ssyncset.done $0x0  }
0x37: {  	s1 =	sadd.s32 s4, s1;
	s7 =	sand.u32 $0x380, s7;
	[sflag:s29] =	ssyncadd.s32 $0xFFFFFF80  }
0x38: {  	[spmem:s2] =	stream.indirect.scatter.add.f32 [tilespmem:s22], [sflag:$0x4], $0x80, s21, s19, $0xb8;
	[tilespmem:$0x1E500] =	vst v63  }
0x39: {  	s1 =	sor.u32 s1, s7;
	_ =	swait.ge [sflag:s30], $0x4000  }
0x3a: {  	s1 =	sshrl.u32 s1, $0x3;
	[sflag:s30] =	ssyncset.done $0x0  }
0x3b: {  	s1 =	sadd.s32 s6, s1;
	[sflag:s30] =	ssyncadd.s32 $0xFFFFC000  }
0x3c: {  	[tilespmem:s21], [sflag:$0x6] =	stream.linear.gather [hbm4b:s1+s3], $0x80, $0x38;
	[tilespmem:$0x1E500] =	vst v63  }
0x3d: {  	s11 =	simm.s32 $0x180  }
0x3e: {  	[tilespmem:s22], [sflag:$0x2] =	stream.indirect.gather [hbm4b:s5+s19], $0x80, s11, s19, $0xb8;
	[tilespmem:$0x1E500] =	vst v63  }
0x3f: {  	_ =	swait.ge [sflag:s23], $0x4000  }
0x40: {  	[sflag:s23] =	ssyncset.done $0x0  }
0x41: {  	[sflag:s23] =	ssyncadd.s32 $0xFFFFC000  }
0x42: {  	s26 =	simm.s32 $0x200;
	_ =	swait.ge [sflag:s24], $0x80  }
0x43: {  	s8 =	sand.u32 $0x7C00, s26;
	[sflag:s24] =	ssyncset.done $0x0  }
0x44: {  	s7 =	sadd.s32 s4, s8;
	s1 =	sand.u32 $0x300, s26;
	[sflag:s24] =	ssyncadd.s32 $0xFFFFFF80  }
0x45: {  	[spmem:s2] =	stream.indirect.scatter.add.f32 [tilespmem:s20], [sflag:$0x3], $0x80, s18, s19, $0xb8;
	[tilespmem:$0x1E500] =	vst v63  }
0x46: {  	s1 =	sor.u32 s1, s7;
	_ =	swait.ge [sflag:s25], $0x4000  }
0x47: {  	s1 =	sshrl.u32 s1, $0x3;
	[sflag:s25] =	ssyncset.done $0x0  }
0x48: {  	s1 =	sadd.s32 s6, s1;
	[sflag:s25] =	ssyncadd.s32 $0xFFFFC000  }
0x49: {  	[tilespmem:s18], [sflag:$0x5] =	stream.linear.gather [hbm4b:s1+s3], $0x80, $0x38;
	[tilespmem:$0x1E500] =	vst v63  }
0x4a: {  	s10 =	simm.s32 $0x200  }
0x4b: {  	[tilespmem:s20], [sflag:$0x1] =	stream.indirect.gather [hbm4b:s5+s19], $0x80, s10, s19, $0xb8;
	[tilespmem:$0x1E500] =	vst v63  }
0x4c: {  	_ =	swait.ge [sflag:s28], $0x4000  }
0x4d: {  	[sflag:s28] =	ssyncset.done $0x0  }
0x4e: {  	s31 =	simm.s32 $0x400;
	s8 =	simm.s32 $0x280;
	[sflag:s28] =	ssyncadd.s32 $0xFFFFC000  }
0x4f: {  	s26 =	simm.s32 $0x300;
	s11 =	simm.s32 $0x200;
	_ =	swait.ge [sflag:s29], $0x80  }
0x50: {  	s7 =	sand.u32 $0x3C00, s11;
	s1 =	simm.s32 $0x280;
	[sflag:s29] =	ssyncset.done $0x0  }
.LBB2_2:
0x51: {  	s7 =	sadd.s32 s4, s7  }
0x52: {  	s8 =	sand.u32 $0x380, s8;
	[sflag:s29] =	ssyncadd.s32 $0xFFFFFF80;
	s10 =	smov.u32 s31  }
0x53: {  	[spmem:s2] =	stream.indirect.scatter.add.f32 [tilespmem:s22], [sflag:$0x4], $0x80, s21, s19, $0xb8;
	[tilespmem:$0x1E500] =	vst v63  }
0x54: {  	s11 =	sadd.s32 $0x100, s31;
	s7 =	sor.u32 s7, s8;
	_ =	swait.ge [sflag:s30], $0x4000  }
0x55: {  	p0 =	sne.s32 s31, $0x2700;
	s7 =	sshrl.u32 s7, $0x3;
	[sflag:s30] =	ssyncset.done $0x0  }
0x56: {  	s7 =	sadd.s32 s6, s7;
	[sflag:s30] =	ssyncadd.s32 $0xFFFFC000  }
0x57: {  	[tilespmem:s21], [sflag:$0x6] =	stream.linear.gather [hbm4b:s7+s3], $0x80, $0x38;
	[tilespmem:$0x1E500] =	vst v63  }
0x58: {  	_ = 	snop  }
0x59: {  	[tilespmem:s22], [sflag:$0x2] =	stream.indirect.gather [hbm4b:s5+s19], $0x80, s1, s19, $0xb8;
	[tilespmem:$0x1E500] =	vst v63  }
0x5a: {  	_ =	swait.ge [sflag:s23], $0x4000  }
0x5b: {  	[sflag:s23] =	ssyncset.done $0x0  }
0x5c: {  	[sflag:s23] =	ssyncadd.s32 $0xFFFFC000  }
0x5d: {  	_ =	swait.ge [sflag:s24], $0x80  }
0x5e: {  	s7 =	sand.u32 $0x7C00, s26;
	[sflag:s24] =	ssyncset.done $0x0  }
0x5f: {  	s8 =	sand.u32 $0x300, s26;
	s7 =	sadd.s32 s4, s7;
	[sflag:s24] =	ssyncadd.s32 $0xFFFFFF80  }
0x60: {  	[spmem:s2] =	stream.indirect.scatter.add.f32 [tilespmem:s20], [sflag:$0x3], $0x80, s18, s19, $0xb8;
	[tilespmem:$0x1E500] =	vst v63  }
0x61: {  	s26 =	smov.u32 s10;
	s7 =	sor.u32 s8, s7;
	_ =	swait.ge [sflag:s25], $0x4000  }
0x62: {  	s7 =	sshrl.u32 s7, $0x3;
	[sflag:s25] =	ssyncset.done $0x0  }
0x63: {  	s7 =	sadd.s32 s6, s7;
	[sflag:s25] =	ssyncadd.s32 $0xFFFFC000  }
0x64: {  	[tilespmem:s18], [sflag:$0x5] =	stream.linear.gather [hbm4b:s7+s3], $0x80, $0x38;
	[tilespmem:$0x1E500] =	vst v63  }
0x65: {  	s7 =	sadd.s32 $0x80, s1  }
0x66: {  	[tilespmem:s20], [sflag:$0x1] =	stream.indirect.gather [hbm4b:s5+s19], $0x80, s7, s19, $0xb8;
	[tilespmem:$0x1E500] =	vst v63  }
.Ltmp0:
0x67: {  	_ =	swait.ge [sflag:s28], $0x4000;
	(pc) =	sbr.rel @p0 .LBB2_2-.Ltmp0, $4  }
0x68: {  	[sflag:s28] =	ssyncset.done $0x0  }
0x69: {  	s31 =	smov.u32 s11;
	[sflag:s28] =	ssyncadd.s32 $0xFFFFC000  }
0x6a: {  	s1 =	sadd.s32 $0x100, s1;
	s7 =	sadd.s32 $0xFFFFFF00, s26;
	_ =	swait.ge [sflag:s29], $0x80  }
0x6b: {  	s8 =	sadd.s32 $0xFFFFFF80, s26;
	s7 =	sand.u32 $0x3C00, s7;
	[sflag:s29] =	ssyncset.done $0x0  }
0x6c: {  	s7 =	sadd.s32 s4, s7;
	s8 =	sand.u32 $0x380, s8;
	[sflag:s29] =	ssyncadd.s32 $0xFFFFFF80  }
0x6d: {  	[spmem:s2] =	stream.indirect.scatter.add.f32 [tilespmem:s22], [sflag:$0x4], $0x80, s21, s19, $0xb8;
	[tilespmem:$0x1E500] =	vst v63  }
0x6e: {  	s7 =	sor.u32 s7, s8;
	_ =	swait.ge [sflag:s30], $0x4000  }
0x6f: {  	s7 =	sshrl.u32 s7, $0x3;
	[sflag:s30] =	ssyncset.done $0x0  }
0x70: {  	s7 =	sadd.s32 s6, s7;
	[sflag:s30] =	ssyncadd.s32 $0xFFFFC000  }
0x71: {  	[tilespmem:s21], [sflag:$0x6] =	stream.linear.gather [hbm4b:s7+s3], $0x80, $0x38;
	[tilespmem:$0x1E500] =	vst v63  }
0x72: {  	_ = 	snop  }
0x73: {  	[tilespmem:s22], [sflag:$0x2] =	stream.indirect.gather [hbm4b:s5+s19], $0x80, s1, s19, $0xb8;
	[tilespmem:$0x1E500] =	vst v63  }
0x74: {  	_ =	swait.ge [sflag:s23], $0x4000  }
0x75: {  	[sflag:s23] =	ssyncset.done $0x0  }
0x76: {  	[sflag:s23] =	ssyncadd.s32 $0xFFFFC000  }
0x77: {  	_ =	swait.ge [sflag:s24], $0x80  }
0x78: {  	s11 =	sand.u32 $0x7C00, s26;
	[sflag:s24] =	ssyncset.done $0x0  }
0x79: {  	s31 =	sand.u32 $0x300, s26;
	s7 =	sadd.s32 s4, s11;
	[sflag:s24] =	ssyncadd.s32 $0xFFFFFF80  }
0x7a: {  	[spmem:s2] =	stream.indirect.scatter.add.f32 [tilespmem:s20], [sflag:$0x3], $0x80, s18, s19, $0xb8;
	[tilespmem:$0x1E500] =	vst v63  }
0x7b: {  	s7 =	sor.u32 s31, s7;
	_ =	swait.ge [sflag:s25], $0x4000  }
0x7c: {  	s7 =	sshrl.u32 s7, $0x3;
	[sflag:s25] =	ssyncset.done $0x0  }
0x7d: {  	s7 =	sadd.s32 s6, s7;
	[sflag:s25] =	ssyncadd.s32 $0xFFFFC000  }
0x7e: {  	[tilespmem:s18], [sflag:$0x5] =	stream.linear.gather [hbm4b:s7+s3], $0x80, $0x38;
	[tilespmem:$0x1E500] =	vst v63  }
0x7f: {  	s10 =	sadd.s32 $0x80, s1  }
0x80: {  	[tilespmem:s20], [sflag:$0x1] =	stream.indirect.gather [hbm4b:s5+s19], $0x80, s10, s19, $0xb8;
	[tilespmem:$0x1E500] =	vst v63  }
0x81: {  	_ =	swait.ge [sflag:s28], $0x4000  }
0x82: {  	[sflag:s28] =	ssyncset.done $0x0  }
0x83: {  	[sflag:s28] =	ssyncadd.s32 $0xFFFFC000  }
0x84: {  	_ =	swait.ge [sflag:s29], $0x80  }
0x85: {  	[sflag:s29] =	ssyncset.done $0x0  }
0x86: {  	[sflag:s29] =	ssyncadd.s32 $0xFFFFFF80  }
0x87: {  	[spmem:s2] =	stream.indirect.scatter.add.f32 [tilespmem:s22], [sflag:$0x4], $0x80, s21, s19, $0xb8;
	[tilespmem:$0x1E500] =	vst v63  }
0x88: {  	_ =	swait.ge [sflag:s30], $0x4000  }
0x89: {  	[sflag:s30] =	ssyncset.done $0x0  }
0x8a: {  	[sflag:s30] =	ssyncadd.s32 $0xFFFFC000  }
0x8b: {  	[tilespmem:s21], [sflag:$0x6] =	stream.linear.gather [hbm4b:s14+s3], $0x80, $0x38;
	[tilespmem:$0x1E500] =	vst v63  }
0x8c: {  	s11 =	simm.s32 $0x2780  }
0x8d: {  	[tilespmem:s22], [sflag:$0x2] =	stream.indirect.gather [hbm4b:s5+s19], $0x80, s11, s19, $0xb8;
	[tilespmem:$0x1E500] =	vst v63  }
0x8e: {  	_ =	swait.ge [sflag:s23], $0x4000  }
0x8f: {  	[sflag:s23] =	ssyncset.done $0x0  }
0x90: {  	[sflag:s23] =	ssyncadd.s32 $0xFFFFC000  }
0x91: {  	_ =	swait.ge [sflag:s24], $0x80  }
0x92: {  	[sflag:s24] =	ssyncset.done $0x0  }
0x93: {  	[sflag:s24] =	ssyncadd.s32 $0xFFFFFF80  }
0x94: {  	[spmem:s2] =	stream.indirect.scatter.add.f32 [tilespmem:s20], [sflag:$0x3], $0x80, s18, s19, $0xb8;
	[tilespmem:$0x1E500] =	vst v63  }
0x95: {  	_ =	swait.ge [sflag:s28], $0x4000  }
0x96: {  	[sflag:s28] =	ssyncset.done $0x0  }
0x97: {  	[sflag:s28] =	ssyncadd.s32 $0xFFFFC000  }
0x98: {  	_ =	swait.ge [sflag:s29], $0x80  }
0x99: {  	[sflag:s29] =	ssyncset.done $0x0  }
0x9a: {  	[sflag:s29] =	ssyncadd.s32 $0xFFFFFF80  }
0x9b: {  	[spmem:s2] =	stream.indirect.scatter.add.f32 [tilespmem:s22], [sflag:$0x4], $0x80, s21, s19, $0xb8;
	[tilespmem:$0x1E500] =	vst v63  }
0x9c: {  	_ =	swait.ge [sflag:s25], $0x4000  }
0x9d: {  	[sflag:s25] =	ssyncset.done $0x0  }
0x9e: {  	[sflag:s25] =	ssyncadd.s32 $0xFFFFC000  }
0x9f: {  	_ =	swait.ge [sflag:s30], $0x4000  }
0xa0: {  	[sflag:s30] =	ssyncset.done $0x0  }
0xa1: {  	[sflag:s30] =	ssyncadd.s32 $0xFFFFC000  }
0xa2: {  	[bflag:$0x0] =	sbarrier.arrive $0xFFFF  }
0xa3: {  	s26 =	rddreg [dreg:$0x5]  }
0xa4: {  	[hbm:s26], [sflag:s16] =	dma.local [spmem:s17], $0x2780  }
0xa5: {  	_ =	swait.ge [sflag:s15], $0x2780  }
0xa6: {  	s0 =	sadd.s32 $0x1, s0;
	s31 =	rddreg [dreg:$0x6]  }
0xa7: {  	p0 =	sne.s32 s0, s31  }
.Ltmp1:
0xa8: {  	_ = 	snop;
	(pc) =	sbr.rel @p0 .LBB2_1-.Ltmp1, $3  }
0xa9: {  	_ =	sdelay $0x1  }
0xaa: {  	[sflag:s15] =	ssyncset.done $0x0  }
0xab: {  	[sflag:s15] =	ssyncadd.s32 $0xFFFFD880  }
0xac: {  	_ =	sfence.sel $0x180000  }
0xad: {  	[bflag:$0x0] =	sbarrier.arrive $0xFFFF  }
0xae: {  	_ =	strace $0x9000004A  }
0xaf: {  	s0 =	stileid.u32;
	[bflag:$0x2] =	sbarrier.arrive $0xFFFF  }
0xb0: {  	p0 =	sne.s32 s0, $0x0;
	s0 =	rddreg [dreg:$0x2]  }
0xb1: {  	s0 =	sadd.s32 @!p0 $0x100000, s0  }
0xb2: {  	[sflag:s0] =	ssyncadd.tile.s32 @!p0 $0x1;
	_ =	shalt  }
.Lfunc_end2:
_tile_overlayer_lowered:
.L_overlay_start_2:
0xb3: {  	(tag) =	ssettag $0x2  }
0xb4: {  	s0 =	rddreg [dreg:$0x0];
	s2 =	stileid.u32  }
0xb5: {  	s1 =	rddreg [dreg:$0x1];
	p0 =	sne.s32 s2, $0x0  }
0xb6: {  	s3 =	rddreg [dreg:$0x2];
	[bflag:$0x3] =	sbarrier.arrive $0xFFFF;
	s2 =	simm.s32 @!p0 $0x1C07  }
0xb7: {  	[timem:s3], [sflag:s2] =	dma.local @!p0 [hbm:s0], s1  }
0xb8: {  	s0 =	simm.s32 @!p0 $0x7  }
0xb9: {  	_ =	swait.ge @!p0 [sflag:s0], s1  }
0xba: {  	s1 =	ssub.s32 @!p0 $0x0, s1;
	[sflag:s0] =	ssyncset.done @!p0 $0x0  }
0xbb: {  	[sflag:s0] =	ssyncadd.s32 @!p0 s1  }
0xbc: {  	[bflag:$0x3] =	sbarrier.arrive $0xFFFF  }
0xbd: {  	_ =	shalt  }

// kernel: kernel.18.cloned.1.call-start
scs
__scs_entry_jumppad:
0x0: {  	(pc) =	sbr.rel $0x88, $3  }
0x1: {  	(tag) =	ssettag $0x0;
	lr =	simm.s32 $0x1  }
0x2: {  	[smem:$0x3F94] =	sst lr;
	_ =	strace $0xD0000000  }
0x3: {  	_ = 	snop  }
0x4: {  	_ = 	snop  }
0x5: {  	_ = 	snop  }
0x6: {  	_ = 	snop  }
0x7: {  	_ = 	snop  }
__scs_overlays_trampoline_lowered:
0x8: {  	[smem:$0x3FA3] =	sst s0  }
0x9: {  	[smem:$0x3FA4] =	sst s1  }
0xa: {  	[smem:$0x3FA5] =	sst s2  }
0xb: {  	[smem:$0x3FA6] =	sst s3  }
0xc: {  	[smem:$0x3FA7] =	sst s4  }
0xd: {  	[smem:$0x3FA8] =	sst s5  }
0xe: {  	[smem:$0x3FA9] =	sst s6  }
0xf: {  	[smem:$0x3FAA] =	sst s7  }
0x10: {  	[smem:$0x3FAB] =	sst s8  }
0x11: {  	[smem:$0x3FAC] =	sst s9;
	s0 =	simm.s32 @!p0 $0x0  }
0x12: {  	s1 =	sld [smem:$0x3F92];
	s0 =	simm.s32 @p0 $0x1  }
0x13: {  	[smem:$0x3FAD] =	sst s0;
	s0 =	simm.s32 @!p1 $0x0  }
0x14: {  	s2 =	sld [smem:$0x3F91];
	s0 =	simm.s32 @p1 $0x1  }
0x15: {  	[smem:$0x3FAE] =	sst s0;
	s0 =	simm.s32 @!p2 $0x0  }
0x16: {  	s3 =	sld [smem:$0x3FDB];
	s0 =	simm.s32 @p2 $0x1  }
0x17: {  	s4 =	simm.s32 $0x1BF5;
	[smem:$0x3FB0] =	sst s0  }
0x18: {  	s0 =	sld [smem:$0x3F93];
	_ =	swait.ge [sflag:s4], $0x0  }
0x19: {  	s7 =	sld [smem:$0x3F94]  }
0x1a: {  	s8 =	sadd.s32 $0xFFFFE003, lr  }
0x1b: {  	s9 =	sadd.s32 $0xFFFFFEF7, lr;
	s5 =	simm.s32 $0xFFFFFFFF;
	p2 =	slt.u32 s8, $0xFFFFF086  }
0x1c: {  	p1 =	slt.u32 s9, $0xF7A;
	s5 =	simm.s32 @!p2 $0x0  }
0x1d: {  	s5 =	simm.s32 @p1 $0x1;
	p0 =	seq.s32 s7, s2  }
0x1e: {  	s7 =	smul.u32 @!p0 $0xF7A, s2;
	p2 =	seq.s32 @!p0 s5, $0x0  }
0x1f: {  	s9 =	smul.u32 $0xF7A, s1;
	s8 =	simm.s32 @!p0 $0x1BF5;
	p2 =	por !p2, p0  }
0x20: {  	[sflag:s8] =	ssyncset.s32 @!p0 $0xFFFFF086;
	s6 =	sadd.s32 @!p0 s3, s7;
	s7 =	simm.s32 @!p0 $0x108  }
0x21: {  	s3 =	sadd.s32 s3, s9;
	s6 =	sadd.s32 @!p0 $0x88, s6;
	s7 =	simm.s32 @p2 $0x1082  }
0x22: {  	[simem:s7], [sflag:s8] =	dma.local @!p0 [hbm:s6], $0xF7A  }
0x23: {  	s9 =	sor.u32 $0xD0000000, s2;
	s6 =	simm.s32 $0x108;
	_ =	swait.ge @!p0 [sflag:s8], $0x0  }
0x24: {  	s3 =	sadd.s32 $0x88, s3;
	s6 =	simm.s32 @!p1 $0x1082;
	[sflag:s4] =	ssyncset.s32 $0xFFFFF086  }
0x25: {  	[simem:s6], [sflag:s4] =	dma.local [hbm:s3], $0xF7A  }
0x26: {  	[smem:$0x3F94] =	sst s1;
	(tag) =	ssettag s2;
	_ =	strace s9  }
0x27: {  	s1 =	sld [smem:$0x3FA4]  }
0x28: {  	s2 =	sld [smem:$0x3FA5]  }
0x29: {  	s4 =	sld [smem:$0x3FA7]  }
0x2a: {  	p0 =	seq.s32 s5, $0x0;
	s5 =	sld [smem:$0x3FA8]  }
0x2b: {  	s6 =	sld [smem:$0x3FA9]  }
0x2c: {  	s7 =	sld [smem:$0x3FAA]  }
0x2d: {  	s3 =	simm.s32 $0x108;
	s8 =	sld [smem:$0x3FAB]  }
0x2e: {  	s3 =	simm.s32 @!p0 $0x1082;
	s9 =	sld [smem:$0x3FAC]  }
0x2f: {  	lr =	sadd.s32 s0, s3;
	s0 =	sld [smem:$0x3FA3]  }
0x30: {  	s3 =	sld [smem:$0x3FA6]  }
0x31: {  	[smem:$0x3FAF] =	sst s10  }
0x32: {  	s10 =	sld [smem:$0x3FAD];
	_ =	sdelay $0x3  }
0x33: {  	p0 =	seq.s32 s10, $0x1;
	s10 =	sld [smem:$0x3FAF];
	_ =	sdelay $0x3  }
0x34: {  	[smem:$0x3FAF] =	sst s10  }
0x35: {  	s10 =	sld [smem:$0x3FAE];
	_ =	sdelay $0x3  }
0x36: {  	p1 =	seq.s32 s10, $0x1;
	s10 =	sld [smem:$0x3FAF];
	_ =	sdelay $0x3  }
0x37: {  	[smem:$0x3FAF] =	sst s10  }
0x38: {  	s10 =	sld [smem:$0x3FB0]  }
0x39: {  	_ = 	snop;
	(pc) =	sbr.ind lr, $3  }
0x3a: {  	_ = 	snop  }
0x3b: {  	_ = 	snop  }
0x3c: {  	p2 =	seq.s32 s10, $0x1;
	s10 =	sld [smem:$0x3FAF]  }
0x3d: {  	_ =	shalt  }
0x3e: {  	_ =	shalt  }
0x3f: {  	_ =	shalt  }
0x40: {  	_ =	shalt  }
0x41: {  	_ =	shalt  }
0x42: {  	_ =	shalt  }
0x43: {  	_ =	shalt  }
0x44: {  	_ =	shalt  }
0x45: {  	_ =	shalt  }
0x46: {  	_ =	shalt  }
0x47: {  	_ =	shalt  }
0x48: {  	_ =	shalt  }
0x49: {  	_ =	shalt  }
0x4a: {  	_ =	shalt  }
0x4b: {  	_ =	shalt  }
0x4c: {  	_ =	shalt  }
0x4d: {  	_ =	shalt  }
0x4e: {  	_ =	shalt  }
0x4f: {  	_ =	shalt  }
0x50: {  	_ =	shalt  }
0x51: {  	_ =	shalt  }
0x52: {  	_ =	shalt  }
0x53: {  	_ =	shalt  }
0x54: {  	_ =	shalt  }
0x55: {  	_ =	shalt  }
0x56: {  	_ =	shalt  }
0x57: {  	_ =	shalt  }
0x58: {  	_ =	shalt  }
0x59: {  	_ =	shalt  }
0x5a: {  	_ =	shalt  }
0x5b: {  	_ =	shalt  }
0x5c: {  	_ =	shalt  }
0x5d: {  	_ =	shalt  }
0x5e: {  	_ =	shalt  }
0x5f: {  	_ =	shalt  }
0x60: {  	_ =	shalt  }
0x61: {  	_ =	shalt  }
0x62: {  	_ =	shalt  }
0x63: {  	_ =	shalt  }
0x64: {  	_ =	shalt  }
0x65: {  	_ =	shalt  }
0x66: {  	_ =	shalt  }
0x67: {  	_ =	shalt  }
0x68: {  	_ =	shalt  }
0x69: {  	_ =	shalt  }
0x6a: {  	_ =	shalt  }
0x6b: {  	_ =	shalt  }
0x6c: {  	_ =	shalt  }
0x6d: {  	_ =	shalt  }
0x6e: {  	_ =	shalt  }
0x6f: {  	_ =	shalt  }
0x70: {  	_ =	shalt  }
0x71: {  	_ =	shalt  }
0x72: {  	_ =	shalt  }
0x73: {  	_ =	shalt  }
0x74: {  	_ =	shalt  }
0x75: {  	_ =	shalt  }
0x76: {  	_ =	shalt  }
0x77: {  	_ =	shalt  }
0x78: {  	_ =	shalt  }
0x79: {  	_ =	shalt  }
0x7a: {  	_ =	shalt  }
0x7b: {  	_ =	shalt  }
0x7c: {  	_ =	shalt  }
0x7d: {  	_ =	shalt  }
0x7e: {  	_ =	shalt  }
0x7f: {  	_ =	shalt  }
0x80: {  	_ =	shalt  }
0x81: {  	_ =	shalt  }
0x82: {  	_ =	shalt  }
0x83: {  	_ =	shalt  }
0x84: {  	_ =	shalt  }
0x85: {  	_ =	shalt  }
0x86: {  	_ =	shalt  }
0x87: {  	_ =	shalt  }
.Lfunc_end0:
.L_simem_size_0:
called_computation.2_lowered:
.L_overlay_start_0:
0x88: {  	s2 =	sld [smem:$0x3FD9]  }
0x89: {  	s3 =	sld [smem:$0x3FFE];
	_ =	sdelay $0x1  }
0x8a: {  	s1 =	srdreg.scid  }
0x8b: {  	s0 =	sand.u32 $0x1, s1  }
0x8c: {  	s16 =	sshll.u32 s0, $0xA;
	s2 =	sadd.s32 s3, s2  }
0x8d: {  	s2 =	sadd.s32 s2, s16  }
0x8e: {  	[smem:$0x3FBB] =	sst s2  }
0x8f: {  	_ = 	snop  }
0x90: {  	(tm) =	ssettm $0x1  }
0x91: {  	s17 =	sld [smem:$0x3FFB];
	_ =	sdelay $0x3  }
0x92: {  	_ =	strace s17  }
0x93: {  	s2 =	sld [smem:$0x3FFC];
	_ =	sdelay $0x3  }
0x94: {  	_ =	strace s2  }
0x95: {  	s2 =	sld [smem:$0x3FFD];
	_ =	sdelay $0x3  }
0x96: {  	_ =	strace s2  }
0x97: {  	_ =	strace $0x8FFFFFFF  }
0x98: {  	s18 =	sld [smem:$0x3FDB];
	_ =	sdelay $0x1  }
0x99: {  	s19 =	simm.s32 $_scs_section_size  }
0x9a: {  	s4 =	simm.s32 $_size__tile_overlayer_lowered;
	s5 =	simm.s32 $_tile_overlayer_lowered  }
0x9b: {  	s22 =	simm.s32 $0x1BFF;
	s21 =	sshll.u32 s5, $0x1;
	s2 =	sadd.s32 s19, s18  }
0x9c: {  	s6 =	simm.s32 $0x0;
	s20 =	sshll.u32 s4, $0x1;
	s4 =	sadd.s32 s21, s2  }
0x9d: {  	[timem:s6], [sflag:s22] =	dma.local [hbm:s4], s20  }
0x9e: {  	_ =	swait.ge [sflag:s22], s20  }
0x9f: {  	s3 =	ssub.s32 $0x0, s20;
	[sflag:s22] =	ssyncset.done $0x0  }
0xa0: {  	[sflag:s22] =	ssyncadd.s32 s3;
	_ =	sdelay $0x1  }
0xa1: {  	s23 =	simm.s32 $0x1B8B  }
0xa2: {  	_ =	swait.ge [sflag:s23], $0x1  }
0xa3: {  	[sflag:s23] =	ssyncset.done $0x0  }
0xa4: {  	s25 =	simm.s32 $0x1B8E;
	s24 =	sld [smem:$0x3FFE];
	[sflag:s23] =	ssyncadd.s32 $0xFFFFFFFF  }
0xa5: {  	s26 =	simm.s32 $execute0_lowered;
	[smem:$0x3FD2] =	sst s25  }
0xa6: {  	s4 =	sshll.u32 s26, $0x1;
	_ =	strace $0x8000004C;
	[dreg:$0x1] =	wrdreg $0xFFFFFFFF  }
0xa7: {  	s28 =	simm.s32 $_size_execute0_lowered;
	s2 =	sadd.s32 s2, s4;
	[dreg:$0x0] =	wrdreg $0x0  }
0xa8: {  	s4 =	sshll.u32 s28, $0x1;
	[dreg:$0x2] =	wrdreg s2  }
0xa9: {  	[dreg:$0x3] =	wrdreg s4  }
0xaa: {  	[dreg:$0x4] =	wrdreg $0xC0  }
0xab: {  	_ =	task [dreg:s6], $0x5FFFF  }
0xac: {  	[dreg:$0x1] =	wrdreg $0xFFFFFFFF  }
0xad: {  	[dreg:$0x0] =	wrdreg $0x60  }
0xae: {  	[dreg:$0x2] =	wrdreg s24  }
0xaf: {  	[dreg:$0x3] =	wrdreg $0xA9000  }
0xb0: {  	[dreg:$0x4] =	wrdreg $0x9  }
0xb1: {  	_ =	task.clear_ibuf [dreg:s6], $0x5FFFF;
	_ =	strace $0x9000004C  }
0xb2: {  	s29 =	simm.s32 $0x9;
	_ =	strace $0x8000004E  }
0xb3: {  	_ =	swait.ge [sflag:s29], $0x1  }
0xb4: {  	[sflag:s29] =	ssyncadd.s32 $0xFFFFFFFF  }
0xb5: {  	_ =	strace $0x9000004E  }
0xb6: {  	_ =	sfence  }
0xb7: {  	s30 =	sld [smem:$0x0];
	_ =	sdelay $0x2  }
0xb8: {  	s31 =	sshll.u32 s1, $0xD;
	s1 =	sshrl.u32 s1, $0x2  }
0xb9: {  	s3 =	sand.u32 $0x4000, s31;
	s1 =	sadd.s32 s1, s30  }
0xba: {  	s0 =	sor.u32 s3, s0;
	s1 =	sshll.u32 s1, $0x11  }
0xbb: {  	s0 =	sor.u32 s1, s0  }
0xbc: {  	s0 =	sadd.s32 $0x8F2B, s0  }
0xbd: {  	[sflag:s0] =	ssyncadd.remote.s32 $0x1  }
0xbe: {  	_ =	sfence.sel $0xFFFF  }
0xbf: {  	[dreg:$0x0] =	wrdreg $0xFFFFFFFF;
	(pc) =	sbr.abs _section_cstart, $3  }
0xc0: {  	[dreg:$0x1] =	wrdreg $0xFFFFFFFF  }
0xc1: {  	_ =	task.clear_ibuf [dreg:s6], $0x2FFFF;
	_ =	strace $0x9FFFFFFF  }
0xc2: {  	(tm) =	ssettm $0x7FFFFFFF  }
0xc3: {  	_ =	shalt  }
tec
execute0_lowered:
.L_overlay_start_1:
0x0: {  	(tag) =	ssettag $0x1  }
0x1: {  	s0 =	srdreg.scid;
	s1 =	rddreg [dreg:$0x0]  }
0x2: {  	s2 =	rddreg [dreg:$0x1];
	s14 =	stileid.u32;
	s3 =	simm.s32 $0x0  }
0x3: {  	s15 =	simm.s32 $0x7;
	s18 =	simm.s32 $0x2800;
	s19 =	simm.s32 $0x80  }
0x4: {  	s20 =	simm.s32 $0x2900;
	s21 =	simm.s32 $0x2880;
	s22 =	simm.s32 $0x6900  }
0x5: {  	s28 =	simm.s32 $0x2;
	s29 =	simm.s32 $0x6;
	s30 =	simm.s32 $0x4  }
0x6: {  	s0 =	sand.u32 $0x1, s0;
	[smem:$0x7FF] =	sst s3;
	s7 =	smul.u32 $0x13C00, s14  }
0x7: {  	s5 =	sadd.s32 $0x18000, s1;
	s6 =	sadd.s32 $0x4000, s1;
	s23 =	smul.u32 $0x4F000, s14  }
0x8: {  	s31 =	sshll.u32 s14, $0x6;
	s4 =	sshll.u32 s0, $0x4;
	_ =	strace $0x8000004D  }
0x9: {  	s9 =	smul.u32 $0x13C000, s0;
	s0 =	ssub.s32 $0x2, s0;
	s16 =	sor.u32 $0x1C07, s31  }
0xa: {  	s4 =	sor.u32 s14, s4;
	s11 =	sshrl.u32 s7, $0x3;
	s12 =	sshrl.u32 s0, $0x1  }
0xb: {  	s24 =	sshrl.u32 s23, $0x2;
	s23 =	simm.s32 $0x1;
	s11 =	sadd.s32 s11, s1  }
0xc: {  	s4 =	smul.u32 $0x2800, s4;
	s0 =	ssub.s32 s0, s12;
	s26 =	sadd.s32 $0x3F800, s11  }
0xd: {  	s7 =	sadd.s32 s7, s9;
	s0 =	smax.u32 s0, $0x1;
	[dreg:$0x4] =	wrdreg s26  }
0xe: {  	s7 =	sshrl.u32 s7, $0x3;
	s8 =	sshrl.u32 s4, $0x3;
	[dreg:$0x6] =	wrdreg s0  }
0xf: {  	s0 =	simm.s32 $0x0;
	s10 =	sadd.s32 s8, s1;
	s1 =	sadd.s32 s7, s1  }
0x10: {  	s7 =	sadd.s32 s24, s2;
	s9 =	sadd.s32 s6, s8;
	s24 =	simm.s32 $0x5  }
0x11: {  	s25 =	sadd.s32 $0xE000, s10;
	s1 =	sadd.s32 $0x67000, s1;
	s12 =	sadd.s32 $0x10, s9  }
0x12: {  	s13 =	sadd.s32 $0x20, s9;
	s14 =	sadd.s32 $0x4F0, s9;
	[dreg:$0x3] =	wrdreg s25  }
0x13: {  	s17 =	sshrl.u32 s7, $0x3;
	[dreg:$0x5] =	wrdreg s1;
	s25 =	simm.s32 $0x3  }
.LBB2_1:
0x14: {  	s1 =	rddreg [dreg:$0x3]  }
0x15: {  	[tilespmem:s3], [sflag:$0x7] =	stream.linear.gather [hbm4b:s1+s3], $0x2800, $0x38;
	[tilespmem:$0x1E500] =	vst v63  }
0x16: {  	_ =	swait.ge [sflag:s15], $0x2800  }
0x17: {  	[sflag:s15] =	ssyncset.done $0x0  }
0x18: {  	s7 =	rddreg [dreg:$0x4];
	[sflag:s15] =	ssyncadd.s32 $0xFFFFD800  }
0x19: {  	[spmem:s17], [sflag:s16] =	dma.local [hbm:s7], $0x2780  }
0x1a: {  	_ =	swait.ge [sflag:s15], $0x2780  }
0x1b: {  	[sflag:s15] =	ssyncset.done $0x0  }
0x1c: {  	[sflag:s15] =	ssyncadd.s32 $0xFFFFD880  }
0x1d: {  	[bflag:$0x0] =	sbarrier.arrive $0xFFFF  }
0x1e: {  	[tilespmem:s18], [sflag:$0x5] =	stream.linear.gather [hbm4b:s9+s3], $0x80, $0x38;
	[tilespmem:$0x1E500] =	vst v63  }
0x1f: {  	_ = 	snop  }
0x20: {  	[tilespmem:s20], [sflag:$0x1] =	stream.indirect.gather [hbm4b:s5+s19], $0x80, s3, s19, $0xb8;
	[tilespmem:$0x1E500] =	vst v63  }
0x21: {  	_ = 	snop  }
0x22: {  	[tilespmem:s21], [sflag:$0x6] =	stream.linear.gather [hbm4b:s12+s3], $0x80, $0x38;
	[tilespmem:$0x1E500] =	vst v63  }
0x23: {  	_ = 	snop  }
0x24: {  	[tilespmem:s22], [sflag:$0x2] =	stream.indirect.gather [hbm4b:s5+s19], $0x80, s19, s19, $0xb8;
	[tilespmem:$0x1E500] =	vst v63  }
0x25: {  	_ =	swait.ge [sflag:s23], $0x4000  }
0x26: {  	[sflag:s23] =	ssyncset.done $0x0  }
0x27: {  	[sflag:s23] =	ssyncadd.s32 $0xFFFFC000  }
0x28: {  	_ =	swait.ge [sflag:s24], $0x80  }
0x29: {  	[sflag:s24] =	ssyncset.done $0x0  }
0x2a: {  	[sflag:s24] =	ssyncadd.s32 $0xFFFFFF80  }
0x2b: {  	[spmem:s2] =	stream.indirect.scatter.add.f32 [tilespmem:s20], [sflag:$0x3], $0x80, s18, s19, $0xb8;
	[tilespmem:$0x1E500] =	vst v63  }
0x2c: {  	_ =	swait.ge [sflag:s25], $0x4000  }
0x2d: {  	[sflag:s25] =	ssyncset.done $0x0  }
0x2e: {  	[sflag:s25] =	ssyncadd.s32 $0xFFFFC000  }
0x2f: {  	[tilespmem:s18], [sflag:$0x5] =	stream.linear.gather [hbm4b:s13+s3], $0x80, $0x38;
	[tilespmem:$0x1E500] =	vst v63  }
0x30: {  	s8 =	simm.s32 $0x100  }
0x31: {  	[tilespmem:s20], [sflag:$0x1] =	stream.indirect.gather [hbm4b:s5+s19], $0x80, s8, s19, $0xb8;
	[tilespmem:$0x1E500] =	vst v63  }
0x32: {  	_ =	swait.ge [sflag:s28], $0x4000  }
0x33: {  	[sflag:s28] =	ssyncset.done $0x0  }
0x34: {  	[sflag:s28] =	ssyncadd.s32 $0xFFFFC000  }
0x35: {  	s10 =	simm.s32 $0x100;
	_ =	swait.ge [sflag:s29], $0x80  }
0x36: {  	s1 =	sand.u32 $0x3C00, s10;
	s7 =	simm.s32 $0x180;
	[sflag:s29] =	ssyncset.done $0x0  }
0x37: {  	s1 =	sadd.s32 s4, s1;
	s7 =	sand.u32 $0x380, s7;
	[sflag:s29] =	ssyncadd.s32 $0xFFFFFF80  }
0x38: {  	[spmem:s2] =	stream.indirect.scatter.add.f32 [tilespmem:s22], [sflag:$0x4], $0x80, s21, s19, $0xb8;
	[tilespmem:$0x1E500] =	vst v63  }
0x39: {  	s1 =	sor.u32 s1, s7;
	_ =	swait.ge [sflag:s30], $0x4000  }
0x3a: {  	s1 =	sshrl.u32 s1, $0x3;
	[sflag:s30] =	ssyncset.done $0x0  }
0x3b: {  	s1 =	sadd.s32 s6, s1;
	[sflag:s30] =	ssyncadd.s32 $0xFFFFC000  }
0x3c: {  	[tilespmem:s21], [sflag:$0x6] =	stream.linear.gather [hbm4b:s1+s3], $0x80, $0x38;
	[tilespmem:$0x1E500] =	vst v63  }
0x3d: {  	s11 =	simm.s32 $0x180  }
0x3e: {  	[tilespmem:s22], [sflag:$0x2] =	stream.indirect.gather [hbm4b:s5+s19], $0x80, s11, s19, $0xb8;
	[tilespmem:$0x1E500] =	vst v63  }
0x3f: {  	_ =	swait.ge [sflag:s23], $0x4000  }
0x40: {  	[sflag:s23] =	ssyncset.done $0x0  }
0x41: {  	[sflag:s23] =	ssyncadd.s32 $0xFFFFC000  }
0x42: {  	s26 =	simm.s32 $0x200;
	_ =	swait.ge [sflag:s24], $0x80  }
0x43: {  	s8 =	sand.u32 $0x7C00, s26;
	[sflag:s24] =	ssyncset.done $0x0  }
0x44: {  	s7 =	sadd.s32 s4, s8;
	s1 =	sand.u32 $0x300, s26;
	[sflag:s24] =	ssyncadd.s32 $0xFFFFFF80  }
0x45: {  	[spmem:s2] =	stream.indirect.scatter.add.f32 [tilespmem:s20], [sflag:$0x3], $0x80, s18, s19, $0xb8;
	[tilespmem:$0x1E500] =	vst v63  }
0x46: {  	s1 =	sor.u32 s1, s7;
	_ =	swait.ge [sflag:s25], $0x4000  }
0x47: {  	s1 =	sshrl.u32 s1, $0x3;
	[sflag:s25] =	ssyncset.done $0x0  }
0x48: {  	s1 =	sadd.s32 s6, s1;
	[sflag:s25] =	ssyncadd.s32 $0xFFFFC000  }
0x49: {  	[tilespmem:s18], [sflag:$0x5] =	stream.linear.gather [hbm4b:s1+s3], $0x80, $0x38;
	[tilespmem:$0x1E500] =	vst v63  }
0x4a: {  	s10 =	simm.s32 $0x200  }
0x4b: {  	[tilespmem:s20], [sflag:$0x1] =	stream.indirect.gather [hbm4b:s5+s19], $0x80, s10, s19, $0xb8;
	[tilespmem:$0x1E500] =	vst v63  }
0x4c: {  	_ =	swait.ge [sflag:s28], $0x4000  }
0x4d: {  	[sflag:s28] =	ssyncset.done $0x0  }
0x4e: {  	s31 =	simm.s32 $0x400;
	s8 =	simm.s32 $0x280;
	[sflag:s28] =	ssyncadd.s32 $0xFFFFC000  }
0x4f: {  	s26 =	simm.s32 $0x300;
	s11 =	simm.s32 $0x200;
	_ =	swait.ge [sflag:s29], $0x80  }
0x50: {  	s7 =	sand.u32 $0x3C00, s11;
	s1 =	simm.s32 $0x280;
	[sflag:s29] =	ssyncset.done $0x0  }
.LBB2_2:
0x51: {  	s7 =	sadd.s32 s4, s7  }
0x52: {  	s8 =	sand.u32 $0x380, s8;
	[sflag:s29] =	ssyncadd.s32 $0xFFFFFF80;
	s10 =	smov.u32 s31  }
0x53: {  	[spmem:s2] =	stream.indirect.scatter.add.f32 [tilespmem:s22], [sflag:$0x4], $0x80, s21, s19, $0xb8;
	[tilespmem:$0x1E500] =	vst v63  }
0x54: {  	s11 =	sadd.s32 $0x100, s31;
	s7 =	sor.u32 s7, s8;
	_ =	swait.ge [sflag:s30], $0x4000  }
0x55: {  	p0 =	sne.s32 s31, $0x2700;
	s7 =	sshrl.u32 s7, $0x3;
	[sflag:s30] =	ssyncset.done $0x0  }
0x56: {  	s7 =	sadd.s32 s6, s7;
	[sflag:s30] =	ssyncadd.s32 $0xFFFFC000  }
0x57: {  	[tilespmem:s21], [sflag:$0x6] =	stream.linear.gather [hbm4b:s7+s3], $0x80, $0x38;
	[tilespmem:$0x1E500] =	vst v63  }
0x58: {  	_ = 	snop  }
0x59: {  	[tilespmem:s22], [sflag:$0x2] =	stream.indirect.gather [hbm4b:s5+s19], $0x80, s1, s19, $0xb8;
	[tilespmem:$0x1E500] =	vst v63  }
0x5a: {  	_ =	swait.ge [sflag:s23], $0x4000  }
0x5b: {  	[sflag:s23] =	ssyncset.done $0x0  }
0x5c: {  	[sflag:s23] =	ssyncadd.s32 $0xFFFFC000  }
0x5d: {  	_ =	swait.ge [sflag:s24], $0x80  }
0x5e: {  	s7 =	sand.u32 $0x7C00, s26;
	[sflag:s24] =	ssyncset.done $0x0  }
0x5f: {  	s8 =	sand.u32 $0x300, s26;
	s7 =	sadd.s32 s4, s7;
	[sflag:s24] =	ssyncadd.s32 $0xFFFFFF80  }
0x60: {  	[spmem:s2] =	stream.indirect.scatter.add.f32 [tilespmem:s20], [sflag:$0x3], $0x80, s18, s19, $0xb8;
	[tilespmem:$0x1E500] =	vst v63  }
0x61: {  	s26 =	smov.u32 s10;
	s7 =	sor.u32 s8, s7;
	_ =	swait.ge [sflag:s25], $0x4000  }
0x62: {  	s7 =	sshrl.u32 s7, $0x3;
	[sflag:s25] =	ssyncset.done $0x0  }
0x63: {  	s7 =	sadd.s32 s6, s7;
	[sflag:s25] =	ssyncadd.s32 $0xFFFFC000  }
0x64: {  	[tilespmem:s18], [sflag:$0x5] =	stream.linear.gather [hbm4b:s7+s3], $0x80, $0x38;
	[tilespmem:$0x1E500] =	vst v63  }
0x65: {  	s7 =	sadd.s32 $0x80, s1  }
0x66: {  	[tilespmem:s20], [sflag:$0x1] =	stream.indirect.gather [hbm4b:s5+s19], $0x80, s7, s19, $0xb8;
	[tilespmem:$0x1E500] =	vst v63  }
.Ltmp0:
0x67: {  	_ =	swait.ge [sflag:s28], $0x4000;
	(pc) =	sbr.rel @p0 .LBB2_2-.Ltmp0, $4  }
0x68: {  	[sflag:s28] =	ssyncset.done $0x0  }
0x69: {  	s31 =	smov.u32 s11;
	[sflag:s28] =	ssyncadd.s32 $0xFFFFC000  }
0x6a: {  	s1 =	sadd.s32 $0x100, s1;
	s7 =	sadd.s32 $0xFFFFFF00, s26;
	_ =	swait.ge [sflag:s29], $0x80  }
0x6b: {  	s8 =	sadd.s32 $0xFFFFFF80, s26;
	s7 =	sand.u32 $0x3C00, s7;
	[sflag:s29] =	ssyncset.done $0x0  }
0x6c: {  	s7 =	sadd.s32 s4, s7;
	s8 =	sand.u32 $0x380, s8;
	[sflag:s29] =	ssyncadd.s32 $0xFFFFFF80  }
0x6d: {  	[spmem:s2] =	stream.indirect.scatter.add.f32 [tilespmem:s22], [sflag:$0x4], $0x80, s21, s19, $0xb8;
	[tilespmem:$0x1E500] =	vst v63  }
0x6e: {  	s7 =	sor.u32 s7, s8;
	_ =	swait.ge [sflag:s30], $0x4000  }
0x6f: {  	s7 =	sshrl.u32 s7, $0x3;
	[sflag:s30] =	ssyncset.done $0x0  }
0x70: {  	s7 =	sadd.s32 s6, s7;
	[sflag:s30] =	ssyncadd.s32 $0xFFFFC000  }
0x71: {  	[tilespmem:s21], [sflag:$0x6] =	stream.linear.gather [hbm4b:s7+s3], $0x80, $0x38;
	[tilespmem:$0x1E500] =	vst v63  }
0x72: {  	_ = 	snop  }
0x73: {  	[tilespmem:s22], [sflag:$0x2] =	stream.indirect.gather [hbm4b:s5+s19], $0x80, s1, s19, $0xb8;
	[tilespmem:$0x1E500] =	vst v63  }
0x74: {  	_ =	swait.ge [sflag:s23], $0x4000  }
0x75: {  	[sflag:s23] =	ssyncset.done $0x0  }
0x76: {  	[sflag:s23] =	ssyncadd.s32 $0xFFFFC000  }
0x77: {  	_ =	swait.ge [sflag:s24], $0x80  }
0x78: {  	s11 =	sand.u32 $0x7C00, s26;
	[sflag:s24] =	ssyncset.done $0x0  }
0x79: {  	s31 =	sand.u32 $0x300, s26;
	s7 =	sadd.s32 s4, s11;
	[sflag:s24] =	ssyncadd.s32 $0xFFFFFF80  }
0x7a: {  	[spmem:s2] =	stream.indirect.scatter.add.f32 [tilespmem:s20], [sflag:$0x3], $0x80, s18, s19, $0xb8;
	[tilespmem:$0x1E500] =	vst v63  }
0x7b: {  	s7 =	sor.u32 s31, s7;
	_ =	swait.ge [sflag:s25], $0x4000  }
0x7c: {  	s7 =	sshrl.u32 s7, $0x3;
	[sflag:s25] =	ssyncset.done $0x0  }
0x7d: {  	s7 =	sadd.s32 s6, s7;
	[sflag:s25] =	ssyncadd.s32 $0xFFFFC000  }
0x7e: {  	[tilespmem:s18], [sflag:$0x5] =	stream.linear.gather [hbm4b:s7+s3], $0x80, $0x38;
	[tilespmem:$0x1E500] =	vst v63  }
0x7f: {  	s10 =	sadd.s32 $0x80, s1  }
0x80: {  	[tilespmem:s20], [sflag:$0x1] =	stream.indirect.gather [hbm4b:s5+s19], $0x80, s10, s19, $0xb8;
	[tilespmem:$0x1E500] =	vst v63  }
0x81: {  	_ =	swait.ge [sflag:s28], $0x4000  }
0x82: {  	[sflag:s28] =	ssyncset.done $0x0  }
0x83: {  	[sflag:s28] =	ssyncadd.s32 $0xFFFFC000  }
0x84: {  	_ =	swait.ge [sflag:s29], $0x80  }
0x85: {  	[sflag:s29] =	ssyncset.done $0x0  }
0x86: {  	[sflag:s29] =	ssyncadd.s32 $0xFFFFFF80  }
0x87: {  	[spmem:s2] =	stream.indirect.scatter.add.f32 [tilespmem:s22], [sflag:$0x4], $0x80, s21, s19, $0xb8;
	[tilespmem:$0x1E500] =	vst v63  }
0x88: {  	_ =	swait.ge [sflag:s30], $0x4000  }
0x89: {  	[sflag:s30] =	ssyncset.done $0x0  }
0x8a: {  	[sflag:s30] =	ssyncadd.s32 $0xFFFFC000  }
0x8b: {  	[tilespmem:s21], [sflag:$0x6] =	stream.linear.gather [hbm4b:s14+s3], $0x80, $0x38;
	[tilespmem:$0x1E500] =	vst v63  }
0x8c: {  	s11 =	simm.s32 $0x2780  }
0x8d: {  	[tilespmem:s22], [sflag:$0x2] =	stream.indirect.gather [hbm4b:s5+s19], $0x80, s11, s19, $0xb8;
	[tilespmem:$0x1E500] =	vst v63  }
0x8e: {  	_ =	swait.ge [sflag:s23], $0x4000  }
0x8f: {  	[sflag:s23] =	ssyncset.done $0x0  }
0x90: {  	[sflag:s23] =	ssyncadd.s32 $0xFFFFC000  }
0x91: {  	_ =	swait.ge [sflag:s24], $0x80  }
0x92: {  	[sflag:s24] =	ssyncset.done $0x0  }
0x93: {  	[sflag:s24] =	ssyncadd.s32 $0xFFFFFF80  }
0x94: {  	[spmem:s2] =	stream.indirect.scatter.add.f32 [tilespmem:s20], [sflag:$0x3], $0x80, s18, s19, $0xb8;
	[tilespmem:$0x1E500] =	vst v63  }
0x95: {  	_ =	swait.ge [sflag:s28], $0x4000  }
0x96: {  	[sflag:s28] =	ssyncset.done $0x0  }
0x97: {  	[sflag:s28] =	ssyncadd.s32 $0xFFFFC000  }
0x98: {  	_ =	swait.ge [sflag:s29], $0x80  }
0x99: {  	[sflag:s29] =	ssyncset.done $0x0  }
0x9a: {  	[sflag:s29] =	ssyncadd.s32 $0xFFFFFF80  }
0x9b: {  	[spmem:s2] =	stream.indirect.scatter.add.f32 [tilespmem:s22], [sflag:$0x4], $0x80, s21, s19, $0xb8;
	[tilespmem:$0x1E500] =	vst v63  }
0x9c: {  	_ =	swait.ge [sflag:s25], $0x4000  }
0x9d: {  	[sflag:s25] =	ssyncset.done $0x0  }
0x9e: {  	[sflag:s25] =	ssyncadd.s32 $0xFFFFC000  }
0x9f: {  	_ =	swait.ge [sflag:s30], $0x4000  }
0xa0: {  	[sflag:s30] =	ssyncset.done $0x0  }
0xa1: {  	[sflag:s30] =	ssyncadd.s32 $0xFFFFC000  }
0xa2: {  	[bflag:$0x0] =	sbarrier.arrive $0xFFFF  }
0xa3: {  	s26 =	rddreg [dreg:$0x5]  }
0xa4: {  	[hbm:s26], [sflag:s16] =	dma.local [spmem:s17], $0x2780  }
0xa5: {  	_ =	swait.ge [sflag:s15], $0x2780  }
0xa6: {  	s0 =	sadd.s32 $0x1, s0;
	s31 =	rddreg [dreg:$0x6]  }
0xa7: {  	p0 =	sne.s32 s0, s31  }
.Ltmp1:
0xa8: {  	_ = 	snop;
	(pc) =	sbr.rel @p0 .LBB2_1-.Ltmp1, $3  }
0xa9: {  	_ =	sdelay $0x1  }
0xaa: {  	[sflag:s15] =	ssyncset.done $0x0  }
0xab: {  	[sflag:s15] =	ssyncadd.s32 $0xFFFFD880  }
0xac: {  	_ =	sfence.sel $0x180000  }
0xad: {  	[bflag:$0x0] =	sbarrier.arrive $0xFFFF  }
0xae: {  	_ =	strace $0x9000004D  }
0xaf: {  	s0 =	stileid.u32;
	[bflag:$0x2] =	sbarrier.arrive $0xFFFF  }
0xb0: {  	p0 =	sne.s32 s0, $0x0;
	s0 =	rddreg [dreg:$0x2]  }
0xb1: {  	s0 =	sadd.s32 @!p0 $0x100000, s0  }
0xb2: {  	[sflag:s0] =	ssyncadd.tile.s32 @!p0 $0x1;
	_ =	shalt  }
.Lfunc_end2:
_tile_overlayer_lowered:
.L_overlay_start_2:
0xb3: {  	(tag) =	ssettag $0x2  }
0xb4: {  	s0 =	rddreg [dreg:$0x0];
	s2 =	stileid.u32  }
0xb5: {  	s1 =	rddreg [dreg:$0x1];
	p0 =	sne.s32 s2, $0x0  }
0xb6: {  	s3 =	rddreg [dreg:$0x2];
	[bflag:$0x3] =	sbarrier.arrive $0xFFFF;
	s2 =	simm.s32 @!p0 $0x1C07  }
0xb7: {  	[timem:s3], [sflag:s2] =	dma.local @!p0 [hbm:s0], s1  }
0xb8: {  	s0 =	simm.s32 @!p0 $0x7  }
0xb9: {  	_ =	swait.ge @!p0 [sflag:s0], s1  }
0xba: {  	s1 =	ssub.s32 @!p0 $0x0, s1;
	[sflag:s0] =	ssyncset.done @!p0 $0x0  }
0xbb: {  	[sflag:s0] =	ssyncadd.s32 @!p0 s1  }
0xbc: {  	[bflag:$0x3] =	sbarrier.arrive $0xFFFF  }
0xbd: {  	_ =	shalt  }

// kernel: kernel.21.cloned.1.call-start
scs
__scs_entry_jumppad:
0x0: {  	(pc) =	sbr.rel $0x88, $3  }
0x1: {  	(tag) =	ssettag $0x0;
	lr =	simm.s32 $0x1  }
0x2: {  	[smem:$0x3F94] =	sst lr;
	_ =	strace $0xD0000000  }
0x3: {  	_ = 	snop  }
0x4: {  	_ = 	snop  }
0x5: {  	_ = 	snop  }
0x6: {  	_ = 	snop  }
0x7: {  	_ = 	snop  }
__scs_overlays_trampoline_lowered:
0x8: {  	[smem:$0x3FA3] =	sst s0  }
0x9: {  	[smem:$0x3FA4] =	sst s1  }
0xa: {  	[smem:$0x3FA5] =	sst s2  }
0xb: {  	[smem:$0x3FA6] =	sst s3  }
0xc: {  	[smem:$0x3FA7] =	sst s4  }
0xd: {  	[smem:$0x3FA8] =	sst s5  }
0xe: {  	[smem:$0x3FA9] =	sst s6  }
0xf: {  	[smem:$0x3FAA] =	sst s7  }
0x10: {  	[smem:$0x3FAB] =	sst s8  }
0x11: {  	[smem:$0x3FAC] =	sst s9;
	s0 =	simm.s32 @!p0 $0x0  }
0x12: {  	s1 =	sld [smem:$0x3F92];
	s0 =	simm.s32 @p0 $0x1  }
0x13: {  	[smem:$0x3FAD] =	sst s0;
	s0 =	simm.s32 @!p1 $0x0  }
0x14: {  	s2 =	sld [smem:$0x3F91];
	s0 =	simm.s32 @p1 $0x1  }
0x15: {  	[smem:$0x3FAE] =	sst s0;
	s0 =	simm.s32 @!p2 $0x0  }
0x16: {  	s3 =	sld [smem:$0x3FDB];
	s0 =	simm.s32 @p2 $0x1  }
0x17: {  	s4 =	simm.s32 $0x1BF5;
	[smem:$0x3FB0] =	sst s0  }
0x18: {  	s0 =	sld [smem:$0x3F93];
	_ =	swait.ge [sflag:s4], $0x0  }
0x19: {  	s7 =	sld [smem:$0x3F94]  }
0x1a: {  	s8 =	sadd.s32 $0xFFFFE003, lr  }
0x1b: {  	s9 =	sadd.s32 $0xFFFFFEF7, lr;
	s5 =	simm.s32 $0xFFFFFFFF;
	p2 =	slt.u32 s8, $0xFFFFF086  }
0x1c: {  	p1 =	slt.u32 s9, $0xF7A;
	s5 =	simm.s32 @!p2 $0x0  }
0x1d: {  	s5 =	simm.s32 @p1 $0x1;
	p0 =	seq.s32 s7, s2  }
0x1e: {  	s7 =	smul.u32 @!p0 $0xF7A, s2;
	p2 =	seq.s32 @!p0 s5, $0x0  }
0x1f: {  	s9 =	smul.u32 $0xF7A, s1;
	s8 =	simm.s32 @!p0 $0x1BF5;
	p2 =	por !p2, p0  }
0x20: {  	[sflag:s8] =	ssyncset.s32 @!p0 $0xFFFFF086;
	s6 =	sadd.s32 @!p0 s3, s7;
	s7 =	simm.s32 @!p0 $0x108  }
0x21: {  	s3 =	sadd.s32 s3, s9;
	s6 =	sadd.s32 @!p0 $0x88, s6;
	s7 =	simm.s32 @p2 $0x1082  }
0x22: {  	[simem:s7], [sflag:s8] =	dma.local @!p0 [hbm:s6], $0xF7A  }
0x23: {  	s9 =	sor.u32 $0xD0000000, s2;
	s6 =	simm.s32 $0x108;
	_ =	swait.ge @!p0 [sflag:s8], $0x0  }
0x24: {  	s3 =	sadd.s32 $0x88, s3;
	s6 =	simm.s32 @!p1 $0x1082;
	[sflag:s4] =	ssyncset.s32 $0xFFFFF086  }
0x25: {  	[simem:s6], [sflag:s4] =	dma.local [hbm:s3], $0xF7A  }
0x26: {  	[smem:$0x3F94] =	sst s1;
	(tag) =	ssettag s2;
	_ =	strace s9  }
0x27: {  	s1 =	sld [smem:$0x3FA4]  }
0x28: {  	s2 =	sld [smem:$0x3FA5]  }
0x29: {  	s4 =	sld [smem:$0x3FA7]  }
0x2a: {  	p0 =	seq.s32 s5, $0x0;
	s5 =	sld [smem:$0x3FA8]  }
0x2b: {  	s6 =	sld [smem:$0x3FA9]  }
0x2c: {  	s7 =	sld [smem:$0x3FAA]  }
0x2d: {  	s3 =	simm.s32 $0x108;
	s8 =	sld [smem:$0x3FAB]  }
0x2e: {  	s3 =	simm.s32 @!p0 $0x1082;
	s9 =	sld [smem:$0x3FAC]  }
0x2f: {  	lr =	sadd.s32 s0, s3;
	s0 =	sld [smem:$0x3FA3]  }
0x30: {  	s3 =	sld [smem:$0x3FA6]  }
0x31: {  	[smem:$0x3FAF] =	sst s10  }
0x32: {  	s10 =	sld [smem:$0x3FAD];
	_ =	sdelay $0x3  }
0x33: {  	p0 =	seq.s32 s10, $0x1;
	s10 =	sld [smem:$0x3FAF];
	_ =	sdelay $0x3  }
0x34: {  	[smem:$0x3FAF] =	sst s10  }
0x35: {  	s10 =	sld [smem:$0x3FAE];
	_ =	sdelay $0x3  }
0x36: {  	p1 =	seq.s32 s10, $0x1;
	s10 =	sld [smem:$0x3FAF];
	_ =	sdelay $0x3  }
0x37: {  	[smem:$0x3FAF] =	sst s10  }
0x38: {  	s10 =	sld [smem:$0x3FB0]  }
0x39: {  	_ = 	snop;
	(pc) =	sbr.ind lr, $3  }
0x3a: {  	_ = 	snop  }
0x3b: {  	_ = 	snop  }
0x3c: {  	p2 =	seq.s32 s10, $0x1;
	s10 =	sld [smem:$0x3FAF]  }
0x3d: {  	_ =	shalt  }
0x3e: {  	_ =	shalt  }
0x3f: {  	_ =	shalt  }
0x40: {  	_ =	shalt  }
0x41: {  	_ =	shalt  }
0x42: {  	_ =	shalt  }
0x43: {  	_ =	shalt  }
0x44: {  	_ =	shalt  }
0x45: {  	_ =	shalt  }
0x46: {  	_ =	shalt  }
0x47: {  	_ =	shalt  }
0x48: {  	_ =	shalt  }
0x49: {  	_ =	shalt  }
0x4a: {  	_ =	shalt  }
0x4b: {  	_ =	shalt  }
0x4c: {  	_ =	shalt  }
0x4d: {  	_ =	shalt  }
0x4e: {  	_ =	shalt  }
0x4f: {  	_ =	shalt  }
0x50: {  	_ =	shalt  }
0x51: {  	_ =	shalt  }
0x52: {  	_ =	shalt  }
0x53: {  	_ =	shalt  }
0x54: {  	_ =	shalt  }
0x55: {  	_ =	shalt  }
0x56: {  	_ =	shalt  }
0x57: {  	_ =	shalt  }
0x58: {  	_ =	shalt  }
0x59: {  	_ =	shalt  }
0x5a: {  	_ =	shalt  }
0x5b: {  	_ =	shalt  }
0x5c: {  	_ =	shalt  }
0x5d: {  	_ =	shalt  }
0x5e: {  	_ =	shalt  }
0x5f: {  	_ =	shalt  }
0x60: {  	_ =	shalt  }
0x61: {  	_ =	shalt  }
0x62: {  	_ =	shalt  }
0x63: {  	_ =	shalt  }
0x64: {  	_ =	shalt  }
0x65: {  	_ =	shalt  }
0x66: {  	_ =	shalt  }
0x67: {  	_ =	shalt  }
0x68: {  	_ =	shalt  }
0x69: {  	_ =	shalt  }
0x6a: {  	_ =	shalt  }
0x6b: {  	_ =	shalt  }
0x6c: {  	_ =	shalt  }
0x6d: {  	_ =	shalt  }
0x6e: {  	_ =	shalt  }
0x6f: {  	_ =	shalt  }
0x70: {  	_ =	shalt  }
0x71: {  	_ =	shalt  }
0x72: {  	_ =	shalt  }
0x73: {  	_ =	shalt  }
0x74: {  	_ =	shalt  }
0x75: {  	_ =	shalt  }
0x76: {  	_ =	shalt  }
0x77: {  	_ =	shalt  }
0x78: {  	_ =	shalt  }
0x79: {  	_ =	shalt  }
0x7a: {  	_ =	shalt  }
0x7b: {  	_ =	shalt  }
0x7c: {  	_ =	shalt  }
0x7d: {  	_ =	shalt  }
0x7e: {  	_ =	shalt  }
0x7f: {  	_ =	shalt  }
0x80: {  	_ =	shalt  }
0x81: {  	_ =	shalt  }
0x82: {  	_ =	shalt  }
0x83: {  	_ =	shalt  }
0x84: {  	_ =	shalt  }
0x85: {  	_ =	shalt  }
0x86: {  	_ =	shalt  }
0x87: {  	_ =	shalt  }
.Lfunc_end0:
.L_simem_size_0:
called_computation.3_lowered:
.L_overlay_start_0:
0x88: {  	s2 =	sld [smem:$0x3FD9]  }
0x89: {  	s3 =	sld [smem:$0x3FFE];
	_ =	sdelay $0x1  }
0x8a: {  	s1 =	srdreg.scid  }
0x8b: {  	s0 =	sand.u32 $0x1, s1  }
0x8c: {  	s16 =	sshll.u32 s0, $0xA;
	s2 =	sadd.s32 s3, s2  }
0x8d: {  	s2 =	sadd.s32 s2, s16  }
0x8e: {  	[smem:$0x3FBB] =	sst s2  }
0x8f: {  	_ = 	snop  }
0x90: {  	(tm) =	ssettm $0x1  }
0x91: {  	s17 =	sld [smem:$0x3FFB];
	_ =	sdelay $0x3  }
0x92: {  	_ =	strace s17  }
0x93: {  	s2 =	sld [smem:$0x3FFC];
	_ =	sdelay $0x3  }
0x94: {  	_ =	strace s2  }
0x95: {  	s2 =	sld [smem:$0x3FFD];
	_ =	sdelay $0x3  }
0x96: {  	_ =	strace s2  }
0x97: {  	_ =	strace $0x8FFFFFFF  }
0x98: {  	s18 =	sld [smem:$0x3FDB];
	_ =	sdelay $0x1  }
0x99: {  	s19 =	simm.s32 $_scs_section_size  }
0x9a: {  	s4 =	simm.s32 $_size__tile_overlayer_lowered;
	s5 =	simm.s32 $_tile_overlayer_lowered  }
0x9b: {  	s22 =	simm.s32 $0x1BFF;
	s21 =	sshll.u32 s5, $0x1;
	s2 =	sadd.s32 s19, s18  }
0x9c: {  	s6 =	simm.s32 $0x0;
	s20 =	sshll.u32 s4, $0x1;
	s4 =	sadd.s32 s21, s2  }
0x9d: {  	[timem:s6], [sflag:s22] =	dma.local [hbm:s4], s20  }
0x9e: {  	_ =	swait.ge [sflag:s22], s20  }
0x9f: {  	s3 =	ssub.s32 $0x0, s20;
	[sflag:s22] =	ssyncset.done $0x0  }
0xa0: {  	[sflag:s22] =	ssyncadd.s32 s3;
	_ =	sdelay $0x1  }
0xa1: {  	s23 =	simm.s32 $0x1B8B  }
0xa2: {  	_ =	swait.ge [sflag:s23], $0x1  }
0xa3: {  	[sflag:s23] =	ssyncset.done $0x0  }
0xa4: {  	s25 =	simm.s32 $0x1B8E;
	s24 =	sld [smem:$0x3FFE];
	[sflag:s23] =	ssyncadd.s32 $0xFFFFFFFF  }
0xa5: {  	s26 =	simm.s32 $execute0_lowered;
	[smem:$0x3FD2] =	sst s25  }
0xa6: {  	s4 =	sshll.u32 s26, $0x1;
	_ =	strace $0x8000004F;
	[dreg:$0x1] =	wrdreg $0xFFFFFFFF  }
0xa7: {  	s28 =	simm.s32 $_size_execute0_lowered;
	s2 =	sadd.s32 s2, s4;
	[dreg:$0x0] =	wrdreg $0x0  }
0xa8: {  	s4 =	sshll.u32 s28, $0x1;
	[dreg:$0x2] =	wrdreg s2  }
0xa9: {  	[dreg:$0x3] =	wrdreg s4  }
0xaa: {  	[dreg:$0x4] =	wrdreg $0xC0  }
0xab: {  	_ =	task [dreg:s6], $0x5FFFF  }
0xac: {  	[dreg:$0x1] =	wrdreg $0xFFFFFFFF  }
0xad: {  	[dreg:$0x0] =	wrdreg $0x60  }
0xae: {  	[dreg:$0x2] =	wrdreg s24  }
0xaf: {  	[dreg:$0x3] =	wrdreg $0xA9000  }
0xb0: {  	[dreg:$0x4] =	wrdreg $0x9  }
0xb1: {  	_ =	task.clear_ibuf [dreg:s6], $0x5FFFF;
	_ =	strace $0x9000004F  }
0xb2: {  	s29 =	simm.s32 $0x9;
	_ =	strace $0x80000051  }
0xb3: {  	_ =	swait.ge [sflag:s29], $0x1  }
0xb4: {  	[sflag:s29] =	ssyncadd.s32 $0xFFFFFFFF  }
0xb5: {  	_ =	strace $0x90000051  }
0xb6: {  	_ =	sfence  }
0xb7: {  	s30 =	sld [smem:$0x0];
	_ =	sdelay $0x2  }
0xb8: {  	s31 =	sshll.u32 s1, $0xD;
	s1 =	sshrl.u32 s1, $0x2  }
0xb9: {  	s3 =	sand.u32 $0x4000, s31;
	s1 =	sadd.s32 s1, s30  }
0xba: {  	s0 =	sor.u32 s3, s0;
	s1 =	sshll.u32 s1, $0x11  }
0xbb: {  	s0 =	sor.u32 s1, s0  }
0xbc: {  	s0 =	sadd.s32 $0x8F2B, s0  }
0xbd: {  	[sflag:s0] =	ssyncadd.remote.s32 $0x1  }
0xbe: {  	_ =	sfence.sel $0xFFFF  }
0xbf: {  	[dreg:$0x0] =	wrdreg $0xFFFFFFFF;
	(pc) =	sbr.abs _section_cstart, $3  }
0xc0: {  	[dreg:$0x1] =	wrdreg $0xFFFFFFFF  }
0xc1: {  	_ =	task.clear_ibuf [dreg:s6], $0x2FFFF;
	_ =	strace $0x9FFFFFFF  }
0xc2: {  	(tm) =	ssettm $0x7FFFFFFF  }
0xc3: {  	_ =	shalt  }
tec
execute0_lowered:
.L_overlay_start_1:
0x0: {  	(tag) =	ssettag $0x1  }
0x1: {  	s0 =	srdreg.scid;
	s1 =	rddreg [dreg:$0x0]  }
0x2: {  	s2 =	rddreg [dreg:$0x1];
	s14 =	stileid.u32;
	s3 =	simm.s32 $0x0  }
0x3: {  	s15 =	simm.s32 $0x7;
	s18 =	simm.s32 $0x2800;
	s19 =	simm.s32 $0x80  }
0x4: {  	s20 =	simm.s32 $0x2900;
	s21 =	simm.s32 $0x2880;
	s22 =	simm.s32 $0x6900  }
0x5: {  	s28 =	simm.s32 $0x2;
	s29 =	simm.s32 $0x6;
	s30 =	simm.s32 $0x4  }
0x6: {  	s0 =	sand.u32 $0x1, s0;
	[smem:$0x7FF] =	sst s3;
	s7 =	smul.u32 $0x13C00, s14  }
0x7: {  	s5 =	sadd.s32 $0x18000, s1;
	s6 =	sadd.s32 $0x4000, s1;
	s23 =	smul.u32 $0x4F000, s14  }
0x8: {  	s31 =	sshll.u32 s14, $0x6;
	s4 =	sshll.u32 s0, $0x4;
	_ =	strace $0x80000050  }
0x9: {  	s9 =	smul.u32 $0x13C000, s0;
	s0 =	ssub.s32 $0x2, s0;
	s16 =	sor.u32 $0x1C07, s31  }
0xa: {  	s4 =	sor.u32 s14, s4;
	s11 =	sshrl.u32 s7, $0x3;
	s12 =	sshrl.u32 s0, $0x1  }
0xb: {  	s24 =	sshrl.u32 s23, $0x2;
	s23 =	simm.s32 $0x1;
	s11 =	sadd.s32 s11, s1  }
0xc: {  	s4 =	smul.u32 $0x2800, s4;
	s0 =	ssub.s32 s0, s12;
	s26 =	sadd.s32 $0x3F800, s11  }
0xd: {  	s7 =	sadd.s32 s7, s9;
	s0 =	smax.u32 s0, $0x1;
	[dreg:$0x4] =	wrdreg s26  }
0xe: {  	s7 =	sshrl.u32 s7, $0x3;
	s8 =	sshrl.u32 s4, $0x3;
	[dreg:$0x6] =	wrdreg s0  }
0xf: {  	s0 =	simm.s32 $0x0;
	s10 =	sadd.s32 s8, s1;
	s1 =	sadd.s32 s7, s1  }
0x10: {  	s7 =	sadd.s32 s24, s2;
	s9 =	sadd.s32 s6, s8;
	s24 =	simm.s32 $0x5  }
0x11: {  	s25 =	sadd.s32 $0xE000, s10;
	s1 =	sadd.s32 $0x67000, s1;
	s12 =	sadd.s32 $0x10, s9  }
0x12: {  	s13 =	sadd.s32 $0x20, s9;
	s14 =	sadd.s32 $0x4F0, s9;
	[dreg:$0x3] =	wrdreg s25  }
0x13: {  	s17 =	sshrl.u32 s7, $0x3;
	[dreg:$0x5] =	wrdreg s1;
	s25 =	simm.s32 $0x3  }
.LBB2_1:
0x14: {  	s1 =	rddreg [dreg:$0x3]  }
0x15: {  	[tilespmem:s3], [sflag:$0x7] =	stream.linear.gather [hbm4b:s1+s3], $0x2800, $0x38;
	[tilespmem:$0x1E500] =	vst v63  }
0x16: {  	_ =	swait.ge [sflag:s15], $0x2800  }
0x17: {  	[sflag:s15] =	ssyncset.done $0x0  }
0x18: {  	s7 =	rddreg [dreg:$0x4];
	[sflag:s15] =	ssyncadd.s32 $0xFFFFD800  }
0x19: {  	[spmem:s17], [sflag:s16] =	dma.local [hbm:s7], $0x2780  }
0x1a: {  	_ =	swait.ge [sflag:s15], $0x2780  }
0x1b: {  	[sflag:s15] =	ssyncset.done $0x0  }
0x1c: {  	[sflag:s15] =	ssyncadd.s32 $0xFFFFD880  }
0x1d: {  	[bflag:$0x0] =	sbarrier.arrive $0xFFFF  }
0x1e: {  	[tilespmem:s18], [sflag:$0x5] =	stream.linear.gather [hbm4b:s9+s3], $0x80, $0x38;
	[tilespmem:$0x1E500] =	vst v63  }
0x1f: {  	_ = 	snop  }
0x20: {  	[tilespmem:s20], [sflag:$0x1] =	stream.indirect.gather [hbm4b:s5+s19], $0x80, s3, s19, $0xb8;
	[tilespmem:$0x1E500] =	vst v63  }
0x21: {  	_ = 	snop  }
0x22: {  	[tilespmem:s21], [sflag:$0x6] =	stream.linear.gather [hbm4b:s12+s3], $0x80, $0x38;
	[tilespmem:$0x1E500] =	vst v63  }
0x23: {  	_ = 	snop  }
0x24: {  	[tilespmem:s22], [sflag:$0x2] =	stream.indirect.gather [hbm4b:s5+s19], $0x80, s19, s19, $0xb8;
	[tilespmem:$0x1E500] =	vst v63  }
0x25: {  	_ =	swait.ge [sflag:s23], $0x4000  }
0x26: {  	[sflag:s23] =	ssyncset.done $0x0  }
0x27: {  	[sflag:s23] =	ssyncadd.s32 $0xFFFFC000  }
0x28: {  	_ =	swait.ge [sflag:s24], $0x80  }
0x29: {  	[sflag:s24] =	ssyncset.done $0x0  }
0x2a: {  	[sflag:s24] =	ssyncadd.s32 $0xFFFFFF80  }
0x2b: {  	[spmem:s2] =	stream.indirect.scatter.add.f32 [tilespmem:s20], [sflag:$0x3], $0x80, s18, s19, $0xb8;
	[tilespmem:$0x1E500] =	vst v63  }
0x2c: {  	_ =	swait.ge [sflag:s25], $0x4000  }
0x2d: {  	[sflag:s25] =	ssyncset.done $0x0  }
0x2e: {  	[sflag:s25] =	ssyncadd.s32 $0xFFFFC000  }
0x2f: {  	[tilespmem:s18], [sflag:$0x5] =	stream.linear.gather [hbm4b:s13+s3], $0x80, $0x38;
	[tilespmem:$0x1E500] =	vst v63  }
0x30: {  	s8 =	simm.s32 $0x100  }
0x31: {  	[tilespmem:s20], [sflag:$0x1] =	stream.indirect.gather [hbm4b:s5+s19], $0x80, s8, s19, $0xb8;
	[tilespmem:$0x1E500] =	vst v63  }
0x32: {  	_ =	swait.ge [sflag:s28], $0x4000  }
0x33: {  	[sflag:s28] =	ssyncset.done $0x0  }
0x34: {  	[sflag:s28] =	ssyncadd.s32 $0xFFFFC000  }
0x35: {  	s10 =	simm.s32 $0x100;
	_ =	swait.ge [sflag:s29], $0x80  }
0x36: {  	s1 =	sand.u32 $0x3C00, s10;
	s7 =	simm.s32 $0x180;
	[sflag:s29] =	ssyncset.done $0x0  }
0x37: {  	s1 =	sadd.s32 s4, s1;
	s7 =	sand.u32 $0x380, s7;
	[sflag:s29] =	ssyncadd.s32 $0xFFFFFF80  }
0x38: {  	[spmem:s2] =	stream.indirect.scatter.add.f32 [tilespmem:s22], [sflag:$0x4], $0x80, s21, s19, $0xb8;
	[tilespmem:$0x1E500] =	vst v63  }
0x39: {  	s1 =	sor.u32 s1, s7;
	_ =	swait.ge [sflag:s30], $0x4000  }
0x3a: {  	s1 =	sshrl.u32 s1, $0x3;
	[sflag:s30] =	ssyncset.done $0x0  }
0x3b: {  	s1 =	sadd.s32 s6, s1;
	[sflag:s30] =	ssyncadd.s32 $0xFFFFC000  }
0x3c: {  	[tilespmem:s21], [sflag:$0x6] =	stream.linear.gather [hbm4b:s1+s3], $0x80, $0x38;
	[tilespmem:$0x1E500] =	vst v63  }
0x3d: {  	s11 =	simm.s32 $0x180  }
0x3e: {  	[tilespmem:s22], [sflag:$0x2] =	stream.indirect.gather [hbm4b:s5+s19], $0x80, s11, s19, $0xb8;
	[tilespmem:$0x1E500] =	vst v63  }
0x3f: {  	_ =	swait.ge [sflag:s23], $0x4000  }
0x40: {  	[sflag:s23] =	ssyncset.done $0x0  }
0x41: {  	[sflag:s23] =	ssyncadd.s32 $0xFFFFC000  }
0x42: {  	s26 =	simm.s32 $0x200;
	_ =	swait.ge [sflag:s24], $0x80  }
0x43: {  	s8 =	sand.u32 $0x7C00, s26;
	[sflag:s24] =	ssyncset.done $0x0  }
0x44: {  	s7 =	sadd.s32 s4, s8;
	s1 =	sand.u32 $0x300, s26;
	[sflag:s24] =	ssyncadd.s32 $0xFFFFFF80  }
0x45: {  	[spmem:s2] =	stream.indirect.scatter.add.f32 [tilespmem:s20], [sflag:$0x3], $0x80, s18, s19, $0xb8;
	[tilespmem:$0x1E500] =	vst v63  }
0x46: {  	s1 =	sor.u32 s1, s7;
	_ =	swait.ge [sflag:s25], $0x4000  }
0x47: {  	s1 =	sshrl.u32 s1, $0x3;
	[sflag:s25] =	ssyncset.done $0x0  }
0x48: {  	s1 =	sadd.s32 s6, s1;
	[sflag:s25] =	ssyncadd.s32 $0xFFFFC000  }
0x49: {  	[tilespmem:s18], [sflag:$0x5] =	stream.linear.gather [hbm4b:s1+s3], $0x80, $0x38;
	[tilespmem:$0x1E500] =	vst v63  }
0x4a: {  	s10 =	simm.s32 $0x200  }
0x4b: {  	[tilespmem:s20], [sflag:$0x1] =	stream.indirect.gather [hbm4b:s5+s19], $0x80, s10, s19, $0xb8;
	[tilespmem:$0x1E500] =	vst v63  }
0x4c: {  	_ =	swait.ge [sflag:s28], $0x4000  }
0x4d: {  	[sflag:s28] =	ssyncset.done $0x0  }
0x4e: {  	s31 =	simm.s32 $0x400;
	s8 =	simm.s32 $0x280;
	[sflag:s28] =	ssyncadd.s32 $0xFFFFC000  }
0x4f: {  	s26 =	simm.s32 $0x300;
	s11 =	simm.s32 $0x200;
	_ =	swait.ge [sflag:s29], $0x80  }
0x50: {  	s7 =	sand.u32 $0x3C00, s11;
	s1 =	simm.s32 $0x280;
	[sflag:s29] =	ssyncset.done $0x0  }
.LBB2_2:
0x51: {  	s7 =	sadd.s32 s4, s7  }
0x52: {  	s8 =	sand.u32 $0x380, s8;
	[sflag:s29] =	ssyncadd.s32 $0xFFFFFF80;
	s10 =	smov.u32 s31  }
0x53: {  	[spmem:s2] =	stream.indirect.scatter.add.f32 [tilespmem:s22], [sflag:$0x4], $0x80, s21, s19, $0xb8;
	[tilespmem:$0x1E500] =	vst v63  }
0x54: {  	s11 =	sadd.s32 $0x100, s31;
	s7 =	sor.u32 s7, s8;
	_ =	swait.ge [sflag:s30], $0x4000  }
0x55: {  	p0 =	sne.s32 s31, $0x2700;
	s7 =	sshrl.u32 s7, $0x3;
	[sflag:s30] =	ssyncset.done $0x0  }
0x56: {  	s7 =	sadd.s32 s6, s7;
	[sflag:s30] =	ssyncadd.s32 $0xFFFFC000  }
0x57: {  	[tilespmem:s21], [sflag:$0x6] =	stream.linear.gather [hbm4b:s7+s3], $0x80, $0x38;
	[tilespmem:$0x1E500] =	vst v63  }
0x58: {  	_ = 	snop  }
0x59: {  	[tilespmem:s22], [sflag:$0x2] =	stream.indirect.gather [hbm4b:s5+s19], $0x80, s1, s19, $0xb8;
	[tilespmem:$0x1E500] =	vst v63  }
0x5a: {  	_ =	swait.ge [sflag:s23], $0x4000  }
0x5b: {  	[sflag:s23] =	ssyncset.done $0x0  }
0x5c: {  	[sflag:s23] =	ssyncadd.s32 $0xFFFFC000  }
0x5d: {  	_ =	swait.ge [sflag:s24], $0x80  }
0x5e: {  	s7 =	sand.u32 $0x7C00, s26;
	[sflag:s24] =	ssyncset.done $0x0  }
0x5f: {  	s8 =	sand.u32 $0x300, s26;
	s7 =	sadd.s32 s4, s7;
	[sflag:s24] =	ssyncadd.s32 $0xFFFFFF80  }
0x60: {  	[spmem:s2] =	stream.indirect.scatter.add.f32 [tilespmem:s20], [sflag:$0x3], $0x80, s18, s19, $0xb8;
	[tilespmem:$0x1E500] =	vst v63  }
0x61: {  	s26 =	smov.u32 s10;
	s7 =	sor.u32 s8, s7;
	_ =	swait.ge [sflag:s25], $0x4000  }
0x62: {  	s7 =	sshrl.u32 s7, $0x3;
	[sflag:s25] =	ssyncset.done $0x0  }
0x63: {  	s7 =	sadd.s32 s6, s7;
	[sflag:s25] =	ssyncadd.s32 $0xFFFFC000  }
0x64: {  	[tilespmem:s18], [sflag:$0x5] =	stream.linear.gather [hbm4b:s7+s3], $0x80, $0x38;
	[tilespmem:$0x1E500] =	vst v63  }
0x65: {  	s7 =	sadd.s32 $0x80, s1  }
0x66: {  	[tilespmem:s20], [sflag:$0x1] =	stream.indirect.gather [hbm4b:s5+s19], $0x80, s7, s19, $0xb8;
	[tilespmem:$0x1E500] =	vst v63  }
.Ltmp0:
0x67: {  	_ =	swait.ge [sflag:s28], $0x4000;
	(pc) =	sbr.rel @p0 .LBB2_2-.Ltmp0, $4  }
0x68: {  	[sflag:s28] =	ssyncset.done $0x0  }
0x69: {  	s31 =	smov.u32 s11;
	[sflag:s28] =	ssyncadd.s32 $0xFFFFC000  }
0x6a: {  	s1 =	sadd.s32 $0x100, s1;
	s7 =	sadd.s32 $0xFFFFFF00, s26;
	_ =	swait.ge [sflag:s29], $0x80  }
0x6b: {  	s8 =	sadd.s32 $0xFFFFFF80, s26;
	s7 =	sand.u32 $0x3C00, s7;
	[sflag:s29] =	ssyncset.done $0x0  }
0x6c: {  	s7 =	sadd.s32 s4, s7;
	s8 =	sand.u32 $0x380, s8;
	[sflag:s29] =	ssyncadd.s32 $0xFFFFFF80  }
0x6d: {  	[spmem:s2] =	stream.indirect.scatter.add.f32 [tilespmem:s22], [sflag:$0x4], $0x80, s21, s19, $0xb8;
	[tilespmem:$0x1E500] =	vst v63  }
0x6e: {  	s7 =	sor.u32 s7, s8;
	_ =	swait.ge [sflag:s30], $0x4000  }
0x6f: {  	s7 =	sshrl.u32 s7, $0x3;
	[sflag:s30] =	ssyncset.done $0x0  }
0x70: {  	s7 =	sadd.s32 s6, s7;
	[sflag:s30] =	ssyncadd.s32 $0xFFFFC000  }
0x71: {  	[tilespmem:s21], [sflag:$0x6] =	stream.linear.gather [hbm4b:s7+s3], $0x80, $0x38;
	[tilespmem:$0x1E500] =	vst v63  }
0x72: {  	_ = 	snop  }
0x73: {  	[tilespmem:s22], [sflag:$0x2] =	stream.indirect.gather [hbm4b:s5+s19], $0x80, s1, s19, $0xb8;
	[tilespmem:$0x1E500] =	vst v63  }
0x74: {  	_ =	swait.ge [sflag:s23], $0x4000  }
0x75: {  	[sflag:s23] =	ssyncset.done $0x0  }
0x76: {  	[sflag:s23] =	ssyncadd.s32 $0xFFFFC000  }
0x77: {  	_ =	swait.ge [sflag:s24], $0x80  }
0x78: {  	s11 =	sand.u32 $0x7C00, s26;
	[sflag:s24] =	ssyncset.done $0x0  }
0x79: {  	s31 =	sand.u32 $0x300, s26;
	s7 =	sadd.s32 s4, s11;
	[sflag:s24] =	ssyncadd.s32 $0xFFFFFF80  }
0x7a: {  	[spmem:s2] =	stream.indirect.scatter.add.f32 [tilespmem:s20], [sflag:$0x3], $0x80, s18, s19, $0xb8;
	[tilespmem:$0x1E500] =	vst v63  }
0x7b: {  	s7 =	sor.u32 s31, s7;
	_ =	swait.ge [sflag:s25], $0x4000  }
0x7c: {  	s7 =	sshrl.u32 s7, $0x3;
	[sflag:s25] =	ssyncset.done $0x0  }
0x7d: {  	s7 =	sadd.s32 s6, s7;
	[sflag:s25] =	ssyncadd.s32 $0xFFFFC000  }
0x7e: {  	[tilespmem:s18], [sflag:$0x5] =	stream.linear.gather [hbm4b:s7+s3], $0x80, $0x38;
	[tilespmem:$0x1E500] =	vst v63  }
0x7f: {  	s10 =	sadd.s32 $0x80, s1  }
0x80: {  	[tilespmem:s20], [sflag:$0x1] =	stream.indirect.gather [hbm4b:s5+s19], $0x80, s10, s19, $0xb8;
	[tilespmem:$0x1E500] =	vst v63  }
0x81: {  	_ =	swait.ge [sflag:s28], $0x4000  }
0x82: {  	[sflag:s28] =	ssyncset.done $0x0  }
0x83: {  	[sflag:s28] =	ssyncadd.s32 $0xFFFFC000  }
0x84: {  	_ =	swait.ge [sflag:s29], $0x80  }
0x85: {  	[sflag:s29] =	ssyncset.done $0x0  }
0x86: {  	[sflag:s29] =	ssyncadd.s32 $0xFFFFFF80  }
0x87: {  	[spmem:s2] =	stream.indirect.scatter.add.f32 [tilespmem:s22], [sflag:$0x4], $0x80, s21, s19, $0xb8;
	[tilespmem:$0x1E500] =	vst v63  }
0x88: {  	_ =	swait.ge [sflag:s30], $0x4000  }
0x89: {  	[sflag:s30] =	ssyncset.done $0x0  }
0x8a: {  	[sflag:s30] =	ssyncadd.s32 $0xFFFFC000  }
0x8b: {  	[tilespmem:s21], [sflag:$0x6] =	stream.linear.gather [hbm4b:s14+s3], $0x80, $0x38;
	[tilespmem:$0x1E500] =	vst v63  }
0x8c: {  	s11 =	simm.s32 $0x2780  }
0x8d: {  	[tilespmem:s22], [sflag:$0x2] =	stream.indirect.gather [hbm4b:s5+s19], $0x80, s11, s19, $0xb8;
	[tilespmem:$0x1E500] =	vst v63  }
0x8e: {  	_ =	swait.ge [sflag:s23], $0x4000  }
0x8f: {  	[sflag:s23] =	ssyncset.done $0x0  }
0x90: {  	[sflag:s23] =	ssyncadd.s32 $0xFFFFC000  }
0x91: {  	_ =	swait.ge [sflag:s24], $0x80  }
0x92: {  	[sflag:s24] =	ssyncset.done $0x0  }
0x93: {  	[sflag:s24] =	ssyncadd.s32 $0xFFFFFF80  }
0x94: {  	[spmem:s2] =	stream.indirect.scatter.add.f32 [tilespmem:s20], [sflag:$0x3], $0x80, s18, s19, $0xb8;
	[tilespmem:$0x1E500] =	vst v63  }
0x95: {  	_ =	swait.ge [sflag:s28], $0x4000  }
0x96: {  	[sflag:s28] =	ssyncset.done $0x0  }
0x97: {  	[sflag:s28] =	ssyncadd.s32 $0xFFFFC000  }
0x98: {  	_ =	swait.ge [sflag:s29], $0x80  }
0x99: {  	[sflag:s29] =	ssyncset.done $0x0  }
0x9a: {  	[sflag:s29] =	ssyncadd.s32 $0xFFFFFF80  }
0x9b: {  	[spmem:s2] =	stream.indirect.scatter.add.f32 [tilespmem:s22], [sflag:$0x4], $0x80, s21, s19, $0xb8;
	[tilespmem:$0x1E500] =	vst v63  }
0x9c: {  	_ =	swait.ge [sflag:s25], $0x4000  }
0x9d: {  	[sflag:s25] =	ssyncset.done $0x0  }
0x9e: {  	[sflag:s25] =	ssyncadd.s32 $0xFFFFC000  }
0x9f: {  	_ =	swait.ge [sflag:s30], $0x4000  }
0xa0: {  	[sflag:s30] =	ssyncset.done $0x0  }
0xa1: {  	[sflag:s30] =	ssyncadd.s32 $0xFFFFC000  }
0xa2: {  	[bflag:$0x0] =	sbarrier.arrive $0xFFFF  }
0xa3: {  	s26 =	rddreg [dreg:$0x5]  }
0xa4: {  	[hbm:s26], [sflag:s16] =	dma.local [spmem:s17], $0x2780  }
0xa5: {  	_ =	swait.ge [sflag:s15], $0x2780  }
0xa6: {  	s0 =	sadd.s32 $0x1, s0;
	s31 =	rddreg [dreg:$0x6]  }
0xa7: {  	p0 =	sne.s32 s0, s31  }
.Ltmp1:
0xa8: {  	_ = 	snop;
	(pc) =	sbr.rel @p0 .LBB2_1-.Ltmp1, $3  }
0xa9: {  	_ =	sdelay $0x1  }
0xaa: {  	[sflag:s15] =	ssyncset.done $0x0  }
0xab: {  	[sflag:s15] =	ssyncadd.s32 $0xFFFFD880  }
0xac: {  	_ =	sfence.sel $0x180000  }
0xad: {  	[bflag:$0x0] =	sbarrier.arrive $0xFFFF  }
0xae: {  	_ =	strace $0x90000050  }
0xaf: {  	s0 =	stileid.u32;
	[bflag:$0x2] =	sbarrier.arrive $0xFFFF  }
0xb0: {  	p0 =	sne.s32 s0, $0x0;
	s0 =	rddreg [dreg:$0x2]  }
0xb1: {  	s0 =	sadd.s32 @!p0 $0x100000, s0  }
0xb2: {  	[sflag:s0] =	ssyncadd.tile.s32 @!p0 $0x1;
	_ =	shalt  }
.Lfunc_end2:
_tile_overlayer_lowered:
.L_overlay_start_2:
0xb3: {  	(tag) =	ssettag $0x2  }
0xb4: {  	s0 =	rddreg [dreg:$0x0];
	s2 =	stileid.u32  }
0xb5: {  	s1 =	rddreg [dreg:$0x1];
	p0 =	sne.s32 s2, $0x0  }
0xb6: {  	s3 =	rddreg [dreg:$0x2];
	[bflag:$0x3] =	sbarrier.arrive $0xFFFF;
	s2 =	simm.s32 @!p0 $0x1C07  }
0xb7: {  	[timem:s3], [sflag:s2] =	dma.local @!p0 [hbm:s0], s1  }
0xb8: {  	s0 =	simm.s32 @!p0 $0x7  }
0xb9: {  	_ =	swait.ge @!p0 [sflag:s0], s1  }
0xba: {  	s1 =	ssub.s32 @!p0 $0x0, s1;
	[sflag:s0] =	ssyncset.done @!p0 $0x0  }
0xbb: {  	[sflag:s0] =	ssyncadd.s32 @!p0 s1  }
0xbc: {  	[bflag:$0x3] =	sbarrier.arrive $0xFFFF  }
0xbd: {  	_ =	shalt  }

// kernel: kernel.24.cloned.1.call-start
scs
__scs_entry_jumppad:
0x0: {  	(pc) =	sbr.rel $0x88, $3  }
0x1: {  	(tag) =	ssettag $0x0;
	lr =	simm.s32 $0x1  }
0x2: {  	[smem:$0x3F94] =	sst lr;
	_ =	strace $0xD0000000  }
0x3: {  	_ = 	snop  }
0x4: {  	_ = 	snop  }
0x5: {  	_ = 	snop  }
0x6: {  	_ = 	snop  }
0x7: {  	_ = 	snop  }
__scs_overlays_trampoline_lowered:
0x8: {  	[smem:$0x3FA3] =	sst s0  }
0x9: {  	[smem:$0x3FA4] =	sst s1  }
0xa: {  	[smem:$0x3FA5] =	sst s2  }
0xb: {  	[smem:$0x3FA6] =	sst s3  }
0xc: {  	[smem:$0x3FA7] =	sst s4  }
0xd: {  	[smem:$0x3FA8] =	sst s5  }
0xe: {  	[smem:$0x3FA9] =	sst s6  }
0xf: {  	[smem:$0x3FAA] =	sst s7  }
0x10: {  	[smem:$0x3FAB] =	sst s8  }
0x11: {  	[smem:$0x3FAC] =	sst s9;
	s0 =	simm.s32 @!p0 $0x0  }
0x12: {  	s1 =	sld [smem:$0x3F92];
	s0 =	simm.s32 @p0 $0x1  }
0x13: {  	[smem:$0x3FAD] =	sst s0;
	s0 =	simm.s32 @!p1 $0x0  }
0x14: {  	s2 =	sld [smem:$0x3F91];
	s0 =	simm.s32 @p1 $0x1  }
0x15: {  	[smem:$0x3FAE] =	sst s0;
	s0 =	simm.s32 @!p2 $0x0  }
0x16: {  	s3 =	sld [smem:$0x3FDB];
	s0 =	simm.s32 @p2 $0x1  }
0x17: {  	s4 =	simm.s32 $0x1BF5;
	[smem:$0x3FB0] =	sst s0  }
0x18: {  	s0 =	sld [smem:$0x3F93];
	_ =	swait.ge [sflag:s4], $0x0  }
0x19: {  	s7 =	sld [smem:$0x3F94]  }
0x1a: {  	s8 =	sadd.s32 $0xFFFFE003, lr  }
0x1b: {  	s9 =	sadd.s32 $0xFFFFFEF7, lr;
	s5 =	simm.s32 $0xFFFFFFFF;
	p2 =	slt.u32 s8, $0xFFFFF086  }
0x1c: {  	p1 =	slt.u32 s9, $0xF7A;
	s5 =	simm.s32 @!p2 $0x0  }
0x1d: {  	s5 =	simm.s32 @p1 $0x1;
	p0 =	seq.s32 s7, s2  }
0x1e: {  	s7 =	smul.u32 @!p0 $0xF7A, s2;
	p2 =	seq.s32 @!p0 s5, $0x0  }
0x1f: {  	s9 =	smul.u32 $0xF7A, s1;
	s8 =	simm.s32 @!p0 $0x1BF5;
	p2 =	por !p2, p0  }
0x20: {  	[sflag:s8] =	ssyncset.s32 @!p0 $0xFFFFF086;
	s6 =	sadd.s32 @!p0 s3, s7;
	s7 =	simm.s32 @!p0 $0x108  }
0x21: {  	s3 =	sadd.s32 s3, s9;
	s6 =	sadd.s32 @!p0 $0x88, s6;
	s7 =	simm.s32 @p2 $0x1082  }
0x22: {  	[simem:s7], [sflag:s8] =	dma.local @!p0 [hbm:s6], $0xF7A  }
0x23: {  	s9 =	sor.u32 $0xD0000000, s2;
	s6 =	simm.s32 $0x108;
	_ =	swait.ge @!p0 [sflag:s8], $0x0  }
0x24: {  	s3 =	sadd.s32 $0x88, s3;
	s6 =	simm.s32 @!p1 $0x1082;
	[sflag:s4] =	ssyncset.s32 $0xFFFFF086  }
0x25: {  	[simem:s6], [sflag:s4] =	dma.local [hbm:s3], $0xF7A  }
0x26: {  	[smem:$0x3F94] =	sst s1;
	(tag) =	ssettag s2;
	_ =	strace s9  }
0x27: {  	s1 =	sld [smem:$0x3FA4]  }
0x28: {  	s2 =	sld [smem:$0x3FA5]  }
0x29: {  	s4 =	sld [smem:$0x3FA7]  }
0x2a: {  	p0 =	seq.s32 s5, $0x0;
	s5 =	sld [smem:$0x3FA8]  }
0x2b: {  	s6 =	sld [smem:$0x3FA9]  }
0x2c: {  	s7 =	sld [smem:$0x3FAA]  }
0x2d: {  	s3 =	simm.s32 $0x108;
	s8 =	sld [smem:$0x3FAB]  }
0x2e: {  	s3 =	simm.s32 @!p0 $0x1082;
	s9 =	sld [smem:$0x3FAC]  }
0x2f: {  	lr =	sadd.s32 s0, s3;
	s0 =	sld [smem:$0x3FA3]  }
0x30: {  	s3 =	sld [smem:$0x3FA6]  }
0x31: {  	[smem:$0x3FAF] =	sst s10  }
0x32: {  	s10 =	sld [smem:$0x3FAD];
	_ =	sdelay $0x3  }
0x33: {  	p0 =	seq.s32 s10, $0x1;
	s10 =	sld [smem:$0x3FAF];
	_ =	sdelay $0x3  }
0x34: {  	[smem:$0x3FAF] =	sst s10  }
0x35: {  	s10 =	sld [smem:$0x3FAE];
	_ =	sdelay $0x3  }
0x36: {  	p1 =	seq.s32 s10, $0x1;
	s10 =	sld [smem:$0x3FAF];
	_ =	sdelay $0x3  }
0x37: {  	[smem:$0x3FAF] =	sst s10  }
0x38: {  	s10 =	sld [smem:$0x3FB0]  }
0x39: {  	_ = 	snop;
	(pc) =	sbr.ind lr, $3  }
0x3a: {  	_ = 	snop  }
0x3b: {  	_ = 	snop  }
0x3c: {  	p2 =	seq.s32 s10, $0x1;
	s10 =	sld [smem:$0x3FAF]  }
0x3d: {  	_ =	shalt  }
0x3e: {  	_ =	shalt  }
0x3f: {  	_ =	shalt  }
0x40: {  	_ =	shalt  }
0x41: {  	_ =	shalt  }
0x42: {  	_ =	shalt  }
0x43: {  	_ =	shalt  }
0x44: {  	_ =	shalt  }
0x45: {  	_ =	shalt  }
0x46: {  	_ =	shalt  }
0x47: {  	_ =	shalt  }
0x48: {  	_ =	shalt  }
0x49: {  	_ =	shalt  }
0x4a: {  	_ =	shalt  }
0x4b: {  	_ =	shalt  }
0x4c: {  	_ =	shalt  }
0x4d: {  	_ =	shalt  }
0x4e: {  	_ =	shalt  }
0x4f: {  	_ =	shalt  }
0x50: {  	_ =	shalt  }
0x51: {  	_ =	shalt  }
0x52: {  	_ =	shalt  }
0x53: {  	_ =	shalt  }
0x54: {  	_ =	shalt  }
0x55: {  	_ =	shalt  }
0x56: {  	_ =	shalt  }
0x57: {  	_ =	shalt  }
0x58: {  	_ =	shalt  }
0x59: {  	_ =	shalt  }
0x5a: {  	_ =	shalt  }
0x5b: {  	_ =	shalt  }
0x5c: {  	_ =	shalt  }
0x5d: {  	_ =	shalt  }
0x5e: {  	_ =	shalt  }
0x5f: {  	_ =	shalt  }
0x60: {  	_ =	shalt  }
0x61: {  	_ =	shalt  }
0x62: {  	_ =	shalt  }
0x63: {  	_ =	shalt  }
0x64: {  	_ =	shalt  }
0x65: {  	_ =	shalt  }
0x66: {  	_ =	shalt  }
0x67: {  	_ =	shalt  }
0x68: {  	_ =	shalt  }
0x69: {  	_ =	shalt  }
0x6a: {  	_ =	shalt  }
0x6b: {  	_ =	shalt  }
0x6c: {  	_ =	shalt  }
0x6d: {  	_ =	shalt  }
0x6e: {  	_ =	shalt  }
0x6f: {  	_ =	shalt  }
0x70: {  	_ =	shalt  }
0x71: {  	_ =	shalt  }
0x72: {  	_ =	shalt  }
0x73: {  	_ =	shalt  }
0x74: {  	_ =	shalt  }
0x75: {  	_ =	shalt  }
0x76: {  	_ =	shalt  }
0x77: {  	_ =	shalt  }
0x78: {  	_ =	shalt  }
0x79: {  	_ =	shalt  }
0x7a: {  	_ =	shalt  }
0x7b: {  	_ =	shalt  }
0x7c: {  	_ =	shalt  }
0x7d: {  	_ =	shalt  }
0x7e: {  	_ =	shalt  }
0x7f: {  	_ =	shalt  }
0x80: {  	_ =	shalt  }
0x81: {  	_ =	shalt  }
0x82: {  	_ =	shalt  }
0x83: {  	_ =	shalt  }
0x84: {  	_ =	shalt  }
0x85: {  	_ =	shalt  }
0x86: {  	_ =	shalt  }
0x87: {  	_ =	shalt  }
.Lfunc_end0:
.L_simem_size_0:
called_computation.4_lowered:
.L_overlay_start_0:
0x88: {  	s2 =	sld [smem:$0x3FD9]  }
0x89: {  	s3 =	sld [smem:$0x3FFE];
	_ =	sdelay $0x1  }
0x8a: {  	s1 =	srdreg.scid  }
0x8b: {  	s0 =	sand.u32 $0x1, s1  }
0x8c: {  	s16 =	sshll.u32 s0, $0xA;
	s2 =	sadd.s32 s3, s2  }
0x8d: {  	s2 =	sadd.s32 s2, s16  }
0x8e: {  	[smem:$0x3FBB] =	sst s2  }
0x8f: {  	_ = 	snop  }
0x90: {  	(tm) =	ssettm $0x1  }
0x91: {  	s17 =	sld [smem:$0x3FFB];
	_ =	sdelay $0x3  }
0x92: {  	_ =	strace s17  }
0x93: {  	s2 =	sld [smem:$0x3FFC];
	_ =	sdelay $0x3  }
0x94: {  	_ =	strace s2  }
0x95: {  	s2 =	sld [smem:$0x3FFD];
	_ =	sdelay $0x3  }
0x96: {  	_ =	strace s2  }
0x97: {  	_ =	strace $0x8FFFFFFF  }
0x98: {  	s18 =	sld [smem:$0x3FDB];
	_ =	sdelay $0x1  }
0x99: {  	s19 =	simm.s32 $_scs_section_size  }
0x9a: {  	s4 =	simm.s32 $_size__tile_overlayer_lowered;
	s5 =	simm.s32 $_tile_overlayer_lowered  }
0x9b: {  	s22 =	simm.s32 $0x1BFF;
	s21 =	sshll.u32 s5, $0x1;
	s2 =	sadd.s32 s19, s18  }
0x9c: {  	s6 =	simm.s32 $0x0;
	s20 =	sshll.u32 s4, $0x1;
	s4 =	sadd.s32 s21, s2  }
0x9d: {  	[timem:s6], [sflag:s22] =	dma.local [hbm:s4], s20  }
0x9e: {  	_ =	swait.ge [sflag:s22], s20  }
0x9f: {  	s3 =	ssub.s32 $0x0, s20;
	[sflag:s22] =	ssyncset.done $0x0  }
0xa0: {  	[sflag:s22] =	ssyncadd.s32 s3;
	_ =	sdelay $0x1  }
0xa1: {  	s23 =	simm.s32 $0x1B8B  }
0xa2: {  	_ =	swait.ge [sflag:s23], $0x1  }
0xa3: {  	[sflag:s23] =	ssyncset.done $0x0  }
0xa4: {  	s25 =	simm.s32 $0x1B8E;
	s24 =	sld [smem:$0x3FFE];
	[sflag:s23] =	ssyncadd.s32 $0xFFFFFFFF  }
0xa5: {  	s26 =	simm.s32 $execute0_lowered;
	[smem:$0x3FD2] =	sst s25  }
0xa6: {  	s4 =	sshll.u32 s26, $0x1;
	_ =	strace $0x80000052;
	[dreg:$0x1] =	wrdreg $0xFFFFFFFF  }
0xa7: {  	s28 =	simm.s32 $_size_execute0_lowered;
	s2 =	sadd.s32 s2, s4;
	[dreg:$0x0] =	wrdreg $0x0  }
0xa8: {  	s4 =	sshll.u32 s28, $0x1;
	[dreg:$0x2] =	wrdreg s2  }
0xa9: {  	[dreg:$0x3] =	wrdreg s4  }
0xaa: {  	[dreg:$0x4] =	wrdreg $0xC0  }
0xab: {  	_ =	task [dreg:s6], $0x5FFFF  }
0xac: {  	[dreg:$0x1] =	wrdreg $0xFFFFFFFF  }
0xad: {  	[dreg:$0x0] =	wrdreg $0x60  }
0xae: {  	[dreg:$0x2] =	wrdreg s24  }
0xaf: {  	[dreg:$0x3] =	wrdreg $0xA9000  }
0xb0: {  	[dreg:$0x4] =	wrdreg $0x9  }
0xb1: {  	_ =	task.clear_ibuf [dreg:s6], $0x5FFFF;
	_ =	strace $0x90000052  }
0xb2: {  	s29 =	simm.s32 $0x9;
	_ =	strace $0x80000054  }
0xb3: {  	_ =	swait.ge [sflag:s29], $0x1  }
0xb4: {  	[sflag:s29] =	ssyncadd.s32 $0xFFFFFFFF  }
0xb5: {  	_ =	strace $0x90000054  }
0xb6: {  	_ =	sfence  }
0xb7: {  	s30 =	sld [smem:$0x0];
	_ =	sdelay $0x2  }
0xb8: {  	s31 =	sshll.u32 s1, $0xD;
	s1 =	sshrl.u32 s1, $0x2  }
0xb9: {  	s3 =	sand.u32 $0x4000, s31;
	s1 =	sadd.s32 s1, s30  }
0xba: {  	s0 =	sor.u32 s3, s0;
	s1 =	sshll.u32 s1, $0x11  }
0xbb: {  	s0 =	sor.u32 s1, s0  }
0xbc: {  	s0 =	sadd.s32 $0x8F2B, s0  }
0xbd: {  	[sflag:s0] =	ssyncadd.remote.s32 $0x1  }
0xbe: {  	_ =	sfence.sel $0xFFFF  }
0xbf: {  	[dreg:$0x0] =	wrdreg $0xFFFFFFFF;
	(pc) =	sbr.abs _section_cstart, $3  }
0xc0: {  	[dreg:$0x1] =	wrdreg $0xFFFFFFFF  }
0xc1: {  	_ =	task.clear_ibuf [dreg:s6], $0x2FFFF;
	_ =	strace $0x9FFFFFFF  }
0xc2: {  	(tm) =	ssettm $0x7FFFFFFF  }
0xc3: {  	_ =	shalt  }
tec
execute0_lowered:
.L_overlay_start_1:
0x0: {  	(tag) =	ssettag $0x1  }
0x1: {  	s0 =	srdreg.scid;
	s1 =	rddreg [dreg:$0x0]  }
0x2: {  	s2 =	rddreg [dreg:$0x1];
	s14 =	stileid.u32;
	s3 =	simm.s32 $0x0  }
0x3: {  	s15 =	simm.s32 $0x7;
	s18 =	simm.s32 $0x2800;
	s19 =	simm.s32 $0x80  }
0x4: {  	s20 =	simm.s32 $0x2900;
	s21 =	simm.s32 $0x2880;
	s22 =	simm.s32 $0x6900  }
0x5: {  	s28 =	simm.s32 $0x2;
	s29 =	simm.s32 $0x6;
	s30 =	simm.s32 $0x4  }
0x6: {  	s0 =	sand.u32 $0x1, s0;
	[smem:$0x7FF] =	sst s3;
	s7 =	smul.u32 $0x13C00, s14  }
0x7: {  	s5 =	sadd.s32 $0x18000, s1;
	s6 =	sadd.s32 $0x4000, s1;
	s23 =	smul.u32 $0x4F000, s14  }
0x8: {  	s31 =	sshll.u32 s14, $0x6;
	s4 =	sshll.u32 s0, $0x4;
	_ =	strace $0x80000053  }
0x9: {  	s9 =	smul.u32 $0x13C000, s0;
	s0 =	ssub.s32 $0x2, s0;
	s16 =	sor.u32 $0x1C07, s31  }
0xa: {  	s4 =	sor.u32 s14, s4;
	s11 =	sshrl.u32 s7, $0x3;
	s12 =	sshrl.u32 s0, $0x1  }
0xb: {  	s24 =	sshrl.u32 s23, $0x2;
	s23 =	simm.s32 $0x1;
	s11 =	sadd.s32 s11, s1  }
0xc: {  	s4 =	smul.u32 $0x2800, s4;
	s0 =	ssub.s32 s0, s12;
	s26 =	sadd.s32 $0x3F800, s11  }
0xd: {  	s7 =	sadd.s32 s7, s9;
	s0 =	smax.u32 s0, $0x1;
	[dreg:$0x4] =	wrdreg s26  }
0xe: {  	s7 =	sshrl.u32 s7, $0x3;
	s8 =	sshrl.u32 s4, $0x3;
	[dreg:$0x6] =	wrdreg s0  }
0xf: {  	s0 =	simm.s32 $0x0;
	s10 =	sadd.s32 s8, s1;
	s1 =	sadd.s32 s7, s1  }
0x10: {  	s7 =	sadd.s32 s24, s2;
	s9 =	sadd.s32 s6, s8;
	s24 =	simm.s32 $0x5  }
0x11: {  	s25 =	sadd.s32 $0xE000, s10;
	s1 =	sadd.s32 $0x67000, s1;
	s12 =	sadd.s32 $0x10, s9  }
0x12: {  	s13 =	sadd.s32 $0x20, s9;
	s14 =	sadd.s32 $0x4F0, s9;
	[dreg:$0x3] =	wrdreg s25  }
0x13: {  	s17 =	sshrl.u32 s7, $0x3;
	[dreg:$0x5] =	wrdreg s1;
	s25 =	simm.s32 $0x3  }
.LBB2_1:
0x14: {  	s1 =	rddreg [dreg:$0x3]  }
0x15: {  	[tilespmem:s3], [sflag:$0x7] =	stream.linear.gather [hbm4b:s1+s3], $0x2800, $0x38;
	[tilespmem:$0x1E500] =	vst v63  }
0x16: {  	_ =	swait.ge [sflag:s15], $0x2800  }
0x17: {  	[sflag:s15] =	ssyncset.done $0x0  }
0x18: {  	s7 =	rddreg [dreg:$0x4];
	[sflag:s15] =	ssyncadd.s32 $0xFFFFD800  }
0x19: {  	[spmem:s17], [sflag:s16] =	dma.local [hbm:s7], $0x2780  }
0x1a: {  	_ =	swait.ge [sflag:s15], $0x2780  }
0x1b: {  	[sflag:s15] =	ssyncset.done $0x0  }
0x1c: {  	[sflag:s15] =	ssyncadd.s32 $0xFFFFD880  }
0x1d: {  	[bflag:$0x0] =	sbarrier.arrive $0xFFFF  }
0x1e: {  	[tilespmem:s18], [sflag:$0x5] =	stream.linear.gather [hbm4b:s9+s3], $0x80, $0x38;
	[tilespmem:$0x1E500] =	vst v63  }
0x1f: {  	_ = 	snop  }
0x20: {  	[tilespmem:s20], [sflag:$0x1] =	stream.indirect.gather [hbm4b:s5+s19], $0x80, s3, s19, $0xb8;
	[tilespmem:$0x1E500] =	vst v63  }
0x21: {  	_ = 	snop  }
0x22: {  	[tilespmem:s21], [sflag:$0x6] =	stream.linear.gather [hbm4b:s12+s3], $0x80, $0x38;
	[tilespmem:$0x1E500] =	vst v63  }
0x23: {  	_ = 	snop  }
0x24: {  	[tilespmem:s22], [sflag:$0x2] =	stream.indirect.gather [hbm4b:s5+s19], $0x80, s19, s19, $0xb8;
	[tilespmem:$0x1E500] =	vst v63  }
0x25: {  	_ =	swait.ge [sflag:s23], $0x4000  }
0x26: {  	[sflag:s23] =	ssyncset.done $0x0  }
0x27: {  	[sflag:s23] =	ssyncadd.s32 $0xFFFFC000  }
0x28: {  	_ =	swait.ge [sflag:s24], $0x80  }
0x29: {  	[sflag:s24] =	ssyncset.done $0x0  }
0x2a: {  	[sflag:s24] =	ssyncadd.s32 $0xFFFFFF80  }
0x2b: {  	[spmem:s2] =	stream.indirect.scatter.add.f32 [tilespmem:s20], [sflag:$0x3], $0x80, s18, s19, $0xb8;
	[tilespmem:$0x1E500] =	vst v63  }
0x2c: {  	_ =	swait.ge [sflag:s25], $0x4000  }
0x2d: {  	[sflag:s25] =	ssyncset.done $0x0  }
0x2e: {  	[sflag:s25] =	ssyncadd.s32 $0xFFFFC000  }
0x2f: {  	[tilespmem:s18], [sflag:$0x5] =	stream.linear.gather [hbm4b:s13+s3], $0x80, $0x38;
	[tilespmem:$0x1E500] =	vst v63  }
0x30: {  	s8 =	simm.s32 $0x100  }
0x31: {  	[tilespmem:s20], [sflag:$0x1] =	stream.indirect.gather [hbm4b:s5+s19], $0x80, s8, s19, $0xb8;
	[tilespmem:$0x1E500] =	vst v63  }
0x32: {  	_ =	swait.ge [sflag:s28], $0x4000  }
0x33: {  	[sflag:s28] =	ssyncset.done $0x0  }
0x34: {  	[sflag:s28] =	ssyncadd.s32 $0xFFFFC000  }
0x35: {  	s10 =	simm.s32 $0x100;
	_ =	swait.ge [sflag:s29], $0x80  }
0x36: {  	s1 =	sand.u32 $0x3C00, s10;
	s7 =	simm.s32 $0x180;
	[sflag:s29] =	ssyncset.done $0x0  }
0x37: {  	s1 =	sadd.s32 s4, s1;
	s7 =	sand.u32 $0x380, s7;
	[sflag:s29] =	ssyncadd.s32 $0xFFFFFF80  }
0x38: {  	[spmem:s2] =	stream.indirect.scatter.add.f32 [tilespmem:s22], [sflag:$0x4], $0x80, s21, s19, $0xb8;
	[tilespmem:$0x1E500] =	vst v63  }
0x39: {  	s1 =	sor.u32 s1, s7;
	_ =	swait.ge [sflag:s30], $0x4000  }
0x3a: {  	s1 =	sshrl.u32 s1, $0x3;
	[sflag:s30] =	ssyncset.done $0x0  }
0x3b: {  	s1 =	sadd.s32 s6, s1;
	[sflag:s30] =	ssyncadd.s32 $0xFFFFC000  }
0x3c: {  	[tilespmem:s21], [sflag:$0x6] =	stream.linear.gather [hbm4b:s1+s3], $0x80, $0x38;
	[tilespmem:$0x1E500] =	vst v63  }
0x3d: {  	s11 =	simm.s32 $0x180  }
0x3e: {  	[tilespmem:s22], [sflag:$0x2] =	stream.indirect.gather [hbm4b:s5+s19], $0x80, s11, s19, $0xb8;
	[tilespmem:$0x1E500] =	vst v63  }
0x3f: {  	_ =	swait.ge [sflag:s23], $0x4000  }
0x40: {  	[sflag:s23] =	ssyncset.done $0x0  }
0x41: {  	[sflag:s23] =	ssyncadd.s32 $0xFFFFC000  }
0x42: {  	s26 =	simm.s32 $0x200;
	_ =	swait.ge [sflag:s24], $0x80  }
0x43: {  	s8 =	sand.u32 $0x7C00, s26;
	[sflag:s24] =	ssyncset.done $0x0  }
0x44: {  	s7 =	sadd.s32 s4, s8;
	s1 =	sand.u32 $0x300, s26;
	[sflag:s24] =	ssyncadd.s32 $0xFFFFFF80  }
0x45: {  	[spmem:s2] =	stream.indirect.scatter.add.f32 [tilespmem:s20], [sflag:$0x3], $0x80, s18, s19, $0xb8;
	[tilespmem:$0x1E500] =	vst v63  }
0x46: {  	s1 =	sor.u32 s1, s7;
	_ =	swait.ge [sflag:s25], $0x4000  }
0x47: {  	s1 =	sshrl.u32 s1, $0x3;
	[sflag:s25] =	ssyncset.done $0x0  }
0x48: {  	s1 =	sadd.s32 s6, s1;
	[sflag:s25] =	ssyncadd.s32 $0xFFFFC000  }
0x49: {  	[tilespmem:s18], [sflag:$0x5] =	stream.linear.gather [hbm4b:s1+s3], $0x80, $0x38;
	[tilespmem:$0x1E500] =	vst v63  }
0x4a: {  	s10 =	simm.s32 $0x200  }
0x4b: {  	[tilespmem:s20], [sflag:$0x1] =	stream.indirect.gather [hbm4b:s5+s19], $0x80, s10, s19, $0xb8;
	[tilespmem:$0x1E500] =	vst v63  }
0x4c: {  	_ =	swait.ge [sflag:s28], $0x4000  }
0x4d: {  	[sflag:s28] =	ssyncset.done $0x0  }
0x4e: {  	s31 =	simm.s32 $0x400;
	s8 =	simm.s32 $0x280;
	[sflag:s28] =	ssyncadd.s32 $0xFFFFC000  }
0x4f: {  	s26 =	simm.s32 $0x300;
	s11 =	simm.s32 $0x200;
	_ =	swait.ge [sflag:s29], $0x80  }
0x50: {  	s7 =	sand.u32 $0x3C00, s11;
	s1 =	simm.s32 $0x280;
	[sflag:s29] =	ssyncset.done $0x0  }
.LBB2_2:
0x51: {  	s7 =	sadd.s32 s4, s7  }
0x52: {  	s8 =	sand.u32 $0x380, s8;
	[sflag:s29] =	ssyncadd.s32 $0xFFFFFF80;
	s10 =	smov.u32 s31  }
0x53: {  	[spmem:s2] =	stream.indirect.scatter.add.f32 [tilespmem:s22], [sflag:$0x4], $0x80, s21, s19, $0xb8;
	[tilespmem:$0x1E500] =	vst v63  }
0x54: {  	s11 =	sadd.s32 $0x100, s31;
	s7 =	sor.u32 s7, s8;
	_ =	swait.ge [sflag:s30], $0x4000  }
0x55: {  	p0 =	sne.s32 s31, $0x2700;
	s7 =	sshrl.u32 s7, $0x3;
	[sflag:s30] =	ssyncset.done $0x0  }
0x56: {  	s7 =	sadd.s32 s6, s7;
	[sflag:s30] =	ssyncadd.s32 $0xFFFFC000  }
0x57: {  	[tilespmem:s21], [sflag:$0x6] =	stream.linear.gather [hbm4b:s7+s3], $0x80, $0x38;
	[tilespmem:$0x1E500] =	vst v63  }
0x58: {  	_ = 	snop  }
0x59: {  	[tilespmem:s22], [sflag:$0x2] =	stream.indirect.gather [hbm4b:s5+s19], $0x80, s1, s19, $0xb8;
	[tilespmem:$0x1E500] =	vst v63  }
0x5a: {  	_ =	swait.ge [sflag:s23], $0x4000  }
0x5b: {  	[sflag:s23] =	ssyncset.done $0x0  }
0x5c: {  	[sflag:s23] =	ssyncadd.s32 $0xFFFFC000  }
0x5d: {  	_ =	swait.ge [sflag:s24], $0x80  }
0x5e: {  	s7 =	sand.u32 $0x7C00, s26;
	[sflag:s24] =	ssyncset.done $0x0  }
0x5f: {  	s8 =	sand.u32 $0x300, s26;
	s7 =	sadd.s32 s4, s7;
	[sflag:s24] =	ssyncadd.s32 $0xFFFFFF80  }
0x60: {  	[spmem:s2] =	stream.indirect.scatter.add.f32 [tilespmem:s20], [sflag:$0x3], $0x80, s18, s19, $0xb8;
	[tilespmem:$0x1E500] =	vst v63  }
0x61: {  	s26 =	smov.u32 s10;
	s7 =	sor.u32 s8, s7;
	_ =	swait.ge [sflag:s25], $0x4000  }
0x62: {  	s7 =	sshrl.u32 s7, $0x3;
	[sflag:s25] =	ssyncset.done $0x0  }
0x63: {  	s7 =	sadd.s32 s6, s7;
	[sflag:s25] =	ssyncadd.s32 $0xFFFFC000  }
0x64: {  	[tilespmem:s18], [sflag:$0x5] =	stream.linear.gather [hbm4b:s7+s3], $0x80, $0x38;
	[tilespmem:$0x1E500] =	vst v63  }
0x65: {  	s7 =	sadd.s32 $0x80, s1  }
0x66: {  	[tilespmem:s20], [sflag:$0x1] =	stream.indirect.gather [hbm4b:s5+s19], $0x80, s7, s19, $0xb8;
	[tilespmem:$0x1E500] =	vst v63  }
.Ltmp0:
0x67: {  	_ =	swait.ge [sflag:s28], $0x4000;
	(pc) =	sbr.rel @p0 .LBB2_2-.Ltmp0, $4  }
0x68: {  	[sflag:s28] =	ssyncset.done $0x0  }
0x69: {  	s31 =	smov.u32 s11;
	[sflag:s28] =	ssyncadd.s32 $0xFFFFC000  }
0x6a: {  	s1 =	sadd.s32 $0x100, s1;
	s7 =	sadd.s32 $0xFFFFFF00, s26;
	_ =	swait.ge [sflag:s29], $0x80  }
0x6b: {  	s8 =	sadd.s32 $0xFFFFFF80, s26;
	s7 =	sand.u32 $0x3C00, s7;
	[sflag:s29] =	ssyncset.done $0x0  }
0x6c: {  	s7 =	sadd.s32 s4, s7;
	s8 =	sand.u32 $0x380, s8;
	[sflag:s29] =	ssyncadd.s32 $0xFFFFFF80  }
0x6d: {  	[spmem:s2] =	stream.indirect.scatter.add.f32 [tilespmem:s22], [sflag:$0x4], $0x80, s21, s19, $0xb8;
	[tilespmem:$0x1E500] =	vst v63  }
0x6e: {  	s7 =	sor.u32 s7, s8;
	_ =	swait.ge [sflag:s30], $0x4000  }
0x6f: {  	s7 =	sshrl.u32 s7, $0x3;
	[sflag:s30] =	ssyncset.done $0x0  }
0x70: {  	s7 =	sadd.s32 s6, s7;
	[sflag:s30] =	ssyncadd.s32 $0xFFFFC000  }
0x71: {  	[tilespmem:s21], [sflag:$0x6] =	stream.linear.gather [hbm4b:s7+s3], $0x80, $0x38;
	[tilespmem:$0x1E500] =	vst v63  }
0x72: {  	_ = 	snop  }
0x73: {  	[tilespmem:s22], [sflag:$0x2] =	stream.indirect.gather [hbm4b:s5+s19], $0x80, s1, s19, $0xb8;
	[tilespmem:$0x1E500] =	vst v63  }
0x74: {  	_ =	swait.ge [sflag:s23], $0x4000  }
0x75: {  	[sflag:s23] =	ssyncset.done $0x0  }
0x76: {  	[sflag:s23] =	ssyncadd.s32 $0xFFFFC000  }
0x77: {  	_ =	swait.ge [sflag:s24], $0x80  }
0x78: {  	s11 =	sand.u32 $0x7C00, s26;
	[sflag:s24] =	ssyncset.done $0x0  }
0x79: {  	s31 =	sand.u32 $0x300, s26;
	s7 =	sadd.s32 s4, s11;
	[sflag:s24] =	ssyncadd.s32 $0xFFFFFF80  }
0x7a: {  	[spmem:s2] =	stream.indirect.scatter.add.f32 [tilespmem:s20], [sflag:$0x3], $0x80, s18, s19, $0xb8;
	[tilespmem:$0x1E500] =	vst v63  }
0x7b: {  	s7 =	sor.u32 s31, s7;
	_ =	swait.ge [sflag:s25], $0x4000  }
0x7c: {  	s7 =	sshrl.u32 s7, $0x3;
	[sflag:s25] =	ssyncset.done $0x0  }
0x7d: {  	s7 =	sadd.s32 s6, s7;
	[sflag:s25] =	ssyncadd.s32 $0xFFFFC000  }
0x7e: {  	[tilespmem:s18], [sflag:$0x5] =	stream.linear.gather [hbm4b:s7+s3], $0x80, $0x38;
	[tilespmem:$0x1E500] =	vst v63  }
0x7f: {  	s10 =	sadd.s32 $0x80, s1  }
0x80: {  	[tilespmem:s20], [sflag:$0x1] =	stream.indirect.gather [hbm4b:s5+s19], $0x80, s10, s19, $0xb8;
	[tilespmem:$0x1E500] =	vst v63  }
0x81: {  	_ =	swait.ge [sflag:s28], $0x4000  }
0x82: {  	[sflag:s28] =	ssyncset.done $0x0  }
0x83: {  	[sflag:s28] =	ssyncadd.s32 $0xFFFFC000  }
0x84: {  	_ =	swait.ge [sflag:s29], $0x80  }
0x85: {  	[sflag:s29] =	ssyncset.done $0x0  }
0x86: {  	[sflag:s29] =	ssyncadd.s32 $0xFFFFFF80  }
0x87: {  	[spmem:s2] =	stream.indirect.scatter.add.f32 [tilespmem:s22], [sflag:$0x4], $0x80, s21, s19, $0xb8;
	[tilespmem:$0x1E500] =	vst v63  }
0x88: {  	_ =	swait.ge [sflag:s30], $0x4000  }
0x89: {  	[sflag:s30] =	ssyncset.done $0x0  }
0x8a: {  	[sflag:s30] =	ssyncadd.s32 $0xFFFFC000  }
0x8b: {  	[tilespmem:s21], [sflag:$0x6] =	stream.linear.gather [hbm4b:s14+s3], $0x80, $0x38;
	[tilespmem:$0x1E500] =	vst v63  }
0x8c: {  	s11 =	simm.s32 $0x2780  }
0x8d: {  	[tilespmem:s22], [sflag:$0x2] =	stream.indirect.gather [hbm4b:s5+s19], $0x80, s11, s19, $0xb8;
	[tilespmem:$0x1E500] =	vst v63  }
0x8e: {  	_ =	swait.ge [sflag:s23], $0x4000  }
0x8f: {  	[sflag:s23] =	ssyncset.done $0x0  }
0x90: {  	[sflag:s23] =	ssyncadd.s32 $0xFFFFC000  }
0x91: {  	_ =	swait.ge [sflag:s24], $0x80  }
0x92: {  	[sflag:s24] =	ssyncset.done $0x0  }
0x93: {  	[sflag:s24] =	ssyncadd.s32 $0xFFFFFF80  }
0x94: {  	[spmem:s2] =	stream.indirect.scatter.add.f32 [tilespmem:s20], [sflag:$0x3], $0x80, s18, s19, $0xb8;
	[tilespmem:$0x1E500] =	vst v63  }
0x95: {  	_ =	swait.ge [sflag:s28], $0x4000  }
0x96: {  	[sflag:s28] =	ssyncset.done $0x0  }
0x97: {  	[sflag:s28] =	ssyncadd.s32 $0xFFFFC000  }
0x98: {  	_ =	swait.ge [sflag:s29], $0x80  }
0x99: {  	[sflag:s29] =	ssyncset.done $0x0  }
0x9a: {  	[sflag:s29] =	ssyncadd.s32 $0xFFFFFF80  }
0x9b: {  	[spmem:s2] =	stream.indirect.scatter.add.f32 [tilespmem:s22], [sflag:$0x4], $0x80, s21, s19, $0xb8;
	[tilespmem:$0x1E500] =	vst v63  }
0x9c: {  	_ =	swait.ge [sflag:s25], $0x4000  }
0x9d: {  	[sflag:s25] =	ssyncset.done $0x0  }
0x9e: {  	[sflag:s25] =	ssyncadd.s32 $0xFFFFC000  }
0x9f: {  	_ =	swait.ge [sflag:s30], $0x4000  }
0xa0: {  	[sflag:s30] =	ssyncset.done $0x0  }
0xa1: {  	[sflag:s30] =	ssyncadd.s32 $0xFFFFC000  }
0xa2: {  	[bflag:$0x0] =	sbarrier.arrive $0xFFFF  }
0xa3: {  	s26 =	rddreg [dreg:$0x5]  }
0xa4: {  	[hbm:s26], [sflag:s16] =	dma.local [spmem:s17], $0x2780  }
0xa5: {  	_ =	swait.ge [sflag:s15], $0x2780  }
0xa6: {  	s0 =	sadd.s32 $0x1, s0;
	s31 =	rddreg [dreg:$0x6]  }
0xa7: {  	p0 =	sne.s32 s0, s31  }
.Ltmp1:
0xa8: {  	_ = 	snop;
	(pc) =	sbr.rel @p0 .LBB2_1-.Ltmp1, $3  }
0xa9: {  	_ =	sdelay $0x1  }
0xaa: {  	[sflag:s15] =	ssyncset.done $0x0  }
0xab: {  	[sflag:s15] =	ssyncadd.s32 $0xFFFFD880  }
0xac: {  	_ =	sfence.sel $0x180000  }
0xad: {  	[bflag:$0x0] =	sbarrier.arrive $0xFFFF  }
0xae: {  	_ =	strace $0x90000053  }
0xaf: {  	s0 =	stileid.u32;
	[bflag:$0x2] =	sbarrier.arrive $0xFFFF  }
0xb0: {  	p0 =	sne.s32 s0, $0x0;
	s0 =	rddreg [dreg:$0x2]  }
0xb1: {  	s0 =	sadd.s32 @!p0 $0x100000, s0  }
0xb2: {  	[sflag:s0] =	ssyncadd.tile.s32 @!p0 $0x1;
	_ =	shalt  }
.Lfunc_end2:
_tile_overlayer_lowered:
.L_overlay_start_2:
0xb3: {  	(tag) =	ssettag $0x2  }
0xb4: {  	s0 =	rddreg [dreg:$0x0];
	s2 =	stileid.u32  }
0xb5: {  	s1 =	rddreg [dreg:$0x1];
	p0 =	sne.s32 s2, $0x0  }
0xb6: {  	s3 =	rddreg [dreg:$0x2];
	[bflag:$0x3] =	sbarrier.arrive $0xFFFF;
	s2 =	simm.s32 @!p0 $0x1C07  }
0xb7: {  	[timem:s3], [sflag:s2] =	dma.local @!p0 [hbm:s0], s1  }
0xb8: {  	s0 =	simm.s32 @!p0 $0x7  }
0xb9: {  	_ =	swait.ge @!p0 [sflag:s0], s1  }
0xba: {  	s1 =	ssub.s32 @!p0 $0x0, s1;
	[sflag:s0] =	ssyncset.done @!p0 $0x0  }
0xbb: {  	[sflag:s0] =	ssyncadd.s32 @!p0 s1  }
0xbc: {  	[bflag:$0x3] =	sbarrier.arrive $0xFFFF  }
0xbd: {  	_ =	shalt  }

</sc_bundles>
